<compile_context>
chip_gen: v7x
topology: tpu7x:2x2x1
jax: 0.10.2.dev20260603
libtpu: 0.0.44.dev20260713+nightly
codegen_flags: <defaults>
</compile_context>

<pallas_src>
import functools

import jax
import jax.numpy as jnp
from jax import lax
from jax.experimental import pallas as pl
from jax.experimental.pallas import tpu as pltpu
from jax.experimental.pallas import tpu_sc as plsc

N = 10000
E = 320000
NODE_DIM = 128
EDGE_DIM = 16
H = 128
HH = H // 2
L = 2
C = 10

N_PAD = 10240
NSUB = 16
CHUNK = 128
CPT = 160
EPT = CPT * CHUNK
E_PAD = NSUB * EPT
ROWS_PER_SUB = N_PAD // NSUB

_SC_PARAMS = pltpu.CompilerParams(use_tc_tiling_on_sc=False)




def _make_edge_kernel():
    out_type = [jax.ShapeDtypeStruct((2, N_PAD, HH), jnp.float32)]
    scratch = [
        pltpu.VMEM((CPT // 2, CHUNK), jnp.int32),
        pltpu.VMEM((CPT // 2, CHUNK), jnp.int32),
        pltpu.VMEM((2, CHUNK, HH), jnp.float32),
        pltpu.VMEM((2, CHUNK, HH), jnp.float32),
        pltpu.VMEM((2, CHUNK, HH), jnp.float32),
        pltpu.VMEM((CHUNK, HH), jnp.float32),
        pltpu.VMEM((CHUNK, HH), jnp.float32),
        pltpu.VMEM_SHARED((N_PAD, HH), jnp.float32),
        pltpu.SemaphoreType.DMA,
        pltpu.SemaphoreType.DMA,
    ]

    mesh = plsc.VectorSubcoreMesh(core_axis_name="c", subcore_axis_name="s")

    @functools.partial(pl.kernel, out_type=out_type, mesh=mesh,
                       compiler_params=_SC_PARAMS, scratch_types=scratch)
    def edge_kernel(ab_hbm, c_hbm, idx_hbm, s_out,
                    src_v, dst_v, a_v, b_v, c_v, h_v, z_v, s_sh,
                    gsem0, gsem1):
        cid = lax.axis_index("c")
        sid = lax.axis_index("s")

        def init_row(i, _):
            for k in range(HH // 16):
                z_v[i, pl.ds(k * 16, 16)] = jnp.zeros((16,), jnp.float32)
            return 0

        lax.fori_loop(0, CHUNK, init_row, 0)

        r0 = sid * ROWS_PER_SUB

        def zero_stripe(q, _):
            pltpu.sync_copy(z_v, s_sh.at[pl.ds(r0 + q * CHUNK, CHUNK)])
            return 0

        lax.fori_loop(0, ROWS_PER_SUB // CHUNK, zero_stripe, 0)
        plsc.subcore_barrier()

        a_src = ab_hbm.at[pl.ds(cid * N_PAD, N_PAD)]
        b_src = ab_hbm.at[pl.ds((2 + cid) * N_PAD, N_PAD)]

        cbase = cid * HH
        gsems = (gsem0, gsem1)
        HALF = CPT // 2

        for p in range(2):
            rows = pl.ds(p * HALF, HALF)
            pltpu.sync_copy(idx_hbm.at[sid].at[rows], src_v)
            pltpu.sync_copy(idx_hbm.at[NSUB + sid].at[rows], dst_v)
            ebase = sid * EPT + p * HALF * CHUNK

            def issue_gathers(j, slot, gsem):
                pltpu.make_async_copy(
                    a_src.at[src_v.at[j]], a_v.at[slot], gsem).start()
                pltpu.make_async_copy(
                    b_src.at[dst_v.at[j]], b_v.at[slot], gsem).start()
                pltpu.make_async_copy(
                    c_hbm.at[pl.ds(ebase + j * CHUNK, CHUNK),
                             pl.ds(cbase, HH)], c_v.at[slot], gsem).start()

            def wait_gathers(j, slot, gsem):
                pltpu.make_async_copy(
                    a_src.at[src_v.at[j]], a_v.at[slot], gsem).wait()
                pltpu.make_async_copy(
                    b_src.at[dst_v.at[j]], b_v.at[slot], gsem).wait()
                pltpu.make_async_copy(
                    c_hbm.at[pl.ds(ebase + j * CHUNK, CHUNK),
                             pl.ds(cbase, HH)], c_v.at[slot], gsem).wait()

            issue_gathers(0, 0, gsem0)
            issue_gathers(1, 1, gsem1)

            def chunk_pair(jj, _):
                for slot in range(2):
                    j = 2 * jj + slot
                    gsem = gsems[slot]
                    wait_gathers(j, slot, gsem)

                    def row_body(i, _):
                        for k in range(HH // 16):
                            sl = pl.ds(k * 16, 16)
                            h_v[i, sl] = jnp.maximum(
                                a_v[slot, i, sl] + b_v[slot, i, sl]
                                + c_v[slot, i, sl], 0.0)
                        return 0

                    lax.fori_loop(0, CHUNK, row_body, 0)

                    @pl.when(jj < HALF // 2 - 1)
                    def _():
                        issue_gathers(j + 2, slot, gsem)

                    pltpu.sync_copy(h_v, s_sh.at[dst_v.at[j]], add=True)
                return 0

            lax.fori_loop(0, HALF // 2, chunk_pair, 0)
        plsc.subcore_barrier()

        def dump(q, _):
            rows = pl.ds(r0 + q * CHUNK, CHUNK)
            pltpu.sync_copy(s_sh.at[rows], s_out.at[cid, rows])
            return 0

        lax.fori_loop(0, ROWS_PER_SUB // CHUNK, dump, 0)

    return edge_kernel


def _make_deg_kernel():
    mesh = plsc.VectorSubcoreMesh(core_axis_name="c", subcore_axis_name="s")

    @functools.partial(
        pl.kernel,
        out_type=[jax.ShapeDtypeStruct((2, N_PAD, 16), jnp.float32)],
        mesh=mesh, compiler_params=_SC_PARAMS,
        scratch_types=[
            pltpu.VMEM((CPT, CHUNK), jnp.int32),
            pltpu.VMEM((CHUNK, 16), jnp.float32),
            pltpu.VMEM((CHUNK, 16), jnp.float32),
            pltpu.VMEM_SHARED((N_PAD, 16), jnp.float32),
            pltpu.SemaphoreType.DMA,
        ],
    )
    def deg_kernel(idx_hbm, deg_out, dst_v, z16_v, ones_v, deg_sh, sem):
        cid = lax.axis_index("c")
        sid = lax.axis_index("s")

        def init_row(i, _):
            z16_v[i, pl.ds(0, 16)] = jnp.zeros((16,), jnp.float32)
            ones_v[i, pl.ds(0, 16)] = jnp.ones((16,), jnp.float32)
            return 0

        lax.fori_loop(0, CHUNK, init_row, 0)
        r0 = sid * ROWS_PER_SUB

        def zero_stripe(q, _):
            pltpu.sync_copy(z16_v, deg_sh.at[pl.ds(r0 + q * CHUNK, CHUNK)])
            return 0

        lax.fori_loop(0, ROWS_PER_SUB // CHUNK, zero_stripe, 0)
        plsc.subcore_barrier()

        pltpu.sync_copy(idx_hbm.at[NSUB + sid], dst_v)
        jlo = cid * (CPT // 2)

        def chunk_body(j, _):
            pltpu.sync_copy(ones_v, deg_sh.at[dst_v.at[jlo + j]], add=True)
            return 0

        lax.fori_loop(0, CPT // 2, chunk_body, 0)
        plsc.subcore_barrier()

        def dump(q, _):
            rows = pl.ds(r0 + q * CHUNK, CHUNK)
            pltpu.sync_copy(deg_sh.at[rows], deg_out.at[cid, rows])
            return 0

        lax.fori_loop(0, ROWS_PER_SUB // CHUNK, dump, 0)

    return deg_kernel


_edge = _make_edge_kernel()
_deg = _make_deg_kernel()



_BLK = 512
_GRID = N_PAD // _BLK

_row_spec = pl.BlockSpec((_BLK, H), lambda i: (i, 0))
_half_spec = pl.BlockSpec((2, _BLK, HH), lambda i: (0, i, 0))
_w_spec = pl.BlockSpec((H, H), lambda i: (0, 0))
_b_spec = pl.BlockSpec((1, H), lambda i: (0, 0))


def _split_dots(x, w, bias=None):
    left = jnp.dot(x, w[:, :HH], preferred_element_type=jnp.float32)
    right = jnp.dot(x, w[:, HH:], preferred_element_type=jnp.float32)
    if bias is not None:
        left = left + bias[:, :HH]
        right = right + bias[:, HH:]
    return jnp.stack([left, right])


def _embed_ab_body(nf, wn, bn, w1a, w1b, bm1, x_o, a_o, b_o):
    x = jnp.dot(nf[...], wn[...], preferred_element_type=jnp.float32) + bn[...]
    x_o[...] = x
    a_o[...] = _split_dots(x, w1a[...])
    b_o[...] = _split_dots(x, w1b[...], bm1[...])


def _ab_body(x, w1a, w1b, bm1, a_o, b_o):
    xv = x[...]
    a_o[...] = _split_dots(xv, w1a[...])
    b_o[...] = _split_dots(xv, w1b[...], bm1[...])


_ab_out = [jax.ShapeDtypeStruct((2, N_PAD, HH), jnp.float32)] * 2


def _embed_ab(nf_p, wn, bn, w1a, w1b, bm1):
    return pl.pallas_call(
        _embed_ab_body,
        grid=(_GRID,),
        in_specs=[_row_spec, _w_spec, _b_spec, _w_spec, _w_spec, _b_spec],
        out_specs=[_row_spec, _half_spec, _half_spec],
        out_shape=[jax.ShapeDtypeStruct((N_PAD, H), jnp.float32)] + _ab_out,
    )(nf_p, wn, bn, w1a, w1b, bm1)


def _ab(x, w1a, w1b, bm1):
    return pl.pallas_call(
        _ab_body,
        grid=(_GRID,),
        in_specs=[_row_spec, _w_spec, _w_spec, _b_spec],
        out_specs=[_half_spec, _half_spec],
        out_shape=list(_ab_out),
    )(x, w1a, w1b, bm1)


_EBLK = 1024
_EGRID = E_PAD // _EBLK


def _cmsg_body(ef, wc, bc, c_o):
    c_o[...] = jnp.dot(ef[...], wc[...],
                       preferred_element_type=jnp.float32) + bc[...]


def _cmsg(ef_p, wc, bc):
    return pl.pallas_call(
        _cmsg_body,
        grid=(_EGRID,),
        in_specs=[
            pl.BlockSpec((_EBLK, EDGE_DIM), lambda i: (i, 0)),
            pl.BlockSpec((EDGE_DIM, H), lambda i: (0, 0)),
            _b_spec,
        ],
        out_specs=pl.BlockSpec((_EBLK, H), lambda i: (i, 0)),
        out_shape=jax.ShapeDtypeStruct((E_PAD, H), jnp.float32),
    )(ef_p, wc, bc)


def _update_body(s0, s1, d0, d1, x, wm2a, wm2b, bm2, wu1a, wu1b, bu1, wu2,
                 bu2, g, b, xo):
    deg = d0[...][:, 0:1] + d1[...][:, 0:1]
    agg = (jnp.dot(s0[...], wm2a[...], preferred_element_type=jnp.float32)
           + jnp.dot(s1[...], wm2b[...], preferred_element_type=jnp.float32)
           + deg * bm2[...])
    xv = x[...]
    h2 = jnp.maximum(
        jnp.dot(xv, wu1a[...], preferred_element_type=jnp.float32)
        + jnp.dot(agg, wu1b[...], preferred_element_type=jnp.float32)
        + bu1[...], 0.0)
    upd = jnp.dot(h2, wu2[...], preferred_element_type=jnp.float32) + bu2[...]
    y = xv + upd
    mu = jnp.mean(y, axis=1, keepdims=True)
    yc = y - mu
    var = jnp.mean(yc * yc, axis=1, keepdims=True)
    xo[...] = yc * lax.rsqrt(var + 1e-5) * g[...] + b[...]


def _update(s_pair, deg_pair, x, wm2, bm2, wu1a, wu1b, bu1, wu2, bu2, g, b):
    hspec = pl.BlockSpec((_BLK, HH), lambda i: (i, 0))
    dspec = pl.BlockSpec((_BLK, 16), lambda i: (i, 0))
    hw_spec = pl.BlockSpec((HH, H), lambda i: (0, 0))
    return pl.pallas_call(
        _update_body,
        grid=(_GRID,),
        in_specs=[hspec, hspec, dspec, dspec, _row_spec,
                  hw_spec, hw_spec, _b_spec, _w_spec, _w_spec, _b_spec,
                  _w_spec, _b_spec, _b_spec, _b_spec],
        out_specs=_row_spec,
        out_shape=jax.ShapeDtypeStruct((N_PAD, H), jnp.float32),
    )(s_pair[0], s_pair[1], deg_pair[0], deg_pair[1], x,
      wm2[:HH], wm2[HH:], bm2, wu1a, wu1b, bu1, wu2, bu2, g, b)


_RBLK = 2000
_RGRID = N // _RBLK


def _readout_body(x, wr1, br1, wr2, br2, out, acc):
    i = pl.program_id(0)
    part = jnp.sum(x[...], axis=0, keepdims=True)

    @pl.when(i == 0)
    def _():
        acc[...] = part

    @pl.when(i > 0)
    def _():
        acc[...] += part

    @pl.when(i == _RGRID - 1)
    def _():
        gm = acc[...] * (1.0 / N)
        h3 = jnp.maximum(
            jnp.dot(gm, wr1[...], preferred_element_type=jnp.float32)
            + br1[...], 0.0)
        out[...] = jnp.dot(h3, wr2[...],
                           preferred_element_type=jnp.float32) + br2[...]


def _readout(x, wr1, br1, wr2p, br2p):
    return pl.pallas_call(
        _readout_body,
        grid=(_RGRID,),
        in_specs=[
            pl.BlockSpec((_RBLK, H), lambda i: (i, 0)),
            _w_spec, _b_spec, _w_spec, _b_spec,
        ],
        out_specs=pl.BlockSpec((1, H), lambda i: (0, 0)),
        out_shape=jax.ShapeDtypeStruct((1, H), jnp.float32),
        scratch_shapes=[pltpu.VMEM((1, H), jnp.float32)],
    )(x, wr1, br1, wr2p, br2p)




def kernel(node_features, edge_index, edge_features, W_node, b_node, W_edge,
           b_edge, Wm1, bm1, Wm2, bm2, Wu1, bu1, Wu2, bu2, ln_g, ln_b,
           W_r1, b_r1, W_r2, b_r2):
    f32 = jnp.float32
    pad_e = E_PAD - E
    idx3 = jnp.concatenate([
        edge_index[0], jnp.zeros((pad_e,), jnp.int32),
        edge_index[1], jnp.full((pad_e,), N_PAD - 1, jnp.int32),
    ]).reshape(2 * NSUB, CPT, CHUNK)
    ef_p = jnp.pad(edge_features, ((0, pad_e), (0, 0)))
    nf_p = jnp.pad(node_features, ((0, N_PAD - N), (0, 0)))

    def rowvec(v):
        return v.reshape(1, -1).astype(f32)

    x = None
    (deg_pair,) = _deg(idx3)
    c_all = []
    for l in range(L):
        w1c = Wm1[l][2 * H:]
        wc = W_edge @ w1c
        bc = rowvec(b_edge @ w1c)
        c_all.append(_cmsg(ef_p, wc, bc))
    for l in range(L):
        w1a = Wm1[l][:H]
        w1b = Wm1[l][H:2 * H]
        if l == 0:
            x, a2, b2 = _embed_ab(nf_p, W_node, rowvec(b_node), w1a, w1b,
                                  rowvec(bm1[l]))
        else:
            a2, b2 = _ab(x, w1a, w1b, rowvec(bm1[l]))
        ab = jnp.concatenate(
            [a2.reshape(2 * N_PAD, HH), b2.reshape(2 * N_PAD, HH)])
        (s_pair,) = _edge(ab, c_all[l], idx3)
        x = _update(s_pair, deg_pair, x, Wm2[l], rowvec(bm2[l]),
                    Wu1[l][:H], Wu1[l][H:], rowvec(bu1[l]), Wu2[l],
                    rowvec(bu2[l]), rowvec(ln_g[l]), rowvec(ln_b[l]))

    wr2p = jnp.pad(W_r2, ((0, 0), (0, H - C)))
    br2p = jnp.pad(b_r2, (0, H - C)).reshape(1, H)
    out = _readout(x, W_r1, rowvec(b_r1), wr2p, br2p)
    return out[:, :C]

# --- scband reference (transcript-rebuilt; emitter-appended) ---
"""Pipeline reference for scband-graph-math-solver-42099269435540 (READ-ONLY COPY).

The authoritative reference and input builder live on the scoring server;
editing this copy changes nothing except your own understanding.
"""

import jax, jax.numpy as jnp
import numpy as np

N = 10000
E = 320000
NODE_DIM = 128
EDGE_DIM = 16
H = 128
L = 2
C = 10


def _ln(y, g, b):
    mu = y.mean(axis=-1, keepdims=True)
    var = y.var(axis=-1, keepdims=True)
    return (y - mu) / jnp.sqrt(var + 1e-5) * g + b


def setup_inputs(seed: int = 0) -> dict:
    key = jax.random.key(seed)
    ks = jax.random.split(key, 24)
    s = 0.05
    inp = {}
    inp["node_features"] = jax.random.normal(ks[0], (N, NODE_DIM), dtype=jnp.float32)
    inp["edge_index"] = jax.random.randint(ks[1], (2, E), 0, N, dtype=jnp.int32)
    inp["edge_features"] = jax.random.normal(ks[2], (E, EDGE_DIM), dtype=jnp.float32)
    # node / edge embeddings
    inp["W_node"] = jax.random.normal(ks[3], (NODE_DIM, H), dtype=jnp.float32) * s
    inp["b_node"] = jnp.zeros((H,), dtype=jnp.float32)
    inp["W_edge"] = jax.random.normal(ks[4], (EDGE_DIM, H), dtype=jnp.float32) * s
    inp["b_edge"] = jnp.zeros((H,), dtype=jnp.float32)
    # per-layer GNN params, stacked over L
    inp["Wm1"] = jax.random.normal(ks[5], (L, 3 * H, H), dtype=jnp.float32) * s
    inp["bm1"] = jnp.zeros((L, H), dtype=jnp.float32)
    inp["Wm2"] = jax.random.normal(ks[6], (L, H, H), dtype=jnp.float32) * s
    inp["bm2"] = jnp.zeros((L, H), dtype=jnp.float32)
    inp["Wu1"] = jax.random.normal(ks[7], (L, 2 * H, H), dtype=jnp.float32) * s
    inp["bu1"] = jnp.zeros((L, H), dtype=jnp.float32)
    inp["Wu2"] = jax.random.normal(ks[8], (L, H, H), dtype=jnp.float32) * s
    inp["bu2"] = jnp.zeros((L, H), dtype=jnp.float32)
    inp["ln_g"] = jnp.ones((L, H), dtype=jnp.float32)
    inp["ln_b"] = jnp.zeros((L, H), dtype=jnp.float32)
    # readout
    inp["W_r1"] = jax.random.normal(ks[9], (H, H), dtype=jnp.float32) * s
    inp["b_r1"] = jnp.zeros((H,), dtype=jnp.float32)
    inp["W_r2"] = jax.random.normal(ks[10], (H, C), dtype=jnp.float32) * s
    inp["b_r2"] = jnp.zeros((C,), dtype=jnp.float32)
    return inp


def reference(node_features, edge_index, edge_features, W_node, b_node, W_edge, b_edge,
              Wm1, bm1, Wm2, bm2, Wu1, bu1, Wu2, bu2, ln_g, ln_b,
              W_r1, b_r1, W_r2, b_r2):
    x = node_features @ W_node + b_node
    edge_attr = edge_features @ W_edge + b_edge
    src = edge_index[0]
    dst = edge_index[1]
    for l in range(L):
        # message: cat([x[src], x[dst], edge_attr]) -> MLP (vectorized over edges)
        m_in = jnp.concatenate([x[src], x[dst], edge_attr], axis=-1)
        h = jax.nn.relu(m_in @ Wm1[l] + bm1[l])
        messages = h @ Wm2[l] + bm2[l]
        # scatter-add aggregation by dst
        agg = jax.ops.segment_sum(messages, dst, num_segments=N)
        # update: cat([x, agg]) -> MLP, residual + layernorm
        u_in = jnp.concatenate([x, agg], axis=-1)
        h2 = jax.nn.relu(u_in @ Wu1[l] + bu1[l])
        upd = h2 @ Wu2[l] + bu2[l]
        x = _ln(x + upd, ln_g[l], ln_b[l])
    # batch is None -> global mean over all nodes
    g = x.mean(axis=0, keepdims=True)
    h3 = jax.nn.relu(g @ W_r1 + b_r1)
    out = h3 @ W_r2 + b_r2
    return out

if __name__ == "__main__":
    import jax
    _d = setup_inputs()
    print(jax.jit(kernel)(*tuple(_d.values())))

</pallas_src>

<mosaic_0001>
#map = affine_map<(d0, d1) -> (0, 0)>
#map1 = affine_map<(d0, d1) -> (0, 0, 0)>
module attributes {stable_mosaic.version = 14 : i64} {
  func.func @edge_kernel(%arg0: i32, %arg1: i32, %arg2: memref<40960x64xf32, #tpu.memory_space<hbm>>, %arg3: memref<327680x128xf32, #tpu.memory_space<hbm>>, %arg4: memref<32x160x128xi32, #tpu.memory_space<hbm>>, %arg5: memref<2x10240x64xf32, #tpu.memory_space<hbm>>, %arg6: memref<80x128xi32, #tpu.memory_space<vmem>>, %arg7: memref<80x128xi32, #tpu.memory_space<vmem>>, %arg8: memref<2x128x64xf32, #tpu.memory_space<vmem>>, %arg9: memref<2x128x64xf32, #tpu.memory_space<vmem>>, %arg10: memref<2x128x64xf32, #tpu.memory_space<vmem>>, %arg11: memref<128x64xf32, #tpu.memory_space<vmem>>, %arg12: memref<128x64xf32, #tpu.memory_space<vmem>>, %arg13: memref<10240x64xf32, #tpu.memory_space<vmem_shared>>, %arg14: memref<!tpu.dma_semaphore, #tpu.memory_space<semaphore_mem>>, %arg15: memref<!tpu.dma_semaphore, #tpu.memory_space<semaphore_mem>>) attributes {dimension_semantics = [#tpu.dimension_semantics<core_parallel>, #tpu.dimension_semantics<subcore_parallel>], iteration_bounds = array<i64: 2, 16>, scalar_prefetch = 0 : i64, scratch_operands = 10 : i64, tpu.core_type = #tpu.core_type<sc_vector_subcore>, window_params = [{transform_indices = #map}, {transform_indices = #map}, {transform_indices = #map1}, {transform_indices = #map1}]} {
    %scan3A = arith.constant 0 : i32
    %scan3A_0 = arith.constant 0 : i32
    %scan3A_1 = arith.constant 128 : i32
    %scan3A_2 = arith.addi %scan3A_0, %scan3A_1 : i32
    %scan3A_3 = arith.constant 1 : i32
    %scan3A_4 = scf.for %scan3A_218 = %scan3A_0 to %scan3A_2 step %scan3A_3 iter_args(%scan3A_219 = %scan3A) -> (i32)  : i32 {
      %broadcast_in_dim3A = arith.constant 0.000000e+00 : f32
      %broadcast_in_dim3A_220 = vector.broadcast %broadcast_in_dim3A : f32 to vector<16xf32>
      %swap3A = arith.index_cast %scan3A_218 : i32 to index
      %swap3A_221 = arith.constant 0 : index
      %swap3A_222 = tpu.vector_load %arg12[%swap3A, %swap3A_221] {strides = array<i32>} : memref<128x64xf32, #tpu.memory_space<vmem>>, vector<1x16xf32>,
      %swap3A_223 = vector.shape_cast %swap3A_222 : vector<1x16xf32> to vector<16xf32>
      %swap3A_224 = vector.shape_cast %broadcast_in_dim3A_220 : vector<16xf32> to vector<1x16xf32>
      tpu.vector_store %arg12[%swap3A, %swap3A_221], %swap3A_224 {strides = array<i32>} : memref<128x64xf32, #tpu.memory_space<vmem>>, vector<1x16xf32>,
      %broadcast_in_dim3A_225 = arith.constant 0.000000e+00 : f32
      %broadcast_in_dim3A_226 = vector.broadcast %broadcast_in_dim3A_225 : f32 to vector<16xf32>
      %swap3A_227 = arith.index_cast %scan3A_218 : i32 to index
      %swap3A_228 = arith.constant 16 : index
      %swap3A_229 = tpu.vector_load %arg12[%swap3A_227, %swap3A_228] {strides = array<i32>} : memref<128x64xf32, #tpu.memory_space<vmem>>, vector<1x16xf32>,
      %swap3A_230 = vector.shape_cast %swap3A_229 : vector<1x16xf32> to vector<16xf32>
      %swap3A_231 = vector.shape_cast %broadcast_in_dim3A_226 : vector<16xf32> to vector<1x16xf32>
      tpu.vector_store %arg12[%swap3A_227, %swap3A_228], %swap3A_231 {strides = array<i32>} : memref<128x64xf32, #tpu.memory_space<vmem>>, vector<1x16xf32>,
      %broadcast_in_dim3A_232 = arith.constant 0.000000e+00 : f32
      %broadcast_in_dim3A_233 = vector.broadcast %broadcast_in_dim3A_232 : f32 to vector<16xf32>
      %swap3A_234 = arith.index_cast %scan3A_218 : i32 to index
      %swap3A_235 = arith.constant 32 : index
      %swap3A_236 = tpu.vector_load %arg12[%swap3A_234, %swap3A_235] {strides = array<i32>} : memref<128x64xf32, #tpu.memory_space<vmem>>, vector<1x16xf32>,
      %swap3A_237 = vector.shape_cast %swap3A_236 : vector<1x16xf32> to vector<16xf32>
      %swap3A_238 = vector.shape_cast %broadcast_in_dim3A_233 : vector<16xf32> to vector<1x16xf32>
      tpu.vector_store %arg12[%swap3A_234, %swap3A_235], %swap3A_238 {strides = array<i32>} : memref<128x64xf32, #tpu.memory_space<vmem>>, vector<1x16xf32>,
      %broadcast_in_dim3A_239 = arith.constant 0.000000e+00 : f32
      %broadcast_in_dim3A_240 = vector.broadcast %broadcast_in_dim3A_239 : f32 to vector<16xf32>
      %swap3A_241 = arith.index_cast %scan3A_218 : i32 to index
      %swap3A_242 = arith.constant 48 : index
      %swap3A_243 = tpu.vector_load %arg12[%swap3A_241, %swap3A_242] {strides = array<i32>} : memref<128x64xf32, #tpu.memory_space<vmem>>, vector<1x16xf32>,
      %swap3A_244 = vector.shape_cast %swap3A_243 : vector<1x16xf32> to vector<16xf32>
      %swap3A_245 = vector.shape_cast %broadcast_in_dim3A_240 : vector<16xf32> to vector<1x16xf32>
      tpu.vector_store %arg12[%swap3A_241, %swap3A_242], %swap3A_245 {strides = array<i32>} : memref<128x64xf32, #tpu.memory_space<vmem>>, vector<1x16xf32>,
      %scan3A_246 = arith.constant 0 : i32
      scf.yield %scan3A_246 : i32
    }
    %scan3A_5 = arith.constant 128 : i32
    %mul3A = arith.constant 640 : i32
    %mul3A_6 = arith.muli %arg1, %mul3A : i32
    %scan3A_7 = arith.constant 0 : i32
    %scan3A_8 = arith.constant 0 : i32
    %scan3A_9 = arith.constant 5 : i32
    %scan3A_10 = arith.addi %scan3A_8, %scan3A_9 : i32
    %scan3A_11 = arith.constant 1 : i32
    %scan3A_12 = scf.for %scan3A_218 = %scan3A_8 to %scan3A_10 step %scan3A_11 iter_args(%scan3A_219 = %scan3A_7) -> (i32)  : i32 {
      %mul3A_220 = arith.constant 128 : i32
      %mul3A_221 = arith.muli %scan3A_218, %mul3A_220 : i32
      %add3A_222 = arith.addi %mul3A_6, %mul3A_221 : i32
      "tpu.region"() ({
        %run_scoped3A = tpu.sem_alloc : memref<!tpu.dma_semaphore, #tpu.memory_space<semaphore_mem>>
        %dma_start3A_224 = arith.constant 0 : i32
        %dma_start3A_225 = tpu.memref_slice %arg13[%add3A_222, %dma_start3A_224] : memref<10240x64xf32, #tpu.memory_space<vmem_shared>> -> memref<128x64xf32, #tpu.memory_space<vmem_shared>>
        %dma_start3A_226 = arith.constant 0 : i32
        %dma_start3A_227 = tpu.memref_slice %arg13[%add3A_222, %dma_start3A_226] : memref<10240x64xf32, #tpu.memory_space<vmem_shared>> -> memref<128x64xf32, #tpu.memory_space<vmem_shared>>
        tpu.enqueue_dma source(%arg12 : memref<128x64xf32, #tpu.memory_space<vmem>>) target(%dma_start3A_227 : memref<128x64xf32, #tpu.memory_space<vmem_shared>>) target_semaphore(%run_scoped3A : memref<!tpu.dma_semaphore, #tpu.memory_space<semaphore_mem>>)
        %dma_wait3A = arith.constant 0 : i32
        %dma_wait3A_228 = tpu.memref_slice %arg13[%add3A_222, %dma_wait3A] : memref<10240x64xf32, #tpu.memory_space<vmem_shared>> -> memref<128x64xf32, #tpu.memory_space<vmem_shared>>
        %dma_wait3A_229 = arith.constant 0 : i32
        %dma_wait3A_230 = tpu.memref_slice %arg13[%add3A_222, %dma_wait3A_229] : memref<10240x64xf32, #tpu.memory_space<vmem_shared>> -> memref<128x64xf32, #tpu.memory_space<vmem_shared>>
        tpu.wait_dma2 semaphore(%run_scoped3A : memref<!tpu.dma_semaphore, #tpu.memory_space<semaphore_mem>>) src(%arg12 : memref<128x64xf32, #tpu.memory_space<vmem>>) dst(%dma_wait3A_230 : memref<128x64xf32, #tpu.memory_space<vmem_shared>>)
        tpu.yield
      }) : () -> ()
      %scan3A_223 = arith.constant 0 : i32
      scf.yield %scan3A_223 : i32
    }
    %scan3A_13 = arith.constant 5 : i32
    %barrier3A = arith.constant 0 : index
    tpu.barrier barrier_id(%barrier3A)
    %mul3A_14 = arith.constant 10240 : i32
    %mul3A_15 = arith.muli %arg0, %mul3A_14 : i32
    %add3A = arith.constant 2 : i32
    %add3A_16 = arith.addi %add3A, %arg0 : i32
    %mul3A_17 = arith.constant 10240 : i32
    %mul3A_18 = arith.muli %add3A_16, %mul3A_17 : i32
    %mul3A_19 = arith.constant 64 : i32
    %mul3A_20 = arith.muli %arg0, %mul3A_19 : i32
    "tpu.region"() ({
      %run_scoped3A = tpu.sem_alloc : memref<!tpu.dma_semaphore, #tpu.memory_space<semaphore_mem>>
      %dma_start3A_218 = arith.constant 0 : i32
      %dma_start3A_219 = arith.constant 0 : i32
      %dma_start3A_220 = tpu.memref_slice %arg4[%arg1, %dma_start3A_218, %dma_start3A_219] : memref<32x160x128xi32, #tpu.memory_space<hbm>> -> memref<1x160x128xi32, #tpu.memory_space<hbm>>
      %dma_start3A_221 = tpu.memref_squeeze %dma_start3A_220 : memref<1x160x128xi32, #tpu.memory_space<hbm>> -> memref<160x128xi32, #tpu.memory_space<hbm>>
      %dma_start3A_222 = arith.constant 0 : i32
      %dma_start3A_223 = arith.constant 0 : i32
      %dma_start3A_224 = tpu.memref_slice %dma_start3A_221[%dma_start3A_222, %dma_start3A_223] : memref<160x128xi32, #tpu.memory_space<hbm>> -> memref<80x128xi32, #tpu.memory_space<hbm>>
      %dma_start3A_225 = arith.constant 0 : i32
      %dma_start3A_226 = arith.constant 0 : i32
      %dma_start3A_227 = tpu.memref_slice %arg4[%arg1, %dma_start3A_225, %dma_start3A_226] : memref<32x160x128xi32, #tpu.memory_space<hbm>> -> memref<1x160x128xi32, #tpu.memory_space<hbm>>
      %dma_start3A_228 = tpu.memref_squeeze %dma_start3A_227 : memref<1x160x128xi32, #tpu.memory_space<hbm>> -> memref<160x128xi32, #tpu.memory_space<hbm>>
      %dma_start3A_229 = arith.constant 0 : i32
      %dma_start3A_230 = arith.constant 0 : i32
      %dma_start3A_231 = tpu.memref_slice %dma_start3A_228[%dma_start3A_229, %dma_start3A_230] : memref<160x128xi32, #tpu.memory_space<hbm>> -> memref<80x128xi32, #tpu.memory_space<hbm>>
      tpu.enqueue_dma source(%dma_start3A_231 : memref<80x128xi32, #tpu.memory_space<hbm>>) target(%arg6 : memref<80x128xi32, #tpu.memory_space<vmem>>) target_semaphore(%run_scoped3A : memref<!tpu.dma_semaphore, #tpu.memory_space<semaphore_mem>>)
      %dma_wait3A = arith.constant 0 : i32
      %dma_wait3A_232 = arith.constant 0 : i32
      %dma_wait3A_233 = tpu.memref_slice %arg4[%arg1, %dma_wait3A, %dma_wait3A_232] : memref<32x160x128xi32, #tpu.memory_space<hbm>> -> memref<1x160x128xi32, #tpu.memory_space<hbm>>
      %dma_wait3A_234 = tpu.memref_squeeze %dma_wait3A_233 : memref<1x160x128xi32, #tpu.memory_space<hbm>> -> memref<160x128xi32, #tpu.memory_space<hbm>>
      %dma_wait3A_235 = arith.constant 0 : i32
      %dma_wait3A_236 = arith.constant 0 : i32
      %dma_wait3A_237 = tpu.memref_slice %dma_wait3A_234[%dma_wait3A_235, %dma_wait3A_236] : memref<160x128xi32, #tpu.memory_space<hbm>> -> memref<80x128xi32, #tpu.memory_space<hbm>>
      %dma_wait3A_238 = arith.constant 0 : i32
      %dma_wait3A_239 = arith.constant 0 : i32
      %dma_wait3A_240 = tpu.memref_slice %arg4[%arg1, %dma_wait3A_238, %dma_wait3A_239] : memref<32x160x128xi32, #tpu.memory_space<hbm>> -> memref<1x160x128xi32, #tpu.memory_space<hbm>>
      %dma_wait3A_241 = tpu.memref_squeeze %dma_wait3A_240 : memref<1x160x128xi32, #tpu.memory_space<hbm>> -> memref<160x128xi32, #tpu.memory_space<hbm>>
      %dma_wait3A_242 = arith.constant 0 : i32
      %dma_wait3A_243 = arith.constant 0 : i32
      %dma_wait3A_244 = tpu.memref_slice %dma_wait3A_241[%dma_wait3A_242, %dma_wait3A_243] : memref<160x128xi32, #tpu.memory_space<hbm>> -> memref<80x128xi32, #tpu.memory_space<hbm>>
      tpu.wait_dma2 semaphore(%run_scoped3A : memref<!tpu.dma_semaphore, #tpu.memory_space<semaphore_mem>>) src(%dma_wait3A_244 : memref<80x128xi32, #tpu.memory_space<hbm>>) dst(%arg6 : memref<80x128xi32, #tpu.memory_space<vmem>>)
      tpu.yield
    }) : () -> ()
    %add3A_21 = arith.constant 16 : i32
    %add3A_22 = arith.addi %add3A_21, %arg1 : i32
    "tpu.region"() ({
      %run_scoped3A = tpu.sem_alloc : memref<!tpu.dma_semaphore, #tpu.memory_space<semaphore_mem>>
      %dma_start3A_218 = arith.constant 0 : i32
      %dma_start3A_219 = arith.constant 0 : i32
      %dma_start3A_220 = tpu.memref_slice %arg4[%add3A_22, %dma_start3A_218, %dma_start3A_219] : memref<32x160x128xi32, #tpu.memory_space<hbm>> -> memref<1x160x128xi32, #tpu.memory_space<hbm>>
      %dma_start3A_221 = tpu.memref_squeeze %dma_start3A_220 : memref<1x160x128xi32, #tpu.memory_space<hbm>> -> memref<160x128xi32, #tpu.memory_space<hbm>>
      %dma_start3A_222 = arith.constant 0 : i32
      %dma_start3A_223 = arith.constant 0 : i32
      %dma_start3A_224 = tpu.memref_slice %dma_start3A_221[%dma_start3A_222, %dma_start3A_223] : memref<160x128xi32, #tpu.memory_space<hbm>> -> memref<80x128xi32, #tpu.memory_space<hbm>>
      %dma_start3A_225 = arith.constant 0 : i32
      %dma_start3A_226 = arith.constant 0 : i32
      %dma_start3A_227 = tpu.memref_slice %arg4[%add3A_22, %dma_start3A_225, %dma_start3A_226] : memref<32x160x128xi32, #tpu.memory_space<hbm>> -> memref<1x160x128xi32, #tpu.memory_space<hbm>>
      %dma_start3A_228 = tpu.memref_squeeze %dma_start3A_227 : memref<1x160x128xi32, #tpu.memory_space<hbm>> -> memref<160x128xi32, #tpu.memory_space<hbm>>
      %dma_start3A_229 = arith.constant 0 : i32
      %dma_start3A_230 = arith.constant 0 : i32
      %dma_start3A_231 = tpu.memref_slice %dma_start3A_228[%dma_start3A_229, %dma_start3A_230] : memref<160x128xi32, #tpu.memory_space<hbm>> -> memref<80x128xi32, #tpu.memory_space<hbm>>
      tpu.enqueue_dma source(%dma_start3A_231 : memref<80x128xi32, #tpu.memory_space<hbm>>) target(%arg7 : memref<80x128xi32, #tpu.memory_space<vmem>>) target_semaphore(%run_scoped3A : memref<!tpu.dma_semaphore, #tpu.memory_space<semaphore_mem>>)
      %dma_wait3A = arith.constant 0 : i32
      %dma_wait3A_232 = arith.constant 0 : i32
      %dma_wait3A_233 = tpu.memref_slice %arg4[%add3A_22, %dma_wait3A, %dma_wait3A_232] : memref<32x160x128xi32, #tpu.memory_space<hbm>> -> memref<1x160x128xi32, #tpu.memory_space<hbm>>
      %dma_wait3A_234 = tpu.memref_squeeze %dma_wait3A_233 : memref<1x160x128xi32, #tpu.memory_space<hbm>> -> memref<160x128xi32, #tpu.memory_space<hbm>>
      %dma_wait3A_235 = arith.constant 0 : i32
      %dma_wait3A_236 = arith.constant 0 : i32
      %dma_wait3A_237 = tpu.memref_slice %dma_wait3A_234[%dma_wait3A_235, %dma_wait3A_236] : memref<160x128xi32, #tpu.memory_space<hbm>> -> memref<80x128xi32, #tpu.memory_space<hbm>>
      %dma_wait3A_238 = arith.constant 0 : i32
      %dma_wait3A_239 = arith.constant 0 : i32
      %dma_wait3A_240 = tpu.memref_slice %arg4[%add3A_22, %dma_wait3A_238, %dma_wait3A_239] : memref<32x160x128xi32, #tpu.memory_space<hbm>> -> memref<1x160x128xi32, #tpu.memory_space<hbm>>
      %dma_wait3A_241 = tpu.memref_squeeze %dma_wait3A_240 : memref<1x160x128xi32, #tpu.memory_space<hbm>> -> memref<160x128xi32, #tpu.memory_space<hbm>>
      %dma_wait3A_242 = arith.constant 0 : i32
      %dma_wait3A_243 = arith.constant 0 : i32
      %dma_wait3A_244 = tpu.memref_slice %dma_wait3A_241[%dma_wait3A_242, %dma_wait3A_243] : memref<160x128xi32, #tpu.memory_space<hbm>> -> memref<80x128xi32, #tpu.memory_space<hbm>>
      tpu.wait_dma2 semaphore(%run_scoped3A : memref<!tpu.dma_semaphore, #tpu.memory_space<semaphore_mem>>) src(%dma_wait3A_244 : memref<80x128xi32, #tpu.memory_space<hbm>>) dst(%arg7 : memref<80x128xi32, #tpu.memory_space<vmem>>)
      tpu.yield
    }) : () -> ()
    %mul3A_23 = arith.constant 20480 : i32
    %mul3A_24 = arith.muli %arg1, %mul3A_23 : i32
    %add3A_25 = arith.constant 0 : i32
    %add3A_26 = arith.addi %mul3A_24, %add3A_25 : i32
    %dma_start3A = arith.constant 0 : i32
    %dma_start3A_27 = arith.constant 0 : i32
    %dma_start3A_28 = arith.constant 0 : i32
    %dma_start3A_29 = arith.constant 0 : i32
    %dma_start3A_30 = tpu.memref_slice %arg8[%dma_start3A_27, %dma_start3A_28, %dma_start3A_29] : memref<2x128x64xf32, #tpu.memory_space<vmem>> -> memref<1x128x64xf32, #tpu.memory_space<vmem>>
    %dma_start3A_31 = tpu.memref_squeeze %dma_start3A_30 : memref<1x128x64xf32, #tpu.memory_space<vmem>> -> memref<128x64xf32, #tpu.memory_space<vmem>>
    %dma_start3A_32 = arith.constant 0 : i32
    %dma_start3A_33 = tpu.memref_slice %arg6[%dma_start3A, %dma_start3A_32] : memref<80x128xi32, #tpu.memory_space<vmem>> -> memref<1x128xi32, #tpu.memory_space<vmem>>
    %dma_start3A_34 = tpu.memref_squeeze %dma_start3A_33 : memref<1x128xi32, #tpu.memory_space<vmem>> -> memref<128xi32, #tpu.memory_space<vmem>>
    %dma_start3A_35 = arith.constant 0 : i32
    %dma_start3A_36 = tpu.memref_slice %arg2[%mul3A_15, %dma_start3A_35] : memref<40960x64xf32, #tpu.memory_space<hbm>> -> memref<10240x64xf32, #tpu.memory_space<hbm>>
    %dma_start3A_37 = arith.constant 0 : i32
    %dma_start3A_38 = arith.constant 0 : i32
    %dma_start3A_39 = tpu.memref_slice %dma_start3A_36[%dma_start3A_37, %dma_start3A_38] : memref<10240x64xf32, #tpu.memory_space<hbm>> -> memref<10240x64xf32, #tpu.memory_space<hbm>>
    tpu.enqueue_indirect_dma source(%dma_start3A_39 : memref<10240x64xf32, #tpu.memory_space<hbm>>) target(%dma_start3A_31 : memref<128x64xf32, #tpu.memory_space<vmem>>) offsets(%dma_start3A_34 : memref<128xi32, #tpu.memory_space<vmem>>) semaphore(%arg14 : memref<!tpu.dma_semaphore, #tpu.memory_space<semaphore_mem>>)
    %dma_start3A_40 = arith.constant 0 : i32
    %dma_start3A_41 = arith.constant 0 : i32
    %dma_start3A_42 = arith.constant 0 : i32
    %dma_start3A_43 = arith.constant 0 : i32
    %dma_start3A_44 = tpu.memref_slice %arg9[%dma_start3A_41, %dma_start3A_42, %dma_start3A_43] : memref<2x128x64xf32, #tpu.memory_space<vmem>> -> memref<1x128x64xf32, #tpu.memory_space<vmem>>
    %dma_start3A_45 = tpu.memref_squeeze %dma_start3A_44 : memref<1x128x64xf32, #tpu.memory_space<vmem>> -> memref<128x64xf32, #tpu.memory_space<vmem>>
    %dma_start3A_46 = arith.constant 0 : i32
    %dma_start3A_47 = tpu.memref_slice %arg7[%dma_start3A_40, %dma_start3A_46] : memref<80x128xi32, #tpu.memory_space<vmem>> -> memref<1x128xi32, #tpu.memory_space<vmem>>
    %dma_start3A_48 = tpu.memref_squeeze %dma_start3A_47 : memref<1x128xi32, #tpu.memory_space<vmem>> -> memref<128xi32, #tpu.memory_space<vmem>>
    %dma_start3A_49 = arith.constant 0 : i32
    %dma_start3A_50 = tpu.memref_slice %arg2[%mul3A_18, %dma_start3A_49] : memref<40960x64xf32, #tpu.memory_space<hbm>> -> memref<10240x64xf32, #tpu.memory_space<hbm>>
    %dma_start3A_51 = arith.constant 0 : i32
    %dma_start3A_52 = arith.constant 0 : i32
    %dma_start3A_53 = tpu.memref_slice %dma_start3A_50[%dma_start3A_51, %dma_start3A_52] : memref<10240x64xf32, #tpu.memory_space<hbm>> -> memref<10240x64xf32, #tpu.memory_space<hbm>>
    tpu.enqueue_indirect_dma source(%dma_start3A_53 : memref<10240x64xf32, #tpu.memory_space<hbm>>) target(%dma_start3A_45 : memref<128x64xf32, #tpu.memory_space<vmem>>) offsets(%dma_start3A_48 : memref<128xi32, #tpu.memory_space<vmem>>) semaphore(%arg14 : memref<!tpu.dma_semaphore, #tpu.memory_space<semaphore_mem>>)
    %add3A_54 = arith.constant 0 : i32
    %add3A_55 = arith.addi %add3A_26, %add3A_54 : i32
    %dma_start3A_56 = arith.constant 0 : i32
    %dma_start3A_57 = arith.constant 0 : i32
    %dma_start3A_58 = arith.constant 0 : i32
    %dma_start3A_59 = tpu.memref_slice %arg10[%dma_start3A_56, %dma_start3A_57, %dma_start3A_58] : memref<2x128x64xf32, #tpu.memory_space<vmem>> -> memref<1x128x64xf32, #tpu.memory_space<vmem>>
    %dma_start3A_60 = tpu.memref_squeeze %dma_start3A_59 : memref<1x128x64xf32, #tpu.memory_space<vmem>> -> memref<128x64xf32, #tpu.memory_space<vmem>>
    %dma_start3A_61 = tpu.memref_slice %arg3[%add3A_55, %mul3A_20] : memref<327680x128xf32, #tpu.memory_space<hbm>> -> memref<128x64xf32, #tpu.memory_space<hbm>>
    %dma_start3A_62 = arith.constant 0 : i32
    %dma_start3A_63 = arith.constant 0 : i32
    %dma_start3A_64 = tpu.memref_slice %arg10[%dma_start3A_56, %dma_start3A_62, %dma_start3A_63] : memref<2x128x64xf32, #tpu.memory_space<vmem>> -> memref<1x128x64xf32, #tpu.memory_space<vmem>>
    %dma_start3A_65 = tpu.memref_squeeze %dma_start3A_64 : memref<1x128x64xf32, #tpu.memory_space<vmem>> -> memref<128x64xf32, #tpu.memory_space<vmem>>
    %dma_start3A_66 = tpu.memref_slice %arg3[%add3A_55, %mul3A_20] : memref<327680x128xf32, #tpu.memory_space<hbm>> -> memref<128x64xf32, #tpu.memory_space<hbm>>
    tpu.enqueue_dma source(%dma_start3A_66 : memref<128x64xf32, #tpu.memory_space<hbm>>) target(%dma_start3A_65 : memref<128x64xf32, #tpu.memory_space<vmem>>) target_semaphore(%arg14 : memref<!tpu.dma_semaphore, #tpu.memory_space<semaphore_mem>>)
    %dma_start3A_67 = arith.constant 1 : i32
    %dma_start3A_68 = arith.constant 1 : i32
    %dma_start3A_69 = arith.constant 0 : i32
    %dma_start3A_70 = arith.constant 0 : i32
    %dma_start3A_71 = tpu.memref_slice %arg8[%dma_start3A_68, %dma_start3A_69, %dma_start3A_70] : memref<2x128x64xf32, #tpu.memory_space<vmem>> -> memref<1x128x64xf32, #tpu.memory_space<vmem>>
    %dma_start3A_72 = tpu.memref_squeeze %dma_start3A_71 : memref<1x128x64xf32, #tpu.memory_space<vmem>> -> memref<128x64xf32, #tpu.memory_space<vmem>>
    %dma_start3A_73 = arith.constant 0 : i32
    %dma_start3A_74 = tpu.memref_slice %arg6[%dma_start3A_67, %dma_start3A_73] : memref<80x128xi32, #tpu.memory_space<vmem>> -> memref<1x128xi32, #tpu.memory_space<vmem>>
    %dma_start3A_75 = tpu.memref_squeeze %dma_start3A_74 : memref<1x128xi32, #tpu.memory_space<vmem>> -> memref<128xi32, #tpu.memory_space<vmem>>
    %dma_start3A_76 = arith.constant 0 : i32
    %dma_start3A_77 = tpu.memref_slice %arg2[%mul3A_15, %dma_start3A_76] : memref<40960x64xf32, #tpu.memory_space<hbm>> -> memref<10240x64xf32, #tpu.memory_space<hbm>>
    %dma_start3A_78 = arith.constant 0 : i32
    %dma_start3A_79 = arith.constant 0 : i32
    %dma_start3A_80 = tpu.memref_slice %dma_start3A_77[%dma_start3A_78, %dma_start3A_79] : memref<10240x64xf32, #tpu.memory_space<hbm>> -> memref<10240x64xf32, #tpu.memory_space<hbm>>
    tpu.enqueue_indirect_dma source(%dma_start3A_80 : memref<10240x64xf32, #tpu.memory_space<hbm>>) target(%dma_start3A_72 : memref<128x64xf32, #tpu.memory_space<vmem>>) offsets(%dma_start3A_75 : memref<128xi32, #tpu.memory_space<vmem>>) semaphore(%arg15 : memref<!tpu.dma_semaphore, #tpu.memory_space<semaphore_mem>>)
    %dma_start3A_81 = arith.constant 1 : i32
    %dma_start3A_82 = arith.constant 1 : i32
    %dma_start3A_83 = arith.constant 0 : i32
    %dma_start3A_84 = arith.constant 0 : i32
    %dma_start3A_85 = tpu.memref_slice %arg9[%dma_start3A_82, %dma_start3A_83, %dma_start3A_84] : memref<2x128x64xf32, #tpu.memory_space<vmem>> -> memref<1x128x64xf32, #tpu.memory_space<vmem>>
    %dma_start3A_86 = tpu.memref_squeeze %dma_start3A_85 : memref<1x128x64xf32, #tpu.memory_space<vmem>> -> memref<128x64xf32, #tpu.memory_space<vmem>>
    %dma_start3A_87 = arith.constant 0 : i32
    %dma_start3A_88 = tpu.memref_slice %arg7[%dma_start3A_81, %dma_start3A_87] : memref<80x128xi32, #tpu.memory_space<vmem>> -> memref<1x128xi32, #tpu.memory_space<vmem>>
    %dma_start3A_89 = tpu.memref_squeeze %dma_start3A_88 : memref<1x128xi32, #tpu.memory_space<vmem>> -> memref<128xi32, #tpu.memory_space<vmem>>
    %dma_start3A_90 = arith.constant 0 : i32
    %dma_start3A_91 = tpu.memref_slice %arg2[%mul3A_18, %dma_start3A_90] : memref<40960x64xf32, #tpu.memory_space<hbm>> -> memref<10240x64xf32, #tpu.memory_space<hbm>>
    %dma_start3A_92 = arith.constant 0 : i32
    %dma_start3A_93 = arith.constant 0 : i32
    %dma_start3A_94 = tpu.memref_slice %dma_start3A_91[%dma_start3A_92, %dma_start3A_93] : memref<10240x64xf32, #tpu.memory_space<hbm>> -> memref<10240x64xf32, #tpu.memory_space<hbm>>
    tpu.enqueue_indirect_dma source(%dma_start3A_94 : memref<10240x64xf32, #tpu.memory_space<hbm>>) target(%dma_start3A_86 : memref<128x64xf32, #tpu.memory_space<vmem>>) offsets(%dma_start3A_89 : memref<128xi32, #tpu.memory_space<vmem>>) semaphore(%arg15 : memref<!tpu.dma_semaphore, #tpu.memory_space<semaphore_mem>>)
    %add3A_95 = arith.constant 128 : i32
    %add3A_96 = arith.addi %add3A_26, %add3A_95 : i32
    %dma_start3A_97 = arith.constant 1 : i32
    %dma_start3A_98 = arith.constant 0 : i32
    %dma_start3A_99 = arith.constant 0 : i32
    %dma_start3A_100 = tpu.memref_slice %arg10[%dma_start3A_97, %dma_start3A_98, %dma_start3A_99] : memref<2x128x64xf32, #tpu.memory_space<vmem>> -> memref<1x128x64xf32, #tpu.memory_space<vmem>>
    %dma_start3A_101 = tpu.memref_squeeze %dma_start3A_100 : memref<1x128x64xf32, #tpu.memory_space<vmem>> -> memref<128x64xf32, #tpu.memory_space<vmem>>
    %dma_start3A_102 = tpu.memref_slice %arg3[%add3A_96, %mul3A_20] : memref<327680x128xf32, #tpu.memory_space<hbm>> -> memref<128x64xf32, #tpu.memory_space<hbm>>
    %dma_start3A_103 = arith.constant 0 : i32
    %dma_start3A_104 = arith.constant 0 : i32
    %dma_start3A_105 = tpu.memref_slice %arg10[%dma_start3A_97, %dma_start3A_103, %dma_start3A_104] : memref<2x128x64xf32, #tpu.memory_space<vmem>> -> memref<1x128x64xf32, #tpu.memory_space<vmem>>
    %dma_start3A_106 = tpu.memref_squeeze %dma_start3A_105 : memref<1x128x64xf32, #tpu.memory_space<vmem>> -> memref<128x64xf32, #tpu.memory_space<vmem>>
    %dma_start3A_107 = tpu.memref_slice %arg3[%add3A_96, %mul3A_20] : memref<327680x128xf32, #tpu.memory_space<hbm>> -> memref<128x64xf32, #tpu.memory_space<hbm>>
    tpu.enqueue_dma source(%dma_start3A_107 : memref<128x64xf32, #tpu.memory_space<hbm>>) target(%dma_start3A_106 : memref<128x64xf32, #tpu.memory_space<vmem>>) target_semaphore(%arg15 : memref<!tpu.dma_semaphore, #tpu.memory_space<semaphore_mem>>)
    %scan3A_108 = arith.constant 0 : i32
    %scan3A_109 = arith.constant 0 : i32
    %scan3A_110 = arith.constant 40 : i32
    %scan3A_111 = arith.addi %scan3A_109, %scan3A_110 : i32
    %scan3A_112 = arith.constant 1 : i32
    %scan3A_113 = scf.for %scan3A_218 = %scan3A_109 to %scan3A_111 step %scan3A_112 iter_args(%scan3A_219 = %scan3A_108) -> (i32)  : i32 {
      %mul3A_220 = arith.constant 2 : i32
      %mul3A_221 = arith.muli %mul3A_220, %scan3A_218 : i32
      %add3A_222 = arith.constant 0 : i32
      %add3A_223 = arith.addi %mul3A_221, %add3A_222 : i32
      %dma_wait3A = arith.constant 0 : i32
      %dma_wait3A_224 = arith.constant 0 : i32
      %dma_wait3A_225 = arith.constant 0 : i32
      %dma_wait3A_226 = tpu.memref_slice %arg8[%dma_wait3A, %dma_wait3A_224, %dma_wait3A_225] : memref<2x128x64xf32, #tpu.memory_space<vmem>> -> memref<1x128x64xf32, #tpu.memory_space<vmem>>
      %dma_wait3A_227 = tpu.memref_squeeze %dma_wait3A_226 : memref<1x128x64xf32, #tpu.memory_space<vmem>> -> memref<128x64xf32, #tpu.memory_space<vmem>>
      %dma_wait3A_228 = arith.constant 0 : i32
      %dma_wait3A_229 = tpu.memref_slice %arg6[%add3A_223, %dma_wait3A_228] : memref<80x128xi32, #tpu.memory_space<vmem>> -> memref<1x128xi32, #tpu.memory_space<vmem>>
      %dma_wait3A_230 = tpu.memref_squeeze %dma_wait3A_229 : memref<1x128xi32, #tpu.memory_space<vmem>> -> memref<128xi32, #tpu.memory_space<vmem>>
      %dma_wait3A_231 = arith.constant 0 : i32
      %dma_wait3A_232 = tpu.memref_slice %arg2[%mul3A_15, %dma_wait3A_231] : memref<40960x64xf32, #tpu.memory_space<hbm>> -> memref<10240x64xf32, #tpu.memory_space<hbm>>
      %dma_wait3A_233 = arith.constant 0 : i32
      %dma_wait3A_234 = arith.constant 0 : i32
      %dma_wait3A_235 = tpu.memref_slice %dma_wait3A_232[%dma_wait3A_233, %dma_wait3A_234] : memref<10240x64xf32, #tpu.memory_space<hbm>> -> memref<10240x64xf32, #tpu.memory_space<hbm>>
      tpu.wait_indirect_dma semaphore(%arg14 : memref<!tpu.dma_semaphore, #tpu.memory_space<semaphore_mem>>) src(%dma_wait3A_235 : memref<10240x64xf32, #tpu.memory_space<hbm>>) dst(%dma_wait3A_227 : memref<128x64xf32, #tpu.memory_space<vmem>>)
      %dma_wait3A_236 = arith.constant 0 : i32
      %dma_wait3A_237 = arith.constant 0 : i32
      %dma_wait3A_238 = arith.constant 0 : i32
      %dma_wait3A_239 = tpu.memref_slice %arg9[%dma_wait3A_236, %dma_wait3A_237, %dma_wait3A_238] : memref<2x128x64xf32, #tpu.memory_space<vmem>> -> memref<1x128x64xf32, #tpu.memory_space<vmem>>
      %dma_wait3A_240 = tpu.memref_squeeze %dma_wait3A_239 : memref<1x128x64xf32, #tpu.memory_space<vmem>> -> memref<128x64xf32, #tpu.memory_space<vmem>>
      %dma_wait3A_241 = arith.constant 0 : i32
      %dma_wait3A_242 = tpu.memref_slice %arg7[%add3A_223, %dma_wait3A_241] : memref<80x128xi32, #tpu.memory_space<vmem>> -> memref<1x128xi32, #tpu.memory_space<vmem>>
      %dma_wait3A_243 = tpu.memref_squeeze %dma_wait3A_242 : memref<1x128xi32, #tpu.memory_space<vmem>> -> memref<128xi32, #tpu.memory_space<vmem>>
      %dma_wait3A_244 = arith.constant 0 : i32
      %dma_wait3A_245 = tpu.memref_slice %arg2[%mul3A_18, %dma_wait3A_244] : memref<40960x64xf32, #tpu.memory_space<hbm>> -> memref<10240x64xf32, #tpu.memory_space<hbm>>
      %dma_wait3A_246 = arith.constant 0 : i32
      %dma_wait3A_247 = arith.constant 0 : i32
      %dma_wait3A_248 = tpu.memref_slice %dma_wait3A_245[%dma_wait3A_246, %dma_wait3A_247] : memref<10240x64xf32, #tpu.memory_space<hbm>> -> memref<10240x64xf32, #tpu.memory_space<hbm>>
      tpu.wait_indirect_dma semaphore(%arg14 : memref<!tpu.dma_semaphore, #tpu.memory_space<semaphore_mem>>) src(%dma_wait3A_248 : memref<10240x64xf32, #tpu.memory_space<hbm>>) dst(%dma_wait3A_240 : memref<128x64xf32, #tpu.memory_space<vmem>>)
      %mul3A_249 = arith.constant 128 : i32
      %mul3A_250 = arith.muli %add3A_223, %mul3A_249 : i32
      %add3A_251 = arith.addi %add3A_26, %mul3A_250 : i32
      %dma_wait3A_252 = arith.constant 0 : i32
      %dma_wait3A_253 = arith.constant 0 : i32
      %dma_wait3A_254 = arith.constant 0 : i32
      %dma_wait3A_255 = tpu.memref_slice %arg10[%dma_wait3A_252, %dma_wait3A_253, %dma_wait3A_254] : memref<2x128x64xf32, #tpu.memory_space<vmem>> -> memref<1x128x64xf32, #tpu.memory_space<vmem>>
      %dma_wait3A_256 = tpu.memref_squeeze %dma_wait3A_255 : memref<1x128x64xf32, #tpu.memory_space<vmem>> -> memref<128x64xf32, #tpu.memory_space<vmem>>
      %dma_wait3A_257 = tpu.memref_slice %arg3[%add3A_251, %mul3A_20] : memref<327680x128xf32, #tpu.memory_space<hbm>> -> memref<128x64xf32, #tpu.memory_space<hbm>>
      %dma_wait3A_258 = arith.constant 0 : i32
      %dma_wait3A_259 = arith.constant 0 : i32
      %dma_wait3A_260 = tpu.memref_slice %arg10[%dma_wait3A_252, %dma_wait3A_258, %dma_wait3A_259] : memref<2x128x64xf32, #tpu.memory_space<vmem>> -> memref<1x128x64xf32, #tpu.memory_space<vmem>>
      %dma_wait3A_261 = tpu.memref_squeeze %dma_wait3A_260 : memref<1x128x64xf32, #tpu.memory_space<vmem>> -> memref<128x64xf32, #tpu.memory_space<vmem>>
      %dma_wait3A_262 = tpu.memref_slice %arg3[%add3A_251, %mul3A_20] : memref<327680x128xf32, #tpu.memory_space<hbm>> -> memref<128x64xf32, #tpu.memory_space<hbm>>
      tpu.wait_dma2 semaphore(%arg14 : memref<!tpu.dma_semaphore, #tpu.memory_space<semaphore_mem>>) src(%dma_wait3A_262 : memref<128x64xf32, #tpu.memory_space<hbm>>) dst(%dma_wait3A_261 : memref<128x64xf32, #tpu.memory_space<vmem>>)
      %scan3A_263 = arith.constant 0 : i32
      %scan3A_264 = arith.constant 0 : i32
      %scan3A_265 = arith.constant 128 : i32
      %scan3A_266 = arith.addi %scan3A_264, %scan3A_265 : i32
      %scan3A_267 = arith.constant 1 : i32
      %scan3A_268 = scf.for %scan3A_329 = %scan3A_264 to %scan3A_266 step %scan3A_267 iter_args(%scan3A_330 = %scan3A_263) -> (i32)  : i32 {
        %get3A = arith.constant 0 : i32
        %get3A_331 = arith.index_cast %get3A : i32 to index
        %get3A_332 = arith.index_cast %scan3A_329 : i32 to index
        %get3A_333 = arith.constant 0 : index
        %get3A_334 = tpu.vector_load %arg8[%get3A_331, %get3A_332, %get3A_333] {strides = array<i32>} : memref<2x128x64xf32, #tpu.memory_space<vmem>>, vector<1x1x16xf32>,
        %get3A_335 = vector.shape_cast %get3A_334 : vector<1x1x16xf32> to vector<16xf32>
        %get3A_336 = arith.constant 0 : i32
        %get3A_337 = arith.index_cast %get3A_336 : i32 to index
        %get3A_338 = arith.index_cast %scan3A_329 : i32 to index
        %get3A_339 = arith.constant 0 : index
        %get3A_340 = tpu.vector_load %arg9[%get3A_337, %get3A_338, %get3A_339] {strides = array<i32>} : memref<2x128x64xf32, #tpu.memory_space<vmem>>, vector<1x1x16xf32>,
        %get3A_341 = vector.shape_cast %get3A_340 : vector<1x1x16xf32> to vector<16xf32>
        %add3A_342 = arith.addf %get3A_335, %get3A_341 : vector<16xf32>
        %get3A_343 = arith.constant 0 : i32
        %get3A_344 = arith.index_cast %get3A_343 : i32 to index
        %get3A_345 = arith.index_cast %scan3A_329 : i32 to index
        %get3A_346 = arith.constant 0 : index
        %get3A_347 = tpu.vector_load %arg10[%get3A_344, %get3A_345, %get3A_346] {strides = array<i32>} : memref<2x128x64xf32, #tpu.memory_space<vmem>>, vector<1x1x16xf32>,
        %get3A_348 = vector.shape_cast %get3A_347 : vector<1x1x16xf32> to vector<16xf32>
        %add3A_349 = arith.addf %add3A_342, %get3A_348 : vector<16xf32>
        %max3A = arith.constant 0.000000e+00 : f32
        %max3A_350 = vector.broadcast %max3A : f32 to vector<16xf32>
        %max3A_351 = arith.maximumf %add3A_349, %max3A_350 : vector<16xf32>
        %swap3A = arith.index_cast %scan3A_329 : i32 to index
        %swap3A_352 = arith.constant 0 : index
        %swap3A_353 = tpu.vector_load %arg11[%swap3A, %swap3A_352] {strides = array<i32>} : memref<128x64xf32, #tpu.memory_space<vmem>>, vector<1x16xf32>,
        %swap3A_354 = vector.shape_cast %swap3A_353 : vector<1x16xf32> to vector<16xf32>
        %swap3A_355 = vector.shape_cast %max3A_351 : vector<16xf32> to vector<1x16xf32>
        tpu.vector_store %arg11[%swap3A, %swap3A_352], %swap3A_355 {strides = array<i32>} : memref<128x64xf32, #tpu.memory_space<vmem>>, vector<1x16xf32>,
        %get3A_356 = arith.constant 0 : i32
        %get3A_357 = arith.index_cast %get3A_356 : i32 to index
        %get3A_358 = arith.index_cast %scan3A_329 : i32 to index
        %get3A_359 = arith.constant 16 : index
        %get3A_360 = tpu.vector_load %arg8[%get3A_357, %get3A_358, %get3A_359] {strides = array<i32>} : memref<2x128x64xf32, #tpu.memory_space<vmem>>, vector<1x1x16xf32>,
        %get3A_361 = vector.shape_cast %get3A_360 : vector<1x1x16xf32> to vector<16xf32>
        %get3A_362 = arith.constant 0 : i32
        %get3A_363 = arith.index_cast %get3A_362 : i32 to index
        %get3A_364 = arith.index_cast %scan3A_329 : i32 to index
        %get3A_365 = arith.constant 16 : index
        %get3A_366 = tpu.vector_load %arg9[%get3A_363, %get3A_364, %get3A_365] {strides = array<i32>} : memref<2x128x64xf32, #tpu.memory_space<vmem>>, vector<1x1x16xf32>,
        %get3A_367 = vector.shape_cast %get3A_366 : vector<1x1x16xf32> to vector<16xf32>
        %add3A_368 = arith.addf %get3A_361, %get3A_367 : vector<16xf32>
        %get3A_369 = arith.constant 0 : i32
        %get3A_370 = arith.index_cast %get3A_369 : i32 to index
        %get3A_371 = arith.index_cast %scan3A_329 : i32 to index
        %get3A_372 = arith.constant 16 : index
        %get3A_373 = tpu.vector_load %arg10[%get3A_370, %get3A_371, %get3A_372] {strides = array<i32>} : memref<2x128x64xf32, #tpu.memory_space<vmem>>, vector<1x1x16xf32>,
        %get3A_374 = vector.shape_cast %get3A_373 : vector<1x1x16xf32> to vector<16xf32>
        %add3A_375 = arith.addf %add3A_368, %get3A_374 : vector<16xf32>
        %max3A_376 = arith.constant 0.000000e+00 : f32
        %max3A_377 = vector.broadcast %max3A_376 : f32 to vector<16xf32>
        %max3A_378 = arith.maximumf %add3A_375, %max3A_377 : vector<16xf32>
        %swap3A_379 = arith.index_cast %scan3A_329 : i32 to index
        %swap3A_380 = arith.constant 16 : index
        %swap3A_381 = tpu.vector_load %arg11[%swap3A_379, %swap3A_380] {strides = array<i32>} : memref<128x64xf32, #tpu.memory_space<vmem>>, vector<1x16xf32>,
        %swap3A_382 = vector.shape_cast %swap3A_381 : vector<1x16xf32> to vector<16xf32>
        %swap3A_383 = vector.shape_cast %max3A_378 : vector<16xf32> to vector<1x16xf32>
        tpu.vector_store %arg11[%swap3A_379, %swap3A_380], %swap3A_383 {strides = array<i32>} : memref<128x64xf32, #tpu.memory_space<vmem>>, vector<1x16xf32>,
        %get3A_384 = arith.constant 0 : i32
        %get3A_385 = arith.index_cast %get3A_384 : i32 to index
        %get3A_386 = arith.index_cast %scan3A_329 : i32 to index
        %get3A_387 = arith.constant 32 : index
        %get3A_388 = tpu.vector_load %arg8[%get3A_385, %get3A_386, %get3A_387] {strides = array<i32>} : memref<2x128x64xf32, #tpu.memory_space<vmem>>, vector<1x1x16xf32>,
        %get3A_389 = vector.shape_cast %get3A_388 : vector<1x1x16xf32> to vector<16xf32>
        %get3A_390 = arith.constant 0 : i32
        %get3A_391 = arith.index_cast %get3A_390 : i32 to index
        %get3A_392 = arith.index_cast %scan3A_329 : i32 to index
        %get3A_393 = arith.constant 32 : index
        %get3A_394 = tpu.vector_load %arg9[%get3A_391, %get3A_392, %get3A_393] {strides = array<i32>} : memref<2x128x64xf32, #tpu.memory_space<vmem>>, vector<1x1x16xf32>,
        %get3A_395 = vector.shape_cast %get3A_394 : vector<1x1x16xf32> to vector<16xf32>
        %add3A_396 = arith.addf %get3A_389, %get3A_395 : vector<16xf32>
        %get3A_397 = arith.constant 0 : i32
        %get3A_398 = arith.index_cast %get3A_397 : i32 to index
        %get3A_399 = arith.index_cast %scan3A_329 : i32 to index
        %get3A_400 = arith.constant 32 : index
        %get3A_401 = tpu.vector_load %arg10[%get3A_398, %get3A_399, %get3A_400] {strides = array<i32>} : memref<2x128x64xf32, #tpu.memory_space<vmem>>, vector<1x1x16xf32>,
        %get3A_402 = vector.shape_cast %get3A_401 : vector<1x1x16xf32> to vector<16xf32>
        %add3A_403 = arith.addf %add3A_396, %get3A_402 : vector<16xf32>
        %max3A_404 = arith.constant 0.000000e+00 : f32
        %max3A_405 = vector.broadcast %max3A_404 : f32 to vector<16xf32>
        %max3A_406 = arith.maximumf %add3A_403, %max3A_405 : vector<16xf32>
        %swap3A_407 = arith.index_cast %scan3A_329 : i32 to index
        %swap3A_408 = arith.constant 32 : index
        %swap3A_409 = tpu.vector_load %arg11[%swap3A_407, %swap3A_408] {strides = array<i32>} : memref<128x64xf32, #tpu.memory_space<vmem>>, vector<1x16xf32>,
        %swap3A_410 = vector.shape_cast %swap3A_409 : vector<1x16xf32> to vector<16xf32>
        %swap3A_411 = vector.shape_cast %max3A_406 : vector<16xf32> to vector<1x16xf32>
        tpu.vector_store %arg11[%swap3A_407, %swap3A_408], %swap3A_411 {strides = array<i32>} : memref<128x64xf32, #tpu.memory_space<vmem>>, vector<1x16xf32>,
        %get3A_412 = arith.constant 0 : i32
        %get3A_413 = arith.index_cast %get3A_412 : i32 to index
        %get3A_414 = arith.index_cast %scan3A_329 : i32 to index
        %get3A_415 = arith.constant 48 : index
        %get3A_416 = tpu.vector_load %arg8[%get3A_413, %get3A_414, %get3A_415] {strides = array<i32>} : memref<2x128x64xf32, #tpu.memory_space<vmem>>, vector<1x1x16xf32>,
        %get3A_417 = vector.shape_cast %get3A_416 : vector<1x1x16xf32> to vector<16xf32>
        %get3A_418 = arith.constant 0 : i32
        %get3A_419 = arith.index_cast %get3A_418 : i32 to index
        %get3A_420 = arith.index_cast %scan3A_329 : i32 to index
        %get3A_421 = arith.constant 48 : index
        %get3A_422 = tpu.vector_load %arg9[%get3A_419, %get3A_420, %get3A_421] {strides = array<i32>} : memref<2x128x64xf32, #tpu.memory_space<vmem>>, vector<1x1x16xf32>,
        %get3A_423 = vector.shape_cast %get3A_422 : vector<1x1x16xf32> to vector<16xf32>
        %add3A_424 = arith.addf %get3A_417, %get3A_423 : vector<16xf32>
        %get3A_425 = arith.constant 0 : i32
        %get3A_426 = arith.index_cast %get3A_425 : i32 to index
        %get3A_427 = arith.index_cast %scan3A_329 : i32 to index
        %get3A_428 = arith.constant 48 : index
        %get3A_429 = tpu.vector_load %arg10[%get3A_426, %get3A_427, %get3A_428] {strides = array<i32>} : memref<2x128x64xf32, #tpu.memory_space<vmem>>, vector<1x1x16xf32>,
        %get3A_430 = vector.shape_cast %get3A_429 : vector<1x1x16xf32> to vector<16xf32>
        %add3A_431 = arith.addf %add3A_424, %get3A_430 : vector<16xf32>
        %max3A_432 = arith.constant 0.000000e+00 : f32
        %max3A_433 = vector.broadcast %max3A_432 : f32 to vector<16xf32>
        %max3A_434 = arith.maximumf %add3A_431, %max3A_433 : vector<16xf32>
        %swap3A_435 = arith.index_cast %scan3A_329 : i32 to index
        %swap3A_436 = arith.constant 48 : index
        %swap3A_437 = tpu.vector_load %arg11[%swap3A_435, %swap3A_436] {strides = array<i32>} : memref<128x64xf32, #tpu.memory_space<vmem>>, vector<1x16xf32>,
        %swap3A_438 = vector.shape_cast %swap3A_437 : vector<1x16xf32> to vector<16xf32>
        %swap3A_439 = vector.shape_cast %max3A_434 : vector<16xf32> to vector<1x16xf32>
        tpu.vector_store %arg11[%swap3A_435, %swap3A_436], %swap3A_439 {strides = array<i32>} : memref<128x64xf32, #tpu.memory_space<vmem>>, vector<1x16xf32>,
        %scan3A_440 = arith.constant 0 : i32
        scf.yield %scan3A_440 : i32
      }
      %scan3A_269 = arith.constant 128 : i32
      %lt3A = arith.constant 39 : i32
      %lt3A_270 = arith.cmpi slt, %scan3A_218, %lt3A : i32
      %convert_element_type3A = arith.extui %lt3A_270 : i1 to i32
      %cond3A = arith.constant 0 : i32
      %cond3A_271 = arith.cmpi ne, %convert_element_type3A, %cond3A : i32
      scf.if %cond3A_271 {
        %add3A_329 = arith.constant 2 : i32
        %add3A_330 = arith.addi %add3A_223, %add3A_329 : i32
        %dma_start3A_331 = arith.constant 0 : i32
        %dma_start3A_332 = arith.constant 0 : i32
        %dma_start3A_333 = arith.constant 0 : i32
        %dma_start3A_334 = tpu.memref_slice %arg8[%dma_start3A_331, %dma_start3A_332, %dma_start3A_333] : memref<2x128x64xf32, #tpu.memory_space<vmem>> -> memref<1x128x64xf32, #tpu.memory_space<vmem>>
        %dma_start3A_335 = tpu.memref_squeeze %dma_start3A_334 : memref<1x128x64xf32, #tpu.memory_space<vmem>> -> memref<128x64xf32, #tpu.memory_space<vmem>>
        %dma_start3A_336 = arith.constant 0 : i32
        %dma_start3A_337 = tpu.memref_slice %arg6[%add3A_330, %dma_start3A_336] : memref<80x128xi32, #tpu.memory_space<vmem>> -> memref<1x128xi32, #tpu.memory_space<vmem>>
        %dma_start3A_338 = tpu.memref_squeeze %dma_start3A_337 : memref<1x128xi32, #tpu.memory_space<vmem>> -> memref<128xi32, #tpu.memory_space<vmem>>
        %dma_start3A_339 = arith.constant 0 : i32
        %dma_start3A_340 = tpu.memref_slice %arg2[%mul3A_15, %dma_start3A_339] : memref<40960x64xf32, #tpu.memory_space<hbm>> -> memref<10240x64xf32, #tpu.memory_space<hbm>>
        %dma_start3A_341 = arith.constant 0 : i32
        %dma_start3A_342 = arith.constant 0 : i32
        %dma_start3A_343 = tpu.memref_slice %dma_start3A_340[%dma_start3A_341, %dma_start3A_342] : memref<10240x64xf32, #tpu.memory_space<hbm>> -> memref<10240x64xf32, #tpu.memory_space<hbm>>
        tpu.enqueue_indirect_dma source(%dma_start3A_343 : memref<10240x64xf32, #tpu.memory_space<hbm>>) target(%dma_start3A_335 : memref<128x64xf32, #tpu.memory_space<vmem>>) offsets(%dma_start3A_338 : memref<128xi32, #tpu.memory_space<vmem>>) semaphore(%arg14 : memref<!tpu.dma_semaphore, #tpu.memory_space<semaphore_mem>>)
        %dma_start3A_344 = arith.constant 0 : i32
        %dma_start3A_345 = arith.constant 0 : i32
        %dma_start3A_346 = arith.constant 0 : i32
        %dma_start3A_347 = tpu.memref_slice %arg9[%dma_start3A_344, %dma_start3A_345, %dma_start3A_346] : memref<2x128x64xf32, #tpu.memory_space<vmem>> -> memref<1x128x64xf32, #tpu.memory_space<vmem>>
        %dma_start3A_348 = tpu.memref_squeeze %dma_start3A_347 : memref<1x128x64xf32, #tpu.memory_space<vmem>> -> memref<128x64xf32, #tpu.memory_space<vmem>>
        %dma_start3A_349 = arith.constant 0 : i32
        %dma_start3A_350 = tpu.memref_slice %arg7[%add3A_330, %dma_start3A_349] : memref<80x128xi32, #tpu.memory_space<vmem>> -> memref<1x128xi32, #tpu.memory_space<vmem>>
        %dma_start3A_351 = tpu.memref_squeeze %dma_start3A_350 : memref<1x128xi32, #tpu.memory_space<vmem>> -> memref<128xi32, #tpu.memory_space<vmem>>
        %dma_start3A_352 = arith.constant 0 : i32
        %dma_start3A_353 = tpu.memref_slice %arg2[%mul3A_18, %dma_start3A_352] : memref<40960x64xf32, #tpu.memory_space<hbm>> -> memref<10240x64xf32, #tpu.memory_space<hbm>>
        %dma_start3A_354 = arith.constant 0 : i32
        %dma_start3A_355 = arith.constant 0 : i32
        %dma_start3A_356 = tpu.memref_slice %dma_start3A_353[%dma_start3A_354, %dma_start3A_355] : memref<10240x64xf32, #tpu.memory_space<hbm>> -> memref<10240x64xf32, #tpu.memory_space<hbm>>
        tpu.enqueue_indirect_dma source(%dma_start3A_356 : memref<10240x64xf32, #tpu.memory_space<hbm>>) target(%dma_start3A_348 : memref<128x64xf32, #tpu.memory_space<vmem>>) offsets(%dma_start3A_351 : memref<128xi32, #tpu.memory_space<vmem>>) semaphore(%arg14 : memref<!tpu.dma_semaphore, #tpu.memory_space<semaphore_mem>>)
        %mul3A_357 = arith.constant 128 : i32
        %mul3A_358 = arith.muli %add3A_330, %mul3A_357 : i32
        %add3A_359 = arith.addi %add3A_26, %mul3A_358 : i32
        %dma_start3A_360 = arith.constant 0 : i32
        %dma_start3A_361 = arith.constant 0 : i32
        %dma_start3A_362 = arith.constant 0 : i32
        %dma_start3A_363 = tpu.memref_slice %arg10[%dma_start3A_360, %dma_start3A_361, %dma_start3A_362] : memref<2x128x64xf32, #tpu.memory_space<vmem>> -> memref<1x128x64xf32, #tpu.memory_space<vmem>>
        %dma_start3A_364 = tpu.memref_squeeze %dma_start3A_363 : memref<1x128x64xf32, #tpu.memory_space<vmem>> -> memref<128x64xf32, #tpu.memory_space<vmem>>
        %dma_start3A_365 = tpu.memref_slice %arg3[%add3A_359, %mul3A_20] : memref<327680x128xf32, #tpu.memory_space<hbm>> -> memref<128x64xf32, #tpu.memory_space<hbm>>
        %dma_start3A_366 = arith.constant 0 : i32
        %dma_start3A_367 = arith.constant 0 : i32
        %dma_start3A_368 = tpu.memref_slice %arg10[%dma_start3A_360, %dma_start3A_366, %dma_start3A_367] : memref<2x128x64xf32, #tpu.memory_space<vmem>> -> memref<1x128x64xf32, #tpu.memory_space<vmem>>
        %dma_start3A_369 = tpu.memref_squeeze %dma_start3A_368 : memref<1x128x64xf32, #tpu.memory_space<vmem>> -> memref<128x64xf32, #tpu.memory_space<vmem>>
        %dma_start3A_370 = tpu.memref_slice %arg3[%add3A_359, %mul3A_20] : memref<327680x128xf32, #tpu.memory_space<hbm>> -> memref<128x64xf32, #tpu.memory_space<hbm>>
        tpu.enqueue_dma source(%dma_start3A_370 : memref<128x64xf32, #tpu.memory_space<hbm>>) target(%dma_start3A_369 : memref<128x64xf32, #tpu.memory_space<vmem>>) target_semaphore(%arg14 : memref<!tpu.dma_semaphore, #tpu.memory_space<semaphore_mem>>)
      } else {
      }
      "tpu.region"() ({
        %run_scoped3A = tpu.sem_alloc : memref<!tpu.dma_semaphore, #tpu.memory_space<semaphore_mem>>
        %dma_start3A_329 = arith.constant 0 : i32
        %dma_start3A_330 = tpu.memref_slice %arg7[%add3A_223, %dma_start3A_329] : memref<80x128xi32, #tpu.memory_space<vmem>> -> memref<1x128xi32, #tpu.memory_space<vmem>>
        %dma_start3A_331 = tpu.memref_squeeze %dma_start3A_330 : memref<1x128xi32, #tpu.memory_space<vmem>> -> memref<128xi32, #tpu.memory_space<vmem>>
        %dma_start3A_332 = arith.constant 0 : i32
        %dma_start3A_333 = arith.constant 0 : i32
        %dma_start3A_334 = tpu.memref_slice %arg13[%dma_start3A_332, %dma_start3A_333] : memref<10240x64xf32, #tpu.memory_space<vmem_shared>> -> memref<10240x64xf32, #tpu.memory_space<vmem_shared>>
        tpu.enqueue_indirect_dma source(%arg11 : memref<128x64xf32, #tpu.memory_space<vmem>>) target(%dma_start3A_334 : memref<10240x64xf32, #tpu.memory_space<vmem_shared>>) offsets(%dma_start3A_331 : memref<128xi32, #tpu.memory_space<vmem>>) semaphore(%run_scoped3A : memref<!tpu.dma_semaphore, #tpu.memory_space<semaphore_mem>>) {add = true}
        %dma_wait3A_335 = arith.constant 0 : i32
        %dma_wait3A_336 = tpu.memref_slice %arg7[%add3A_223, %dma_wait3A_335] : memref<80x128xi32, #tpu.memory_space<vmem>> -> memref<1x128xi32, #tpu.memory_space<vmem>>
        %dma_wait3A_337 = tpu.memref_squeeze %dma_wait3A_336 : memref<1x128xi32, #tpu.memory_space<vmem>> -> memref<128xi32, #tpu.memory_space<vmem>>
        %dma_wait3A_338 = arith.constant 0 : i32
        %dma_wait3A_339 = arith.constant 0 : i32
        %dma_wait3A_340 = tpu.memref_slice %arg13[%dma_wait3A_338, %dma_wait3A_339] : memref<10240x64xf32, #tpu.memory_space<vmem_shared>> -> memref<10240x64xf32, #tpu.memory_space<vmem_shared>>
        tpu.wait_indirect_dma semaphore(%run_scoped3A : memref<!tpu.dma_semaphore, #tpu.memory_space<semaphore_mem>>) src(%arg11 : memref<128x64xf32, #tpu.memory_space<vmem>>) dst(%dma_wait3A_340 : memref<10240x64xf32, #tpu.memory_space<vmem_shared>>)
        tpu.yield
      }) : () -> ()
      %mul3A_272 = arith.constant 2 : i32
      %mul3A_273 = arith.muli %mul3A_272, %scan3A_218 : i32
      %add3A_274 = arith.constant 1 : i32
      %add3A_275 = arith.addi %mul3A_273, %add3A_274 : i32
      %dma_wait3A_276 = arith.constant 1 : i32
      %dma_wait3A_277 = arith.constant 0 : i32
      %dma_wait3A_278 = arith.constant 0 : i32
      %dma_wait3A_279 = tpu.memref_slice %arg8[%dma_wait3A_276, %dma_wait3A_277, %dma_wait3A_278] : memref<2x128x64xf32, #tpu.memory_space<vmem>> -> memref<1x128x64xf32, #tpu.memory_space<vmem>>
      %dma_wait3A_280 = tpu.memref_squeeze %dma_wait3A_279 : memref<1x128x64xf32, #tpu.memory_space<vmem>> -> memref<128x64xf32, #tpu.memory_space<vmem>>
      %dma_wait3A_281 = arith.constant 0 : i32
      %dma_wait3A_282 = tpu.memref_slice %arg6[%add3A_275, %dma_wait3A_281] : memref<80x128xi32, #tpu.memory_space<vmem>> -> memref<1x128xi32, #tpu.memory_space<vmem>>
      %dma_wait3A_283 = tpu.memref_squeeze %dma_wait3A_282 : memref<1x128xi32, #tpu.memory_space<vmem>> -> memref<128xi32, #tpu.memory_space<vmem>>
      %dma_wait3A_284 = arith.constant 0 : i32
      %dma_wait3A_285 = tpu.memref_slice %arg2[%mul3A_15, %dma_wait3A_284] : memref<40960x64xf32, #tpu.memory_space<hbm>> -> memref<10240x64xf32, #tpu.memory_space<hbm>>
      %dma_wait3A_286 = arith.constant 0 : i32
      %dma_wait3A_287 = arith.constant 0 : i32
      %dma_wait3A_288 = tpu.memref_slice %dma_wait3A_285[%dma_wait3A_286, %dma_wait3A_287] : memref<10240x64xf32, #tpu.memory_space<hbm>> -> memref<10240x64xf32, #tpu.memory_space<hbm>>
      tpu.wait_indirect_dma semaphore(%arg15 : memref<!tpu.dma_semaphore, #tpu.memory_space<semaphore_mem>>) src(%dma_wait3A_288 : memref<10240x64xf32, #tpu.memory_space<hbm>>) dst(%dma_wait3A_280 : memref<128x64xf32, #tpu.memory_space<vmem>>)
      %dma_wait3A_289 = arith.constant 1 : i32
      %dma_wait3A_290 = arith.constant 0 : i32
      %dma_wait3A_291 = arith.constant 0 : i32
      %dma_wait3A_292 = tpu.memref_slice %arg9[%dma_wait3A_289, %dma_wait3A_290, %dma_wait3A_291] : memref<2x128x64xf32, #tpu.memory_space<vmem>> -> memref<1x128x64xf32, #tpu.memory_space<vmem>>
      %dma_wait3A_293 = tpu.memref_squeeze %dma_wait3A_292 : memref<1x128x64xf32, #tpu.memory_space<vmem>> -> memref<128x64xf32, #tpu.memory_space<vmem>>
      %dma_wait3A_294 = arith.constant 0 : i32
      %dma_wait3A_295 = tpu.memref_slice %arg7[%add3A_275, %dma_wait3A_294] : memref<80x128xi32, #tpu.memory_space<vmem>> -> memref<1x128xi32, #tpu.memory_space<vmem>>
      %dma_wait3A_296 = tpu.memref_squeeze %dma_wait3A_295 : memref<1x128xi32, #tpu.memory_space<vmem>> -> memref<128xi32, #tpu.memory_space<vmem>>
      %dma_wait3A_297 = arith.constant 0 : i32
      %dma_wait3A_298 = tpu.memref_slice %arg2[%mul3A_18, %dma_wait3A_297] : memref<40960x64xf32, #tpu.memory_space<hbm>> -> memref<10240x64xf32, #tpu.memory_space<hbm>>
      %dma_wait3A_299 = arith.constant 0 : i32
      %dma_wait3A_300 = arith.constant 0 : i32
      %dma_wait3A_301 = tpu.memref_slice %dma_wait3A_298[%dma_wait3A_299, %dma_wait3A_300] : memref<10240x64xf32, #tpu.memory_space<hbm>> -> memref<10240x64xf32, #tpu.memory_space<hbm>>
      tpu.wait_indirect_dma semaphore(%arg15 : memref<!tpu.dma_semaphore, #tpu.memory_space<semaphore_mem>>) src(%dma_wait3A_301 : memref<10240x64xf32, #tpu.memory_space<hbm>>) dst(%dma_wait3A_293 : memref<128x64xf32, #tpu.memory_space<vmem>>)
      %mul3A_302 = arith.constant 128 : i32
      %mul3A_303 = arith.muli %add3A_275, %mul3A_302 : i32
      %add3A_304 = arith.addi %add3A_26, %mul3A_303 : i32
      %dma_wait3A_305 = arith.constant 1 : i32
      %dma_wait3A_306 = arith.constant 0 : i32
      %dma_wait3A_307 = arith.constant 0 : i32
      %dma_wait3A_308 = tpu.memref_slice %arg10[%dma_wait3A_305, %dma_wait3A_306, %dma_wait3A_307] : memref<2x128x64xf32, #tpu.memory_space<vmem>> -> memref<1x128x64xf32, #tpu.memory_space<vmem>>
      %dma_wait3A_309 = tpu.memref_squeeze %dma_wait3A_308 : memref<1x128x64xf32, #tpu.memory_space<vmem>> -> memref<128x64xf32, #tpu.memory_space<vmem>>
      %dma_wait3A_310 = tpu.memref_slice %arg3[%add3A_304, %mul3A_20] : memref<327680x128xf32, #tpu.memory_space<hbm>> -> memref<128x64xf32, #tpu.memory_space<hbm>>
      %dma_wait3A_311 = arith.constant 0 : i32
      %dma_wait3A_312 = arith.constant 0 : i32
      %dma_wait3A_313 = tpu.memref_slice %arg10[%dma_wait3A_305, %dma_wait3A_311, %dma_wait3A_312] : memref<2x128x64xf32, #tpu.memory_space<vmem>> -> memref<1x128x64xf32, #tpu.memory_space<vmem>>
      %dma_wait3A_314 = tpu.memref_squeeze %dma_wait3A_313 : memref<1x128x64xf32, #tpu.memory_space<vmem>> -> memref<128x64xf32, #tpu.memory_space<vmem>>
      %dma_wait3A_315 = tpu.memref_slice %arg3[%add3A_304, %mul3A_20] : memref<327680x128xf32, #tpu.memory_space<hbm>> -> memref<128x64xf32, #tpu.memory_space<hbm>>
      tpu.wait_dma2 semaphore(%arg15 : memref<!tpu.dma_semaphore, #tpu.memory_space<semaphore_mem>>) src(%dma_wait3A_315 : memref<128x64xf32, #tpu.memory_space<hbm>>) dst(%dma_wait3A_314 : memref<128x64xf32, #tpu.memory_space<vmem>>)
      %scan3A_316 = arith.constant 0 : i32
      %scan3A_317 = arith.constant 0 : i32
      %scan3A_318 = arith.constant 128 : i32
      %scan3A_319 = arith.addi %scan3A_317, %scan3A_318 : i32
      %scan3A_320 = arith.constant 1 : i32
      %scan3A_321 = scf.for %scan3A_329 = %scan3A_317 to %scan3A_319 step %scan3A_320 iter_args(%scan3A_330 = %scan3A_316) -> (i32)  : i32 {
        %get3A = arith.constant 1 : i32
        %get3A_331 = arith.index_cast %get3A : i32 to index
        %get3A_332 = arith.index_cast %scan3A_329 : i32 to index
        %get3A_333 = arith.constant 0 : index
        %get3A_334 = tpu.vector_load %arg8[%get3A_331, %get3A_332, %get3A_333] {strides = array<i32>} : memref<2x128x64xf32, #tpu.memory_space<vmem>>, vector<1x1x16xf32>,
        %get3A_335 = vector.shape_cast %get3A_334 : vector<1x1x16xf32> to vector<16xf32>
        %get3A_336 = arith.constant 1 : i32
        %get3A_337 = arith.index_cast %get3A_336 : i32 to index
        %get3A_338 = arith.index_cast %scan3A_329 : i32 to index
        %get3A_339 = arith.constant 0 : index
        %get3A_340 = tpu.vector_load %arg9[%get3A_337, %get3A_338, %get3A_339] {strides = array<i32>} : memref<2x128x64xf32, #tpu.memory_space<vmem>>, vector<1x1x16xf32>,
        %get3A_341 = vector.shape_cast %get3A_340 : vector<1x1x16xf32> to vector<16xf32>
        %add3A_342 = arith.addf %get3A_335, %get3A_341 : vector<16xf32>
        %get3A_343 = arith.constant 1 : i32
        %get3A_344 = arith.index_cast %get3A_343 : i32 to index
        %get3A_345 = arith.index_cast %scan3A_329 : i32 to index
        %get3A_346 = arith.constant 0 : index
        %get3A_347 = tpu.vector_load %arg10[%get3A_344, %get3A_345, %get3A_346] {strides = array<i32>} : memref<2x128x64xf32, #tpu.memory_space<vmem>>, vector<1x1x16xf32>,
        %get3A_348 = vector.shape_cast %get3A_347 : vector<1x1x16xf32> to vector<16xf32>
        %add3A_349 = arith.addf %add3A_342, %get3A_348 : vector<16xf32>
        %max3A = arith.constant 0.000000e+00 : f32
        %max3A_350 = vector.broadcast %max3A : f32 to vector<16xf32>
        %max3A_351 = arith.maximumf %add3A_349, %max3A_350 : vector<16xf32>
        %swap3A = arith.index_cast %scan3A_329 : i32 to index
        %swap3A_352 = arith.constant 0 : index
        %swap3A_353 = tpu.vector_load %arg11[%swap3A, %swap3A_352] {strides = array<i32>} : memref<128x64xf32, #tpu.memory_space<vmem>>, vector<1x16xf32>,
        %swap3A_354 = vector.shape_cast %swap3A_353 : vector<1x16xf32> to vector<16xf32>
        %swap3A_355 = vector.shape_cast %max3A_351 : vector<16xf32> to vector<1x16xf32>
        tpu.vector_store %arg11[%swap3A, %swap3A_352], %swap3A_355 {strides = array<i32>} : memref<128x64xf32, #tpu.memory_space<vmem>>, vector<1x16xf32>,
        %get3A_356 = arith.constant 1 : i32
        %get3A_357 = arith.index_cast %get3A_356 : i32 to index
        %get3A_358 = arith.index_cast %scan3A_329 : i32 to index
        %get3A_359 = arith.constant 16 : index
        %get3A_360 = tpu.vector_load %arg8[%get3A_357, %get3A_358, %get3A_359] {strides = array<i32>} : memref<2x128x64xf32, #tpu.memory_space<vmem>>, vector<1x1x16xf32>,
        %get3A_361 = vector.shape_cast %get3A_360 : vector<1x1x16xf32> to vector<16xf32>
        %get3A_362 = arith.constant 1 : i32
        %get3A_363 = arith.index_cast %get3A_362 : i32 to index
        %get3A_364 = arith.index_cast %scan3A_329 : i32 to index
        %get3A_365 = arith.constant 16 : index
        %get3A_366 = tpu.vector_load %arg9[%get3A_363, %get3A_364, %get3A_365] {strides = array<i32>} : memref<2x128x64xf32, #tpu.memory_space<vmem>>, vector<1x1x16xf32>,
        %get3A_367 = vector.shape_cast %get3A_366 : vector<1x1x16xf32> to vector<16xf32>
        %add3A_368 = arith.addf %get3A_361, %get3A_367 : vector<16xf32>
        %get3A_369 = arith.constant 1 : i32
        %get3A_370 = arith.index_cast %get3A_369 : i32 to index
        %get3A_371 = arith.index_cast %scan3A_329 : i32 to index
        %get3A_372 = arith.constant 16 : index
        %get3A_373 = tpu.vector_load %arg10[%get3A_370, %get3A_371, %get3A_372] {strides = array<i32>} : memref<2x128x64xf32, #tpu.memory_space<vmem>>, vector<1x1x16xf32>,
        %get3A_374 = vector.shape_cast %get3A_373 : vector<1x1x16xf32> to vector<16xf32>
        %add3A_375 = arith.addf %add3A_368, %get3A_374 : vector<16xf32>
        %max3A_376 = arith.constant 0.000000e+00 : f32
        %max3A_377 = vector.broadcast %max3A_376 : f32 to vector<16xf32>
        %max3A_378 = arith.maximumf %add3A_375, %max3A_377 : vector<16xf32>
        %swap3A_379 = arith.index_cast %scan3A_329 : i32 to index
        %swap3A_380 = arith.constant 16 : index
        %swap3A_381 = tpu.vector_load %arg11[%swap3A_379, %swap3A_380] {strides = array<i32>} : memref<128x64xf32, #tpu.memory_space<vmem>>, vector<1x16xf32>,
        %swap3A_382 = vector.shape_cast %swap3A_381 : vector<1x16xf32> to vector<16xf32>
        %swap3A_383 = vector.shape_cast %max3A_378 : vector<16xf32> to vector<1x16xf32>
        tpu.vector_store %arg11[%swap3A_379, %swap3A_380], %swap3A_383 {strides = array<i32>} : memref<128x64xf32, #tpu.memory_space<vmem>>, vector<1x16xf32>,
        %get3A_384 = arith.constant 1 : i32
        %get3A_385 = arith.index_cast %get3A_384 : i32 to index
        %get3A_386 = arith.index_cast %scan3A_329 : i32 to index
        %get3A_387 = arith.constant 32 : index
        %get3A_388 = tpu.vector_load %arg8[%get3A_385, %get3A_386, %get3A_387] {strides = array<i32>} : memref<2x128x64xf32, #tpu.memory_space<vmem>>, vector<1x1x16xf32>,
        %get3A_389 = vector.shape_cast %get3A_388 : vector<1x1x16xf32> to vector<16xf32>
        %get3A_390 = arith.constant 1 : i32
        %get3A_391 = arith.index_cast %get3A_390 : i32 to index
        %get3A_392 = arith.index_cast %scan3A_329 : i32 to index
        %get3A_393 = arith.constant 32 : index
        %get3A_394 = tpu.vector_load %arg9[%get3A_391, %get3A_392, %get3A_393] {strides = array<i32>} : memref<2x128x64xf32, #tpu.memory_space<vmem>>, vector<1x1x16xf32>,
        %get3A_395 = vector.shape_cast %get3A_394 : vector<1x1x16xf32> to vector<16xf32>
        %add3A_396 = arith.addf %get3A_389, %get3A_395 : vector<16xf32>
        %get3A_397 = arith.constant 1 : i32
        %get3A_398 = arith.index_cast %get3A_397 : i32 to index
        %get3A_399 = arith.index_cast %scan3A_329 : i32 to index
        %get3A_400 = arith.constant 32 : index
        %get3A_401 = tpu.vector_load %arg10[%get3A_398, %get3A_399, %get3A_400] {strides = array<i32>} : memref<2x128x64xf32, #tpu.memory_space<vmem>>, vector<1x1x16xf32>,
        %get3A_402 = vector.shape_cast %get3A_401 : vector<1x1x16xf32> to vector<16xf32>
        %add3A_403 = arith.addf %add3A_396, %get3A_402 : vector<16xf32>
        %max3A_404 = arith.constant 0.000000e+00 : f32
        %max3A_405 = vector.broadcast %max3A_404 : f32 to vector<16xf32>
        %max3A_406 = arith.maximumf %add3A_403, %max3A_405 : vector<16xf32>
        %swap3A_407 = arith.index_cast %scan3A_329 : i32 to index
        %swap3A_408 = arith.constant 32 : index
        %swap3A_409 = tpu.vector_load %arg11[%swap3A_407, %swap3A_408] {strides = array<i32>} : memref<128x64xf32, #tpu.memory_space<vmem>>, vector<1x16xf32>,
        %swap3A_410 = vector.shape_cast %swap3A_409 : vector<1x16xf32> to vector<16xf32>
        %swap3A_411 = vector.shape_cast %max3A_406 : vector<16xf32> to vector<1x16xf32>
        tpu.vector_store %arg11[%swap3A_407, %swap3A_408], %swap3A_411 {strides = array<i32>} : memref<128x64xf32, #tpu.memory_space<vmem>>, vector<1x16xf32>,
        %get3A_412 = arith.constant 1 : i32
        %get3A_413 = arith.index_cast %get3A_412 : i32 to index
        %get3A_414 = arith.index_cast %scan3A_329 : i32 to index
        %get3A_415 = arith.constant 48 : index
        %get3A_416 = tpu.vector_load %arg8[%get3A_413, %get3A_414, %get3A_415] {strides = array<i32>} : memref<2x128x64xf32, #tpu.memory_space<vmem>>, vector<1x1x16xf32>,
        %get3A_417 = vector.shape_cast %get3A_416 : vector<1x1x16xf32> to vector<16xf32>
        %get3A_418 = arith.constant 1 : i32
        %get3A_419 = arith.index_cast %get3A_418 : i32 to index
        %get3A_420 = arith.index_cast %scan3A_329 : i32 to index
        %get3A_421 = arith.constant 48 : index
        %get3A_422 = tpu.vector_load %arg9[%get3A_419, %get3A_420, %get3A_421] {strides = array<i32>} : memref<2x128x64xf32, #tpu.memory_space<vmem>>, vector<1x1x16xf32>,
        %get3A_423 = vector.shape_cast %get3A_422 : vector<1x1x16xf32> to vector<16xf32>
        %add3A_424 = arith.addf %get3A_417, %get3A_423 : vector<16xf32>
        %get3A_425 = arith.constant 1 : i32
        %get3A_426 = arith.index_cast %get3A_425 : i32 to index
        %get3A_427 = arith.index_cast %scan3A_329 : i32 to index
        %get3A_428 = arith.constant 48 : index
        %get3A_429 = tpu.vector_load %arg10[%get3A_426, %get3A_427, %get3A_428] {strides = array<i32>} : memref<2x128x64xf32, #tpu.memory_space<vmem>>, vector<1x1x16xf32>,
        %get3A_430 = vector.shape_cast %get3A_429 : vector<1x1x16xf32> to vector<16xf32>
        %add3A_431 = arith.addf %add3A_424, %get3A_430 : vector<16xf32>
        %max3A_432 = arith.constant 0.000000e+00 : f32
        %max3A_433 = vector.broadcast %max3A_432 : f32 to vector<16xf32>
        %max3A_434 = arith.maximumf %add3A_431, %max3A_433 : vector<16xf32>
        %swap3A_435 = arith.index_cast %scan3A_329 : i32 to index
        %swap3A_436 = arith.constant 48 : index
        %swap3A_437 = tpu.vector_load %arg11[%swap3A_435, %swap3A_436] {strides = array<i32>} : memref<128x64xf32, #tpu.memory_space<vmem>>, vector<1x16xf32>,
        %swap3A_438 = vector.shape_cast %swap3A_437 : vector<1x16xf32> to vector<16xf32>
        %swap3A_439 = vector.shape_cast %max3A_434 : vector<16xf32> to vector<1x16xf32>
        tpu.vector_store %arg11[%swap3A_435, %swap3A_436], %swap3A_439 {strides = array<i32>} : memref<128x64xf32, #tpu.memory_space<vmem>>, vector<1x16xf32>,
        %scan3A_440 = arith.constant 0 : i32
        scf.yield %scan3A_440 : i32
      }
      %scan3A_322 = arith.constant 128 : i32
      %lt3A_323 = arith.constant 39 : i32
      %lt3A_324 = arith.cmpi slt, %scan3A_218, %lt3A_323 : i32
      %convert_element_type3A_325 = arith.extui %lt3A_324 : i1 to i32
      %cond3A_326 = arith.constant 0 : i32
      %cond3A_327 = arith.cmpi ne, %convert_element_type3A_325, %cond3A_326 : i32
      scf.if %cond3A_327 {
        %add3A_329 = arith.constant 2 : i32
        %add3A_330 = arith.addi %add3A_275, %add3A_329 : i32
        %dma_start3A_331 = arith.constant 1 : i32
        %dma_start3A_332 = arith.constant 0 : i32
        %dma_start3A_333 = arith.constant 0 : i32
        %dma_start3A_334 = tpu.memref_slice %arg8[%dma_start3A_331, %dma_start3A_332, %dma_start3A_333] : memref<2x128x64xf32, #tpu.memory_space<vmem>> -> memref<1x128x64xf32, #tpu.memory_space<vmem>>
        %dma_start3A_335 = tpu.memref_squeeze %dma_start3A_334 : memref<1x128x64xf32, #tpu.memory_space<vmem>> -> memref<128x64xf32, #tpu.memory_space<vmem>>
        %dma_start3A_336 = arith.constant 0 : i32
        %dma_start3A_337 = tpu.memref_slice %arg6[%add3A_330, %dma_start3A_336] : memref<80x128xi32, #tpu.memory_space<vmem>> -> memref<1x128xi32, #tpu.memory_space<vmem>>
        %dma_start3A_338 = tpu.memref_squeeze %dma_start3A_337 : memref<1x128xi32, #tpu.memory_space<vmem>> -> memref<128xi32, #tpu.memory_space<vmem>>
        %dma_start3A_339 = arith.constant 0 : i32
        %dma_start3A_340 = tpu.memref_slice %arg2[%mul3A_15, %dma_start3A_339] : memref<40960x64xf32, #tpu.memory_space<hbm>> -> memref<10240x64xf32, #tpu.memory_space<hbm>>
        %dma_start3A_341 = arith.constant 0 : i32
        %dma_start3A_342 = arith.constant 0 : i32
        %dma_start3A_343 = tpu.memref_slice %dma_start3A_340[%dma_start3A_341, %dma_start3A_342] : memref<10240x64xf32, #tpu.memory_space<hbm>> -> memref<10240x64xf32, #tpu.memory_space<hbm>>
        tpu.enqueue_indirect_dma source(%dma_start3A_343 : memref<10240x64xf32, #tpu.memory_space<hbm>>) target(%dma_start3A_335 : memref<128x64xf32, #tpu.memory_space<vmem>>) offsets(%dma_start3A_338 : memref<128xi32, #tpu.memory_space<vmem>>) semaphore(%arg15 : memref<!tpu.dma_semaphore, #tpu.memory_space<semaphore_mem>>)
        %dma_start3A_344 = arith.constant 1 : i32
        %dma_start3A_345 = arith.constant 0 : i32
        %dma_start3A_346 = arith.constant 0 : i32
        %dma_start3A_347 = tpu.memref_slice %arg9[%dma_start3A_344, %dma_start3A_345, %dma_start3A_346] : memref<2x128x64xf32, #tpu.memory_space<vmem>> -> memref<1x128x64xf32, #tpu.memory_space<vmem>>
        %dma_start3A_348 = tpu.memref_squeeze %dma_start3A_347 : memref<1x128x64xf32, #tpu.memory_space<vmem>> -> memref<128x64xf32, #tpu.memory_space<vmem>>
        %dma_start3A_349 = arith.constant 0 : i32
        %dma_start3A_350 = tpu.memref_slice %arg7[%add3A_330, %dma_start3A_349] : memref<80x128xi32, #tpu.memory_space<vmem>> -> memref<1x128xi32, #tpu.memory_space<vmem>>
        %dma_start3A_351 = tpu.memref_squeeze %dma_start3A_350 : memref<1x128xi32, #tpu.memory_space<vmem>> -> memref<128xi32, #tpu.memory_space<vmem>>
        %dma_start3A_352 = arith.constant 0 : i32
        %dma_start3A_353 = tpu.memref_slice %arg2[%mul3A_18, %dma_start3A_352] : memref<40960x64xf32, #tpu.memory_space<hbm>> -> memref<10240x64xf32, #tpu.memory_space<hbm>>
        %dma_start3A_354 = arith.constant 0 : i32
        %dma_start3A_355 = arith.constant 0 : i32
        %dma_start3A_356 = tpu.memref_slice %dma_start3A_353[%dma_start3A_354, %dma_start3A_355] : memref<10240x64xf32, #tpu.memory_space<hbm>> -> memref<10240x64xf32, #tpu.memory_space<hbm>>
        tpu.enqueue_indirect_dma source(%dma_start3A_356 : memref<10240x64xf32, #tpu.memory_space<hbm>>) target(%dma_start3A_348 : memref<128x64xf32, #tpu.memory_space<vmem>>) offsets(%dma_start3A_351 : memref<128xi32, #tpu.memory_space<vmem>>) semaphore(%arg15 : memref<!tpu.dma_semaphore, #tpu.memory_space<semaphore_mem>>)
        %mul3A_357 = arith.constant 128 : i32
        %mul3A_358 = arith.muli %add3A_330, %mul3A_357 : i32
        %add3A_359 = arith.addi %add3A_26, %mul3A_358 : i32
        %dma_start3A_360 = arith.constant 1 : i32
        %dma_start3A_361 = arith.constant 0 : i32
        %dma_start3A_362 = arith.constant 0 : i32
        %dma_start3A_363 = tpu.memref_slice %arg10[%dma_start3A_360, %dma_start3A_361, %dma_start3A_362] : memref<2x128x64xf32, #tpu.memory_space<vmem>> -> memref<1x128x64xf32, #tpu.memory_space<vmem>>
        %dma_start3A_364 = tpu.memref_squeeze %dma_start3A_363 : memref<1x128x64xf32, #tpu.memory_space<vmem>> -> memref<128x64xf32, #tpu.memory_space<vmem>>
        %dma_start3A_365 = tpu.memref_slice %arg3[%add3A_359, %mul3A_20] : memref<327680x128xf32, #tpu.memory_space<hbm>> -> memref<128x64xf32, #tpu.memory_space<hbm>>
        %dma_start3A_366 = arith.constant 0 : i32
        %dma_start3A_367 = arith.constant 0 : i32
        %dma_start3A_368 = tpu.memref_slice %arg10[%dma_start3A_360, %dma_start3A_366, %dma_start3A_367] : memref<2x128x64xf32, #tpu.memory_space<vmem>> -> memref<1x128x64xf32, #tpu.memory_space<vmem>>
        %dma_start3A_369 = tpu.memref_squeeze %dma_start3A_368 : memref<1x128x64xf32, #tpu.memory_space<vmem>> -> memref<128x64xf32, #tpu.memory_space<vmem>>
        %dma_start3A_370 = tpu.memref_slice %arg3[%add3A_359, %mul3A_20] : memref<327680x128xf32, #tpu.memory_space<hbm>> -> memref<128x64xf32, #tpu.memory_space<hbm>>
        tpu.enqueue_dma source(%dma_start3A_370 : memref<128x64xf32, #tpu.memory_space<hbm>>) target(%dma_start3A_369 : memref<128x64xf32, #tpu.memory_space<vmem>>) target_semaphore(%arg15 : memref<!tpu.dma_semaphore, #tpu.memory_space<semaphore_mem>>)
      } else {
      }
      "tpu.region"() ({
        %run_scoped3A = tpu.sem_alloc : memref<!tpu.dma_semaphore, #tpu.memory_space<semaphore_mem>>
        %dma_start3A_329 = arith.constant 0 : i32
        %dma_start3A_330 = tpu.memref_slice %arg7[%add3A_275, %dma_start3A_329] : memref<80x128xi32, #tpu.memory_space<vmem>> -> memref<1x128xi32, #tpu.memory_space<vmem>>
        %dma_start3A_331 = tpu.memref_squeeze %dma_start3A_330 : memref<1x128xi32, #tpu.memory_space<vmem>> -> memref<128xi32, #tpu.memory_space<vmem>>
        %dma_start3A_332 = arith.constant 0 : i32
        %dma_start3A_333 = arith.constant 0 : i32
        %dma_start3A_334 = tpu.memref_slice %arg13[%dma_start3A_332, %dma_start3A_333] : memref<10240x64xf32, #tpu.memory_space<vmem_shared>> -> memref<10240x64xf32, #tpu.memory_space<vmem_shared>>
        tpu.enqueue_indirect_dma source(%arg11 : memref<128x64xf32, #tpu.memory_space<vmem>>) target(%dma_start3A_334 : memref<10240x64xf32, #tpu.memory_space<vmem_shared>>) offsets(%dma_start3A_331 : memref<128xi32, #tpu.memory_space<vmem>>) semaphore(%run_scoped3A : memref<!tpu.dma_semaphore, #tpu.memory_space<semaphore_mem>>) {add = true}
        %dma_wait3A_335 = arith.constant 0 : i32
        %dma_wait3A_336 = tpu.memref_slice %arg7[%add3A_275, %dma_wait3A_335] : memref<80x128xi32, #tpu.memory_space<vmem>> -> memref<1x128xi32, #tpu.memory_space<vmem>>
        %dma_wait3A_337 = tpu.memref_squeeze %dma_wait3A_336 : memref<1x128xi32, #tpu.memory_space<vmem>> -> memref<128xi32, #tpu.memory_space<vmem>>
        %dma_wait3A_338 = arith.constant 0 : i32
        %dma_wait3A_339 = arith.constant 0 : i32
        %dma_wait3A_340 = tpu.memref_slice %arg13[%dma_wait3A_338, %dma_wait3A_339] : memref<10240x64xf32, #tpu.memory_space<vmem_shared>> -> memref<10240x64xf32, #tpu.memory_space<vmem_shared>>
        tpu.wait_indirect_dma semaphore(%run_scoped3A : memref<!tpu.dma_semaphore, #tpu.memory_space<semaphore_mem>>) src(%arg11 : memref<128x64xf32, #tpu.memory_space<vmem>>) dst(%dma_wait3A_340 : memref<10240x64xf32, #tpu.memory_space<vmem_shared>>)
        tpu.yield
      }) : () -> ()
      %scan3A_328 = arith.constant 0 : i32
      scf.yield %scan3A_328 : i32
    }
    %scan3A_114 = arith.constant 40 : i32
    "tpu.region"() ({
      %run_scoped3A = tpu.sem_alloc : memref<!tpu.dma_semaphore, #tpu.memory_space<semaphore_mem>>
      %dma_start3A_218 = arith.constant 0 : i32
      %dma_start3A_219 = arith.constant 0 : i32
      %dma_start3A_220 = tpu.memref_slice %arg4[%arg1, %dma_start3A_218, %dma_start3A_219] : memref<32x160x128xi32, #tpu.memory_space<hbm>> -> memref<1x160x128xi32, #tpu.memory_space<hbm>>
      %dma_start3A_221 = tpu.memref_squeeze %dma_start3A_220 : memref<1x160x128xi32, #tpu.memory_space<hbm>> -> memref<160x128xi32, #tpu.memory_space<hbm>>
      %dma_start3A_222 = arith.constant 80 : i32
      %dma_start3A_223 = arith.constant 0 : i32
      %dma_start3A_224 = tpu.memref_slice %dma_start3A_221[%dma_start3A_222, %dma_start3A_223] : memref<160x128xi32, #tpu.memory_space<hbm>> -> memref<80x128xi32, #tpu.memory_space<hbm>>
      %dma_start3A_225 = arith.constant 0 : i32
      %dma_start3A_226 = arith.constant 0 : i32
      %dma_start3A_227 = tpu.memref_slice %arg4[%arg1, %dma_start3A_225, %dma_start3A_226] : memref<32x160x128xi32, #tpu.memory_space<hbm>> -> memref<1x160x128xi32, #tpu.memory_space<hbm>>
      %dma_start3A_228 = tpu.memref_squeeze %dma_start3A_227 : memref<1x160x128xi32, #tpu.memory_space<hbm>> -> memref<160x128xi32, #tpu.memory_space<hbm>>
      %dma_start3A_229 = arith.constant 80 : i32
      %dma_start3A_230 = arith.constant 0 : i32
      %dma_start3A_231 = tpu.memref_slice %dma_start3A_228[%dma_start3A_229, %dma_start3A_230] : memref<160x128xi32, #tpu.memory_space<hbm>> -> memref<80x128xi32, #tpu.memory_space<hbm>>
      tpu.enqueue_dma source(%dma_start3A_231 : memref<80x128xi32, #tpu.memory_space<hbm>>) target(%arg6 : memref<80x128xi32, #tpu.memory_space<vmem>>) target_semaphore(%run_scoped3A : memref<!tpu.dma_semaphore, #tpu.memory_space<semaphore_mem>>)
      %dma_wait3A = arith.constant 0 : i32
      %dma_wait3A_232 = arith.constant 0 : i32
      %dma_wait3A_233 = tpu.memref_slice %arg4[%arg1, %dma_wait3A, %dma_wait3A_232] : memref<32x160x128xi32, #tpu.memory_space<hbm>> -> memref<1x160x128xi32, #tpu.memory_space<hbm>>
      %dma_wait3A_234 = tpu.memref_squeeze %dma_wait3A_233 : memref<1x160x128xi32, #tpu.memory_space<hbm>> -> memref<160x128xi32, #tpu.memory_space<hbm>>
      %dma_wait3A_235 = arith.constant 80 : i32
      %dma_wait3A_236 = arith.constant 0 : i32
      %dma_wait3A_237 = tpu.memref_slice %dma_wait3A_234[%dma_wait3A_235, %dma_wait3A_236] : memref<160x128xi32, #tpu.memory_space<hbm>> -> memref<80x128xi32, #tpu.memory_space<hbm>>
      %dma_wait3A_238 = arith.constant 0 : i32
      %dma_wait3A_239 = arith.constant 0 : i32
      %dma_wait3A_240 = tpu.memref_slice %arg4[%arg1, %dma_wait3A_238, %dma_wait3A_239] : memref<32x160x128xi32, #tpu.memory_space<hbm>> -> memref<1x160x128xi32, #tpu.memory_space<hbm>>
      %dma_wait3A_241 = tpu.memref_squeeze %dma_wait3A_240 : memref<1x160x128xi32, #tpu.memory_space<hbm>> -> memref<160x128xi32, #tpu.memory_space<hbm>>
      %dma_wait3A_242 = arith.constant 80 : i32
      %dma_wait3A_243 = arith.constant 0 : i32
      %dma_wait3A_244 = tpu.memref_slice %dma_wait3A_241[%dma_wait3A_242, %dma_wait3A_243] : memref<160x128xi32, #tpu.memory_space<hbm>> -> memref<80x128xi32, #tpu.memory_space<hbm>>
      tpu.wait_dma2 semaphore(%run_scoped3A : memref<!tpu.dma_semaphore, #tpu.memory_space<semaphore_mem>>) src(%dma_wait3A_244 : memref<80x128xi32, #tpu.memory_space<hbm>>) dst(%arg6 : memref<80x128xi32, #tpu.memory_space<vmem>>)
      tpu.yield
    }) : () -> ()
    %add3A_115 = arith.constant 16 : i32
    %add3A_116 = arith.addi %add3A_115, %arg1 : i32
    "tpu.region"() ({
      %run_scoped3A = tpu.sem_alloc : memref<!tpu.dma_semaphore, #tpu.memory_space<semaphore_mem>>
      %dma_start3A_218 = arith.constant 0 : i32
      %dma_start3A_219 = arith.constant 0 : i32
      %dma_start3A_220 = tpu.memref_slice %arg4[%add3A_116, %dma_start3A_218, %dma_start3A_219] : memref<32x160x128xi32, #tpu.memory_space<hbm>> -> memref<1x160x128xi32, #tpu.memory_space<hbm>>
      %dma_start3A_221 = tpu.memref_squeeze %dma_start3A_220 : memref<1x160x128xi32, #tpu.memory_space<hbm>> -> memref<160x128xi32, #tpu.memory_space<hbm>>
      %dma_start3A_222 = arith.constant 80 : i32
      %dma_start3A_223 = arith.constant 0 : i32
      %dma_start3A_224 = tpu.memref_slice %dma_start3A_221[%dma_start3A_222, %dma_start3A_223] : memref<160x128xi32, #tpu.memory_space<hbm>> -> memref<80x128xi32, #tpu.memory_space<hbm>>
      %dma_start3A_225 = arith.constant 0 : i32
      %dma_start3A_226 = arith.constant 0 : i32
      %dma_start3A_227 = tpu.memref_slice %arg4[%add3A_116, %dma_start3A_225, %dma_start3A_226] : memref<32x160x128xi32, #tpu.memory_space<hbm>> -> memref<1x160x128xi32, #tpu.memory_space<hbm>>
      %dma_start3A_228 = tpu.memref_squeeze %dma_start3A_227 : memref<1x160x128xi32, #tpu.memory_space<hbm>> -> memref<160x128xi32, #tpu.memory_space<hbm>>
      %dma_start3A_229 = arith.constant 80 : i32
      %dma_start3A_230 = arith.constant 0 : i32
      %dma_start3A_231 = tpu.memref_slice %dma_start3A_228[%dma_start3A_229, %dma_start3A_230] : memref<160x128xi32, #tpu.memory_space<hbm>> -> memref<80x128xi32, #tpu.memory_space<hbm>>
      tpu.enqueue_dma source(%dma_start3A_231 : memref<80x128xi32, #tpu.memory_space<hbm>>) target(%arg7 : memref<80x128xi32, #tpu.memory_space<vmem>>) target_semaphore(%run_scoped3A : memref<!tpu.dma_semaphore, #tpu.memory_space<semaphore_mem>>)
      %dma_wait3A = arith.constant 0 : i32
      %dma_wait3A_232 = arith.constant 0 : i32
      %dma_wait3A_233 = tpu.memref_slice %arg4[%add3A_116, %dma_wait3A, %dma_wait3A_232] : memref<32x160x128xi32, #tpu.memory_space<hbm>> -> memref<1x160x128xi32, #tpu.memory_space<hbm>>
      %dma_wait3A_234 = tpu.memref_squeeze %dma_wait3A_233 : memref<1x160x128xi32, #tpu.memory_space<hbm>> -> memref<160x128xi32, #tpu.memory_space<hbm>>
      %dma_wait3A_235 = arith.constant 80 : i32
      %dma_wait3A_236 = arith.constant 0 : i32
      %dma_wait3A_237 = tpu.memref_slice %dma_wait3A_234[%dma_wait3A_235, %dma_wait3A_236] : memref<160x128xi32, #tpu.memory_space<hbm>> -> memref<80x128xi32, #tpu.memory_space<hbm>>
      %dma_wait3A_238 = arith.constant 0 : i32
      %dma_wait3A_239 = arith.constant 0 : i32
      %dma_wait3A_240 = tpu.memref_slice %arg4[%add3A_116, %dma_wait3A_238, %dma_wait3A_239] : memref<32x160x128xi32, #tpu.memory_space<hbm>> -> memref<1x160x128xi32, #tpu.memory_space<hbm>>
      %dma_wait3A_241 = tpu.memref_squeeze %dma_wait3A_240 : memref<1x160x128xi32, #tpu.memory_space<hbm>> -> memref<160x128xi32, #tpu.memory_space<hbm>>
      %dma_wait3A_242 = arith.constant 80 : i32
      %dma_wait3A_243 = arith.constant 0 : i32
      %dma_wait3A_244 = tpu.memref_slice %dma_wait3A_241[%dma_wait3A_242, %dma_wait3A_243] : memref<160x128xi32, #tpu.memory_space<hbm>> -> memref<80x128xi32, #tpu.memory_space<hbm>>
      tpu.wait_dma2 semaphore(%run_scoped3A : memref<!tpu.dma_semaphore, #tpu.memory_space<semaphore_mem>>) src(%dma_wait3A_244 : memref<80x128xi32, #tpu.memory_space<hbm>>) dst(%arg7 : memref<80x128xi32, #tpu.memory_space<vmem>>)
      tpu.yield
    }) : () -> ()
    %mul3A_117 = arith.constant 20480 : i32
    %mul3A_118 = arith.muli %arg1, %mul3A_117 : i32
    %add3A_119 = arith.constant 10240 : i32
    %add3A_120 = arith.addi %mul3A_118, %add3A_119 : i32
    %dma_start3A_121 = arith.constant 0 : i32
    %dma_start3A_122 = arith.constant 0 : i32
    %dma_start3A_123 = arith.constant 0 : i32
    %dma_start3A_124 = arith.constant 0 : i32
    %dma_start3A_125 = tpu.memref_slice %arg8[%dma_start3A_122, %dma_start3A_123, %dma_start3A_124] : memref<2x128x64xf32, #tpu.memory_space<vmem>> -> memref<1x128x64xf32, #tpu.memory_space<vmem>>
    %dma_start3A_126 = tpu.memref_squeeze %dma_start3A_125 : memref<1x128x64xf32, #tpu.memory_space<vmem>> -> memref<128x64xf32, #tpu.memory_space<vmem>>
    %dma_start3A_127 = arith.constant 0 : i32
    %dma_start3A_128 = tpu.memref_slice %arg6[%dma_start3A_121, %dma_start3A_127] : memref<80x128xi32, #tpu.memory_space<vmem>> -> memref<1x128xi32, #tpu.memory_space<vmem>>
    %dma_start3A_129 = tpu.memref_squeeze %dma_start3A_128 : memref<1x128xi32, #tpu.memory_space<vmem>> -> memref<128xi32, #tpu.memory_space<vmem>>
    %dma_start3A_130 = arith.constant 0 : i32
    %dma_start3A_131 = tpu.memref_slice %arg2[%mul3A_15, %dma_start3A_130] : memref<40960x64xf32, #tpu.memory_space<hbm>> -> memref<10240x64xf32, #tpu.memory_space<hbm>>
    %dma_start3A_132 = arith.constant 0 : i32
    %dma_start3A_133 = arith.constant 0 : i32
    %dma_start3A_134 = tpu.memref_slice %dma_start3A_131[%dma_start3A_132, %dma_start3A_133] : memref<10240x64xf32, #tpu.memory_space<hbm>> -> memref<10240x64xf32, #tpu.memory_space<hbm>>
    tpu.enqueue_indirect_dma source(%dma_start3A_134 : memref<10240x64xf32, #tpu.memory_space<hbm>>) target(%dma_start3A_126 : memref<128x64xf32, #tpu.memory_space<vmem>>) offsets(%dma_start3A_129 : memref<128xi32, #tpu.memory_space<vmem>>) semaphore(%arg14 : memref<!tpu.dma_semaphore, #tpu.memory_space<semaphore_mem>>)
    %dma_start3A_135 = arith.constant 0 : i32
    %dma_start3A_136 = arith.constant 0 : i32
    %dma_start3A_137 = arith.constant 0 : i32
    %dma_start3A_138 = arith.constant 0 : i32
    %dma_start3A_139 = tpu.memref_slice %arg9[%dma_start3A_136, %dma_start3A_137, %dma_start3A_138] : memref<2x128x64xf32, #tpu.memory_space<vmem>> -> memref<1x128x64xf32, #tpu.memory_space<vmem>>
    %dma_start3A_140 = tpu.memref_squeeze %dma_start3A_139 : memref<1x128x64xf32, #tpu.memory_space<vmem>> -> memref<128x64xf32, #tpu.memory_space<vmem>>
    %dma_start3A_141 = arith.constant 0 : i32
    %dma_start3A_142 = tpu.memref_slice %arg7[%dma_start3A_135, %dma_start3A_141] : memref<80x128xi32, #tpu.memory_space<vmem>> -> memref<1x128xi32, #tpu.memory_space<vmem>>
    %dma_start3A_143 = tpu.memref_squeeze %dma_start3A_142 : memref<1x128xi32, #tpu.memory_space<vmem>> -> memref<128xi32, #tpu.memory_space<vmem>>
    %dma_start3A_144 = arith.constant 0 : i32
    %dma_start3A_145 = tpu.memref_slice %arg2[%mul3A_18, %dma_start3A_144] : memref<40960x64xf32, #tpu.memory_space<hbm>> -> memref<10240x64xf32, #tpu.memory_space<hbm>>
    %dma_start3A_146 = arith.constant 0 : i32
    %dma_start3A_147 = arith.constant 0 : i32
    %dma_start3A_148 = tpu.memref_slice %dma_start3A_145[%dma_start3A_146, %dma_start3A_147] : memref<10240x64xf32, #tpu.memory_space<hbm>> -> memref<10240x64xf32, #tpu.memory_space<hbm>>
    tpu.enqueue_indirect_dma source(%dma_start3A_148 : memref<10240x64xf32, #tpu.memory_space<hbm>>) target(%dma_start3A_140 : memref<128x64xf32, #tpu.memory_space<vmem>>) offsets(%dma_start3A_143 : memref<128xi32, #tpu.memory_space<vmem>>) semaphore(%arg14 : memref<!tpu.dma_semaphore, #tpu.memory_space<semaphore_mem>>)
    %add3A_149 = arith.constant 0 : i32
    %add3A_150 = arith.addi %add3A_120, %add3A_149 : i32
    %dma_start3A_151 = arith.constant 0 : i32
    %dma_start3A_152 = arith.constant 0 : i32
    %dma_start3A_153 = arith.constant 0 : i32
    %dma_start3A_154 = tpu.memref_slice %arg10[%dma_start3A_151, %dma_start3A_152, %dma_start3A_153] : memref<2x128x64xf32, #tpu.memory_space<vmem>> -> memref<1x128x64xf32, #tpu.memory_space<vmem>>
    %dma_start3A_155 = tpu.memref_squeeze %dma_start3A_154 : memref<1x128x64xf32, #tpu.memory_space<vmem>> -> memref<128x64xf32, #tpu.memory_space<vmem>>
    %dma_start3A_156 = tpu.memref_slice %arg3[%add3A_150, %mul3A_20] : memref<327680x128xf32, #tpu.memory_space<hbm>> -> memref<128x64xf32, #tpu.memory_space<hbm>>
    %dma_start3A_157 = arith.constant 0 : i32
    %dma_start3A_158 = arith.constant 0 : i32
    %dma_start3A_159 = tpu.memref_slice %arg10[%dma_start3A_151, %dma_start3A_157, %dma_start3A_158] : memref<2x128x64xf32, #tpu.memory_space<vmem>> -> memref<1x128x64xf32, #tpu.memory_space<vmem>>
    %dma_start3A_160 = tpu.memref_squeeze %dma_start3A_159 : memref<1x128x64xf32, #tpu.memory_space<vmem>> -> memref<128x64xf32, #tpu.memory_space<vmem>>
    %dma_start3A_161 = tpu.memref_slice %arg3[%add3A_150, %mul3A_20] : memref<327680x128xf32, #tpu.memory_space<hbm>> -> memref<128x64xf32, #tpu.memory_space<hbm>>
    tpu.enqueue_dma source(%dma_start3A_161 : memref<128x64xf32, #tpu.memory_space<hbm>>) target(%dma_start3A_160 : memref<128x64xf32, #tpu.memory_space<vmem>>) target_semaphore(%arg14 : memref<!tpu.dma_semaphore, #tpu.memory_space<semaphore_mem>>)
    %dma_start3A_162 = arith.constant 1 : i32
    %dma_start3A_163 = arith.constant 1 : i32
    %dma_start3A_164 = arith.constant 0 : i32
    %dma_start3A_165 = arith.constant 0 : i32
    %dma_start3A_166 = tpu.memref_slice %arg8[%dma_start3A_163, %dma_start3A_164, %dma_start3A_165] : memref<2x128x64xf32, #tpu.memory_space<vmem>> -> memref<1x128x64xf32, #tpu.memory_space<vmem>>
    %dma_start3A_167 = tpu.memref_squeeze %dma_start3A_166 : memref<1x128x64xf32, #tpu.memory_space<vmem>> -> memref<128x64xf32, #tpu.memory_space<vmem>>
    %dma_start3A_168 = arith.constant 0 : i32
    %dma_start3A_169 = tpu.memref_slice %arg6[%dma_start3A_162, %dma_start3A_168] : memref<80x128xi32, #tpu.memory_space<vmem>> -> memref<1x128xi32, #tpu.memory_space<vmem>>
    %dma_start3A_170 = tpu.memref_squeeze %dma_start3A_169 : memref<1x128xi32, #tpu.memory_space<vmem>> -> memref<128xi32, #tpu.memory_space<vmem>>
    %dma_start3A_171 = arith.constant 0 : i32
    %dma_start3A_172 = tpu.memref_slice %arg2[%mul3A_15, %dma_start3A_171] : memref<40960x64xf32, #tpu.memory_space<hbm>> -> memref<10240x64xf32, #tpu.memory_space<hbm>>
    %dma_start3A_173 = arith.constant 0 : i32
    %dma_start3A_174 = arith.constant 0 : i32
    %dma_start3A_175 = tpu.memref_slice %dma_start3A_172[%dma_start3A_173, %dma_start3A_174] : memref<10240x64xf32, #tpu.memory_space<hbm>> -> memref<10240x64xf32, #tpu.memory_space<hbm>>
    tpu.enqueue_indirect_dma source(%dma_start3A_175 : memref<10240x64xf32, #tpu.memory_space<hbm>>) target(%dma_start3A_167 : memref<128x64xf32, #tpu.memory_space<vmem>>) offsets(%dma_start3A_170 : memref<128xi32, #tpu.memory_space<vmem>>) semaphore(%arg15 : memref<!tpu.dma_semaphore, #tpu.memory_space<semaphore_mem>>)
    %dma_start3A_176 = arith.constant 1 : i32
    %dma_start3A_177 = arith.constant 1 : i32
    %dma_start3A_178 = arith.constant 0 : i32
    %dma_start3A_179 = arith.constant 0 : i32
    %dma_start3A_180 = tpu.memref_slice %arg9[%dma_start3A_177, %dma_start3A_178, %dma_start3A_179] : memref<2x128x64xf32, #tpu.memory_space<vmem>> -> memref<1x128x64xf32, #tpu.memory_space<vmem>>
    %dma_start3A_181 = tpu.memref_squeeze %dma_start3A_180 : memref<1x128x64xf32, #tpu.memory_space<vmem>> -> memref<128x64xf32, #tpu.memory_space<vmem>>
    %dma_start3A_182 = arith.constant 0 : i32
    %dma_start3A_183 = tpu.memref_slice %arg7[%dma_start3A_176, %dma_start3A_182] : memref<80x128xi32, #tpu.memory_space<vmem>> -> memref<1x128xi32, #tpu.memory_space<vmem>>
    %dma_start3A_184 = tpu.memref_squeeze %dma_start3A_183 : memref<1x128xi32, #tpu.memory_space<vmem>> -> memref<128xi32, #tpu.memory_space<vmem>>
    %dma_start3A_185 = arith.constant 0 : i32
    %dma_start3A_186 = tpu.memref_slice %arg2[%mul3A_18, %dma_start3A_185] : memref<40960x64xf32, #tpu.memory_space<hbm>> -> memref<10240x64xf32, #tpu.memory_space<hbm>>
    %dma_start3A_187 = arith.constant 0 : i32
    %dma_start3A_188 = arith.constant 0 : i32
    %dma_start3A_189 = tpu.memref_slice %dma_start3A_186[%dma_start3A_187, %dma_start3A_188] : memref<10240x64xf32, #tpu.memory_space<hbm>> -> memref<10240x64xf32, #tpu.memory_space<hbm>>
    tpu.enqueue_indirect_dma source(%dma_start3A_189 : memref<10240x64xf32, #tpu.memory_space<hbm>>) target(%dma_start3A_181 : memref<128x64xf32, #tpu.memory_space<vmem>>) offsets(%dma_start3A_184 : memref<128xi32, #tpu.memory_space<vmem>>) semaphore(%arg15 : memref<!tpu.dma_semaphore, #tpu.memory_space<semaphore_mem>>)
    %add3A_190 = arith.constant 128 : i32
    %add3A_191 = arith.addi %add3A_120, %add3A_190 : i32
    %dma_start3A_192 = arith.constant 1 : i32
    %dma_start3A_193 = arith.constant 0 : i32
    %dma_start3A_194 = arith.constant 0 : i32
    %dma_start3A_195 = tpu.memref_slice %arg10[%dma_start3A_192, %dma_start3A_193, %dma_start3A_194] : memref<2x128x64xf32, #tpu.memory_space<vmem>> -> memref<1x128x64xf32, #tpu.memory_space<vmem>>
    %dma_start3A_196 = tpu.memref_squeeze %dma_start3A_195 : memref<1x128x64xf32, #tpu.memory_space<vmem>> -> memref<128x64xf32, #tpu.memory_space<vmem>>
    %dma_start3A_197 = tpu.memref_slice %arg3[%add3A_191, %mul3A_20] : memref<327680x128xf32, #tpu.memory_space<hbm>> -> memref<128x64xf32, #tpu.memory_space<hbm>>
    %dma_start3A_198 = arith.constant 0 : i32
    %dma_start3A_199 = arith.constant 0 : i32
    %dma_start3A_200 = tpu.memref_slice %arg10[%dma_start3A_192, %dma_start3A_198, %dma_start3A_199] : memref<2x128x64xf32, #tpu.memory_space<vmem>> -> memref<1x128x64xf32, #tpu.memory_space<vmem>>
    %dma_start3A_201 = tpu.memref_squeeze %dma_start3A_200 : memref<1x128x64xf32, #tpu.memory_space<vmem>> -> memref<128x64xf32, #tpu.memory_space<vmem>>
    %dma_start3A_202 = tpu.memref_slice %arg3[%add3A_191, %mul3A_20] : memref<327680x128xf32, #tpu.memory_space<hbm>> -> memref<128x64xf32, #tpu.memory_space<hbm>>
    tpu.enqueue_dma source(%dma_start3A_202 : memref<128x64xf32, #tpu.memory_space<hbm>>) target(%dma_start3A_201 : memref<128x64xf32, #tpu.memory_space<vmem>>) target_semaphore(%arg15 : memref<!tpu.dma_semaphore, #tpu.memory_space<semaphore_mem>>)
    %scan3A_203 = arith.constant 0 : i32
    %scan3A_204 = arith.constant 0 : i32
    %scan3A_205 = arith.constant 40 : i32
    %scan3A_206 = arith.addi %scan3A_204, %scan3A_205 : i32
    %scan3A_207 = arith.constant 1 : i32
    %scan3A_208 = scf.for %scan3A_218 = %scan3A_204 to %scan3A_206 step %scan3A_207 iter_args(%scan3A_219 = %scan3A_203) -> (i32)  : i32 {
      %mul3A_220 = arith.constant 2 : i32
      %mul3A_221 = arith.muli %mul3A_220, %scan3A_218 : i32
      %add3A_222 = arith.constant 0 : i32
      %add3A_223 = arith.addi %mul3A_221, %add3A_222 : i32
      %dma_wait3A = arith.constant 0 : i32
      %dma_wait3A_224 = arith.constant 0 : i32
      %dma_wait3A_225 = arith.constant 0 : i32
      %dma_wait3A_226 = tpu.memref_slice %arg8[%dma_wait3A, %dma_wait3A_224, %dma_wait3A_225] : memref<2x128x64xf32, #tpu.memory_space<vmem>> -> memref<1x128x64xf32, #tpu.memory_space<vmem>>
      %dma_wait3A_227 = tpu.memref_squeeze %dma_wait3A_226 : memref<1x128x64xf32, #tpu.memory_space<vmem>> -> memref<128x64xf32, #tpu.memory_space<vmem>>
      %dma_wait3A_228 = arith.constant 0 : i32
      %dma_wait3A_229 = tpu.memref_slice %arg6[%add3A_223, %dma_wait3A_228] : memref<80x128xi32, #tpu.memory_space<vmem>> -> memref<1x128xi32, #tpu.memory_space<vmem>>
      %dma_wait3A_230 = tpu.memref_squeeze %dma_wait3A_229 : memref<1x128xi32, #tpu.memory_space<vmem>> -> memref<128xi32, #tpu.memory_space<vmem>>
      %dma_wait3A_231 = arith.constant 0 : i32
      %dma_wait3A_232 = tpu.memref_slice %arg2[%mul3A_15, %dma_wait3A_231] : memref<40960x64xf32, #tpu.memory_space<hbm>> -> memref<10240x64xf32, #tpu.memory_space<hbm>>
      %dma_wait3A_233 = arith.constant 0 : i32
      %dma_wait3A_234 = arith.constant 0 : i32
      %dma_wait3A_235 = tpu.memref_slice %dma_wait3A_232[%dma_wait3A_233, %dma_wait3A_234] : memref<10240x64xf32, #tpu.memory_space<hbm>> -> memref<10240x64xf32, #tpu.memory_space<hbm>>
      tpu.wait_indirect_dma semaphore(%arg14 : memref<!tpu.dma_semaphore, #tpu.memory_space<semaphore_mem>>) src(%dma_wait3A_235 : memref<10240x64xf32, #tpu.memory_space<hbm>>) dst(%dma_wait3A_227 : memref<128x64xf32, #tpu.memory_space<vmem>>)
      %dma_wait3A_236 = arith.constant 0 : i32
      %dma_wait3A_237 = arith.constant 0 : i32
      %dma_wait3A_238 = arith.constant 0 : i32
      %dma_wait3A_239 = tpu.memref_slice %arg9[%dma_wait3A_236, %dma_wait3A_237, %dma_wait3A_238] : memref<2x128x64xf32, #tpu.memory_space<vmem>> -> memref<1x128x64xf32, #tpu.memory_space<vmem>>
      %dma_wait3A_240 = tpu.memref_squeeze %dma_wait3A_239 : memref<1x128x64xf32, #tpu.memory_space<vmem>> -> memref<128x64xf32, #tpu.memory_space<vmem>>
      %dma_wait3A_241 = arith.constant 0 : i32
      %dma_wait3A_242 = tpu.memref_slice %arg7[%add3A_223, %dma_wait3A_241] : memref<80x128xi32, #tpu.memory_space<vmem>> -> memref<1x128xi32, #tpu.memory_space<vmem>>
      %dma_wait3A_243 = tpu.memref_squeeze %dma_wait3A_242 : memref<1x128xi32, #tpu.memory_space<vmem>> -> memref<128xi32, #tpu.memory_space<vmem>>
      %dma_wait3A_244 = arith.constant 0 : i32
      %dma_wait3A_245 = tpu.memref_slice %arg2[%mul3A_18, %dma_wait3A_244] : memref<40960x64xf32, #tpu.memory_space<hbm>> -> memref<10240x64xf32, #tpu.memory_space<hbm>>
      %dma_wait3A_246 = arith.constant 0 : i32
      %dma_wait3A_247 = arith.constant 0 : i32
      %dma_wait3A_248 = tpu.memref_slice %dma_wait3A_245[%dma_wait3A_246, %dma_wait3A_247] : memref<10240x64xf32, #tpu.memory_space<hbm>> -> memref<10240x64xf32, #tpu.memory_space<hbm>>
      tpu.wait_indirect_dma semaphore(%arg14 : memref<!tpu.dma_semaphore, #tpu.memory_space<semaphore_mem>>) src(%dma_wait3A_248 : memref<10240x64xf32, #tpu.memory_space<hbm>>) dst(%dma_wait3A_240 : memref<128x64xf32, #tpu.memory_space<vmem>>)
      %mul3A_249 = arith.constant 128 : i32
      %mul3A_250 = arith.muli %add3A_223, %mul3A_249 : i32
      %add3A_251 = arith.addi %add3A_120, %mul3A_250 : i32
      %dma_wait3A_252 = arith.constant 0 : i32
      %dma_wait3A_253 = arith.constant 0 : i32
      %dma_wait3A_254 = arith.constant 0 : i32
      %dma_wait3A_255 = tpu.memref_slice %arg10[%dma_wait3A_252, %dma_wait3A_253, %dma_wait3A_254] : memref<2x128x64xf32, #tpu.memory_space<vmem>> -> memref<1x128x64xf32, #tpu.memory_space<vmem>>
      %dma_wait3A_256 = tpu.memref_squeeze %dma_wait3A_255 : memref<1x128x64xf32, #tpu.memory_space<vmem>> -> memref<128x64xf32, #tpu.memory_space<vmem>>
      %dma_wait3A_257 = tpu.memref_slice %arg3[%add3A_251, %mul3A_20] : memref<327680x128xf32, #tpu.memory_space<hbm>> -> memref<128x64xf32, #tpu.memory_space<hbm>>
      %dma_wait3A_258 = arith.constant 0 : i32
      %dma_wait3A_259 = arith.constant 0 : i32
      %dma_wait3A_260 = tpu.memref_slice %arg10[%dma_wait3A_252, %dma_wait3A_258, %dma_wait3A_259] : memref<2x128x64xf32, #tpu.memory_space<vmem>> -> memref<1x128x64xf32, #tpu.memory_space<vmem>>
      %dma_wait3A_261 = tpu.memref_squeeze %dma_wait3A_260 : memref<1x128x64xf32, #tpu.memory_space<vmem>> -> memref<128x64xf32, #tpu.memory_space<vmem>>
      %dma_wait3A_262 = tpu.memref_slice %arg3[%add3A_251, %mul3A_20] : memref<327680x128xf32, #tpu.memory_space<hbm>> -> memref<128x64xf32, #tpu.memory_space<hbm>>
      tpu.wait_dma2 semaphore(%arg14 : memref<!tpu.dma_semaphore, #tpu.memory_space<semaphore_mem>>) src(%dma_wait3A_262 : memref<128x64xf32, #tpu.memory_space<hbm>>) dst(%dma_wait3A_261 : memref<128x64xf32, #tpu.memory_space<vmem>>)
      %scan3A_263 = arith.constant 0 : i32
      %scan3A_264 = arith.constant 0 : i32
      %scan3A_265 = arith.constant 128 : i32
      %scan3A_266 = arith.addi %scan3A_264, %scan3A_265 : i32
      %scan3A_267 = arith.constant 1 : i32
      %scan3A_268 = scf.for %scan3A_329 = %scan3A_264 to %scan3A_266 step %scan3A_267 iter_args(%scan3A_330 = %scan3A_263) -> (i32)  : i32 {
        %get3A = arith.constant 0 : i32
        %get3A_331 = arith.index_cast %get3A : i32 to index
        %get3A_332 = arith.index_cast %scan3A_329 : i32 to index
        %get3A_333 = arith.constant 0 : index
        %get3A_334 = tpu.vector_load %arg8[%get3A_331, %get3A_332, %get3A_333] {strides = array<i32>} : memref<2x128x64xf32, #tpu.memory_space<vmem>>, vector<1x1x16xf32>,
        %get3A_335 = vector.shape_cast %get3A_334 : vector<1x1x16xf32> to vector<16xf32>
        %get3A_336 = arith.constant 0 : i32
        %get3A_337 = arith.index_cast %get3A_336 : i32 to index
        %get3A_338 = arith.index_cast %scan3A_329 : i32 to index
        %get3A_339 = arith.constant 0 : index
        %get3A_340 = tpu.vector_load %arg9[%get3A_337, %get3A_338, %get3A_339] {strides = array<i32>} : memref<2x128x64xf32, #tpu.memory_space<vmem>>, vector<1x1x16xf32>,
        %get3A_341 = vector.shape_cast %get3A_340 : vector<1x1x16xf32> to vector<16xf32>
        %add3A_342 = arith.addf %get3A_335, %get3A_341 : vector<16xf32>
        %get3A_343 = arith.constant 0 : i32
        %get3A_344 = arith.index_cast %get3A_343 : i32 to index
        %get3A_345 = arith.index_cast %scan3A_329 : i32 to index
        %get3A_346 = arith.constant 0 : index
        %get3A_347 = tpu.vector_load %arg10[%get3A_344, %get3A_345, %get3A_346] {strides = array<i32>} : memref<2x128x64xf32, #tpu.memory_space<vmem>>, vector<1x1x16xf32>,
        %get3A_348 = vector.shape_cast %get3A_347 : vector<1x1x16xf32> to vector<16xf32>
        %add3A_349 = arith.addf %add3A_342, %get3A_348 : vector<16xf32>
        %max3A = arith.constant 0.000000e+00 : f32
        %max3A_350 = vector.broadcast %max3A : f32 to vector<16xf32>
        %max3A_351 = arith.maximumf %add3A_349, %max3A_350 : vector<16xf32>
        %swap3A = arith.index_cast %scan3A_329 : i32 to index
        %swap3A_352 = arith.constant 0 : index
        %swap3A_353 = tpu.vector_load %arg11[%swap3A, %swap3A_352] {strides = array<i32>} : memref<128x64xf32, #tpu.memory_space<vmem>>, vector<1x16xf32>,
        %swap3A_354 = vector.shape_cast %swap3A_353 : vector<1x16xf32> to vector<16xf32>
        %swap3A_355 = vector.shape_cast %max3A_351 : vector<16xf32> to vector<1x16xf32>
        tpu.vector_store %arg11[%swap3A, %swap3A_352], %swap3A_355 {strides = array<i32>} : memref<128x64xf32, #tpu.memory_space<vmem>>, vector<1x16xf32>,
        %get3A_356 = arith.constant 0 : i32
        %get3A_357 = arith.index_cast %get3A_356 : i32 to index
        %get3A_358 = arith.index_cast %scan3A_329 : i32 to index
        %get3A_359 = arith.constant 16 : index
        %get3A_360 = tpu.vector_load %arg8[%get3A_357, %get3A_358, %get3A_359] {strides = array<i32>} : memref<2x128x64xf32, #tpu.memory_space<vmem>>, vector<1x1x16xf32>,
        %get3A_361 = vector.shape_cast %get3A_360 : vector<1x1x16xf32> to vector<16xf32>
        %get3A_362 = arith.constant 0 : i32
        %get3A_363 = arith.index_cast %get3A_362 : i32 to index
        %get3A_364 = arith.index_cast %scan3A_329 : i32 to index
        %get3A_365 = arith.constant 16 : index
        %get3A_366 = tpu.vector_load %arg9[%get3A_363, %get3A_364, %get3A_365] {strides = array<i32>} : memref<2x128x64xf32, #tpu.memory_space<vmem>>, vector<1x1x16xf32>,
        %get3A_367 = vector.shape_cast %get3A_366 : vector<1x1x16xf32> to vector<16xf32>
        %add3A_368 = arith.addf %get3A_361, %get3A_367 : vector<16xf32>
        %get3A_369 = arith.constant 0 : i32
        %get3A_370 = arith.index_cast %get3A_369 : i32 to index
        %get3A_371 = arith.index_cast %scan3A_329 : i32 to index
        %get3A_372 = arith.constant 16 : index
        %get3A_373 = tpu.vector_load %arg10[%get3A_370, %get3A_371, %get3A_372] {strides = array<i32>} : memref<2x128x64xf32, #tpu.memory_space<vmem>>, vector<1x1x16xf32>,
        %get3A_374 = vector.shape_cast %get3A_373 : vector<1x1x16xf32> to vector<16xf32>
        %add3A_375 = arith.addf %add3A_368, %get3A_374 : vector<16xf32>
        %max3A_376 = arith.constant 0.000000e+00 : f32
        %max3A_377 = vector.broadcast %max3A_376 : f32 to vector<16xf32>
        %max3A_378 = arith.maximumf %add3A_375, %max3A_377 : vector<16xf32>
        %swap3A_379 = arith.index_cast %scan3A_329 : i32 to index
        %swap3A_380 = arith.constant 16 : index
        %swap3A_381 = tpu.vector_load %arg11[%swap3A_379, %swap3A_380] {strides = array<i32>} : memref<128x64xf32, #tpu.memory_space<vmem>>, vector<1x16xf32>,
        %swap3A_382 = vector.shape_cast %swap3A_381 : vector<1x16xf32> to vector<16xf32>
        %swap3A_383 = vector.shape_cast %max3A_378 : vector<16xf32> to vector<1x16xf32>
        tpu.vector_store %arg11[%swap3A_379, %swap3A_380], %swap3A_383 {strides = array<i32>} : memref<128x64xf32, #tpu.memory_space<vmem>>, vector<1x16xf32>,
        %get3A_384 = arith.constant 0 : i32
        %get3A_385 = arith.index_cast %get3A_384 : i32 to index
        %get3A_386 = arith.index_cast %scan3A_329 : i32 to index
        %get3A_387 = arith.constant 32 : index
        %get3A_388 = tpu.vector_load %arg8[%get3A_385, %get3A_386, %get3A_387] {strides = array<i32>} : memref<2x128x64xf32, #tpu.memory_space<vmem>>, vector<1x1x16xf32>,
        %get3A_389 = vector.shape_cast %get3A_388 : vector<1x1x16xf32> to vector<16xf32>
        %get3A_390 = arith.constant 0 : i32
        %get3A_391 = arith.index_cast %get3A_390 : i32 to index
        %get3A_392 = arith.index_cast %scan3A_329 : i32 to index
        %get3A_393 = arith.constant 32 : index
        %get3A_394 = tpu.vector_load %arg9[%get3A_391, %get3A_392, %get3A_393] {strides = array<i32>} : memref<2x128x64xf32, #tpu.memory_space<vmem>>, vector<1x1x16xf32>,
        %get3A_395 = vector.shape_cast %get3A_394 : vector<1x1x16xf32> to vector<16xf32>
        %add3A_396 = arith.addf %get3A_389, %get3A_395 : vector<16xf32>
        %get3A_397 = arith.constant 0 : i32
        %get3A_398 = arith.index_cast %get3A_397 : i32 to index
        %get3A_399 = arith.index_cast %scan3A_329 : i32 to index
        %get3A_400 = arith.constant 32 : index
        %get3A_401 = tpu.vector_load %arg10[%get3A_398, %get3A_399, %get3A_400] {strides = array<i32>} : memref<2x128x64xf32, #tpu.memory_space<vmem>>, vector<1x1x16xf32>,
        %get3A_402 = vector.shape_cast %get3A_401 : vector<1x1x16xf32> to vector<16xf32>
        %add3A_403 = arith.addf %add3A_396, %get3A_402 : vector<16xf32>
        %max3A_404 = arith.constant 0.000000e+00 : f32
        %max3A_405 = vector.broadcast %max3A_404 : f32 to vector<16xf32>
        %max3A_406 = arith.maximumf %add3A_403, %max3A_405 : vector<16xf32>
        %swap3A_407 = arith.index_cast %scan3A_329 : i32 to index
        %swap3A_408 = arith.constant 32 : index
        %swap3A_409 = tpu.vector_load %arg11[%swap3A_407, %swap3A_408] {strides = array<i32>} : memref<128x64xf32, #tpu.memory_space<vmem>>, vector<1x16xf32>,
        %swap3A_410 = vector.shape_cast %swap3A_409 : vector<1x16xf32> to vector<16xf32>
        %swap3A_411 = vector.shape_cast %max3A_406 : vector<16xf32> to vector<1x16xf32>
        tpu.vector_store %arg11[%swap3A_407, %swap3A_408], %swap3A_411 {strides = array<i32>} : memref<128x64xf32, #tpu.memory_space<vmem>>, vector<1x16xf32>,
        %get3A_412 = arith.constant 0 : i32
        %get3A_413 = arith.index_cast %get3A_412 : i32 to index
        %get3A_414 = arith.index_cast %scan3A_329 : i32 to index
        %get3A_415 = arith.constant 48 : index
        %get3A_416 = tpu.vector_load %arg8[%get3A_413, %get3A_414, %get3A_415] {strides = array<i32>} : memref<2x128x64xf32, #tpu.memory_space<vmem>>, vector<1x1x16xf32>,
        %get3A_417 = vector.shape_cast %get3A_416 : vector<1x1x16xf32> to vector<16xf32>
        %get3A_418 = arith.constant 0 : i32
        %get3A_419 = arith.index_cast %get3A_418 : i32 to index
        %get3A_420 = arith.index_cast %scan3A_329 : i32 to index
        %get3A_421 = arith.constant 48 : index
        %get3A_422 = tpu.vector_load %arg9[%get3A_419, %get3A_420, %get3A_421] {strides = array<i32>} : memref<2x128x64xf32, #tpu.memory_space<vmem>>, vector<1x1x16xf32>,
        %get3A_423 = vector.shape_cast %get3A_422 : vector<1x1x16xf32> to vector<16xf32>
        %add3A_424 = arith.addf %get3A_417, %get3A_423 : vector<16xf32>
        %get3A_425 = arith.constant 0 : i32
        %get3A_426 = arith.index_cast %get3A_425 : i32 to index
        %get3A_427 = arith.index_cast %scan3A_329 : i32 to index
        %get3A_428 = arith.constant 48 : index
        %get3A_429 = tpu.vector_load %arg10[%get3A_426, %get3A_427, %get3A_428] {strides = array<i32>} : memref<2x128x64xf32, #tpu.memory_space<vmem>>, vector<1x1x16xf32>,
        %get3A_430 = vector.shape_cast %get3A_429 : vector<1x1x16xf32> to vector<16xf32>
        %add3A_431 = arith.addf %add3A_424, %get3A_430 : vector<16xf32>
        %max3A_432 = arith.constant 0.000000e+00 : f32
        %max3A_433 = vector.broadcast %max3A_432 : f32 to vector<16xf32>
        %max3A_434 = arith.maximumf %add3A_431, %max3A_433 : vector<16xf32>
        %swap3A_435 = arith.index_cast %scan3A_329 : i32 to index
        %swap3A_436 = arith.constant 48 : index
        %swap3A_437 = tpu.vector_load %arg11[%swap3A_435, %swap3A_436] {strides = array<i32>} : memref<128x64xf32, #tpu.memory_space<vmem>>, vector<1x16xf32>,
        %swap3A_438 = vector.shape_cast %swap3A_437 : vector<1x16xf32> to vector<16xf32>
        %swap3A_439 = vector.shape_cast %max3A_434 : vector<16xf32> to vector<1x16xf32>
        tpu.vector_store %arg11[%swap3A_435, %swap3A_436], %swap3A_439 {strides = array<i32>} : memref<128x64xf32, #tpu.memory_space<vmem>>, vector<1x16xf32>,
        %scan3A_440 = arith.constant 0 : i32
        scf.yield %scan3A_440 : i32
      }
      %scan3A_269 = arith.constant 128 : i32
      %lt3A = arith.constant 39 : i32
      %lt3A_270 = arith.cmpi slt, %scan3A_218, %lt3A : i32
      %convert_element_type3A = arith.extui %lt3A_270 : i1 to i32
      %cond3A = arith.constant 0 : i32
      %cond3A_271 = arith.cmpi ne, %convert_element_type3A, %cond3A : i32
      scf.if %cond3A_271 {
        %add3A_329 = arith.constant 2 : i32
        %add3A_330 = arith.addi %add3A_223, %add3A_329 : i32
        %dma_start3A_331 = arith.constant 0 : i32
        %dma_start3A_332 = arith.constant 0 : i32
        %dma_start3A_333 = arith.constant 0 : i32
        %dma_start3A_334 = tpu.memref_slice %arg8[%dma_start3A_331, %dma_start3A_332, %dma_start3A_333] : memref<2x128x64xf32, #tpu.memory_space<vmem>> -> memref<1x128x64xf32, #tpu.memory_space<vmem>>
        %dma_start3A_335 = tpu.memref_squeeze %dma_start3A_334 : memref<1x128x64xf32, #tpu.memory_space<vmem>> -> memref<128x64xf32, #tpu.memory_space<vmem>>
        %dma_start3A_336 = arith.constant 0 : i32
        %dma_start3A_337 = tpu.memref_slice %arg6[%add3A_330, %dma_start3A_336] : memref<80x128xi32, #tpu.memory_space<vmem>> -> memref<1x128xi32, #tpu.memory_space<vmem>>
        %dma_start3A_338 = tpu.memref_squeeze %dma_start3A_337 : memref<1x128xi32, #tpu.memory_space<vmem>> -> memref<128xi32, #tpu.memory_space<vmem>>
        %dma_start3A_339 = arith.constant 0 : i32
        %dma_start3A_340 = tpu.memref_slice %arg2[%mul3A_15, %dma_start3A_339] : memref<40960x64xf32, #tpu.memory_space<hbm>> -> memref<10240x64xf32, #tpu.memory_space<hbm>>
        %dma_start3A_341 = arith.constant 0 : i32
        %dma_start3A_342 = arith.constant 0 : i32
        %dma_start3A_343 = tpu.memref_slice %dma_start3A_340[%dma_start3A_341, %dma_start3A_342] : memref<10240x64xf32, #tpu.memory_space<hbm>> -> memref<10240x64xf32, #tpu.memory_space<hbm>>
        tpu.enqueue_indirect_dma source(%dma_start3A_343 : memref<10240x64xf32, #tpu.memory_space<hbm>>) target(%dma_start3A_335 : memref<128x64xf32, #tpu.memory_space<vmem>>) offsets(%dma_start3A_338 : memref<128xi32, #tpu.memory_space<vmem>>) semaphore(%arg14 : memref<!tpu.dma_semaphore, #tpu.memory_space<semaphore_mem>>)
        %dma_start3A_344 = arith.constant 0 : i32
        %dma_start3A_345 = arith.constant 0 : i32
        %dma_start3A_346 = arith.constant 0 : i32
        %dma_start3A_347 = tpu.memref_slice %arg9[%dma_start3A_344, %dma_start3A_345, %dma_start3A_346] : memref<2x128x64xf32, #tpu.memory_space<vmem>> -> memref<1x128x64xf32, #tpu.memory_space<vmem>>
        %dma_start3A_348 = tpu.memref_squeeze %dma_start3A_347 : memref<1x128x64xf32, #tpu.memory_space<vmem>> -> memref<128x64xf32, #tpu.memory_space<vmem>>
        %dma_start3A_349 = arith.constant 0 : i32
        %dma_start3A_350 = tpu.memref_slice %arg7[%add3A_330, %dma_start3A_349] : memref<80x128xi32, #tpu.memory_space<vmem>> -> memref<1x128xi32, #tpu.memory_space<vmem>>
        %dma_start3A_351 = tpu.memref_squeeze %dma_start3A_350 : memref<1x128xi32, #tpu.memory_space<vmem>> -> memref<128xi32, #tpu.memory_space<vmem>>
        %dma_start3A_352 = arith.constant 0 : i32
        %dma_start3A_353 = tpu.memref_slice %arg2[%mul3A_18, %dma_start3A_352] : memref<40960x64xf32, #tpu.memory_space<hbm>> -> memref<10240x64xf32, #tpu.memory_space<hbm>>
        %dma_start3A_354 = arith.constant 0 : i32
        %dma_start3A_355 = arith.constant 0 : i32
        %dma_start3A_356 = tpu.memref_slice %dma_start3A_353[%dma_start3A_354, %dma_start3A_355] : memref<10240x64xf32, #tpu.memory_space<hbm>> -> memref<10240x64xf32, #tpu.memory_space<hbm>>
        tpu.enqueue_indirect_dma source(%dma_start3A_356 : memref<10240x64xf32, #tpu.memory_space<hbm>>) target(%dma_start3A_348 : memref<128x64xf32, #tpu.memory_space<vmem>>) offsets(%dma_start3A_351 : memref<128xi32, #tpu.memory_space<vmem>>) semaphore(%arg14 : memref<!tpu.dma_semaphore, #tpu.memory_space<semaphore_mem>>)
        %mul3A_357 = arith.constant 128 : i32
        %mul3A_358 = arith.muli %add3A_330, %mul3A_357 : i32
        %add3A_359 = arith.addi %add3A_120, %mul3A_358 : i32
        %dma_start3A_360 = arith.constant 0 : i32
        %dma_start3A_361 = arith.constant 0 : i32
        %dma_start3A_362 = arith.constant 0 : i32
        %dma_start3A_363 = tpu.memref_slice %arg10[%dma_start3A_360, %dma_start3A_361, %dma_start3A_362] : memref<2x128x64xf32, #tpu.memory_space<vmem>> -> memref<1x128x64xf32, #tpu.memory_space<vmem>>
        %dma_start3A_364 = tpu.memref_squeeze %dma_start3A_363 : memref<1x128x64xf32, #tpu.memory_space<vmem>> -> memref<128x64xf32, #tpu.memory_space<vmem>>
        %dma_start3A_365 = tpu.memref_slice %arg3[%add3A_359, %mul3A_20] : memref<327680x128xf32, #tpu.memory_space<hbm>> -> memref<128x64xf32, #tpu.memory_space<hbm>>
        %dma_start3A_366 = arith.constant 0 : i32
        %dma_start3A_367 = arith.constant 0 : i32
        %dma_start3A_368 = tpu.memref_slice %arg10[%dma_start3A_360, %dma_start3A_366, %dma_start3A_367] : memref<2x128x64xf32, #tpu.memory_space<vmem>> -> memref<1x128x64xf32, #tpu.memory_space<vmem>>
        %dma_start3A_369 = tpu.memref_squeeze %dma_start3A_368 : memref<1x128x64xf32, #tpu.memory_space<vmem>> -> memref<128x64xf32, #tpu.memory_space<vmem>>
        %dma_start3A_370 = tpu.memref_slice %arg3[%add3A_359, %mul3A_20] : memref<327680x128xf32, #tpu.memory_space<hbm>> -> memref<128x64xf32, #tpu.memory_space<hbm>>
        tpu.enqueue_dma source(%dma_start3A_370 : memref<128x64xf32, #tpu.memory_space<hbm>>) target(%dma_start3A_369 : memref<128x64xf32, #tpu.memory_space<vmem>>) target_semaphore(%arg14 : memref<!tpu.dma_semaphore, #tpu.memory_space<semaphore_mem>>)
      } else {
      }
      "tpu.region"() ({
        %run_scoped3A = tpu.sem_alloc : memref<!tpu.dma_semaphore, #tpu.memory_space<semaphore_mem>>
        %dma_start3A_329 = arith.constant 0 : i32
        %dma_start3A_330 = tpu.memref_slice %arg7[%add3A_223, %dma_start3A_329] : memref<80x128xi32, #tpu.memory_space<vmem>> -> memref<1x128xi32, #tpu.memory_space<vmem>>
        %dma_start3A_331 = tpu.memref_squeeze %dma_start3A_330 : memref<1x128xi32, #tpu.memory_space<vmem>> -> memref<128xi32, #tpu.memory_space<vmem>>
        %dma_start3A_332 = arith.constant 0 : i32
        %dma_start3A_333 = arith.constant 0 : i32
        %dma_start3A_334 = tpu.memref_slice %arg13[%dma_start3A_332, %dma_start3A_333] : memref<10240x64xf32, #tpu.memory_space<vmem_shared>> -> memref<10240x64xf32, #tpu.memory_space<vmem_shared>>
        tpu.enqueue_indirect_dma source(%arg11 : memref<128x64xf32, #tpu.memory_space<vmem>>) target(%dma_start3A_334 : memref<10240x64xf32, #tpu.memory_space<vmem_shared>>) offsets(%dma_start3A_331 : memref<128xi32, #tpu.memory_space<vmem>>) semaphore(%run_scoped3A : memref<!tpu.dma_semaphore, #tpu.memory_space<semaphore_mem>>) {add = true}
        %dma_wait3A_335 = arith.constant 0 : i32
        %dma_wait3A_336 = tpu.memref_slice %arg7[%add3A_223, %dma_wait3A_335] : memref<80x128xi32, #tpu.memory_space<vmem>> -> memref<1x128xi32, #tpu.memory_space<vmem>>
        %dma_wait3A_337 = tpu.memref_squeeze %dma_wait3A_336 : memref<1x128xi32, #tpu.memory_space<vmem>> -> memref<128xi32, #tpu.memory_space<vmem>>
        %dma_wait3A_338 = arith.constant 0 : i32
        %dma_wait3A_339 = arith.constant 0 : i32
        %dma_wait3A_340 = tpu.memref_slice %arg13[%dma_wait3A_338, %dma_wait3A_339] : memref<10240x64xf32, #tpu.memory_space<vmem_shared>> -> memref<10240x64xf32, #tpu.memory_space<vmem_shared>>
        tpu.wait_indirect_dma semaphore(%run_scoped3A : memref<!tpu.dma_semaphore, #tpu.memory_space<semaphore_mem>>) src(%arg11 : memref<128x64xf32, #tpu.memory_space<vmem>>) dst(%dma_wait3A_340 : memref<10240x64xf32, #tpu.memory_space<vmem_shared>>)
        tpu.yield
      }) : () -> ()
      %mul3A_272 = arith.constant 2 : i32
      %mul3A_273 = arith.muli %mul3A_272, %scan3A_218 : i32
      %add3A_274 = arith.constant 1 : i32
      %add3A_275 = arith.addi %mul3A_273, %add3A_274 : i32
      %dma_wait3A_276 = arith.constant 1 : i32
      %dma_wait3A_277 = arith.constant 0 : i32
      %dma_wait3A_278 = arith.constant 0 : i32
      %dma_wait3A_279 = tpu.memref_slice %arg8[%dma_wait3A_276, %dma_wait3A_277, %dma_wait3A_278] : memref<2x128x64xf32, #tpu.memory_space<vmem>> -> memref<1x128x64xf32, #tpu.memory_space<vmem>>
      %dma_wait3A_280 = tpu.memref_squeeze %dma_wait3A_279 : memref<1x128x64xf32, #tpu.memory_space<vmem>> -> memref<128x64xf32, #tpu.memory_space<vmem>>
      %dma_wait3A_281 = arith.constant 0 : i32
      %dma_wait3A_282 = tpu.memref_slice %arg6[%add3A_275, %dma_wait3A_281] : memref<80x128xi32, #tpu.memory_space<vmem>> -> memref<1x128xi32, #tpu.memory_space<vmem>>
      %dma_wait3A_283 = tpu.memref_squeeze %dma_wait3A_282 : memref<1x128xi32, #tpu.memory_space<vmem>> -> memref<128xi32, #tpu.memory_space<vmem>>
      %dma_wait3A_284 = arith.constant 0 : i32
      %dma_wait3A_285 = tpu.memref_slice %arg2[%mul3A_15, %dma_wait3A_284] : memref<40960x64xf32, #tpu.memory_space<hbm>> -> memref<10240x64xf32, #tpu.memory_space<hbm>>
      %dma_wait3A_286 = arith.constant 0 : i32
      %dma_wait3A_287 = arith.constant 0 : i32
      %dma_wait3A_288 = tpu.memref_slice %dma_wait3A_285[%dma_wait3A_286, %dma_wait3A_287] : memref<10240x64xf32, #tpu.memory_space<hbm>> -> memref<10240x64xf32, #tpu.memory_space<hbm>>
      tpu.wait_indirect_dma semaphore(%arg15 : memref<!tpu.dma_semaphore, #tpu.memory_space<semaphore_mem>>) src(%dma_wait3A_288 : memref<10240x64xf32, #tpu.memory_space<hbm>>) dst(%dma_wait3A_280 : memref<128x64xf32, #tpu.memory_space<vmem>>)
      %dma_wait3A_289 = arith.constant 1 : i32
      %dma_wait3A_290 = arith.constant 0 : i32
      %dma_wait3A_291 = arith.constant 0 : i32
      %dma_wait3A_292 = tpu.memref_slice %arg9[%dma_wait3A_289, %dma_wait3A_290, %dma_wait3A_291] : memref<2x128x64xf32, #tpu.memory_space<vmem>> -> memref<1x128x64xf32, #tpu.memory_space<vmem>>
      %dma_wait3A_293 = tpu.memref_squeeze %dma_wait3A_292 : memref<1x128x64xf32, #tpu.memory_space<vmem>> -> memref<128x64xf32, #tpu.memory_space<vmem>>
      %dma_wait3A_294 = arith.constant 0 : i32
      %dma_wait3A_295 = tpu.memref_slice %arg7[%add3A_275, %dma_wait3A_294] : memref<80x128xi32, #tpu.memory_space<vmem>> -> memref<1x128xi32, #tpu.memory_space<vmem>>
      %dma_wait3A_296 = tpu.memref_squeeze %dma_wait3A_295 : memref<1x128xi32, #tpu.memory_space<vmem>> -> memref<128xi32, #tpu.memory_space<vmem>>
      %dma_wait3A_297 = arith.constant 0 : i32
      %dma_wait3A_298 = tpu.memref_slice %arg2[%mul3A_18, %dma_wait3A_297] : memref<40960x64xf32, #tpu.memory_space<hbm>> -> memref<10240x64xf32, #tpu.memory_space<hbm>>
      %dma_wait3A_299 = arith.constant 0 : i32
      %dma_wait3A_300 = arith.constant 0 : i32
      %dma_wait3A_301 = tpu.memref_slice %dma_wait3A_298[%dma_wait3A_299, %dma_wait3A_300] : memref<10240x64xf32, #tpu.memory_space<hbm>> -> memref<10240x64xf32, #tpu.memory_space<hbm>>
      tpu.wait_indirect_dma semaphore(%arg15 : memref<!tpu.dma_semaphore, #tpu.memory_space<semaphore_mem>>) src(%dma_wait3A_301 : memref<10240x64xf32, #tpu.memory_space<hbm>>) dst(%dma_wait3A_293 : memref<128x64xf32, #tpu.memory_space<vmem>>)
      %mul3A_302 = arith.constant 128 : i32
      %mul3A_303 = arith.muli %add3A_275, %mul3A_302 : i32
      %add3A_304 = arith.addi %add3A_120, %mul3A_303 : i32
      %dma_wait3A_305 = arith.constant 1 : i32
      %dma_wait3A_306 = arith.constant 0 : i32
      %dma_wait3A_307 = arith.constant 0 : i32
      %dma_wait3A_308 = tpu.memref_slice %arg10[%dma_wait3A_305, %dma_wait3A_306, %dma_wait3A_307] : memref<2x128x64xf32, #tpu.memory_space<vmem>> -> memref<1x128x64xf32, #tpu.memory_space<vmem>>
      %dma_wait3A_309 = tpu.memref_squeeze %dma_wait3A_308 : memref<1x128x64xf32, #tpu.memory_space<vmem>> -> memref<128x64xf32, #tpu.memory_space<vmem>>
      %dma_wait3A_310 = tpu.memref_slice %arg3[%add3A_304, %mul3A_20] : memref<327680x128xf32, #tpu.memory_space<hbm>> -> memref<128x64xf32, #tpu.memory_space<hbm>>
      %dma_wait3A_311 = arith.constant 0 : i32
      %dma_wait3A_312 = arith.constant 0 : i32
      %dma_wait3A_313 = tpu.memref_slice %arg10[%dma_wait3A_305, %dma_wait3A_311, %dma_wait3A_312] : memref<2x128x64xf32, #tpu.memory_space<vmem>> -> memref<1x128x64xf32, #tpu.memory_space<vmem>>
      %dma_wait3A_314 = tpu.memref_squeeze %dma_wait3A_313 : memref<1x128x64xf32, #tpu.memory_space<vmem>> -> memref<128x64xf32, #tpu.memory_space<vmem>>
      %dma_wait3A_315 = tpu.memref_slice %arg3[%add3A_304, %mul3A_20] : memref<327680x128xf32, #tpu.memory_space<hbm>> -> memref<128x64xf32, #tpu.memory_space<hbm>>
      tpu.wait_dma2 semaphore(%arg15 : memref<!tpu.dma_semaphore, #tpu.memory_space<semaphore_mem>>) src(%dma_wait3A_315 : memref<128x64xf32, #tpu.memory_space<hbm>>) dst(%dma_wait3A_314 : memref<128x64xf32, #tpu.memory_space<vmem>>)
      %scan3A_316 = arith.constant 0 : i32
      %scan3A_317 = arith.constant 0 : i32
      %scan3A_318 = arith.constant 128 : i32
      %scan3A_319 = arith.addi %scan3A_317, %scan3A_318 : i32
      %scan3A_320 = arith.constant 1 : i32
      %scan3A_321 = scf.for %scan3A_329 = %scan3A_317 to %scan3A_319 step %scan3A_320 iter_args(%scan3A_330 = %scan3A_316) -> (i32)  : i32 {
        %get3A = arith.constant 1 : i32
        %get3A_331 = arith.index_cast %get3A : i32 to index
        %get3A_332 = arith.index_cast %scan3A_329 : i32 to index
        %get3A_333 = arith.constant 0 : index
        %get3A_334 = tpu.vector_load %arg8[%get3A_331, %get3A_332, %get3A_333] {strides = array<i32>} : memref<2x128x64xf32, #tpu.memory_space<vmem>>, vector<1x1x16xf32>,
        %get3A_335 = vector.shape_cast %get3A_334 : vector<1x1x16xf32> to vector<16xf32>
        %get3A_336 = arith.constant 1 : i32
        %get3A_337 = arith.index_cast %get3A_336 : i32 to index
        %get3A_338 = arith.index_cast %scan3A_329 : i32 to index
        %get3A_339 = arith.constant 0 : index
        %get3A_340 = tpu.vector_load %arg9[%get3A_337, %get3A_338, %get3A_339] {strides = array<i32>} : memref<2x128x64xf32, #tpu.memory_space<vmem>>, vector<1x1x16xf32>,
        %get3A_341 = vector.shape_cast %get3A_340 : vector<1x1x16xf32> to vector<16xf32>
        %add3A_342 = arith.addf %get3A_335, %get3A_341 : vector<16xf32>
        %get3A_343 = arith.constant 1 : i32
        %get3A_344 = arith.index_cast %get3A_343 : i32 to index
        %get3A_345 = arith.index_cast %scan3A_329 : i32 to index
        %get3A_346 = arith.constant 0 : index
        %get3A_347 = tpu.vector_load %arg10[%get3A_344, %get3A_345, %get3A_346] {strides = array<i32>} : memref<2x128x64xf32, #tpu.memory_space<vmem>>, vector<1x1x16xf32>,
        %get3A_348 = vector.shape_cast %get3A_347 : vector<1x1x16xf32> to vector<16xf32>
        %add3A_349 = arith.addf %add3A_342, %get3A_348 : vector<16xf32>
        %max3A = arith.constant 0.000000e+00 : f32
        %max3A_350 = vector.broadcast %max3A : f32 to vector<16xf32>
        %max3A_351 = arith.maximumf %add3A_349, %max3A_350 : vector<16xf32>
        %swap3A = arith.index_cast %scan3A_329 : i32 to index
        %swap3A_352 = arith.constant 0 : index
        %swap3A_353 = tpu.vector_load %arg11[%swap3A, %swap3A_352] {strides = array<i32>} : memref<128x64xf32, #tpu.memory_space<vmem>>, vector<1x16xf32>,
        %swap3A_354 = vector.shape_cast %swap3A_353 : vector<1x16xf32> to vector<16xf32>
        %swap3A_355 = vector.shape_cast %max3A_351 : vector<16xf32> to vector<1x16xf32>
        tpu.vector_store %arg11[%swap3A, %swap3A_352], %swap3A_355 {strides = array<i32>} : memref<128x64xf32, #tpu.memory_space<vmem>>, vector<1x16xf32>,
        %get3A_356 = arith.constant 1 : i32
        %get3A_357 = arith.index_cast %get3A_356 : i32 to index
        %get3A_358 = arith.index_cast %scan3A_329 : i32 to index
        %get3A_359 = arith.constant 16 : index
        %get3A_360 = tpu.vector_load %arg8[%get3A_357, %get3A_358, %get3A_359] {strides = array<i32>} : memref<2x128x64xf32, #tpu.memory_space<vmem>>, vector<1x1x16xf32>,
        %get3A_361 = vector.shape_cast %get3A_360 : vector<1x1x16xf32> to vector<16xf32>
        %get3A_362 = arith.constant 1 : i32
        %get3A_363 = arith.index_cast %get3A_362 : i32 to index
        %get3A_364 = arith.index_cast %scan3A_329 : i32 to index
        %get3A_365 = arith.constant 16 : index
        %get3A_366 = tpu.vector_load %arg9[%get3A_363, %get3A_364, %get3A_365] {strides = array<i32>} : memref<2x128x64xf32, #tpu.memory_space<vmem>>, vector<1x1x16xf32>,
        %get3A_367 = vector.shape_cast %get3A_366 : vector<1x1x16xf32> to vector<16xf32>
        %add3A_368 = arith.addf %get3A_361, %get3A_367 : vector<16xf32>
        %get3A_369 = arith.constant 1 : i32
        %get3A_370 = arith.index_cast %get3A_369 : i32 to index
        %get3A_371 = arith.index_cast %scan3A_329 : i32 to index
        %get3A_372 = arith.constant 16 : index
        %get3A_373 = tpu.vector_load %arg10[%get3A_370, %get3A_371, %get3A_372] {strides = array<i32>} : memref<2x128x64xf32, #tpu.memory_space<vmem>>, vector<1x1x16xf32>,
        %get3A_374 = vector.shape_cast %get3A_373 : vector<1x1x16xf32> to vector<16xf32>
        %add3A_375 = arith.addf %add3A_368, %get3A_374 : vector<16xf32>
        %max3A_376 = arith.constant 0.000000e+00 : f32
        %max3A_377 = vector.broadcast %max3A_376 : f32 to vector<16xf32>
        %max3A_378 = arith.maximumf %add3A_375, %max3A_377 : vector<16xf32>
        %swap3A_379 = arith.index_cast %scan3A_329 : i32 to index
        %swap3A_380 = arith.constant 16 : index
        %swap3A_381 = tpu.vector_load %arg11[%swap3A_379, %swap3A_380] {strides = array<i32>} : memref<128x64xf32, #tpu.memory_space<vmem>>, vector<1x16xf32>,
        %swap3A_382 = vector.shape_cast %swap3A_381 : vector<1x16xf32> to vector<16xf32>
        %swap3A_383 = vector.shape_cast %max3A_378 : vector<16xf32> to vector<1x16xf32>
        tpu.vector_store %arg11[%swap3A_379, %swap3A_380], %swap3A_383 {strides = array<i32>} : memref<128x64xf32, #tpu.memory_space<vmem>>, vector<1x16xf32>,
        %get3A_384 = arith.constant 1 : i32
        %get3A_385 = arith.index_cast %get3A_384 : i32 to index
        %get3A_386 = arith.index_cast %scan3A_329 : i32 to index
        %get3A_387 = arith.constant 32 : index
        %get3A_388 = tpu.vector_load %arg8[%get3A_385, %get3A_386, %get3A_387] {strides = array<i32>} : memref<2x128x64xf32, #tpu.memory_space<vmem>>, vector<1x1x16xf32>,
        %get3A_389 = vector.shape_cast %get3A_388 : vector<1x1x16xf32> to vector<16xf32>
        %get3A_390 = arith.constant 1 : i32
        %get3A_391 = arith.index_cast %get3A_390 : i32 to index
        %get3A_392 = arith.index_cast %scan3A_329 : i32 to index
        %get3A_393 = arith.constant 32 : index
        %get3A_394 = tpu.vector_load %arg9[%get3A_391, %get3A_392, %get3A_393] {strides = array<i32>} : memref<2x128x64xf32, #tpu.memory_space<vmem>>, vector<1x1x16xf32>,
        %get3A_395 = vector.shape_cast %get3A_394 : vector<1x1x16xf32> to vector<16xf32>
        %add3A_396 = arith.addf %get3A_389, %get3A_395 : vector<16xf32>
        %get3A_397 = arith.constant 1 : i32
        %get3A_398 = arith.index_cast %get3A_397 : i32 to index
        %get3A_399 = arith.index_cast %scan3A_329 : i32 to index
        %get3A_400 = arith.constant 32 : index
        %get3A_401 = tpu.vector_load %arg10[%get3A_398, %get3A_399, %get3A_400] {strides = array<i32>} : memref<2x128x64xf32, #tpu.memory_space<vmem>>, vector<1x1x16xf32>,
        %get3A_402 = vector.shape_cast %get3A_401 : vector<1x1x16xf32> to vector<16xf32>
        %add3A_403 = arith.addf %add3A_396, %get3A_402 : vector<16xf32>
        %max3A_404 = arith.constant 0.000000e+00 : f32
        %max3A_405 = vector.broadcast %max3A_404 : f32 to vector<16xf32>
        %max3A_406 = arith.maximumf %add3A_403, %max3A_405 : vector<16xf32>
        %swap3A_407 = arith.index_cast %scan3A_329 : i32 to index
        %swap3A_408 = arith.constant 32 : index
        %swap3A_409 = tpu.vector_load %arg11[%swap3A_407, %swap3A_408] {strides = array<i32>} : memref<128x64xf32, #tpu.memory_space<vmem>>, vector<1x16xf32>,
        %swap3A_410 = vector.shape_cast %swap3A_409 : vector<1x16xf32> to vector<16xf32>
        %swap3A_411 = vector.shape_cast %max3A_406 : vector<16xf32> to vector<1x16xf32>
        tpu.vector_store %arg11[%swap3A_407, %swap3A_408], %swap3A_411 {strides = array<i32>} : memref<128x64xf32, #tpu.memory_space<vmem>>, vector<1x16xf32>,
        %get3A_412 = arith.constant 1 : i32
        %get3A_413 = arith.index_cast %get3A_412 : i32 to index
        %get3A_414 = arith.index_cast %scan3A_329 : i32 to index
        %get3A_415 = arith.constant 48 : index
        %get3A_416 = tpu.vector_load %arg8[%get3A_413, %get3A_414, %get3A_415] {strides = array<i32>} : memref<2x128x64xf32, #tpu.memory_space<vmem>>, vector<1x1x16xf32>,
        %get3A_417 = vector.shape_cast %get3A_416 : vector<1x1x16xf32> to vector<16xf32>
        %get3A_418 = arith.constant 1 : i32
        %get3A_419 = arith.index_cast %get3A_418 : i32 to index
        %get3A_420 = arith.index_cast %scan3A_329 : i32 to index
        %get3A_421 = arith.constant 48 : index
        %get3A_422 = tpu.vector_load %arg9[%get3A_419, %get3A_420, %get3A_421] {strides = array<i32>} : memref<2x128x64xf32, #tpu.memory_space<vmem>>, vector<1x1x16xf32>,
        %get3A_423 = vector.shape_cast %get3A_422 : vector<1x1x16xf32> to vector<16xf32>
        %add3A_424 = arith.addf %get3A_417, %get3A_423 : vector<16xf32>
        %get3A_425 = arith.constant 1 : i32
        %get3A_426 = arith.index_cast %get3A_425 : i32 to index
        %get3A_427 = arith.index_cast %scan3A_329 : i32 to index
        %get3A_428 = arith.constant 48 : index
        %get3A_429 = tpu.vector_load %arg10[%get3A_426, %get3A_427, %get3A_428] {strides = array<i32>} : memref<2x128x64xf32, #tpu.memory_space<vmem>>, vector<1x1x16xf32>,
        %get3A_430 = vector.shape_cast %get3A_429 : vector<1x1x16xf32> to vector<16xf32>
        %add3A_431 = arith.addf %add3A_424, %get3A_430 : vector<16xf32>
        %max3A_432 = arith.constant 0.000000e+00 : f32
        %max3A_433 = vector.broadcast %max3A_432 : f32 to vector<16xf32>
        %max3A_434 = arith.maximumf %add3A_431, %max3A_433 : vector<16xf32>
        %swap3A_435 = arith.index_cast %scan3A_329 : i32 to index
        %swap3A_436 = arith.constant 48 : index
        %swap3A_437 = tpu.vector_load %arg11[%swap3A_435, %swap3A_436] {strides = array<i32>} : memref<128x64xf32, #tpu.memory_space<vmem>>, vector<1x16xf32>,
        %swap3A_438 = vector.shape_cast %swap3A_437 : vector<1x16xf32> to vector<16xf32>
        %swap3A_439 = vector.shape_cast %max3A_434 : vector<16xf32> to vector<1x16xf32>
        tpu.vector_store %arg11[%swap3A_435, %swap3A_436], %swap3A_439 {strides = array<i32>} : memref<128x64xf32, #tpu.memory_space<vmem>>, vector<1x16xf32>,
        %scan3A_440 = arith.constant 0 : i32
        scf.yield %scan3A_440 : i32
      }
      %scan3A_322 = arith.constant 128 : i32
      %lt3A_323 = arith.constant 39 : i32
      %lt3A_324 = arith.cmpi slt, %scan3A_218, %lt3A_323 : i32
      %convert_element_type3A_325 = arith.extui %lt3A_324 : i1 to i32
      %cond3A_326 = arith.constant 0 : i32
      %cond3A_327 = arith.cmpi ne, %convert_element_type3A_325, %cond3A_326 : i32
      scf.if %cond3A_327 {
        %add3A_329 = arith.constant 2 : i32
        %add3A_330 = arith.addi %add3A_275, %add3A_329 : i32
        %dma_start3A_331 = arith.constant 1 : i32
        %dma_start3A_332 = arith.constant 0 : i32
        %dma_start3A_333 = arith.constant 0 : i32
        %dma_start3A_334 = tpu.memref_slice %arg8[%dma_start3A_331, %dma_start3A_332, %dma_start3A_333] : memref<2x128x64xf32, #tpu.memory_space<vmem>> -> memref<1x128x64xf32, #tpu.memory_space<vmem>>
        %dma_start3A_335 = tpu.memref_squeeze %dma_start3A_334 : memref<1x128x64xf32, #tpu.memory_space<vmem>> -> memref<128x64xf32, #tpu.memory_space<vmem>>
        %dma_start3A_336 = arith.constant 0 : i32
        %dma_start3A_337 = tpu.memref_slice %arg6[%add3A_330, %dma_start3A_336] : memref<80x128xi32, #tpu.memory_space<vmem>> -> memref<1x128xi32, #tpu.memory_space<vmem>>
        %dma_start3A_338 = tpu.memref_squeeze %dma_start3A_337 : memref<1x128xi32, #tpu.memory_space<vmem>> -> memref<128xi32, #tpu.memory_space<vmem>>
        %dma_start3A_339 = arith.constant 0 : i32
        %dma_start3A_340 = tpu.memref_slice %arg2[%mul3A_15, %dma_start3A_339] : memref<40960x64xf32, #tpu.memory_space<hbm>> -> memref<10240x64xf32, #tpu.memory_space<hbm>>
        %dma_start3A_341 = arith.constant 0 : i32
        %dma_start3A_342 = arith.constant 0 : i32
        %dma_start3A_343 = tpu.memref_slice %dma_start3A_340[%dma_start3A_341, %dma_start3A_342] : memref<10240x64xf32, #tpu.memory_space<hbm>> -> memref<10240x64xf32, #tpu.memory_space<hbm>>
        tpu.enqueue_indirect_dma source(%dma_start3A_343 : memref<10240x64xf32, #tpu.memory_space<hbm>>) target(%dma_start3A_335 : memref<128x64xf32, #tpu.memory_space<vmem>>) offsets(%dma_start3A_338 : memref<128xi32, #tpu.memory_space<vmem>>) semaphore(%arg15 : memref<!tpu.dma_semaphore, #tpu.memory_space<semaphore_mem>>)
        %dma_start3A_344 = arith.constant 1 : i32
        %dma_start3A_345 = arith.constant 0 : i32
        %dma_start3A_346 = arith.constant 0 : i32
        %dma_start3A_347 = tpu.memref_slice %arg9[%dma_start3A_344, %dma_start3A_345, %dma_start3A_346] : memref<2x128x64xf32, #tpu.memory_space<vmem>> -> memref<1x128x64xf32, #tpu.memory_space<vmem>>
        %dma_start3A_348 = tpu.memref_squeeze %dma_start3A_347 : memref<1x128x64xf32, #tpu.memory_space<vmem>> -> memref<128x64xf32, #tpu.memory_space<vmem>>
        %dma_start3A_349 = arith.constant 0 : i32
        %dma_start3A_350 = tpu.memref_slice %arg7[%add3A_330, %dma_start3A_349] : memref<80x128xi32, #tpu.memory_space<vmem>> -> memref<1x128xi32, #tpu.memory_space<vmem>>
        %dma_start3A_351 = tpu.memref_squeeze %dma_start3A_350 : memref<1x128xi32, #tpu.memory_space<vmem>> -> memref<128xi32, #tpu.memory_space<vmem>>
        %dma_start3A_352 = arith.constant 0 : i32
        %dma_start3A_353 = tpu.memref_slice %arg2[%mul3A_18, %dma_start3A_352] : memref<40960x64xf32, #tpu.memory_space<hbm>> -> memref<10240x64xf32, #tpu.memory_space<hbm>>
        %dma_start3A_354 = arith.constant 0 : i32
        %dma_start3A_355 = arith.constant 0 : i32
        %dma_start3A_356 = tpu.memref_slice %dma_start3A_353[%dma_start3A_354, %dma_start3A_355] : memref<10240x64xf32, #tpu.memory_space<hbm>> -> memref<10240x64xf32, #tpu.memory_space<hbm>>
        tpu.enqueue_indirect_dma source(%dma_start3A_356 : memref<10240x64xf32, #tpu.memory_space<hbm>>) target(%dma_start3A_348 : memref<128x64xf32, #tpu.memory_space<vmem>>) offsets(%dma_start3A_351 : memref<128xi32, #tpu.memory_space<vmem>>) semaphore(%arg15 : memref<!tpu.dma_semaphore, #tpu.memory_space<semaphore_mem>>)
        %mul3A_357 = arith.constant 128 : i32
        %mul3A_358 = arith.muli %add3A_330, %mul3A_357 : i32
        %add3A_359 = arith.addi %add3A_120, %mul3A_358 : i32
        %dma_start3A_360 = arith.constant 1 : i32
        %dma_start3A_361 = arith.constant 0 : i32
        %dma_start3A_362 = arith.constant 0 : i32
        %dma_start3A_363 = tpu.memref_slice %arg10[%dma_start3A_360, %dma_start3A_361, %dma_start3A_362] : memref<2x128x64xf32, #tpu.memory_space<vmem>> -> memref<1x128x64xf32, #tpu.memory_space<vmem>>
        %dma_start3A_364 = tpu.memref_squeeze %dma_start3A_363 : memref<1x128x64xf32, #tpu.memory_space<vmem>> -> memref<128x64xf32, #tpu.memory_space<vmem>>
        %dma_start3A_365 = tpu.memref_slice %arg3[%add3A_359, %mul3A_20] : memref<327680x128xf32, #tpu.memory_space<hbm>> -> memref<128x64xf32, #tpu.memory_space<hbm>>
        %dma_start3A_366 = arith.constant 0 : i32
        %dma_start3A_367 = arith.constant 0 : i32
        %dma_start3A_368 = tpu.memref_slice %arg10[%dma_start3A_360, %dma_start3A_366, %dma_start3A_367] : memref<2x128x64xf32, #tpu.memory_space<vmem>> -> memref<1x128x64xf32, #tpu.memory_space<vmem>>
        %dma_start3A_369 = tpu.memref_squeeze %dma_start3A_368 : memref<1x128x64xf32, #tpu.memory_space<vmem>> -> memref<128x64xf32, #tpu.memory_space<vmem>>
        %dma_start3A_370 = tpu.memref_slice %arg3[%add3A_359, %mul3A_20] : memref<327680x128xf32, #tpu.memory_space<hbm>> -> memref<128x64xf32, #tpu.memory_space<hbm>>
        tpu.enqueue_dma source(%dma_start3A_370 : memref<128x64xf32, #tpu.memory_space<hbm>>) target(%dma_start3A_369 : memref<128x64xf32, #tpu.memory_space<vmem>>) target_semaphore(%arg15 : memref<!tpu.dma_semaphore, #tpu.memory_space<semaphore_mem>>)
      } else {
      }
      "tpu.region"() ({
        %run_scoped3A = tpu.sem_alloc : memref<!tpu.dma_semaphore, #tpu.memory_space<semaphore_mem>>
        %dma_start3A_329 = arith.constant 0 : i32
        %dma_start3A_330 = tpu.memref_slice %arg7[%add3A_275, %dma_start3A_329] : memref<80x128xi32, #tpu.memory_space<vmem>> -> memref<1x128xi32, #tpu.memory_space<vmem>>
        %dma_start3A_331 = tpu.memref_squeeze %dma_start3A_330 : memref<1x128xi32, #tpu.memory_space<vmem>> -> memref<128xi32, #tpu.memory_space<vmem>>
        %dma_start3A_332 = arith.constant 0 : i32
        %dma_start3A_333 = arith.constant 0 : i32
        %dma_start3A_334 = tpu.memref_slice %arg13[%dma_start3A_332, %dma_start3A_333] : memref<10240x64xf32, #tpu.memory_space<vmem_shared>> -> memref<10240x64xf32, #tpu.memory_space<vmem_shared>>
        tpu.enqueue_indirect_dma source(%arg11 : memref<128x64xf32, #tpu.memory_space<vmem>>) target(%dma_start3A_334 : memref<10240x64xf32, #tpu.memory_space<vmem_shared>>) offsets(%dma_start3A_331 : memref<128xi32, #tpu.memory_space<vmem>>) semaphore(%run_scoped3A : memref<!tpu.dma_semaphore, #tpu.memory_space<semaphore_mem>>) {add = true}
        %dma_wait3A_335 = arith.constant 0 : i32
        %dma_wait3A_336 = tpu.memref_slice %arg7[%add3A_275, %dma_wait3A_335] : memref<80x128xi32, #tpu.memory_space<vmem>> -> memref<1x128xi32, #tpu.memory_space<vmem>>
        %dma_wait3A_337 = tpu.memref_squeeze %dma_wait3A_336 : memref<1x128xi32, #tpu.memory_space<vmem>> -> memref<128xi32, #tpu.memory_space<vmem>>
        %dma_wait3A_338 = arith.constant 0 : i32
        %dma_wait3A_339 = arith.constant 0 : i32
        %dma_wait3A_340 = tpu.memref_slice %arg13[%dma_wait3A_338, %dma_wait3A_339] : memref<10240x64xf32, #tpu.memory_space<vmem_shared>> -> memref<10240x64xf32, #tpu.memory_space<vmem_shared>>
        tpu.wait_indirect_dma semaphore(%run_scoped3A : memref<!tpu.dma_semaphore, #tpu.memory_space<semaphore_mem>>) src(%arg11 : memref<128x64xf32, #tpu.memory_space<vmem>>) dst(%dma_wait3A_340 : memref<10240x64xf32, #tpu.memory_space<vmem_shared>>)
        tpu.yield
      }) : () -> ()
      %scan3A_328 = arith.constant 0 : i32
      scf.yield %scan3A_328 : i32
    }
    %scan3A_209 = arith.constant 40 : i32
    %barrier3A_210 = arith.constant 0 : index
    tpu.barrier barrier_id(%barrier3A_210)
    %scan3A_211 = arith.constant 0 : i32
    %scan3A_212 = arith.constant 0 : i32
    %scan3A_213 = arith.constant 5 : i32
    %scan3A_214 = arith.addi %scan3A_212, %scan3A_213 : i32
    %scan3A_215 = arith.constant 1 : i32
    %scan3A_216 = scf.for %scan3A_218 = %scan3A_212 to %scan3A_214 step %scan3A_215 iter_args(%scan3A_219 = %scan3A_211) -> (i32)  : i32 {
      %mul3A_220 = arith.constant 128 : i32
      %mul3A_221 = arith.muli %scan3A_218, %mul3A_220 : i32
      %add3A_222 = arith.addi %mul3A_6, %mul3A_221 : i32
      "tpu.region"() ({
        %run_scoped3A = tpu.sem_alloc : memref<!tpu.dma_semaphore, #tpu.memory_space<semaphore_mem>>
        %dma_start3A_224 = arith.constant 0 : i32
        %dma_start3A_225 = tpu.memref_slice %arg5[%arg0, %add3A_222, %dma_start3A_224] : memref<2x10240x64xf32, #tpu.memory_space<hbm>> -> memref<1x128x64xf32, #tpu.memory_space<hbm>>
        %dma_start3A_226 = tpu.memref_squeeze %dma_start3A_225 : memref<1x128x64xf32, #tpu.memory_space<hbm>> -> memref<128x64xf32, #tpu.memory_space<hbm>>
        %dma_start3A_227 = arith.constant 0 : i32
        %dma_start3A_228 = tpu.memref_slice %arg13[%add3A_222, %dma_start3A_227] : memref<10240x64xf32, #tpu.memory_space<vmem_shared>> -> memref<128x64xf32, #tpu.memory_space<vmem_shared>>
        tpu.enqueue_dma source(%dma_start3A_228 : memref<128x64xf32, #tpu.memory_space<vmem_shared>>) target(%dma_start3A_226 : memref<128x64xf32, #tpu.memory_space<hbm>>) target_semaphore(%run_scoped3A : memref<!tpu.dma_semaphore, #tpu.memory_space<semaphore_mem>>)
        %dma_wait3A = arith.constant 0 : i32
        %dma_wait3A_229 = tpu.memref_slice %arg5[%arg0, %add3A_222, %dma_wait3A] : memref<2x10240x64xf32, #tpu.memory_space<hbm>> -> memref<1x128x64xf32, #tpu.memory_space<hbm>>
        %dma_wait3A_230 = tpu.memref_squeeze %dma_wait3A_229 : memref<1x128x64xf32, #tpu.memory_space<hbm>> -> memref<128x64xf32, #tpu.memory_space<hbm>>
        %dma_wait3A_231 = arith.constant 0 : i32
        %dma_wait3A_232 = tpu.memref_slice %arg13[%add3A_222, %dma_wait3A_231] : memref<10240x64xf32, #tpu.memory_space<vmem_shared>> -> memref<128x64xf32, #tpu.memory_space<vmem_shared>>
        tpu.wait_dma2 semaphore(%run_scoped3A : memref<!tpu.dma_semaphore, #tpu.memory_space<semaphore_mem>>) src(%dma_wait3A_232 : memref<128x64xf32, #tpu.memory_space<vmem_shared>>) dst(%dma_wait3A_230 : memref<128x64xf32, #tpu.memory_space<hbm>>)
        tpu.yield
      }) : () -> ()
      %scan3A_223 = arith.constant 0 : i32
      scf.yield %scan3A_223 : i32
    }
    %scan3A_217 = arith.constant 5 : i32
    return
  }
}

#map = affine_map<(d0, d1) -> (0, 0)>
#map1 = affine_map<(d0, d1) -> (0, 0, 0)>
module attributes {stable_mosaic.version = 14 : i64} {
  func.func @edge_kernel(%arg0: i32, %arg1: i32, %arg2: memref<40960x64xf32, #tpu.memory_space<hbm>>, %arg3: memref<327680x128xf32, #tpu.memory_space<hbm>>, %arg4: memref<32x160x128xi32, #tpu.memory_space<hbm>>, %arg5: memref<2x10240x64xf32, #tpu.memory_space<hbm>>, %arg6: memref<80x128xi32, #tpu.memory_space<vmem>>, %arg7: memref<80x128xi32, #tpu.memory_space<vmem>>, %arg8: memref<2x128x64xf32, #tpu.memory_space<vmem>>, %arg9: memref<2x128x64xf32, #tpu.memory_space<vmem>>, %arg10: memref<2x128x64xf32, #tpu.memory_space<vmem>>, %arg11: memref<128x64xf32, #tpu.memory_space<vmem>>, %arg12: memref<128x64xf32, #tpu.memory_space<vmem>>, %arg13: memref<10240x64xf32, #tpu.memory_space<vmem_shared>>, %arg14: memref<!tpu.dma_semaphore, #tpu.memory_space<semaphore_mem>>, %arg15: memref<!tpu.dma_semaphore, #tpu.memory_space<semaphore_mem>>) attributes {dimension_semantics = [#tpu.dimension_semantics<core_parallel>, #tpu.dimension_semantics<subcore_parallel>], iteration_bounds = array<i64: 2, 16>, scalar_prefetch = 0 : i64, scratch_operands = 10 : i64, tpu.core_type = #tpu.core_type<sc_vector_subcore>, window_params = [{transform_indices = #map}, {transform_indices = #map}, {transform_indices = #map1}, {transform_indices = #map1}]} {
    %scan3A = arith.constant 0 : i32
    %scan3A_0 = arith.constant 0 : i32
    %scan3A_1 = arith.constant 128 : i32
    %scan3A_2 = arith.addi %scan3A_0, %scan3A_1 : i32
    %scan3A_3 = arith.constant 1 : i32
    %scan3A_4 = scf.for %scan3A_218 = %scan3A_0 to %scan3A_2 step %scan3A_3 iter_args(%scan3A_219 = %scan3A) -> (i32)  : i32 {
      %broadcast_in_dim3A = arith.constant 0.000000e+00 : f32
      %broadcast_in_dim3A_220 = vector.broadcast %broadcast_in_dim3A : f32 to vector<16xf32>
      %swap3A = arith.index_cast %scan3A_218 : i32 to index
      %swap3A_221 = arith.constant 0 : index
      %swap3A_222 = tpu.vector_load %arg12[%swap3A, %swap3A_221] {strides = array<i32>} : memref<128x64xf32, #tpu.memory_space<vmem>>, vector<1x16xf32>,
      %swap3A_223 = vector.shape_cast %swap3A_222 : vector<1x16xf32> to vector<16xf32>
      %swap3A_224 = vector.shape_cast %broadcast_in_dim3A_220 : vector<16xf32> to vector<1x16xf32>
      tpu.vector_store %arg12[%swap3A, %swap3A_221], %swap3A_224 {strides = array<i32>} : memref<128x64xf32, #tpu.memory_space<vmem>>, vector<1x16xf32>,
      %broadcast_in_dim3A_225 = arith.constant 0.000000e+00 : f32
      %broadcast_in_dim3A_226 = vector.broadcast %broadcast_in_dim3A_225 : f32 to vector<16xf32>
      %swap3A_227 = arith.index_cast %scan3A_218 : i32 to index
      %swap3A_228 = arith.constant 16 : index
      %swap3A_229 = tpu.vector_load %arg12[%swap3A_227, %swap3A_228] {strides = array<i32>} : memref<128x64xf32, #tpu.memory_space<vmem>>, vector<1x16xf32>,
      %swap3A_230 = vector.shape_cast %swap3A_229 : vector<1x16xf32> to vector<16xf32>
      %swap3A_231 = vector.shape_cast %broadcast_in_dim3A_226 : vector<16xf32> to vector<1x16xf32>
      tpu.vector_store %arg12[%swap3A_227, %swap3A_228], %swap3A_231 {strides = array<i32>} : memref<128x64xf32, #tpu.memory_space<vmem>>, vector<1x16xf32>,
      %broadcast_in_dim3A_232 = arith.constant 0.000000e+00 : f32
      %broadcast_in_dim3A_233 = vector.broadcast %broadcast_in_dim3A_232 : f32 to vector<16xf32>
      %swap3A_234 = arith.index_cast %scan3A_218 : i32 to index
      %swap3A_235 = arith.constant 32 : index
      %swap3A_236 = tpu.vector_load %arg12[%swap3A_234, %swap3A_235] {strides = array<i32>} : memref<128x64xf32, #tpu.memory_space<vmem>>, vector<1x16xf32>,
      %swap3A_237 = vector.shape_cast %swap3A_236 : vector<1x16xf32> to vector<16xf32>
      %swap3A_238 = vector.shape_cast %broadcast_in_dim3A_233 : vector<16xf32> to vector<1x16xf32>
      tpu.vector_store %arg12[%swap3A_234, %swap3A_235], %swap3A_238 {strides = array<i32>} : memref<128x64xf32, #tpu.memory_space<vmem>>, vector<1x16xf32>,
      %broadcast_in_dim3A_239 = arith.constant 0.000000e+00 : f32
      %broadcast_in_dim3A_240 = vector.broadcast %broadcast_in_dim3A_239 : f32 to vector<16xf32>
      %swap3A_241 = arith.index_cast %scan3A_218 : i32 to index
      %swap3A_242 = arith.constant 48 : index
      %swap3A_243 = tpu.vector_load %arg12[%swap3A_241, %swap3A_242] {strides = array<i32>} : memref<128x64xf32, #tpu.memory_space<vmem>>, vector<1x16xf32>,
      %swap3A_244 = vector.shape_cast %swap3A_243 : vector<1x16xf32> to vector<16xf32>
      %swap3A_245 = vector.shape_cast %broadcast_in_dim3A_240 : vector<16xf32> to vector<1x16xf32>
      tpu.vector_store %arg12[%swap3A_241, %swap3A_242], %swap3A_245 {strides = array<i32>} : memref<128x64xf32, #tpu.memory_space<vmem>>, vector<1x16xf32>,
      %scan3A_246 = arith.constant 0 : i32
      scf.yield %scan3A_246 : i32
    }
    %scan3A_5 = arith.constant 128 : i32
    %mul3A = arith.constant 640 : i32
    %mul3A_6 = arith.muli %arg1, %mul3A : i32
    %scan3A_7 = arith.constant 0 : i32
    %scan3A_8 = arith.constant 0 : i32
    %scan3A_9 = arith.constant 5 : i32
    %scan3A_10 = arith.addi %scan3A_8, %scan3A_9 : i32
    %scan3A_11 = arith.constant 1 : i32
    %scan3A_12 = scf.for %scan3A_218 = %scan3A_8 to %scan3A_10 step %scan3A_11 iter_args(%scan3A_219 = %scan3A_7) -> (i32)  : i32 {
      %mul3A_220 = arith.constant 128 : i32
      %mul3A_221 = arith.muli %scan3A_218, %mul3A_220 : i32
      %add3A_222 = arith.addi %mul3A_6, %mul3A_221 : i32
      "tpu.region"() ({
        %run_scoped3A = tpu.sem_alloc : memref<!tpu.dma_semaphore, #tpu.memory_space<semaphore_mem>>
        %dma_start3A_224 = arith.constant 0 : i32
        %dma_start3A_225 = tpu.memref_slice %arg13[%add3A_222, %dma_start3A_224] : memref<10240x64xf32, #tpu.memory_space<vmem_shared>> -> memref<128x64xf32, #tpu.memory_space<vmem_shared>>
        %dma_start3A_226 = arith.constant 0 : i32
        %dma_start3A_227 = tpu.memref_slice %arg13[%add3A_222, %dma_start3A_226] : memref<10240x64xf32, #tpu.memory_space<vmem_shared>> -> memref<128x64xf32, #tpu.memory_space<vmem_shared>>
        tpu.enqueue_dma source(%arg12 : memref<128x64xf32, #tpu.memory_space<vmem>>) target(%dma_start3A_227 : memref<128x64xf32, #tpu.memory_space<vmem_shared>>) target_semaphore(%run_scoped3A : memref<!tpu.dma_semaphore, #tpu.memory_space<semaphore_mem>>)
        %dma_wait3A = arith.constant 0 : i32
        %dma_wait3A_228 = tpu.memref_slice %arg13[%add3A_222, %dma_wait3A] : memref<10240x64xf32, #tpu.memory_space<vmem_shared>> -> memref<128x64xf32, #tpu.memory_space<vmem_shared>>
        %dma_wait3A_229 = arith.constant 0 : i32
        %dma_wait3A_230 = tpu.memref_slice %arg13[%add3A_222, %dma_wait3A_229] : memref<10240x64xf32, #tpu.memory_space<vmem_shared>> -> memref<128x64xf32, #tpu.memory_space<vmem_shared>>
        tpu.wait_dma2 semaphore(%run_scoped3A : memref<!tpu.dma_semaphore, #tpu.memory_space<semaphore_mem>>) src(%arg12 : memref<128x64xf32, #tpu.memory_space<vmem>>) dst(%dma_wait3A_230 : memref<128x64xf32, #tpu.memory_space<vmem_shared>>)
        tpu.yield
      }) : () -> ()
      %scan3A_223 = arith.constant 0 : i32
      scf.yield %scan3A_223 : i32
    }
    %scan3A_13 = arith.constant 5 : i32
    %barrier3A = arith.constant 0 : index
    tpu.barrier barrier_id(%barrier3A)
    %mul3A_14 = arith.constant 10240 : i32
    %mul3A_15 = arith.muli %arg0, %mul3A_14 : i32
    %add3A = arith.constant 2 : i32
    %add3A_16 = arith.addi %add3A, %arg0 : i32
    %mul3A_17 = arith.constant 10240 : i32
    %mul3A_18 = arith.muli %add3A_16, %mul3A_17 : i32
    %mul3A_19 = arith.constant 64 : i32
    %mul3A_20 = arith.muli %arg0, %mul3A_19 : i32
    "tpu.region"() ({
      %run_scoped3A = tpu.sem_alloc : memref<!tpu.dma_semaphore, #tpu.memory_space<semaphore_mem>>
      %dma_start3A_218 = arith.constant 0 : i32
      %dma_start3A_219 = arith.constant 0 : i32
      %dma_start3A_220 = tpu.memref_slice %arg4[%arg1, %dma_start3A_218, %dma_start3A_219] : memref<32x160x128xi32, #tpu.memory_space<hbm>> -> memref<1x160x128xi32, #tpu.memory_space<hbm>>
      %dma_start3A_221 = tpu.memref_squeeze %dma_start3A_220 : memref<1x160x128xi32, #tpu.memory_space<hbm>> -> memref<160x128xi32, #tpu.memory_space<hbm>>
      %dma_start3A_222 = arith.constant 0 : i32
      %dma_start3A_223 = arith.constant 0 : i32
      %dma_start3A_224 = tpu.memref_slice %dma_start3A_221[%dma_start3A_222, %dma_start3A_223] : memref<160x128xi32, #tpu.memory_space<hbm>> -> memref<80x128xi32, #tpu.memory_space<hbm>>
      %dma_start3A_225 = arith.constant 0 : i32
      %dma_start3A_226 = arith.constant 0 : i32
      %dma_start3A_227 = tpu.memref_slice %arg4[%arg1, %dma_start3A_225, %dma_start3A_226] : memref<32x160x128xi32, #tpu.memory_space<hbm>> -> memref<1x160x128xi32, #tpu.memory_space<hbm>>
      %dma_start3A_228 = tpu.memref_squeeze %dma_start3A_227 : memref<1x160x128xi32, #tpu.memory_space<hbm>> -> memref<160x128xi32, #tpu.memory_space<hbm>>
      %dma_start3A_229 = arith.constant 0 : i32
      %dma_start3A_230 = arith.constant 0 : i32
      %dma_start3A_231 = tpu.memref_slice %dma_start3A_228[%dma_start3A_229, %dma_start3A_230] : memref<160x128xi32, #tpu.memory_space<hbm>> -> memref<80x128xi32, #tpu.memory_space<hbm>>
      tpu.enqueue_dma source(%dma_start3A_231 : memref<80x128xi32, #tpu.memory_space<hbm>>) target(%arg6 : memref<80x128xi32, #tpu.memory_space<vmem>>) target_semaphore(%run_scoped3A : memref<!tpu.dma_semaphore, #tpu.memory_space<semaphore_mem>>)
      %dma_wait3A = arith.constant 0 : i32
      %dma_wait3A_232 = arith.constant 0 : i32
      %dma_wait3A_233 = tpu.memref_slice %arg4[%arg1, %dma_wait3A, %dma_wait3A_232] : memref<32x160x128xi32, #tpu.memory_space<hbm>> -> memref<1x160x128xi32, #tpu.memory_space<hbm>>
      %dma_wait3A_234 = tpu.memref_squeeze %dma_wait3A_233 : memref<1x160x128xi32, #tpu.memory_space<hbm>> -> memref<160x128xi32, #tpu.memory_space<hbm>>
      %dma_wait3A_235 = arith.constant 0 : i32
      %dma_wait3A_236 = arith.constant 0 : i32
      %dma_wait3A_237 = tpu.memref_slice %dma_wait3A_234[%dma_wait3A_235, %dma_wait3A_236] : memref<160x128xi32, #tpu.memory_space<hbm>> -> memref<80x128xi32, #tpu.memory_space<hbm>>
      %dma_wait3A_238 = arith.constant 0 : i32
      %dma_wait3A_239 = arith.constant 0 : i32
      %dma_wait3A_240 = tpu.memref_slice %arg4[%arg1, %dma_wait3A_238, %dma_wait3A_239] : memref<32x160x128xi32, #tpu.memory_space<hbm>> -> memref<1x160x128xi32, #tpu.memory_space<hbm>>
      %dma_wait3A_241 = tpu.memref_squeeze %dma_wait3A_240 : memref<1x160x128xi32, #tpu.memory_space<hbm>> -> memref<160x128xi32, #tpu.memory_space<hbm>>
      %dma_wait3A_242 = arith.constant 0 : i32
      %dma_wait3A_243 = arith.constant 0 : i32
      %dma_wait3A_244 = tpu.memref_slice %dma_wait3A_241[%dma_wait3A_242, %dma_wait3A_243] : memref<160x128xi32, #tpu.memory_space<hbm>> -> memref<80x128xi32, #tpu.memory_space<hbm>>
      tpu.wait_dma2 semaphore(%run_scoped3A : memref<!tpu.dma_semaphore, #tpu.memory_space<semaphore_mem>>) src(%dma_wait3A_244 : memref<80x128xi32, #tpu.memory_space<hbm>>) dst(%arg6 : memref<80x128xi32, #tpu.memory_space<vmem>>)
      tpu.yield
    }) : () -> ()
    %add3A_21 = arith.constant 16 : i32
    %add3A_22 = arith.addi %add3A_21, %arg1 : i32
    "tpu.region"() ({
      %run_scoped3A = tpu.sem_alloc : memref<!tpu.dma_semaphore, #tpu.memory_space<semaphore_mem>>
      %dma_start3A_218 = arith.constant 0 : i32
      %dma_start3A_219 = arith.constant 0 : i32
      %dma_start3A_220 = tpu.memref_slice %arg4[%add3A_22, %dma_start3A_218, %dma_start3A_219] : memref<32x160x128xi32, #tpu.memory_space<hbm>> -> memref<1x160x128xi32, #tpu.memory_space<hbm>>
      %dma_start3A_221 = tpu.memref_squeeze %dma_start3A_220 : memref<1x160x128xi32, #tpu.memory_space<hbm>> -> memref<160x128xi32, #tpu.memory_space<hbm>>
      %dma_start3A_222 = arith.constant 0 : i32
      %dma_start3A_223 = arith.constant 0 : i32
      %dma_start3A_224 = tpu.memref_slice %dma_start3A_221[%dma_start3A_222, %dma_start3A_223] : memref<160x128xi32, #tpu.memory_space<hbm>> -> memref<80x128xi32, #tpu.memory_space<hbm>>
      %dma_start3A_225 = arith.constant 0 : i32
      %dma_start3A_226 = arith.constant 0 : i32
      %dma_start3A_227 = tpu.memref_slice %arg4[%add3A_22, %dma_start3A_225, %dma_start3A_226] : memref<32x160x128xi32, #tpu.memory_space<hbm>> -> memref<1x160x128xi32, #tpu.memory_space<hbm>>
      %dma_start3A_228 = tpu.memref_squeeze %dma_start3A_227 : memref<1x160x128xi32, #tpu.memory_space<hbm>> -> memref<160x128xi32, #tpu.memory_space<hbm>>
      %dma_start3A_229 = arith.constant 0 : i32
      %dma_start3A_230 = arith.constant 0 : i32
      %dma_start3A_231 = tpu.memref_slice %dma_start3A_228[%dma_start3A_229, %dma_start3A_230] : memref<160x128xi32, #tpu.memory_space<hbm>> -> memref<80x128xi32, #tpu.memory_space<hbm>>
      tpu.enqueue_dma source(%dma_start3A_231 : memref<80x128xi32, #tpu.memory_space<hbm>>) target(%arg7 : memref<80x128xi32, #tpu.memory_space<vmem>>) target_semaphore(%run_scoped3A : memref<!tpu.dma_semaphore, #tpu.memory_space<semaphore_mem>>)
      %dma_wait3A = arith.constant 0 : i32
      %dma_wait3A_232 = arith.constant 0 : i32
      %dma_wait3A_233 = tpu.memref_slice %arg4[%add3A_22, %dma_wait3A, %dma_wait3A_232] : memref<32x160x128xi32, #tpu.memory_space<hbm>> -> memref<1x160x128xi32, #tpu.memory_space<hbm>>
      %dma_wait3A_234 = tpu.memref_squeeze %dma_wait3A_233 : memref<1x160x128xi32, #tpu.memory_space<hbm>> -> memref<160x128xi32, #tpu.memory_space<hbm>>
      %dma_wait3A_235 = arith.constant 0 : i32
      %dma_wait3A_236 = arith.constant 0 : i32
      %dma_wait3A_237 = tpu.memref_slice %dma_wait3A_234[%dma_wait3A_235, %dma_wait3A_236] : memref<160x128xi32, #tpu.memory_space<hbm>> -> memref<80x128xi32, #tpu.memory_space<hbm>>
      %dma_wait3A_238 = arith.constant 0 : i32
      %dma_wait3A_239 = arith.constant 0 : i32
      %dma_wait3A_240 = tpu.memref_slice %arg4[%add3A_22, %dma_wait3A_238, %dma_wait3A_239] : memref<32x160x128xi32, #tpu.memory_space<hbm>> -> memref<1x160x128xi32, #tpu.memory_space<hbm>>
      %dma_wait3A_241 = tpu.memref_squeeze %dma_wait3A_240 : memref<1x160x128xi32, #tpu.memory_space<hbm>> -> memref<160x128xi32, #tpu.memory_space<hbm>>
      %dma_wait3A_242 = arith.constant 0 : i32
      %dma_wait3A_243 = arith.constant 0 : i32
      %dma_wait3A_244 = tpu.memref_slice %dma_wait3A_241[%dma_wait3A_242, %dma_wait3A_243] : memref<160x128xi32, #tpu.memory_space<hbm>> -> memref<80x128xi32, #tpu.memory_space<hbm>>
      tpu.wait_dma2 semaphore(%run_scoped3A : memref<!tpu.dma_semaphore, #tpu.memory_space<semaphore_mem>>) src(%dma_wait3A_244 : memref<80x128xi32, #tpu.memory_space<hbm>>) dst(%arg7 : memref<80x128xi32, #tpu.memory_space<vmem>>)
      tpu.yield
    }) : () -> ()
    %mul3A_23 = arith.constant 20480 : i32
    %mul3A_24 = arith.muli %arg1, %mul3A_23 : i32
    %add3A_25 = arith.constant 0 : i32
    %add3A_26 = arith.addi %mul3A_24, %add3A_25 : i32
    %dma_start3A = arith.constant 0 : i32
    %dma_start3A_27 = arith.constant 0 : i32
    %dma_start3A_28 = arith.constant 0 : i32
    %dma_start3A_29 = arith.constant 0 : i32
    %dma_start3A_30 = tpu.memref_slice %arg8[%dma_start3A_27, %dma_start3A_28, %dma_start3A_29] : memref<2x128x64xf32, #tpu.memory_space<vmem>> -> memref<1x128x64xf32, #tpu.memory_space<vmem>>
    %dma_start3A_31 = tpu.memref_squeeze %dma_start3A_30 : memref<1x128x64xf32, #tpu.memory_space<vmem>> -> memref<128x64xf32, #tpu.memory_space<vmem>>
    %dma_start3A_32 = arith.constant 0 : i32
    %dma_start3A_33 = tpu.memref_slice %arg6[%dma_start3A, %dma_start3A_32] : memref<80x128xi32, #tpu.memory_space<vmem>> -> memref<1x128xi32, #tpu.memory_space<vmem>>
    %dma_start3A_34 = tpu.memref_squeeze %dma_start3A_33 : memref<1x128xi32, #tpu.memory_space<vmem>> -> memref<128xi32, #tpu.memory_space<vmem>>
    %dma_start3A_35 = arith.constant 0 : i32
    %dma_start3A_36 = tpu.memref_slice %arg2[%mul3A_15, %dma_start3A_35] : memref<40960x64xf32, #tpu.memory_space<hbm>> -> memref<10240x64xf32, #tpu.memory_space<hbm>>
    %dma_start3A_37 = arith.constant 0 : i32
    %dma_start3A_38 = arith.constant 0 : i32
    %dma_start3A_39 = tpu.memref_slice %dma_start3A_36[%dma_start3A_37, %dma_start3A_38] : memref<10240x64xf32, #tpu.memory_space<hbm>> -> memref<10240x64xf32, #tpu.memory_space<hbm>>
    tpu.enqueue_indirect_dma source(%dma_start3A_39 : memref<10240x64xf32, #tpu.memory_space<hbm>>) target(%dma_start3A_31 : memref<128x64xf32, #tpu.memory_space<vmem>>) offsets(%dma_start3A_34 : memref<128xi32, #tpu.memory_space<vmem>>) semaphore(%arg14 : memref<!tpu.dma_semaphore, #tpu.memory_space<semaphore_mem>>)
    %dma_start3A_40 = arith.constant 0 : i32
    %dma_start3A_41 = arith.constant 0 : i32
    %dma_start3A_42 = arith.constant 0 : i32
    %dma_start3A_43 = arith.constant 0 : i32
    %dma_start3A_44 = tpu.memref_slice %arg9[%dma_start3A_41, %dma_start3A_42, %dma_start3A_43] : memref<2x128x64xf32, #tpu.memory_space<vmem>> -> memref<1x128x64xf32, #tpu.memory_space<vmem>>
    %dma_start3A_45 = tpu.memref_squeeze %dma_start3A_44 : memref<1x128x64xf32, #tpu.memory_space<vmem>> -> memref<128x64xf32, #tpu.memory_space<vmem>>
    %dma_start3A_46 = arith.constant 0 : i32
    %dma_start3A_47 = tpu.memref_slice %arg7[%dma_start3A_40, %dma_start3A_46] : memref<80x128xi32, #tpu.memory_space<vmem>> -> memref<1x128xi32, #tpu.memory_space<vmem>>
    %dma_start3A_48 = tpu.memref_squeeze %dma_start3A_47 : memref<1x128xi32, #tpu.memory_space<vmem>> -> memref<128xi32, #tpu.memory_space<vmem>>
    %dma_start3A_49 = arith.constant 0 : i32
    %dma_start3A_50 = tpu.memref_slice %arg2[%mul3A_18, %dma_start3A_49] : memref<40960x64xf32, #tpu.memory_space<hbm>> -> memref<10240x64xf32, #tpu.memory_space<hbm>>
    %dma_start3A_51 = arith.constant 0 : i32
    %dma_start3A_52 = arith.constant 0 : i32
    %dma_start3A_53 = tpu.memref_slice %dma_start3A_50[%dma_start3A_51, %dma_start3A_52] : memref<10240x64xf32, #tpu.memory_space<hbm>> -> memref<10240x64xf32, #tpu.memory_space<hbm>>
    tpu.enqueue_indirect_dma source(%dma_start3A_53 : memref<10240x64xf32, #tpu.memory_space<hbm>>) target(%dma_start3A_45 : memref<128x64xf32, #tpu.memory_space<vmem>>) offsets(%dma_start3A_48 : memref<128xi32, #tpu.memory_space<vmem>>) semaphore(%arg14 : memref<!tpu.dma_semaphore, #tpu.memory_space<semaphore_mem>>)
    %add3A_54 = arith.constant 0 : i32
    %add3A_55 = arith.addi %add3A_26, %add3A_54 : i32
    %dma_start3A_56 = arith.constant 0 : i32
    %dma_start3A_57 = arith.constant 0 : i32
    %dma_start3A_58 = arith.constant 0 : i32
    %dma_start3A_59 = tpu.memref_slice %arg10[%dma_start3A_56, %dma_start3A_57, %dma_start3A_58] : memref<2x128x64xf32, #tpu.memory_space<vmem>> -> memref<1x128x64xf32, #tpu.memory_space<vmem>>
    %dma_start3A_60 = tpu.memref_squeeze %dma_start3A_59 : memref<1x128x64xf32, #tpu.memory_space<vmem>> -> memref<128x64xf32, #tpu.memory_space<vmem>>
    %dma_start3A_61 = tpu.memref_slice %arg3[%add3A_55, %mul3A_20] : memref<327680x128xf32, #tpu.memory_space<hbm>> -> memref<128x64xf32, #tpu.memory_space<hbm>>
    %dma_start3A_62 = arith.constant 0 : i32
    %dma_start3A_63 = arith.constant 0 : i32
    %dma_start3A_64 = tpu.memref_slice %arg10[%dma_start3A_56, %dma_start3A_62, %dma_start3A_63] : memref<2x128x64xf32, #tpu.memory_space<vmem>> -> memref<1x128x64xf32, #tpu.memory_space<vmem>>
    %dma_start3A_65 = tpu.memref_squeeze %dma_start3A_64 : memref<1x128x64xf32, #tpu.memory_space<vmem>> -> memref<128x64xf32, #tpu.memory_space<vmem>>
    %dma_start3A_66 = tpu.memref_slice %arg3[%add3A_55, %mul3A_20] : memref<327680x128xf32, #tpu.memory_space<hbm>> -> memref<128x64xf32, #tpu.memory_space<hbm>>
    tpu.enqueue_dma source(%dma_start3A_66 : memref<128x64xf32, #tpu.memory_space<hbm>>) target(%dma_start3A_65 : memref<128x64xf32, #tpu.memory_space<vmem>>) target_semaphore(%arg14 : memref<!tpu.dma_semaphore, #tpu.memory_space<semaphore_mem>>)
    %dma_start3A_67 = arith.constant 1 : i32
    %dma_start3A_68 = arith.constant 1 : i32
    %dma_start3A_69 = arith.constant 0 : i32
    %dma_start3A_70 = arith.constant 0 : i32
    %dma_start3A_71 = tpu.memref_slice %arg8[%dma_start3A_68, %dma_start3A_69, %dma_start3A_70] : memref<2x128x64xf32, #tpu.memory_space<vmem>> -> memref<1x128x64xf32, #tpu.memory_space<vmem>>
    %dma_start3A_72 = tpu.memref_squeeze %dma_start3A_71 : memref<1x128x64xf32, #tpu.memory_space<vmem>> -> memref<128x64xf32, #tpu.memory_space<vmem>>
    %dma_start3A_73 = arith.constant 0 : i32
    %dma_start3A_74 = tpu.memref_slice %arg6[%dma_start3A_67, %dma_start3A_73] : memref<80x128xi32, #tpu.memory_space<vmem>> -> memref<1x128xi32, #tpu.memory_space<vmem>>
    %dma_start3A_75 = tpu.memref_squeeze %dma_start3A_74 : memref<1x128xi32, #tpu.memory_space<vmem>> -> memref<128xi32, #tpu.memory_space<vmem>>
    %dma_start3A_76 = arith.constant 0 : i32
    %dma_start3A_77 = tpu.memref_slice %arg2[%mul3A_15, %dma_start3A_76] : memref<40960x64xf32, #tpu.memory_space<hbm>> -> memref<10240x64xf32, #tpu.memory_space<hbm>>
    %dma_start3A_78 = arith.constant 0 : i32
    %dma_start3A_79 = arith.constant 0 : i32
    %dma_start3A_80 = tpu.memref_slice %dma_start3A_77[%dma_start3A_78, %dma_start3A_79] : memref<10240x64xf32, #tpu.memory_space<hbm>> -> memref<10240x64xf32, #tpu.memory_space<hbm>>
    tpu.enqueue_indirect_dma source(%dma_start3A_80 : memref<10240x64xf32, #tpu.memory_space<hbm>>) target(%dma_start3A_72 : memref<128x64xf32, #tpu.memory_space<vmem>>) offsets(%dma_start3A_75 : memref<128xi32, #tpu.memory_space<vmem>>) semaphore(%arg15 : memref<!tpu.dma_semaphore, #tpu.memory_space<semaphore_mem>>)
    %dma_start3A_81 = arith.constant 1 : i32
    %dma_start3A_82 = arith.constant 1 : i32
    %dma_start3A_83 = arith.constant 0 : i32
    %dma_start3A_84 = arith.constant 0 : i32
    %dma_start3A_85 = tpu.memref_slice %arg9[%dma_start3A_82, %dma_start3A_83, %dma_start3A_84] : memref<2x128x64xf32, #tpu.memory_space<vmem>> -> memref<1x128x64xf32, #tpu.memory_space<vmem>>
    %dma_start3A_86 = tpu.memref_squeeze %dma_start3A_85 : memref<1x128x64xf32, #tpu.memory_space<vmem>> -> memref<128x64xf32, #tpu.memory_space<vmem>>
    %dma_start3A_87 = arith.constant 0 : i32
    %dma_start3A_88 = tpu.memref_slice %arg7[%dma_start3A_81, %dma_start3A_87] : memref<80x128xi32, #tpu.memory_space<vmem>> -> memref<1x128xi32, #tpu.memory_space<vmem>>
    %dma_start3A_89 = tpu.memref_squeeze %dma_start3A_88 : memref<1x128xi32, #tpu.memory_space<vmem>> -> memref<128xi32, #tpu.memory_space<vmem>>
    %dma_start3A_90 = arith.constant 0 : i32
    %dma_start3A_91 = tpu.memref_slice %arg2[%mul3A_18, %dma_start3A_90] : memref<40960x64xf32, #tpu.memory_space<hbm>> -> memref<10240x64xf32, #tpu.memory_space<hbm>>
    %dma_start3A_92 = arith.constant 0 : i32
    %dma_start3A_93 = arith.constant 0 : i32
    %dma_start3A_94 = tpu.memref_slice %dma_start3A_91[%dma_start3A_92, %dma_start3A_93] : memref<10240x64xf32, #tpu.memory_space<hbm>> -> memref<10240x64xf32, #tpu.memory_space<hbm>>
    tpu.enqueue_indirect_dma source(%dma_start3A_94 : memref<10240x64xf32, #tpu.memory_space<hbm>>) target(%dma_start3A_86 : memref<128x64xf32, #tpu.memory_space<vmem>>) offsets(%dma_start3A_89 : memref<128xi32, #tpu.memory_space<vmem>>) semaphore(%arg15 : memref<!tpu.dma_semaphore, #tpu.memory_space<semaphore_mem>>)
    %add3A_95 = arith.constant 128 : i32
    %add3A_96 = arith.addi %add3A_26, %add3A_95 : i32
    %dma_start3A_97 = arith.constant 1 : i32
    %dma_start3A_98 = arith.constant 0 : i32
    %dma_start3A_99 = arith.constant 0 : i32
    %dma_start3A_100 = tpu.memref_slice %arg10[%dma_start3A_97, %dma_start3A_98, %dma_start3A_99] : memref<2x128x64xf32, #tpu.memory_space<vmem>> -> memref<1x128x64xf32, #tpu.memory_space<vmem>>
    %dma_start3A_101 = tpu.memref_squeeze %dma_start3A_100 : memref<1x128x64xf32, #tpu.memory_space<vmem>> -> memref<128x64xf32, #tpu.memory_space<vmem>>
    %dma_start3A_102 = tpu.memref_slice %arg3[%add3A_96, %mul3A_20] : memref<327680x128xf32, #tpu.memory_space<hbm>> -> memref<128x64xf32, #tpu.memory_space<hbm>>
    %dma_start3A_103 = arith.constant 0 : i32
    %dma_start3A_104 = arith.constant 0 : i32
    %dma_start3A_105 = tpu.memref_slice %arg10[%dma_start3A_97, %dma_start3A_103, %dma_start3A_104] : memref<2x128x64xf32, #tpu.memory_space<vmem>> -> memref<1x128x64xf32, #tpu.memory_space<vmem>>
    %dma_start3A_106 = tpu.memref_squeeze %dma_start3A_105 : memref<1x128x64xf32, #tpu.memory_space<vmem>> -> memref<128x64xf32, #tpu.memory_space<vmem>>
    %dma_start3A_107 = tpu.memref_slice %arg3[%add3A_96, %mul3A_20] : memref<327680x128xf32, #tpu.memory_space<hbm>> -> memref<128x64xf32, #tpu.memory_space<hbm>>
    tpu.enqueue_dma source(%dma_start3A_107 : memref<128x64xf32, #tpu.memory_space<hbm>>) target(%dma_start3A_106 : memref<128x64xf32, #tpu.memory_space<vmem>>) target_semaphore(%arg15 : memref<!tpu.dma_semaphore, #tpu.memory_space<semaphore_mem>>)
    %scan3A_108 = arith.constant 0 : i32
    %scan3A_109 = arith.constant 0 : i32
    %scan3A_110 = arith.constant 40 : i32
    %scan3A_111 = arith.addi %scan3A_109, %scan3A_110 : i32
    %scan3A_112 = arith.constant 1 : i32
    %scan3A_113 = scf.for %scan3A_218 = %scan3A_109 to %scan3A_111 step %scan3A_112 iter_args(%scan3A_219 = %scan3A_108) -> (i32)  : i32 {
      %mul3A_220 = arith.constant 2 : i32
      %mul3A_221 = arith.muli %mul3A_220, %scan3A_218 : i32
      %add3A_222 = arith.constant 0 : i32
      %add3A_223 = arith.addi %mul3A_221, %add3A_222 : i32
      %dma_wait3A = arith.constant 0 : i32
      %dma_wait3A_224 = arith.constant 0 : i32
      %dma_wait3A_225 = arith.constant 0 : i32
      %dma_wait3A_226 = tpu.memref_slice %arg8[%dma_wait3A, %dma_wait3A_224, %dma_wait3A_225] : memref<2x128x64xf32, #tpu.memory_space<vmem>> -> memref<1x128x64xf32, #tpu.memory_space<vmem>>
      %dma_wait3A_227 = tpu.memref_squeeze %dma_wait3A_226 : memref<1x128x64xf32, #tpu.memory_space<vmem>> -> memref<128x64xf32, #tpu.memory_space<vmem>>
      %dma_wait3A_228 = arith.constant 0 : i32
      %dma_wait3A_229 = tpu.memref_slice %arg6[%add3A_223, %dma_wait3A_228] : memref<80x128xi32, #tpu.memory_space<vmem>> -> memref<1x128xi32, #tpu.memory_space<vmem>>
      %dma_wait3A_230 = tpu.memref_squeeze %dma_wait3A_229 : memref<1x128xi32, #tpu.memory_space<vmem>> -> memref<128xi32, #tpu.memory_space<vmem>>
      %dma_wait3A_231 = arith.constant 0 : i32
      %dma_wait3A_232 = tpu.memref_slice %arg2[%mul3A_15, %dma_wait3A_231] : memref<40960x64xf32, #tpu.memory_space<hbm>> -> memref<10240x64xf32, #tpu.memory_space<hbm>>
      %dma_wait3A_233 = arith.constant 0 : i32
      %dma_wait3A_234 = arith.constant 0 : i32
      %dma_wait3A_235 = tpu.memref_slice %dma_wait3A_232[%dma_wait3A_233, %dma_wait3A_234] : memref<10240x64xf32, #tpu.memory_space<hbm>> -> memref<10240x64xf32, #tpu.memory_space<hbm>>
      tpu.wait_indirect_dma semaphore(%arg14 : memref<!tpu.dma_semaphore, #tpu.memory_space<semaphore_mem>>) src(%dma_wait3A_235 : memref<10240x64xf32, #tpu.memory_space<hbm>>) dst(%dma_wait3A_227 : memref<128x64xf32, #tpu.memory_space<vmem>>)
      %dma_wait3A_236 = arith.constant 0 : i32
      %dma_wait3A_237 = arith.constant 0 : i32
      %dma_wait3A_238 = arith.constant 0 : i32
      %dma_wait3A_239 = tpu.memref_slice %arg9[%dma_wait3A_236, %dma_wait3A_237, %dma_wait3A_238] : memref<2x128x64xf32, #tpu.memory_space<vmem>> -> memref<1x128x64xf32, #tpu.memory_space<vmem>>
      %dma_wait3A_240 = tpu.memref_squeeze %dma_wait3A_239 : memref<1x128x64xf32, #tpu.memory_space<vmem>> -> memref<128x64xf32, #tpu.memory_space<vmem>>
      %dma_wait3A_241 = arith.constant 0 : i32
      %dma_wait3A_242 = tpu.memref_slice %arg7[%add3A_223, %dma_wait3A_241] : memref<80x128xi32, #tpu.memory_space<vmem>> -> memref<1x128xi32, #tpu.memory_space<vmem>>
      %dma_wait3A_243 = tpu.memref_squeeze %dma_wait3A_242 : memref<1x128xi32, #tpu.memory_space<vmem>> -> memref<128xi32, #tpu.memory_space<vmem>>
      %dma_wait3A_244 = arith.constant 0 : i32
      %dma_wait3A_245 = tpu.memref_slice %arg2[%mul3A_18, %dma_wait3A_244] : memref<40960x64xf32, #tpu.memory_space<hbm>> -> memref<10240x64xf32, #tpu.memory_space<hbm>>
      %dma_wait3A_246 = arith.constant 0 : i32
      %dma_wait3A_247 = arith.constant 0 : i32
      %dma_wait3A_248 = tpu.memref_slice %dma_wait3A_245[%dma_wait3A_246, %dma_wait3A_247] : memref<10240x64xf32, #tpu.memory_space<hbm>> -> memref<10240x64xf32, #tpu.memory_space<hbm>>
      tpu.wait_indirect_dma semaphore(%arg14 : memref<!tpu.dma_semaphore, #tpu.memory_space<semaphore_mem>>) src(%dma_wait3A_248 : memref<10240x64xf32, #tpu.memory_space<hbm>>) dst(%dma_wait3A_240 : memref<128x64xf32, #tpu.memory_space<vmem>>)
      %mul3A_249 = arith.constant 128 : i32
      %mul3A_250 = arith.muli %add3A_223, %mul3A_249 : i32
      %add3A_251 = arith.addi %add3A_26, %mul3A_250 : i32
      %dma_wait3A_252 = arith.constant 0 : i32
      %dma_wait3A_253 = arith.constant 0 : i32
      %dma_wait3A_254 = arith.constant 0 : i32
      %dma_wait3A_255 = tpu.memref_slice %arg10[%dma_wait3A_252, %dma_wait3A_253, %dma_wait3A_254] : memref<2x128x64xf32, #tpu.memory_space<vmem>> -> memref<1x128x64xf32, #tpu.memory_space<vmem>>
      %dma_wait3A_256 = tpu.memref_squeeze %dma_wait3A_255 : memref<1x128x64xf32, #tpu.memory_space<vmem>> -> memref<128x64xf32, #tpu.memory_space<vmem>>
      %dma_wait3A_257 = tpu.memref_slice %arg3[%add3A_251, %mul3A_20] : memref<327680x128xf32, #tpu.memory_space<hbm>> -> memref<128x64xf32, #tpu.memory_space<hbm>>
      %dma_wait3A_258 = arith.constant 0 : i32
      %dma_wait3A_259 = arith.constant 0 : i32
      %dma_wait3A_260 = tpu.memref_slice %arg10[%dma_wait3A_252, %dma_wait3A_258, %dma_wait3A_259] : memref<2x128x64xf32, #tpu.memory_space<vmem>> -> memref<1x128x64xf32, #tpu.memory_space<vmem>>
      %dma_wait3A_261 = tpu.memref_squeeze %dma_wait3A_260 : memref<1x128x64xf32, #tpu.memory_space<vmem>> -> memref<128x64xf32, #tpu.memory_space<vmem>>
      %dma_wait3A_262 = tpu.memref_slice %arg3[%add3A_251, %mul3A_20] : memref<327680x128xf32, #tpu.memory_space<hbm>> -> memref<128x64xf32, #tpu.memory_space<hbm>>
      tpu.wait_dma2 semaphore(%arg14 : memref<!tpu.dma_semaphore, #tpu.memory_space<semaphore_mem>>) src(%dma_wait3A_262 : memref<128x64xf32, #tpu.memory_space<hbm>>) dst(%dma_wait3A_261 : memref<128x64xf32, #tpu.memory_space<vmem>>)
      %scan3A_263 = arith.constant 0 : i32
      %scan3A_264 = arith.constant 0 : i32
      %scan3A_265 = arith.constant 128 : i32
      %scan3A_266 = arith.addi %scan3A_264, %scan3A_265 : i32
      %scan3A_267 = arith.constant 1 : i32
      %scan3A_268 = scf.for %scan3A_329 = %scan3A_264 to %scan3A_266 step %scan3A_267 iter_args(%scan3A_330 = %scan3A_263) -> (i32)  : i32 {
        %get3A = arith.constant 0 : i32
        %get3A_331 = arith.index_cast %get3A : i32 to index
        %get3A_332 = arith.index_cast %scan3A_329 : i32 to index
        %get3A_333 = arith.constant 0 : index
        %get3A_334 = tpu.vector_load %arg8[%get3A_331, %get3A_332, %get3A_333] {strides = array<i32>} : memref<2x128x64xf32, #tpu.memory_space<vmem>>, vector<1x1x16xf32>,
        %get3A_335 = vector.shape_cast %get3A_334 : vector<1x1x16xf32> to vector<16xf32>
        %get3A_336 = arith.constant 0 : i32
        %get3A_337 = arith.index_cast %get3A_336 : i32 to index
        %get3A_338 = arith.index_cast %scan3A_329 : i32 to index
        %get3A_339 = arith.constant 0 : index
        %get3A_340 = tpu.vector_load %arg9[%get3A_337, %get3A_338, %get3A_339] {strides = array<i32>} : memref<2x128x64xf32, #tpu.memory_space<vmem>>, vector<1x1x16xf32>,
        %get3A_341 = vector.shape_cast %get3A_340 : vector<1x1x16xf32> to vector<16xf32>
        %add3A_342 = arith.addf %get3A_335, %get3A_341 : vector<16xf32>
        %get3A_343 = arith.constant 0 : i32
        %get3A_344 = arith.index_cast %get3A_343 : i32 to index
        %get3A_345 = arith.index_cast %scan3A_329 : i32 to index
        %get3A_346 = arith.constant 0 : index
        %get3A_347 = tpu.vector_load %arg10[%get3A_344, %get3A_345, %get3A_346] {strides = array<i32>} : memref<2x128x64xf32, #tpu.memory_space<vmem>>, vector<1x1x16xf32>,
        %get3A_348 = vector.shape_cast %get3A_347 : vector<1x1x16xf32> to vector<16xf32>
        %add3A_349 = arith.addf %add3A_342, %get3A_348 : vector<16xf32>
        %max3A = arith.constant 0.000000e+00 : f32
        %max3A_350 = vector.broadcast %max3A : f32 to vector<16xf32>
        %max3A_351 = arith.maximumf %add3A_349, %max3A_350 : vector<16xf32>
        %swap3A = arith.index_cast %scan3A_329 : i32 to index
        %swap3A_352 = arith.constant 0 : index
        %swap3A_353 = tpu.vector_load %arg11[%swap3A, %swap3A_352] {strides = array<i32>} : memref<128x64xf32, #tpu.memory_space<vmem>>, vector<1x16xf32>,
        %swap3A_354 = vector.shape_cast %swap3A_353 : vector<1x16xf32> to vector<16xf32>
        %swap3A_355 = vector.shape_cast %max3A_351 : vector<16xf32> to vector<1x16xf32>
        tpu.vector_store %arg11[%swap3A, %swap3A_352], %swap3A_355 {strides = array<i32>} : memref<128x64xf32, #tpu.memory_space<vmem>>, vector<1x16xf32>,
        %get3A_356 = arith.constant 0 : i32
        %get3A_357 = arith.index_cast %get3A_356 : i32 to index
        %get3A_358 = arith.index_cast %scan3A_329 : i32 to index
        %get3A_359 = arith.constant 16 : index
        %get3A_360 = tpu.vector_load %arg8[%get3A_357, %get3A_358, %get3A_359] {strides = array<i32>} : memref<2x128x64xf32, #tpu.memory_space<vmem>>, vector<1x1x16xf32>,
        %get3A_361 = vector.shape_cast %get3A_360 : vector<1x1x16xf32> to vector<16xf32>
        %get3A_362 = arith.constant 0 : i32
        %get3A_363 = arith.index_cast %get3A_362 : i32 to index
        %get3A_364 = arith.index_cast %scan3A_329 : i32 to index
        %get3A_365 = arith.constant 16 : index
        %get3A_366 = tpu.vector_load %arg9[%get3A_363, %get3A_364, %get3A_365] {strides = array<i32>} : memref<2x128x64xf32, #tpu.memory_space<vmem>>, vector<1x1x16xf32>,
        %get3A_367 = vector.shape_cast %get3A_366 : vector<1x1x16xf32> to vector<16xf32>
        %add3A_368 = arith.addf %get3A_361, %get3A_367 : vector<16xf32>
        %get3A_369 = arith.constant 0 : i32
        %get3A_370 = arith.index_cast %get3A_369 : i32 to index
        %get3A_371 = arith.index_cast %scan3A_329 : i32 to index
        %get3A_372 = arith.constant 16 : index
        %get3A_373 = tpu.vector_load %arg10[%get3A_370, %get3A_371, %get3A_372] {strides = array<i32>} : memref<2x128x64xf32, #tpu.memory_space<vmem>>, vector<1x1x16xf32>,
        %get3A_374 = vector.shape_cast %get3A_373 : vector<1x1x16xf32> to vector<16xf32>
        %add3A_375 = arith.addf %add3A_368, %get3A_374 : vector<16xf32>
        %max3A_376 = arith.constant 0.000000e+00 : f32
        %max3A_377 = vector.broadcast %max3A_376 : f32 to vector<16xf32>
        %max3A_378 = arith.maximumf %add3A_375, %max3A_377 : vector<16xf32>
        %swap3A_379 = arith.index_cast %scan3A_329 : i32 to index
        %swap3A_380 = arith.constant 16 : index
        %swap3A_381 = tpu.vector_load %arg11[%swap3A_379, %swap3A_380] {strides = array<i32>} : memref<128x64xf32, #tpu.memory_space<vmem>>, vector<1x16xf32>,
        %swap3A_382 = vector.shape_cast %swap3A_381 : vector<1x16xf32> to vector<16xf32>
        %swap3A_383 = vector.shape_cast %max3A_378 : vector<16xf32> to vector<1x16xf32>
        tpu.vector_store %arg11[%swap3A_379, %swap3A_380], %swap3A_383 {strides = array<i32>} : memref<128x64xf32, #tpu.memory_space<vmem>>, vector<1x16xf32>,
        %get3A_384 = arith.constant 0 : i32
        %get3A_385 = arith.index_cast %get3A_384 : i32 to index
        %get3A_386 = arith.index_cast %scan3A_329 : i32 to index
        %get3A_387 = arith.constant 32 : index
        %get3A_388 = tpu.vector_load %arg8[%get3A_385, %get3A_386, %get3A_387] {strides = array<i32>} : memref<2x128x64xf32, #tpu.memory_space<vmem>>, vector<1x1x16xf32>,
        %get3A_389 = vector.shape_cast %get3A_388 : vector<1x1x16xf32> to vector<16xf32>
        %get3A_390 = arith.constant 0 : i32
        %get3A_391 = arith.index_cast %get3A_390 : i32 to index
        %get3A_392 = arith.index_cast %scan3A_329 : i32 to index
        %get3A_393 = arith.constant 32 : index
        %get3A_394 = tpu.vector_load %arg9[%get3A_391, %get3A_392, %get3A_393] {strides = array<i32>} : memref<2x128x64xf32, #tpu.memory_space<vmem>>, vector<1x1x16xf32>,
        %get3A_395 = vector.shape_cast %get3A_394 : vector<1x1x16xf32> to vector<16xf32>
        %add3A_396 = arith.addf %get3A_389, %get3A_395 : vector<16xf32>
        %get3A_397 = arith.constant 0 : i32
        %get3A_398 = arith.index_cast %get3A_397 : i32 to index
        %get3A_399 = arith.index_cast %scan3A_329 : i32 to index
        %get3A_400 = arith.constant 32 : index
        %get3A_401 = tpu.vector_load %arg10[%get3A_398, %get3A_399, %get3A_400] {strides = array<i32>} : memref<2x128x64xf32, #tpu.memory_space<vmem>>, vector<1x1x16xf32>,
        %get3A_402 = vector.shape_cast %get3A_401 : vector<1x1x16xf32> to vector<16xf32>
        %add3A_403 = arith.addf %add3A_396, %get3A_402 : vector<16xf32>
        %max3A_404 = arith.constant 0.000000e+00 : f32
        %max3A_405 = vector.broadcast %max3A_404 : f32 to vector<16xf32>
        %max3A_406 = arith.maximumf %add3A_403, %max3A_405 : vector<16xf32>
        %swap3A_407 = arith.index_cast %scan3A_329 : i32 to index
        %swap3A_408 = arith.constant 32 : index
        %swap3A_409 = tpu.vector_load %arg11[%swap3A_407, %swap3A_408] {strides = array<i32>} : memref<128x64xf32, #tpu.memory_space<vmem>>, vector<1x16xf32>,
        %swap3A_410 = vector.shape_cast %swap3A_409 : vector<1x16xf32> to vector<16xf32>
        %swap3A_411 = vector.shape_cast %max3A_406 : vector<16xf32> to vector<1x16xf32>
        tpu.vector_store %arg11[%swap3A_407, %swap3A_408], %swap3A_411 {strides = array<i32>} : memref<128x64xf32, #tpu.memory_space<vmem>>, vector<1x16xf32>,
        %get3A_412 = arith.constant 0 : i32
        %get3A_413 = arith.index_cast %get3A_412 : i32 to index
        %get3A_414 = arith.index_cast %scan3A_329 : i32 to index
        %get3A_415 = arith.constant 48 : index
        %get3A_416 = tpu.vector_load %arg8[%get3A_413, %get3A_414, %get3A_415] {strides = array<i32>} : memref<2x128x64xf32, #tpu.memory_space<vmem>>, vector<1x1x16xf32>,
        %get3A_417 = vector.shape_cast %get3A_416 : vector<1x1x16xf32> to vector<16xf32>
        %get3A_418 = arith.constant 0 : i32
        %get3A_419 = arith.index_cast %get3A_418 : i32 to index
        %get3A_420 = arith.index_cast %scan3A_329 : i32 to index
        %get3A_421 = arith.constant 48 : index
        %get3A_422 = tpu.vector_load %arg9[%get3A_419, %get3A_420, %get3A_421] {strides = array<i32>} : memref<2x128x64xf32, #tpu.memory_space<vmem>>, vector<1x1x16xf32>,
        %get3A_423 = vector.shape_cast %get3A_422 : vector<1x1x16xf32> to vector<16xf32>
        %add3A_424 = arith.addf %get3A_417, %get3A_423 : vector<16xf32>
        %get3A_425 = arith.constant 0 : i32
        %get3A_426 = arith.index_cast %get3A_425 : i32 to index
        %get3A_427 = arith.index_cast %scan3A_329 : i32 to index
        %get3A_428 = arith.constant 48 : index
        %get3A_429 = tpu.vector_load %arg10[%get3A_426, %get3A_427, %get3A_428] {strides = array<i32>} : memref<2x128x64xf32, #tpu.memory_space<vmem>>, vector<1x1x16xf32>,
        %get3A_430 = vector.shape_cast %get3A_429 : vector<1x1x16xf32> to vector<16xf32>
        %add3A_431 = arith.addf %add3A_424, %get3A_430 : vector<16xf32>
        %max3A_432 = arith.constant 0.000000e+00 : f32
        %max3A_433 = vector.broadcast %max3A_432 : f32 to vector<16xf32>
        %max3A_434 = arith.maximumf %add3A_431, %max3A_433 : vector<16xf32>
        %swap3A_435 = arith.index_cast %scan3A_329 : i32 to index
        %swap3A_436 = arith.constant 48 : index
        %swap3A_437 = tpu.vector_load %arg11[%swap3A_435, %swap3A_436] {strides = array<i32>} : memref<128x64xf32, #tpu.memory_space<vmem>>, vector<1x16xf32>,
        %swap3A_438 = vector.shape_cast %swap3A_437 : vector<1x16xf32> to vector<16xf32>
        %swap3A_439 = vector.shape_cast %max3A_434 : vector<16xf32> to vector<1x16xf32>
        tpu.vector_store %arg11[%swap3A_435, %swap3A_436], %swap3A_439 {strides = array<i32>} : memref<128x64xf32, #tpu.memory_space<vmem>>, vector<1x16xf32>,
        %scan3A_440 = arith.constant 0 : i32
        scf.yield %scan3A_440 : i32
      }
      %scan3A_269 = arith.constant 128 : i32
      %lt3A = arith.constant 39 : i32
      %lt3A_270 = arith.cmpi slt, %scan3A_218, %lt3A : i32
      %convert_element_type3A = arith.extui %lt3A_270 : i1 to i32
      %cond3A = arith.constant 0 : i32
      %cond3A_271 = arith.cmpi ne, %convert_element_type3A, %cond3A : i32
      scf.if %cond3A_271 {
        %add3A_329 = arith.constant 2 : i32
        %add3A_330 = arith.addi %add3A_223, %add3A_329 : i32
        %dma_start3A_331 = arith.constant 0 : i32
        %dma_start3A_332 = arith.constant 0 : i32
        %dma_start3A_333 = arith.constant 0 : i32
        %dma_start3A_334 = tpu.memref_slice %arg8[%dma_start3A_331, %dma_start3A_332, %dma_start3A_333] : memref<2x128x64xf32, #tpu.memory_space<vmem>> -> memref<1x128x64xf32, #tpu.memory_space<vmem>>
        %dma_start3A_335 = tpu.memref_squeeze %dma_start3A_334 : memref<1x128x64xf32, #tpu.memory_space<vmem>> -> memref<128x64xf32, #tpu.memory_space<vmem>>
        %dma_start3A_336 = arith.constant 0 : i32
        %dma_start3A_337 = tpu.memref_slice %arg6[%add3A_330, %dma_start3A_336] : memref<80x128xi32, #tpu.memory_space<vmem>> -> memref<1x128xi32, #tpu.memory_space<vmem>>
        %dma_start3A_338 = tpu.memref_squeeze %dma_start3A_337 : memref<1x128xi32, #tpu.memory_space<vmem>> -> memref<128xi32, #tpu.memory_space<vmem>>
        %dma_start3A_339 = arith.constant 0 : i32
        %dma_start3A_340 = tpu.memref_slice %arg2[%mul3A_15, %dma_start3A_339] : memref<40960x64xf32, #tpu.memory_space<hbm>> -> memref<10240x64xf32, #tpu.memory_space<hbm>>
        %dma_start3A_341 = arith.constant 0 : i32
        %dma_start3A_342 = arith.constant 0 : i32
        %dma_start3A_343 = tpu.memref_slice %dma_start3A_340[%dma_start3A_341, %dma_start3A_342] : memref<10240x64xf32, #tpu.memory_space<hbm>> -> memref<10240x64xf32, #tpu.memory_space<hbm>>
        tpu.enqueue_indirect_dma source(%dma_start3A_343 : memref<10240x64xf32, #tpu.memory_space<hbm>>) target(%dma_start3A_335 : memref<128x64xf32, #tpu.memory_space<vmem>>) offsets(%dma_start3A_338 : memref<128xi32, #tpu.memory_space<vmem>>) semaphore(%arg14 : memref<!tpu.dma_semaphore, #tpu.memory_space<semaphore_mem>>)
        %dma_start3A_344 = arith.constant 0 : i32
        %dma_start3A_345 = arith.constant 0 : i32
        %dma_start3A_346 = arith.constant 0 : i32
        %dma_start3A_347 = tpu.memref_slice %arg9[%dma_start3A_344, %dma_start3A_345, %dma_start3A_346] : memref<2x128x64xf32, #tpu.memory_space<vmem>> -> memref<1x128x64xf32, #tpu.memory_space<vmem>>
        %dma_start3A_348 = tpu.memref_squeeze %dma_start3A_347 : memref<1x128x64xf32, #tpu.memory_space<vmem>> -> memref<128x64xf32, #tpu.memory_space<vmem>>
        %dma_start3A_349 = arith.constant 0 : i32
        %dma_start3A_350 = tpu.memref_slice %arg7[%add3A_330, %dma_start3A_349] : memref<80x128xi32, #tpu.memory_space<vmem>> -> memref<1x128xi32, #tpu.memory_space<vmem>>
        %dma_start3A_351 = tpu.memref_squeeze %dma_start3A_350 : memref<1x128xi32, #tpu.memory_space<vmem>> -> memref<128xi32, #tpu.memory_space<vmem>>
        %dma_start3A_352 = arith.constant 0 : i32
        %dma_start3A_353 = tpu.memref_slice %arg2[%mul3A_18, %dma_start3A_352] : memref<40960x64xf32, #tpu.memory_space<hbm>> -> memref<10240x64xf32, #tpu.memory_space<hbm>>
        %dma_start3A_354 = arith.constant 0 : i32
        %dma_start3A_355 = arith.constant 0 : i32
        %dma_start3A_356 = tpu.memref_slice %dma_start3A_353[%dma_start3A_354, %dma_start3A_355] : memref<10240x64xf32, #tpu.memory_space<hbm>> -> memref<10240x64xf32, #tpu.memory_space<hbm>>
        tpu.enqueue_indirect_dma source(%dma_start3A_356 : memref<10240x64xf32, #tpu.memory_space<hbm>>) target(%dma_start3A_348 : memref<128x64xf32, #tpu.memory_space<vmem>>) offsets(%dma_start3A_351 : memref<128xi32, #tpu.memory_space<vmem>>) semaphore(%arg14 : memref<!tpu.dma_semaphore, #tpu.memory_space<semaphore_mem>>)
        %mul3A_357 = arith.constant 128 : i32
        %mul3A_358 = arith.muli %add3A_330, %mul3A_357 : i32
        %add3A_359 = arith.addi %add3A_26, %mul3A_358 : i32
        %dma_start3A_360 = arith.constant 0 : i32
        %dma_start3A_361 = arith.constant 0 : i32
        %dma_start3A_362 = arith.constant 0 : i32
        %dma_start3A_363 = tpu.memref_slice %arg10[%dma_start3A_360, %dma_start3A_361, %dma_start3A_362] : memref<2x128x64xf32, #tpu.memory_space<vmem>> -> memref<1x128x64xf32, #tpu.memory_space<vmem>>
        %dma_start3A_364 = tpu.memref_squeeze %dma_start3A_363 : memref<1x128x64xf32, #tpu.memory_space<vmem>> -> memref<128x64xf32, #tpu.memory_space<vmem>>
        %dma_start3A_365 = tpu.memref_slice %arg3[%add3A_359, %mul3A_20] : memref<327680x128xf32, #tpu.memory_space<hbm>> -> memref<128x64xf32, #tpu.memory_space<hbm>>
        %dma_start3A_366 = arith.constant 0 : i32
        %dma_start3A_367 = arith.constant 0 : i32
        %dma_start3A_368 = tpu.memref_slice %arg10[%dma_start3A_360, %dma_start3A_366, %dma_start3A_367] : memref<2x128x64xf32, #tpu.memory_space<vmem>> -> memref<1x128x64xf32, #tpu.memory_space<vmem>>
        %dma_start3A_369 = tpu.memref_squeeze %dma_start3A_368 : memref<1x128x64xf32, #tpu.memory_space<vmem>> -> memref<128x64xf32, #tpu.memory_space<vmem>>
        %dma_start3A_370 = tpu.memref_slice %arg3[%add3A_359, %mul3A_20] : memref<327680x128xf32, #tpu.memory_space<hbm>> -> memref<128x64xf32, #tpu.memory_space<hbm>>
        tpu.enqueue_dma source(%dma_start3A_370 : memref<128x64xf32, #tpu.memory_space<hbm>>) target(%dma_start3A_369 : memref<128x64xf32, #tpu.memory_space<vmem>>) target_semaphore(%arg14 : memref<!tpu.dma_semaphore, #tpu.memory_space<semaphore_mem>>)
      } else {
      }
      "tpu.region"() ({
        %run_scoped3A = tpu.sem_alloc : memref<!tpu.dma_semaphore, #tpu.memory_space<semaphore_mem>>
        %dma_start3A_329 = arith.constant 0 : i32
        %dma_start3A_330 = tpu.memref_slice %arg7[%add3A_223, %dma_start3A_329] : memref<80x128xi32, #tpu.memory_space<vmem>> -> memref<1x128xi32, #tpu.memory_space<vmem>>
        %dma_start3A_331 = tpu.memref_squeeze %dma_start3A_330 : memref<1x128xi32, #tpu.memory_space<vmem>> -> memref<128xi32, #tpu.memory_space<vmem>>
        %dma_start3A_332 = arith.constant 0 : i32
        %dma_start3A_333 = arith.constant 0 : i32
        %dma_start3A_334 = tpu.memref_slice %arg13[%dma_start3A_332, %dma_start3A_333] : memref<10240x64xf32, #tpu.memory_space<vmem_shared>> -> memref<10240x64xf32, #tpu.memory_space<vmem_shared>>
        tpu.enqueue_indirect_dma source(%arg11 : memref<128x64xf32, #tpu.memory_space<vmem>>) target(%dma_start3A_334 : memref<10240x64xf32, #tpu.memory_space<vmem_shared>>) offsets(%dma_start3A_331 : memref<128xi32, #tpu.memory_space<vmem>>) semaphore(%run_scoped3A : memref<!tpu.dma_semaphore, #tpu.memory_space<semaphore_mem>>) {add = true}
        %dma_wait3A_335 = arith.constant 0 : i32
        %dma_wait3A_336 = tpu.memref_slice %arg7[%add3A_223, %dma_wait3A_335] : memref<80x128xi32, #tpu.memory_space<vmem>> -> memref<1x128xi32, #tpu.memory_space<vmem>>
        %dma_wait3A_337 = tpu.memref_squeeze %dma_wait3A_336 : memref<1x128xi32, #tpu.memory_space<vmem>> -> memref<128xi32, #tpu.memory_space<vmem>>
        %dma_wait3A_338 = arith.constant 0 : i32
        %dma_wait3A_339 = arith.constant 0 : i32
        %dma_wait3A_340 = tpu.memref_slice %arg13[%dma_wait3A_338, %dma_wait3A_339] : memref<10240x64xf32, #tpu.memory_space<vmem_shared>> -> memref<10240x64xf32, #tpu.memory_space<vmem_shared>>
        tpu.wait_indirect_dma semaphore(%run_scoped3A : memref<!tpu.dma_semaphore, #tpu.memory_space<semaphore_mem>>) src(%arg11 : memref<128x64xf32, #tpu.memory_space<vmem>>) dst(%dma_wait3A_340 : memref<10240x64xf32, #tpu.memory_space<vmem_shared>>)
        tpu.yield
      }) : () -> ()
      %mul3A_272 = arith.constant 2 : i32
      %mul3A_273 = arith.muli %mul3A_272, %scan3A_218 : i32
      %add3A_274 = arith.constant 1 : i32
      %add3A_275 = arith.addi %mul3A_273, %add3A_274 : i32
      %dma_wait3A_276 = arith.constant 1 : i32
      %dma_wait3A_277 = arith.constant 0 : i32
      %dma_wait3A_278 = arith.constant 0 : i32
      %dma_wait3A_279 = tpu.memref_slice %arg8[%dma_wait3A_276, %dma_wait3A_277, %dma_wait3A_278] : memref<2x128x64xf32, #tpu.memory_space<vmem>> -> memref<1x128x64xf32, #tpu.memory_space<vmem>>
      %dma_wait3A_280 = tpu.memref_squeeze %dma_wait3A_279 : memref<1x128x64xf32, #tpu.memory_space<vmem>> -> memref<128x64xf32, #tpu.memory_space<vmem>>
      %dma_wait3A_281 = arith.constant 0 : i32
      %dma_wait3A_282 = tpu.memref_slice %arg6[%add3A_275, %dma_wait3A_281] : memref<80x128xi32, #tpu.memory_space<vmem>> -> memref<1x128xi32, #tpu.memory_space<vmem>>
      %dma_wait3A_283 = tpu.memref_squeeze %dma_wait3A_282 : memref<1x128xi32, #tpu.memory_space<vmem>> -> memref<128xi32, #tpu.memory_space<vmem>>
      %dma_wait3A_284 = arith.constant 0 : i32
      %dma_wait3A_285 = tpu.memref_slice %arg2[%mul3A_15, %dma_wait3A_284] : memref<40960x64xf32, #tpu.memory_space<hbm>> -> memref<10240x64xf32, #tpu.memory_space<hbm>>
      %dma_wait3A_286 = arith.constant 0 : i32
      %dma_wait3A_287 = arith.constant 0 : i32
      %dma_wait3A_288 = tpu.memref_slice %dma_wait3A_285[%dma_wait3A_286, %dma_wait3A_287] : memref<10240x64xf32, #tpu.memory_space<hbm>> -> memref<10240x64xf32, #tpu.memory_space<hbm>>
      tpu.wait_indirect_dma semaphore(%arg15 : memref<!tpu.dma_semaphore, #tpu.memory_space<semaphore_mem>>) src(%dma_wait3A_288 : memref<10240x64xf32, #tpu.memory_space<hbm>>) dst(%dma_wait3A_280 : memref<128x64xf32, #tpu.memory_space<vmem>>)
      %dma_wait3A_289 = arith.constant 1 : i32
      %dma_wait3A_290 = arith.constant 0 : i32
      %dma_wait3A_291 = arith.constant 0 : i32
      %dma_wait3A_292 = tpu.memref_slice %arg9[%dma_wait3A_289, %dma_wait3A_290, %dma_wait3A_291] : memref<2x128x64xf32, #tpu.memory_space<vmem>> -> memref<1x128x64xf32, #tpu.memory_space<vmem>>
      %dma_wait3A_293 = tpu.memref_squeeze %dma_wait3A_292 : memref<1x128x64xf32, #tpu.memory_space<vmem>> -> memref<128x64xf32, #tpu.memory_space<vmem>>
      %dma_wait3A_294 = arith.constant 0 : i32
      %dma_wait3A_295 = tpu.memref_slice %arg7[%add3A_275, %dma_wait3A_294] : memref<80x128xi32, #tpu.memory_space<vmem>> -> memref<1x128xi32, #tpu.memory_space<vmem>>
      %dma_wait3A_296 = tpu.memref_squeeze %dma_wait3A_295 : memref<1x128xi32, #tpu.memory_space<vmem>> -> memref<128xi32, #tpu.memory_space<vmem>>
      %dma_wait3A_297 = arith.constant 0 : i32
      %dma_wait3A_298 = tpu.memref_slice %arg2[%mul3A_18, %dma_wait3A_297] : memref<40960x64xf32, #tpu.memory_space<hbm>> -> memref<10240x64xf32, #tpu.memory_space<hbm>>
      %dma_wait3A_299 = arith.constant 0 : i32
      %dma_wait3A_300 = arith.constant 0 : i32
      %dma_wait3A_301 = tpu.memref_slice %dma_wait3A_298[%dma_wait3A_299, %dma_wait3A_300] : memref<10240x64xf32, #tpu.memory_space<hbm>> -> memref<10240x64xf32, #tpu.memory_space<hbm>>
      tpu.wait_indirect_dma semaphore(%arg15 : memref<!tpu.dma_semaphore, #tpu.memory_space<semaphore_mem>>) src(%dma_wait3A_301 : memref<10240x64xf32, #tpu.memory_space<hbm>>) dst(%dma_wait3A_293 : memref<128x64xf32, #tpu.memory_space<vmem>>)
      %mul3A_302 = arith.constant 128 : i32
      %mul3A_303 = arith.muli %add3A_275, %mul3A_302 : i32
      %add3A_304 = arith.addi %add3A_26, %mul3A_303 : i32
      %dma_wait3A_305 = arith.constant 1 : i32
      %dma_wait3A_306 = arith.constant 0 : i32
      %dma_wait3A_307 = arith.constant 0 : i32
      %dma_wait3A_308 = tpu.memref_slice %arg10[%dma_wait3A_305, %dma_wait3A_306, %dma_wait3A_307] : memref<2x128x64xf32, #tpu.memory_space<vmem>> -> memref<1x128x64xf32, #tpu.memory_space<vmem>>
      %dma_wait3A_309 = tpu.memref_squeeze %dma_wait3A_308 : memref<1x128x64xf32, #tpu.memory_space<vmem>> -> memref<128x64xf32, #tpu.memory_space<vmem>>
      %dma_wait3A_310 = tpu.memref_slice %arg3[%add3A_304, %mul3A_20] : memref<327680x128xf32, #tpu.memory_space<hbm>> -> memref<128x64xf32, #tpu.memory_space<hbm>>
      %dma_wait3A_311 = arith.constant 0 : i32
      %dma_wait3A_312 = arith.constant 0 : i32
      %dma_wait3A_313 = tpu.memref_slice %arg10[%dma_wait3A_305, %dma_wait3A_311, %dma_wait3A_312] : memref<2x128x64xf32, #tpu.memory_space<vmem>> -> memref<1x128x64xf32, #tpu.memory_space<vmem>>
      %dma_wait3A_314 = tpu.memref_squeeze %dma_wait3A_313 : memref<1x128x64xf32, #tpu.memory_space<vmem>> -> memref<128x64xf32, #tpu.memory_space<vmem>>
      %dma_wait3A_315 = tpu.memref_slice %arg3[%add3A_304, %mul3A_20] : memref<327680x128xf32, #tpu.memory_space<hbm>> -> memref<128x64xf32, #tpu.memory_space<hbm>>
      tpu.wait_dma2 semaphore(%arg15 : memref<!tpu.dma_semaphore, #tpu.memory_space<semaphore_mem>>) src(%dma_wait3A_315 : memref<128x64xf32, #tpu.memory_space<hbm>>) dst(%dma_wait3A_314 : memref<128x64xf32, #tpu.memory_space<vmem>>)
      %scan3A_316 = arith.constant 0 : i32
      %scan3A_317 = arith.constant 0 : i32
      %scan3A_318 = arith.constant 128 : i32
      %scan3A_319 = arith.addi %scan3A_317, %scan3A_318 : i32
      %scan3A_320 = arith.constant 1 : i32
      %scan3A_321 = scf.for %scan3A_329 = %scan3A_317 to %scan3A_319 step %scan3A_320 iter_args(%scan3A_330 = %scan3A_316) -> (i32)  : i32 {
        %get3A = arith.constant 1 : i32
        %get3A_331 = arith.index_cast %get3A : i32 to index
        %get3A_332 = arith.index_cast %scan3A_329 : i32 to index
        %get3A_333 = arith.constant 0 : index
        %get3A_334 = tpu.vector_load %arg8[%get3A_331, %get3A_332, %get3A_333] {strides = array<i32>} : memref<2x128x64xf32, #tpu.memory_space<vmem>>, vector<1x1x16xf32>,
        %get3A_335 = vector.shape_cast %get3A_334 : vector<1x1x16xf32> to vector<16xf32>
        %get3A_336 = arith.constant 1 : i32
        %get3A_337 = arith.index_cast %get3A_336 : i32 to index
        %get3A_338 = arith.index_cast %scan3A_329 : i32 to index
        %get3A_339 = arith.constant 0 : index
        %get3A_340 = tpu.vector_load %arg9[%get3A_337, %get3A_338, %get3A_339] {strides = array<i32>} : memref<2x128x64xf32, #tpu.memory_space<vmem>>, vector<1x1x16xf32>,
        %get3A_341 = vector.shape_cast %get3A_340 : vector<1x1x16xf32> to vector<16xf32>
        %add3A_342 = arith.addf %get3A_335, %get3A_341 : vector<16xf32>
        %get3A_343 = arith.constant 1 : i32
        %get3A_344 = arith.index_cast %get3A_343 : i32 to index
        %get3A_345 = arith.index_cast %scan3A_329 : i32 to index
        %get3A_346 = arith.constant 0 : index
        %get3A_347 = tpu.vector_load %arg10[%get3A_344, %get3A_345, %get3A_346] {strides = array<i32>} : memref<2x128x64xf32, #tpu.memory_space<vmem>>, vector<1x1x16xf32>,
        %get3A_348 = vector.shape_cast %get3A_347 : vector<1x1x16xf32> to vector<16xf32>
        %add3A_349 = arith.addf %add3A_342, %get3A_348 : vector<16xf32>
        %max3A = arith.constant 0.000000e+00 : f32
        %max3A_350 = vector.broadcast %max3A : f32 to vector<16xf32>
        %max3A_351 = arith.maximumf %add3A_349, %max3A_350 : vector<16xf32>
        %swap3A = arith.index_cast %scan3A_329 : i32 to index
        %swap3A_352 = arith.constant 0 : index
        %swap3A_353 = tpu.vector_load %arg11[%swap3A, %swap3A_352] {strides = array<i32>} : memref<128x64xf32, #tpu.memory_space<vmem>>, vector<1x16xf32>,
        %swap3A_354 = vector.shape_cast %swap3A_353 : vector<1x16xf32> to vector<16xf32>
        %swap3A_355 = vector.shape_cast %max3A_351 : vector<16xf32> to vector<1x16xf32>
        tpu.vector_store %arg11[%swap3A, %swap3A_352], %swap3A_355 {strides = array<i32>} : memref<128x64xf32, #tpu.memory_space<vmem>>, vector<1x16xf32>,
        %get3A_356 = arith.constant 1 : i32
        %get3A_357 = arith.index_cast %get3A_356 : i32 to index
        %get3A_358 = arith.index_cast %scan3A_329 : i32 to index
        %get3A_359 = arith.constant 16 : index
        %get3A_360 = tpu.vector_load %arg8[%get3A_357, %get3A_358, %get3A_359] {strides = array<i32>} : memref<2x128x64xf32, #tpu.memory_space<vmem>>, vector<1x1x16xf32>,
        %get3A_361 = vector.shape_cast %get3A_360 : vector<1x1x16xf32> to vector<16xf32>
        %get3A_362 = arith.constant 1 : i32
        %get3A_363 = arith.index_cast %get3A_362 : i32 to index
        %get3A_364 = arith.index_cast %scan3A_329 : i32 to index
        %get3A_365 = arith.constant 16 : index
        %get3A_366 = tpu.vector_load %arg9[%get3A_363, %get3A_364, %get3A_365] {strides = array<i32>} : memref<2x128x64xf32, #tpu.memory_space<vmem>>, vector<1x1x16xf32>,
        %get3A_367 = vector.shape_cast %get3A_366 : vector<1x1x16xf32> to vector<16xf32>
        %add3A_368 = arith.addf %get3A_361, %get3A_367 : vector<16xf32>
        %get3A_369 = arith.constant 1 : i32
        %get3A_370 = arith.index_cast %get3A_369 : i32 to index
        %get3A_371 = arith.index_cast %scan3A_329 : i32 to index
        %get3A_372 = arith.constant 16 : index
        %get3A_373 = tpu.vector_load %arg10[%get3A_370, %get3A_371, %get3A_372] {strides = array<i32>} : memref<2x128x64xf32, #tpu.memory_space<vmem>>, vector<1x1x16xf32>,
        %get3A_374 = vector.shape_cast %get3A_373 : vector<1x1x16xf32> to vector<16xf32>
        %add3A_375 = arith.addf %add3A_368, %get3A_374 : vector<16xf32>
        %max3A_376 = arith.constant 0.000000e+00 : f32
        %max3A_377 = vector.broadcast %max3A_376 : f32 to vector<16xf32>
        %max3A_378 = arith.maximumf %add3A_375, %max3A_377 : vector<16xf32>
        %swap3A_379 = arith.index_cast %scan3A_329 : i32 to index
        %swap3A_380 = arith.constant 16 : index
        %swap3A_381 = tpu.vector_load %arg11[%swap3A_379, %swap3A_380] {strides = array<i32>} : memref<128x64xf32, #tpu.memory_space<vmem>>, vector<1x16xf32>,
        %swap3A_382 = vector.shape_cast %swap3A_381 : vector<1x16xf32> to vector<16xf32>
        %swap3A_383 = vector.shape_cast %max3A_378 : vector<16xf32> to vector<1x16xf32>
        tpu.vector_store %arg11[%swap3A_379, %swap3A_380], %swap3A_383 {strides = array<i32>} : memref<128x64xf32, #tpu.memory_space<vmem>>, vector<1x16xf32>,
        %get3A_384 = arith.constant 1 : i32
        %get3A_385 = arith.index_cast %get3A_384 : i32 to index
        %get3A_386 = arith.index_cast %scan3A_329 : i32 to index
        %get3A_387 = arith.constant 32 : index
        %get3A_388 = tpu.vector_load %arg8[%get3A_385, %get3A_386, %get3A_387] {strides = array<i32>} : memref<2x128x64xf32, #tpu.memory_space<vmem>>, vector<1x1x16xf32>,
        %get3A_389 = vector.shape_cast %get3A_388 : vector<1x1x16xf32> to vector<16xf32>
        %get3A_390 = arith.constant 1 : i32
        %get3A_391 = arith.index_cast %get3A_390 : i32 to index
        %get3A_392 = arith.index_cast %scan3A_329 : i32 to index
        %get3A_393 = arith.constant 32 : index
        %get3A_394 = tpu.vector_load %arg9[%get3A_391, %get3A_392, %get3A_393] {strides = array<i32>} : memref<2x128x64xf32, #tpu.memory_space<vmem>>, vector<1x1x16xf32>,
        %get3A_395 = vector.shape_cast %get3A_394 : vector<1x1x16xf32> to vector<16xf32>
        %add3A_396 = arith.addf %get3A_389, %get3A_395 : vector<16xf32>
        %get3A_397 = arith.constant 1 : i32
        %get3A_398 = arith.index_cast %get3A_397 : i32 to index
        %get3A_399 = arith.index_cast %scan3A_329 : i32 to index
        %get3A_400 = arith.constant 32 : index
        %get3A_401 = tpu.vector_load %arg10[%get3A_398, %get3A_399, %get3A_400] {strides = array<i32>} : memref<2x128x64xf32, #tpu.memory_space<vmem>>, vector<1x1x16xf32>,
        %get3A_402 = vector.shape_cast %get3A_401 : vector<1x1x16xf32> to vector<16xf32>
        %add3A_403 = arith.addf %add3A_396, %get3A_402 : vector<16xf32>
        %max3A_404 = arith.constant 0.000000e+00 : f32
        %max3A_405 = vector.broadcast %max3A_404 : f32 to vector<16xf32>
        %max3A_406 = arith.maximumf %add3A_403, %max3A_405 : vector<16xf32>
        %swap3A_407 = arith.index_cast %scan3A_329 : i32 to index
        %swap3A_408 = arith.constant 32 : index
        %swap3A_409 = tpu.vector_load %arg11[%swap3A_407, %swap3A_408] {strides = array<i32>} : memref<128x64xf32, #tpu.memory_space<vmem>>, vector<1x16xf32>,
        %swap3A_410 = vector.shape_cast %swap3A_409 : vector<1x16xf32> to vector<16xf32>
        %swap3A_411 = vector.shape_cast %max3A_406 : vector<16xf32> to vector<1x16xf32>
        tpu.vector_store %arg11[%swap3A_407, %swap3A_408], %swap3A_411 {strides = array<i32>} : memref<128x64xf32, #tpu.memory_space<vmem>>, vector<1x16xf32>,
        %get3A_412 = arith.constant 1 : i32
        %get3A_413 = arith.index_cast %get3A_412 : i32 to index
        %get3A_414 = arith.index_cast %scan3A_329 : i32 to index
        %get3A_415 = arith.constant 48 : index
        %get3A_416 = tpu.vector_load %arg8[%get3A_413, %get3A_414, %get3A_415] {strides = array<i32>} : memref<2x128x64xf32, #tpu.memory_space<vmem>>, vector<1x1x16xf32>,
        %get3A_417 = vector.shape_cast %get3A_416 : vector<1x1x16xf32> to vector<16xf32>
        %get3A_418 = arith.constant 1 : i32
        %get3A_419 = arith.index_cast %get3A_418 : i32 to index
        %get3A_420 = arith.index_cast %scan3A_329 : i32 to index
        %get3A_421 = arith.constant 48 : index
        %get3A_422 = tpu.vector_load %arg9[%get3A_419, %get3A_420, %get3A_421] {strides = array<i32>} : memref<2x128x64xf32, #tpu.memory_space<vmem>>, vector<1x1x16xf32>,
        %get3A_423 = vector.shape_cast %get3A_422 : vector<1x1x16xf32> to vector<16xf32>
        %add3A_424 = arith.addf %get3A_417, %get3A_423 : vector<16xf32>
        %get3A_425 = arith.constant 1 : i32
        %get3A_426 = arith.index_cast %get3A_425 : i32 to index
        %get3A_427 = arith.index_cast %scan3A_329 : i32 to index
        %get3A_428 = arith.constant 48 : index
        %get3A_429 = tpu.vector_load %arg10[%get3A_426, %get3A_427, %get3A_428] {strides = array<i32>} : memref<2x128x64xf32, #tpu.memory_space<vmem>>, vector<1x1x16xf32>,
        %get3A_430 = vector.shape_cast %get3A_429 : vector<1x1x16xf32> to vector<16xf32>
        %add3A_431 = arith.addf %add3A_424, %get3A_430 : vector<16xf32>
        %max3A_432 = arith.constant 0.000000e+00 : f32
        %max3A_433 = vector.broadcast %max3A_432 : f32 to vector<16xf32>
        %max3A_434 = arith.maximumf %add3A_431, %max3A_433 : vector<16xf32>
        %swap3A_435 = arith.index_cast %scan3A_329 : i32 to index
        %swap3A_436 = arith.constant 48 : index
        %swap3A_437 = tpu.vector_load %arg11[%swap3A_435, %swap3A_436] {strides = array<i32>} : memref<128x64xf32, #tpu.memory_space<vmem>>, vector<1x16xf32>,
        %swap3A_438 = vector.shape_cast %swap3A_437 : vector<1x16xf32> to vector<16xf32>
        %swap3A_439 = vector.shape_cast %max3A_434 : vector<16xf32> to vector<1x16xf32>
        tpu.vector_store %arg11[%swap3A_435, %swap3A_436], %swap3A_439 {strides = array<i32>} : memref<128x64xf32, #tpu.memory_space<vmem>>, vector<1x16xf32>,
        %scan3A_440 = arith.constant 0 : i32
        scf.yield %scan3A_440 : i32
      }
      %scan3A_322 = arith.constant 128 : i32
      %lt3A_323 = arith.constant 39 : i32
      %lt3A_324 = arith.cmpi slt, %scan3A_218, %lt3A_323 : i32
      %convert_element_type3A_325 = arith.extui %lt3A_324 : i1 to i32
      %cond3A_326 = arith.constant 0 : i32
      %cond3A_327 = arith.cmpi ne, %convert_element_type3A_325, %cond3A_326 : i32
      scf.if %cond3A_327 {
        %add3A_329 = arith.constant 2 : i32
        %add3A_330 = arith.addi %add3A_275, %add3A_329 : i32
        %dma_start3A_331 = arith.constant 1 : i32
        %dma_start3A_332 = arith.constant 0 : i32
        %dma_start3A_333 = arith.constant 0 : i32
        %dma_start3A_334 = tpu.memref_slice %arg8[%dma_start3A_331, %dma_start3A_332, %dma_start3A_333] : memref<2x128x64xf32, #tpu.memory_space<vmem>> -> memref<1x128x64xf32, #tpu.memory_space<vmem>>
        %dma_start3A_335 = tpu.memref_squeeze %dma_start3A_334 : memref<1x128x64xf32, #tpu.memory_space<vmem>> -> memref<128x64xf32, #tpu.memory_space<vmem>>
        %dma_start3A_336 = arith.constant 0 : i32
        %dma_start3A_337 = tpu.memref_slice %arg6[%add3A_330, %dma_start3A_336] : memref<80x128xi32, #tpu.memory_space<vmem>> -> memref<1x128xi32, #tpu.memory_space<vmem>>
        %dma_start3A_338 = tpu.memref_squeeze %dma_start3A_337 : memref<1x128xi32, #tpu.memory_space<vmem>> -> memref<128xi32, #tpu.memory_space<vmem>>
        %dma_start3A_339 = arith.constant 0 : i32
        %dma_start3A_340 = tpu.memref_slice %arg2[%mul3A_15, %dma_start3A_339] : memref<40960x64xf32, #tpu.memory_space<hbm>> -> memref<10240x64xf32, #tpu.memory_space<hbm>>
        %dma_start3A_341 = arith.constant 0 : i32
        %dma_start3A_342 = arith.constant 0 : i32
        %dma_start3A_343 = tpu.memref_slice %dma_start3A_340[%dma_start3A_341, %dma_start3A_342] : memref<10240x64xf32, #tpu.memory_space<hbm>> -> memref<10240x64xf32, #tpu.memory_space<hbm>>
        tpu.enqueue_indirect_dma source(%dma_start3A_343 : memref<10240x64xf32, #tpu.memory_space<hbm>>) target(%dma_start3A_335 : memref<128x64xf32, #tpu.memory_space<vmem>>) offsets(%dma_start3A_338 : memref<128xi32, #tpu.memory_space<vmem>>) semaphore(%arg15 : memref<!tpu.dma_semaphore, #tpu.memory_space<semaphore_mem>>)
        %dma_start3A_344 = arith.constant 1 : i32
        %dma_start3A_345 = arith.constant 0 : i32
        %dma_start3A_346 = arith.constant 0 : i32
        %dma_start3A_347 = tpu.memref_slice %arg9[%dma_start3A_344, %dma_start3A_345, %dma_start3A_346] : memref<2x128x64xf32, #tpu.memory_space<vmem>> -> memref<1x128x64xf32, #tpu.memory_space<vmem>>
        %dma_start3A_348 = tpu.memref_squeeze %dma_start3A_347 : memref<1x128x64xf32, #tpu.memory_space<vmem>> -> memref<128x64xf32, #tpu.memory_space<vmem>>
        %dma_start3A_349 = arith.constant 0 : i32
        %dma_start3A_350 = tpu.memref_slice %arg7[%add3A_330, %dma_start3A_349] : memref<80x128xi32, #tpu.memory_space<vmem>> -> memref<1x128xi32, #tpu.memory_space<vmem>>
        %dma_start3A_351 = tpu.memref_squeeze %dma_start3A_350 : memref<1x128xi32, #tpu.memory_space<vmem>> -> memref<128xi32, #tpu.memory_space<vmem>>
        %dma_start3A_352 = arith.constant 0 : i32
        %dma_start3A_353 = tpu.memref_slice %arg2[%mul3A_18, %dma_start3A_352] : memref<40960x64xf32, #tpu.memory_space<hbm>> -> memref<10240x64xf32, #tpu.memory_space<hbm>>
        %dma_start3A_354 = arith.constant 0 : i32
        %dma_start3A_355 = arith.constant 0 : i32
        %dma_start3A_356 = tpu.memref_slice %dma_start3A_353[%dma_start3A_354, %dma_start3A_355] : memref<10240x64xf32, #tpu.memory_space<hbm>> -> memref<10240x64xf32, #tpu.memory_space<hbm>>
        tpu.enqueue_indirect_dma source(%dma_start3A_356 : memref<10240x64xf32, #tpu.memory_space<hbm>>) target(%dma_start3A_348 : memref<128x64xf32, #tpu.memory_space<vmem>>) offsets(%dma_start3A_351 : memref<128xi32, #tpu.memory_space<vmem>>) semaphore(%arg15 : memref<!tpu.dma_semaphore, #tpu.memory_space<semaphore_mem>>)
        %mul3A_357 = arith.constant 128 : i32
        %mul3A_358 = arith.muli %add3A_330, %mul3A_357 : i32
        %add3A_359 = arith.addi %add3A_26, %mul3A_358 : i32
        %dma_start3A_360 = arith.constant 1 : i32
        %dma_start3A_361 = arith.constant 0 : i32
        %dma_start3A_362 = arith.constant 0 : i32
        %dma_start3A_363 = tpu.memref_slice %arg10[%dma_start3A_360, %dma_start3A_361, %dma_start3A_362] : memref<2x128x64xf32, #tpu.memory_space<vmem>> -> memref<1x128x64xf32, #tpu.memory_space<vmem>>
        %dma_start3A_364 = tpu.memref_squeeze %dma_start3A_363 : memref<1x128x64xf32, #tpu.memory_space<vmem>> -> memref<128x64xf32, #tpu.memory_space<vmem>>
        %dma_start3A_365 = tpu.memref_slice %arg3[%add3A_359, %mul3A_20] : memref<327680x128xf32, #tpu.memory_space<hbm>> -> memref<128x64xf32, #tpu.memory_space<hbm>>
        %dma_start3A_366 = arith.constant 0 : i32
        %dma_start3A_367 = arith.constant 0 : i32
        %dma_start3A_368 = tpu.memref_slice %arg10[%dma_start3A_360, %dma_start3A_366, %dma_start3A_367] : memref<2x128x64xf32, #tpu.memory_space<vmem>> -> memref<1x128x64xf32, #tpu.memory_space<vmem>>
        %dma_start3A_369 = tpu.memref_squeeze %dma_start3A_368 : memref<1x128x64xf32, #tpu.memory_space<vmem>> -> memref<128x64xf32, #tpu.memory_space<vmem>>
        %dma_start3A_370 = tpu.memref_slice %arg3[%add3A_359, %mul3A_20] : memref<327680x128xf32, #tpu.memory_space<hbm>> -> memref<128x64xf32, #tpu.memory_space<hbm>>
        tpu.enqueue_dma source(%dma_start3A_370 : memref<128x64xf32, #tpu.memory_space<hbm>>) target(%dma_start3A_369 : memref<128x64xf32, #tpu.memory_space<vmem>>) target_semaphore(%arg15 : memref<!tpu.dma_semaphore, #tpu.memory_space<semaphore_mem>>)
      } else {
      }
      "tpu.region"() ({
        %run_scoped3A = tpu.sem_alloc : memref<!tpu.dma_semaphore, #tpu.memory_space<semaphore_mem>>
        %dma_start3A_329 = arith.constant 0 : i32
        %dma_start3A_330 = tpu.memref_slice %arg7[%add3A_275, %dma_start3A_329] : memref<80x128xi32, #tpu.memory_space<vmem>> -> memref<1x128xi32, #tpu.memory_space<vmem>>
        %dma_start3A_331 = tpu.memref_squeeze %dma_start3A_330 : memref<1x128xi32, #tpu.memory_space<vmem>> -> memref<128xi32, #tpu.memory_space<vmem>>
        %dma_start3A_332 = arith.constant 0 : i32
        %dma_start3A_333 = arith.constant 0 : i32
        %dma_start3A_334 = tpu.memref_slice %arg13[%dma_start3A_332, %dma_start3A_333] : memref<10240x64xf32, #tpu.memory_space<vmem_shared>> -> memref<10240x64xf32, #tpu.memory_space<vmem_shared>>
        tpu.enqueue_indirect_dma source(%arg11 : memref<128x64xf32, #tpu.memory_space<vmem>>) target(%dma_start3A_334 : memref<10240x64xf32, #tpu.memory_space<vmem_shared>>) offsets(%dma_start3A_331 : memref<128xi32, #tpu.memory_space<vmem>>) semaphore(%run_scoped3A : memref<!tpu.dma_semaphore, #tpu.memory_space<semaphore_mem>>) {add = true}
        %dma_wait3A_335 = arith.constant 0 : i32
        %dma_wait3A_336 = tpu.memref_slice %arg7[%add3A_275, %dma_wait3A_335] : memref<80x128xi32, #tpu.memory_space<vmem>> -> memref<1x128xi32, #tpu.memory_space<vmem>>
        %dma_wait3A_337 = tpu.memref_squeeze %dma_wait3A_336 : memref<1x128xi32, #tpu.memory_space<vmem>> -> memref<128xi32, #tpu.memory_space<vmem>>
        %dma_wait3A_338 = arith.constant 0 : i32
        %dma_wait3A_339 = arith.constant 0 : i32
        %dma_wait3A_340 = tpu.memref_slice %arg13[%dma_wait3A_338, %dma_wait3A_339] : memref<10240x64xf32, #tpu.memory_space<vmem_shared>> -> memref<10240x64xf32, #tpu.memory_space<vmem_shared>>
        tpu.wait_indirect_dma semaphore(%run_scoped3A : memref<!tpu.dma_semaphore, #tpu.memory_space<semaphore_mem>>) src(%arg11 : memref<128x64xf32, #tpu.memory_space<vmem>>) dst(%dma_wait3A_340 : memref<10240x64xf32, #tpu.memory_space<vmem_shared>>)
        tpu.yield
      }) : () -> ()
      %scan3A_328 = arith.constant 0 : i32
      scf.yield %scan3A_328 : i32
    }
    %scan3A_114 = arith.constant 40 : i32
    "tpu.region"() ({
      %run_scoped3A = tpu.sem_alloc : memref<!tpu.dma_semaphore, #tpu.memory_space<semaphore_mem>>
      %dma_start3A_218 = arith.constant 0 : i32
      %dma_start3A_219 = arith.constant 0 : i32
      %dma_start3A_220 = tpu.memref_slice %arg4[%arg1, %dma_start3A_218, %dma_start3A_219] : memref<32x160x128xi32, #tpu.memory_space<hbm>> -> memref<1x160x128xi32, #tpu.memory_space<hbm>>
      %dma_start3A_221 = tpu.memref_squeeze %dma_start3A_220 : memref<1x160x128xi32, #tpu.memory_space<hbm>> -> memref<160x128xi32, #tpu.memory_space<hbm>>
      %dma_start3A_222 = arith.constant 80 : i32
      %dma_start3A_223 = arith.constant 0 : i32
      %dma_start3A_224 = tpu.memref_slice %dma_start3A_221[%dma_start3A_222, %dma_start3A_223] : memref<160x128xi32, #tpu.memory_space<hbm>> -> memref<80x128xi32, #tpu.memory_space<hbm>>
      %dma_start3A_225 = arith.constant 0 : i32
      %dma_start3A_226 = arith.constant 0 : i32
      %dma_start3A_227 = tpu.memref_slice %arg4[%arg1, %dma_start3A_225, %dma_start3A_226] : memref<32x160x128xi32, #tpu.memory_space<hbm>> -> memref<1x160x128xi32, #tpu.memory_space<hbm>>
      %dma_start3A_228 = tpu.memref_squeeze %dma_start3A_227 : memref<1x160x128xi32, #tpu.memory_space<hbm>> -> memref<160x128xi32, #tpu.memory_space<hbm>>
      %dma_start3A_229 = arith.constant 80 : i32
      %dma_start3A_230 = arith.constant 0 : i32
      %dma_start3A_231 = tpu.memref_slice %dma_start3A_228[%dma_start3A_229, %dma_start3A_230] : memref<160x128xi32, #tpu.memory_space<hbm>> -> memref<80x128xi32, #tpu.memory_space<hbm>>
      tpu.enqueue_dma source(%dma_start3A_231 : memref<80x128xi32, #tpu.memory_space<hbm>>) target(%arg6 : memref<80x128xi32, #tpu.memory_space<vmem>>) target_semaphore(%run_scoped3A : memref<!tpu.dma_semaphore, #tpu.memory_space<semaphore_mem>>)
      %dma_wait3A = arith.constant 0 : i32
      %dma_wait3A_232 = arith.constant 0 : i32
      %dma_wait3A_233 = tpu.memref_slice %arg4[%arg1, %dma_wait3A, %dma_wait3A_232] : memref<32x160x128xi32, #tpu.memory_space<hbm>> -> memref<1x160x128xi32, #tpu.memory_space<hbm>>
      %dma_wait3A_234 = tpu.memref_squeeze %dma_wait3A_233 : memref<1x160x128xi32, #tpu.memory_space<hbm>> -> memref<160x128xi32, #tpu.memory_space<hbm>>
      %dma_wait3A_235 = arith.constant 80 : i32
      %dma_wait3A_236 = arith.constant 0 : i32
      %dma_wait3A_237 = tpu.memref_slice %dma_wait3A_234[%dma_wait3A_235, %dma_wait3A_236] : memref<160x128xi32, #tpu.memory_space<hbm>> -> memref<80x128xi32, #tpu.memory_space<hbm>>
      %dma_wait3A_238 = arith.constant 0 : i32
      %dma_wait3A_239 = arith.constant 0 : i32
      %dma_wait3A_240 = tpu.memref_slice %arg4[%arg1, %dma_wait3A_238, %dma_wait3A_239] : memref<32x160x128xi32, #tpu.memory_space<hbm>> -> memref<1x160x128xi32, #tpu.memory_space<hbm>>
      %dma_wait3A_241 = tpu.memref_squeeze %dma_wait3A_240 : memref<1x160x128xi32, #tpu.memory_space<hbm>> -> memref<160x128xi32, #tpu.memory_space<hbm>>
      %dma_wait3A_242 = arith.constant 80 : i32
      %dma_wait3A_243 = arith.constant 0 : i32
      %dma_wait3A_244 = tpu.memref_slice %dma_wait3A_241[%dma_wait3A_242, %dma_wait3A_243] : memref<160x128xi32, #tpu.memory_space<hbm>> -> memref<80x128xi32, #tpu.memory_space<hbm>>
      tpu.wait_dma2 semaphore(%run_scoped3A : memref<!tpu.dma_semaphore, #tpu.memory_space<semaphore_mem>>) src(%dma_wait3A_244 : memref<80x128xi32, #tpu.memory_space<hbm>>) dst(%arg6 : memref<80x128xi32, #tpu.memory_space<vmem>>)
      tpu.yield
    }) : () -> ()
    %add3A_115 = arith.constant 16 : i32
    %add3A_116 = arith.addi %add3A_115, %arg1 : i32
    "tpu.region"() ({
      %run_scoped3A = tpu.sem_alloc : memref<!tpu.dma_semaphore, #tpu.memory_space<semaphore_mem>>
      %dma_start3A_218 = arith.constant 0 : i32
      %dma_start3A_219 = arith.constant 0 : i32
      %dma_start3A_220 = tpu.memref_slice %arg4[%add3A_116, %dma_start3A_218, %dma_start3A_219] : memref<32x160x128xi32, #tpu.memory_space<hbm>> -> memref<1x160x128xi32, #tpu.memory_space<hbm>>
      %dma_start3A_221 = tpu.memref_squeeze %dma_start3A_220 : memref<1x160x128xi32, #tpu.memory_space<hbm>> -> memref<160x128xi32, #tpu.memory_space<hbm>>
      %dma_start3A_222 = arith.constant 80 : i32
      %dma_start3A_223 = arith.constant 0 : i32
      %dma_start3A_224 = tpu.memref_slice %dma_start3A_221[%dma_start3A_222, %dma_start3A_223] : memref<160x128xi32, #tpu.memory_space<hbm>> -> memref<80x128xi32, #tpu.memory_space<hbm>>
      %dma_start3A_225 = arith.constant 0 : i32
      %dma_start3A_226 = arith.constant 0 : i32
      %dma_start3A_227 = tpu.memref_slice %arg4[%add3A_116, %dma_start3A_225, %dma_start3A_226] : memref<32x160x128xi32, #tpu.memory_space<hbm>> -> memref<1x160x128xi32, #tpu.memory_space<hbm>>
      %dma_start3A_228 = tpu.memref_squeeze %dma_start3A_227 : memref<1x160x128xi32, #tpu.memory_space<hbm>> -> memref<160x128xi32, #tpu.memory_space<hbm>>
      %dma_start3A_229 = arith.constant 80 : i32
      %dma_start3A_230 = arith.constant 0 : i32
      %dma_start3A_231 = tpu.memref_slice %dma_start3A_228[%dma_start3A_229, %dma_start3A_230] : memref<160x128xi32, #tpu.memory_space<hbm>> -> memref<80x128xi32, #tpu.memory_space<hbm>>
      tpu.enqueue_dma source(%dma_start3A_231 : memref<80x128xi32, #tpu.memory_space<hbm>>) target(%arg7 : memref<80x128xi32, #tpu.memory_space<vmem>>) target_semaphore(%run_scoped3A : memref<!tpu.dma_semaphore, #tpu.memory_space<semaphore_mem>>)
      %dma_wait3A = arith.constant 0 : i32
      %dma_wait3A_232 = arith.constant 0 : i32
      %dma_wait3A_233 = tpu.memref_slice %arg4[%add3A_116, %dma_wait3A, %dma_wait3A_232] : memref<32x160x128xi32, #tpu.memory_space<hbm>> -> memref<1x160x128xi32, #tpu.memory_space<hbm>>
      %dma_wait3A_234 = tpu.memref_squeeze %dma_wait3A_233 : memref<1x160x128xi32, #tpu.memory_space<hbm>> -> memref<160x128xi32, #tpu.memory_space<hbm>>
      %dma_wait3A_235 = arith.constant 80 : i32
      %dma_wait3A_236 = arith.constant 0 : i32
      %dma_wait3A_237 = tpu.memref_slice %dma_wait3A_234[%dma_wait3A_235, %dma_wait3A_236] : memref<160x128xi32, #tpu.memory_space<hbm>> -> memref<80x128xi32, #tpu.memory_space<hbm>>
      %dma_wait3A_238 = arith.constant 0 : i32
      %dma_wait3A_239 = arith.constant 0 : i32
      %dma_wait3A_240 = tpu.memref_slice %arg4[%add3A_116, %dma_wait3A_238, %dma_wait3A_239] : memref<32x160x128xi32, #tpu.memory_space<hbm>> -> memref<1x160x128xi32, #tpu.memory_space<hbm>>
      %dma_wait3A_241 = tpu.memref_squeeze %dma_wait3A_240 : memref<1x160x128xi32, #tpu.memory_space<hbm>> -> memref<160x128xi32, #tpu.memory_space<hbm>>
      %dma_wait3A_242 = arith.constant 80 : i32
      %dma_wait3A_243 = arith.constant 0 : i32
      %dma_wait3A_244 = tpu.memref_slice %dma_wait3A_241[%dma_wait3A_242, %dma_wait3A_243] : memref<160x128xi32, #tpu.memory_space<hbm>> -> memref<80x128xi32, #tpu.memory_space<hbm>>
      tpu.wait_dma2 semaphore(%run_scoped3A : memref<!tpu.dma_semaphore, #tpu.memory_space<semaphore_mem>>) src(%dma_wait3A_244 : memref<80x128xi32, #tpu.memory_space<hbm>>) dst(%arg7 : memref<80x128xi32, #tpu.memory_space<vmem>>)
      tpu.yield
    }) : () -> ()
    %mul3A_117 = arith.constant 20480 : i32
    %mul3A_118 = arith.muli %arg1, %mul3A_117 : i32
    %add3A_119 = arith.constant 10240 : i32
    %add3A_120 = arith.addi %mul3A_118, %add3A_119 : i32
    %dma_start3A_121 = arith.constant 0 : i32
    %dma_start3A_122 = arith.constant 0 : i32
    %dma_start3A_123 = arith.constant 0 : i32
    %dma_start3A_124 = arith.constant 0 : i32
    %dma_start3A_125 = tpu.memref_slice %arg8[%dma_start3A_122, %dma_start3A_123, %dma_start3A_124] : memref<2x128x64xf32, #tpu.memory_space<vmem>> -> memref<1x128x64xf32, #tpu.memory_space<vmem>>
    %dma_start3A_126 = tpu.memref_squeeze %dma_start3A_125 : memref<1x128x64xf32, #tpu.memory_space<vmem>> -> memref<128x64xf32, #tpu.memory_space<vmem>>
    %dma_start3A_127 = arith.constant 0 : i32
    %dma_start3A_128 = tpu.memref_slice %arg6[%dma_start3A_121, %dma_start3A_127] : memref<80x128xi32, #tpu.memory_space<vmem>> -> memref<1x128xi32, #tpu.memory_space<vmem>>
    %dma_start3A_129 = tpu.memref_squeeze %dma_start3A_128 : memref<1x128xi32, #tpu.memory_space<vmem>> -> memref<128xi32, #tpu.memory_space<vmem>>
    %dma_start3A_130 = arith.constant 0 : i32
    %dma_start3A_131 = tpu.memref_slice %arg2[%mul3A_15, %dma_start3A_130] : memref<40960x64xf32, #tpu.memory_space<hbm>> -> memref<10240x64xf32, #tpu.memory_space<hbm>>
    %dma_start3A_132 = arith.constant 0 : i32
    %dma_start3A_133 = arith.constant 0 : i32
    %dma_start3A_134 = tpu.memref_slice %dma_start3A_131[%dma_start3A_132, %dma_start3A_133] : memref<10240x64xf32, #tpu.memory_space<hbm>> -> memref<10240x64xf32, #tpu.memory_space<hbm>>
    tpu.enqueue_indirect_dma source(%dma_start3A_134 : memref<10240x64xf32, #tpu.memory_space<hbm>>) target(%dma_start3A_126 : memref<128x64xf32, #tpu.memory_space<vmem>>) offsets(%dma_start3A_129 : memref<128xi32, #tpu.memory_space<vmem>>) semaphore(%arg14 : memref<!tpu.dma_semaphore, #tpu.memory_space<semaphore_mem>>)
    %dma_start3A_135 = arith.constant 0 : i32
    %dma_start3A_136 = arith.constant 0 : i32
    %dma_start3A_137 = arith.constant 0 : i32
    %dma_start3A_138 = arith.constant 0 : i32
    %dma_start3A_139 = tpu.memref_slice %arg9[%dma_start3A_136, %dma_start3A_137, %dma_start3A_138] : memref<2x128x64xf32, #tpu.memory_space<vmem>> -> memref<1x128x64xf32, #tpu.memory_space<vmem>>
    %dma_start3A_140 = tpu.memref_squeeze %dma_start3A_139 : memref<1x128x64xf32, #tpu.memory_space<vmem>> -> memref<128x64xf32, #tpu.memory_space<vmem>>
    %dma_start3A_141 = arith.constant 0 : i32
    %dma_start3A_142 = tpu.memref_slice %arg7[%dma_start3A_135, %dma_start3A_141] : memref<80x128xi32, #tpu.memory_space<vmem>> -> memref<1x128xi32, #tpu.memory_space<vmem>>
    %dma_start3A_143 = tpu.memref_squeeze %dma_start3A_142 : memref<1x128xi32, #tpu.memory_space<vmem>> -> memref<128xi32, #tpu.memory_space<vmem>>
    %dma_start3A_144 = arith.constant 0 : i32
    %dma_start3A_145 = tpu.memref_slice %arg2[%mul3A_18, %dma_start3A_144] : memref<40960x64xf32, #tpu.memory_space<hbm>> -> memref<10240x64xf32, #tpu.memory_space<hbm>>
    %dma_start3A_146 = arith.constant 0 : i32
    %dma_start3A_147 = arith.constant 0 : i32
    %dma_start3A_148 = tpu.memref_slice %dma_start3A_145[%dma_start3A_146, %dma_start3A_147] : memref<10240x64xf32, #tpu.memory_space<hbm>> -> memref<10240x64xf32, #tpu.memory_space<hbm>>
    tpu.enqueue_indirect_dma source(%dma_start3A_148 : memref<10240x64xf32, #tpu.memory_space<hbm>>) target(%dma_start3A_140 : memref<128x64xf32, #tpu.memory_space<vmem>>) offsets(%dma_start3A_143 : memref<128xi32, #tpu.memory_space<vmem>>) semaphore(%arg14 : memref<!tpu.dma_semaphore, #tpu.memory_space<semaphore_mem>>)
    %add3A_149 = arith.constant 0 : i32
    %add3A_150 = arith.addi %add3A_120, %add3A_149 : i32
    %dma_start3A_151 = arith.constant 0 : i32
    %dma_start3A_152 = arith.constant 0 : i32
    %dma_start3A_153 = arith.constant 0 : i32
    %dma_start3A_154 = tpu.memref_slice %arg10[%dma_start3A_151, %dma_start3A_152, %dma_start3A_153] : memref<2x128x64xf32, #tpu.memory_space<vmem>> -> memref<1x128x64xf32, #tpu.memory_space<vmem>>
    %dma_start3A_155 = tpu.memref_squeeze %dma_start3A_154 : memref<1x128x64xf32, #tpu.memory_space<vmem>> -> memref<128x64xf32, #tpu.memory_space<vmem>>
    %dma_start3A_156 = tpu.memref_slice %arg3[%add3A_150, %mul3A_20] : memref<327680x128xf32, #tpu.memory_space<hbm>> -> memref<128x64xf32, #tpu.memory_space<hbm>>
    %dma_start3A_157 = arith.constant 0 : i32
    %dma_start3A_158 = arith.constant 0 : i32
    %dma_start3A_159 = tpu.memref_slice %arg10[%dma_start3A_151, %dma_start3A_157, %dma_start3A_158] : memref<2x128x64xf32, #tpu.memory_space<vmem>> -> memref<1x128x64xf32, #tpu.memory_space<vmem>>
    %dma_start3A_160 = tpu.memref_squeeze %dma_start3A_159 : memref<1x128x64xf32, #tpu.memory_space<vmem>> -> memref<128x64xf32, #tpu.memory_space<vmem>>
    %dma_start3A_161 = tpu.memref_slice %arg3[%add3A_150, %mul3A_20] : memref<327680x128xf32, #tpu.memory_space<hbm>> -> memref<128x64xf32, #tpu.memory_space<hbm>>
    tpu.enqueue_dma source(%dma_start3A_161 : memref<128x64xf32, #tpu.memory_space<hbm>>) target(%dma_start3A_160 : memref<128x64xf32, #tpu.memory_space<vmem>>) target_semaphore(%arg14 : memref<!tpu.dma_semaphore, #tpu.memory_space<semaphore_mem>>)
    %dma_start3A_162 = arith.constant 1 : i32
    %dma_start3A_163 = arith.constant 1 : i32
    %dma_start3A_164 = arith.constant 0 : i32
    %dma_start3A_165 = arith.constant 0 : i32
    %dma_start3A_166 = tpu.memref_slice %arg8[%dma_start3A_163, %dma_start3A_164, %dma_start3A_165] : memref<2x128x64xf32, #tpu.memory_space<vmem>> -> memref<1x128x64xf32, #tpu.memory_space<vmem>>
    %dma_start3A_167 = tpu.memref_squeeze %dma_start3A_166 : memref<1x128x64xf32, #tpu.memory_space<vmem>> -> memref<128x64xf32, #tpu.memory_space<vmem>>
    %dma_start3A_168 = arith.constant 0 : i32
    %dma_start3A_169 = tpu.memref_slice %arg6[%dma_start3A_162, %dma_start3A_168] : memref<80x128xi32, #tpu.memory_space<vmem>> -> memref<1x128xi32, #tpu.memory_space<vmem>>
    %dma_start3A_170 = tpu.memref_squeeze %dma_start3A_169 : memref<1x128xi32, #tpu.memory_space<vmem>> -> memref<128xi32, #tpu.memory_space<vmem>>
    %dma_start3A_171 = arith.constant 0 : i32
    %dma_start3A_172 = tpu.memref_slice %arg2[%mul3A_15, %dma_start3A_171] : memref<40960x64xf32, #tpu.memory_space<hbm>> -> memref<10240x64xf32, #tpu.memory_space<hbm>>
    %dma_start3A_173 = arith.constant 0 : i32
    %dma_start3A_174 = arith.constant 0 : i32
    %dma_start3A_175 = tpu.memref_slice %dma_start3A_172[%dma_start3A_173, %dma_start3A_174] : memref<10240x64xf32, #tpu.memory_space<hbm>> -> memref<10240x64xf32, #tpu.memory_space<hbm>>
    tpu.enqueue_indirect_dma source(%dma_start3A_175 : memref<10240x64xf32, #tpu.memory_space<hbm>>) target(%dma_start3A_167 : memref<128x64xf32, #tpu.memory_space<vmem>>) offsets(%dma_start3A_170 : memref<128xi32, #tpu.memory_space<vmem>>) semaphore(%arg15 : memref<!tpu.dma_semaphore, #tpu.memory_space<semaphore_mem>>)
    %dma_start3A_176 = arith.constant 1 : i32
    %dma_start3A_177 = arith.constant 1 : i32
    %dma_start3A_178 = arith.constant 0 : i32
    %dma_start3A_179 = arith.constant 0 : i32
    %dma_start3A_180 = tpu.memref_slice %arg9[%dma_start3A_177, %dma_start3A_178, %dma_start3A_179] : memref<2x128x64xf32, #tpu.memory_space<vmem>> -> memref<1x128x64xf32, #tpu.memory_space<vmem>>
    %dma_start3A_181 = tpu.memref_squeeze %dma_start3A_180 : memref<1x128x64xf32, #tpu.memory_space<vmem>> -> memref<128x64xf32, #tpu.memory_space<vmem>>
    %dma_start3A_182 = arith.constant 0 : i32
    %dma_start3A_183 = tpu.memref_slice %arg7[%dma_start3A_176, %dma_start3A_182] : memref<80x128xi32, #tpu.memory_space<vmem>> -> memref<1x128xi32, #tpu.memory_space<vmem>>
    %dma_start3A_184 = tpu.memref_squeeze %dma_start3A_183 : memref<1x128xi32, #tpu.memory_space<vmem>> -> memref<128xi32, #tpu.memory_space<vmem>>
    %dma_start3A_185 = arith.constant 0 : i32
    %dma_start3A_186 = tpu.memref_slice %arg2[%mul3A_18, %dma_start3A_185] : memref<40960x64xf32, #tpu.memory_space<hbm>> -> memref<10240x64xf32, #tpu.memory_space<hbm>>
    %dma_start3A_187 = arith.constant 0 : i32
    %dma_start3A_188 = arith.constant 0 : i32
    %dma_start3A_189 = tpu.memref_slice %dma_start3A_186[%dma_start3A_187, %dma_start3A_188] : memref<10240x64xf32, #tpu.memory_space<hbm>> -> memref<10240x64xf32, #tpu.memory_space<hbm>>
    tpu.enqueue_indirect_dma source(%dma_start3A_189 : memref<10240x64xf32, #tpu.memory_space<hbm>>) target(%dma_start3A_181 : memref<128x64xf32, #tpu.memory_space<vmem>>) offsets(%dma_start3A_184 : memref<128xi32, #tpu.memory_space<vmem>>) semaphore(%arg15 : memref<!tpu.dma_semaphore, #tpu.memory_space<semaphore_mem>>)
    %add3A_190 = arith.constant 128 : i32
    %add3A_191 = arith.addi %add3A_120, %add3A_190 : i32
    %dma_start3A_192 = arith.constant 1 : i32
    %dma_start3A_193 = arith.constant 0 : i32
    %dma_start3A_194 = arith.constant 0 : i32
    %dma_start3A_195 = tpu.memref_slice %arg10[%dma_start3A_192, %dma_start3A_193, %dma_start3A_194] : memref<2x128x64xf32, #tpu.memory_space<vmem>> -> memref<1x128x64xf32, #tpu.memory_space<vmem>>
    %dma_start3A_196 = tpu.memref_squeeze %dma_start3A_195 : memref<1x128x64xf32, #tpu.memory_space<vmem>> -> memref<128x64xf32, #tpu.memory_space<vmem>>
    %dma_start3A_197 = tpu.memref_slice %arg3[%add3A_191, %mul3A_20] : memref<327680x128xf32, #tpu.memory_space<hbm>> -> memref<128x64xf32, #tpu.memory_space<hbm>>
    %dma_start3A_198 = arith.constant 0 : i32
    %dma_start3A_199 = arith.constant 0 : i32
    %dma_start3A_200 = tpu.memref_slice %arg10[%dma_start3A_192, %dma_start3A_198, %dma_start3A_199] : memref<2x128x64xf32, #tpu.memory_space<vmem>> -> memref<1x128x64xf32, #tpu.memory_space<vmem>>
    %dma_start3A_201 = tpu.memref_squeeze %dma_start3A_200 : memref<1x128x64xf32, #tpu.memory_space<vmem>> -> memref<128x64xf32, #tpu.memory_space<vmem>>
    %dma_start3A_202 = tpu.memref_slice %arg3[%add3A_191, %mul3A_20] : memref<327680x128xf32, #tpu.memory_space<hbm>> -> memref<128x64xf32, #tpu.memory_space<hbm>>
    tpu.enqueue_dma source(%dma_start3A_202 : memref<128x64xf32, #tpu.memory_space<hbm>>) target(%dma_start3A_201 : memref<128x64xf32, #tpu.memory_space<vmem>>) target_semaphore(%arg15 : memref<!tpu.dma_semaphore, #tpu.memory_space<semaphore_mem>>)
    %scan3A_203 = arith.constant 0 : i32
    %scan3A_204 = arith.constant 0 : i32
    %scan3A_205 = arith.constant 40 : i32
    %scan3A_206 = arith.addi %scan3A_204, %scan3A_205 : i32
    %scan3A_207 = arith.constant 1 : i32
    %scan3A_208 = scf.for %scan3A_218 = %scan3A_204 to %scan3A_206 step %scan3A_207 iter_args(%scan3A_219 = %scan3A_203) -> (i32)  : i32 {
      %mul3A_220 = arith.constant 2 : i32
      %mul3A_221 = arith.muli %mul3A_220, %scan3A_218 : i32
      %add3A_222 = arith.constant 0 : i32
      %add3A_223 = arith.addi %mul3A_221, %add3A_222 : i32
      %dma_wait3A = arith.constant 0 : i32
      %dma_wait3A_224 = arith.constant 0 : i32
      %dma_wait3A_225 = arith.constant 0 : i32
      %dma_wait3A_226 = tpu.memref_slice %arg8[%dma_wait3A, %dma_wait3A_224, %dma_wait3A_225] : memref<2x128x64xf32, #tpu.memory_space<vmem>> -> memref<1x128x64xf32, #tpu.memory_space<vmem>>
      %dma_wait3A_227 = tpu.memref_squeeze %dma_wait3A_226 : memref<1x128x64xf32, #tpu.memory_space<vmem>> -> memref<128x64xf32, #tpu.memory_space<vmem>>
      %dma_wait3A_228 = arith.constant 0 : i32
      %dma_wait3A_229 = tpu.memref_slice %arg6[%add3A_223, %dma_wait3A_228] : memref<80x128xi32, #tpu.memory_space<vmem>> -> memref<1x128xi32, #tpu.memory_space<vmem>>
      %dma_wait3A_230 = tpu.memref_squeeze %dma_wait3A_229 : memref<1x128xi32, #tpu.memory_space<vmem>> -> memref<128xi32, #tpu.memory_space<vmem>>
      %dma_wait3A_231 = arith.constant 0 : i32
      %dma_wait3A_232 = tpu.memref_slice %arg2[%mul3A_15, %dma_wait3A_231] : memref<40960x64xf32, #tpu.memory_space<hbm>> -> memref<10240x64xf32, #tpu.memory_space<hbm>>
      %dma_wait3A_233 = arith.constant 0 : i32
      %dma_wait3A_234 = arith.constant 0 : i32
      %dma_wait3A_235 = tpu.memref_slice %dma_wait3A_232[%dma_wait3A_233, %dma_wait3A_234] : memref<10240x64xf32, #tpu.memory_space<hbm>> -> memref<10240x64xf32, #tpu.memory_space<hbm>>
      tpu.wait_indirect_dma semaphore(%arg14 : memref<!tpu.dma_semaphore, #tpu.memory_space<semaphore_mem>>) src(%dma_wait3A_235 : memref<10240x64xf32, #tpu.memory_space<hbm>>) dst(%dma_wait3A_227 : memref<128x64xf32, #tpu.memory_space<vmem>>)
      %dma_wait3A_236 = arith.constant 0 : i32
      %dma_wait3A_237 = arith.constant 0 : i32
      %dma_wait3A_238 = arith.constant 0 : i32
      %dma_wait3A_239 = tpu.memref_slice %arg9[%dma_wait3A_236, %dma_wait3A_237, %dma_wait3A_238] : memref<2x128x64xf32, #tpu.memory_space<vmem>> -> memref<1x128x64xf32, #tpu.memory_space<vmem>>
      %dma_wait3A_240 = tpu.memref_squeeze %dma_wait3A_239 : memref<1x128x64xf32, #tpu.memory_space<vmem>> -> memref<128x64xf32, #tpu.memory_space<vmem>>
      %dma_wait3A_241 = arith.constant 0 : i32
      %dma_wait3A_242 = tpu.memref_slice %arg7[%add3A_223, %dma_wait3A_241] : memref<80x128xi32, #tpu.memory_space<vmem>> -> memref<1x128xi32, #tpu.memory_space<vmem>>
      %dma_wait3A_243 = tpu.memref_squeeze %dma_wait3A_242 : memref<1x128xi32, #tpu.memory_space<vmem>> -> memref<128xi32, #tpu.memory_space<vmem>>
      %dma_wait3A_244 = arith.constant 0 : i32
      %dma_wait3A_245 = tpu.memref_slice %arg2[%mul3A_18, %dma_wait3A_244] : memref<40960x64xf32, #tpu.memory_space<hbm>> -> memref<10240x64xf32, #tpu.memory_space<hbm>>
      %dma_wait3A_246 = arith.constant 0 : i32
      %dma_wait3A_247 = arith.constant 0 : i32
      %dma_wait3A_248 = tpu.memref_slice %dma_wait3A_245[%dma_wait3A_246, %dma_wait3A_247] : memref<10240x64xf32, #tpu.memory_space<hbm>> -> memref<10240x64xf32, #tpu.memory_space<hbm>>
      tpu.wait_indirect_dma semaphore(%arg14 : memref<!tpu.dma_semaphore, #tpu.memory_space<semaphore_mem>>) src(%dma_wait3A_248 : memref<10240x64xf32, #tpu.memory_space<hbm>>) dst(%dma_wait3A_240 : memref<128x64xf32, #tpu.memory_space<vmem>>)
      %mul3A_249 = arith.constant 128 : i32
      %mul3A_250 = arith.muli %add3A_223, %mul3A_249 : i32
      %add3A_251 = arith.addi %add3A_120, %mul3A_250 : i32
      %dma_wait3A_252 = arith.constant 0 : i32
      %dma_wait3A_253 = arith.constant 0 : i32
      %dma_wait3A_254 = arith.constant 0 : i32
      %dma_wait3A_255 = tpu.memref_slice %arg10[%dma_wait3A_252, %dma_wait3A_253, %dma_wait3A_254] : memref<2x128x64xf32, #tpu.memory_space<vmem>> -> memref<1x128x64xf32, #tpu.memory_space<vmem>>
      %dma_wait3A_256 = tpu.memref_squeeze %dma_wait3A_255 : memref<1x128x64xf32, #tpu.memory_space<vmem>> -> memref<128x64xf32, #tpu.memory_space<vmem>>
      %dma_wait3A_257 = tpu.memref_slice %arg3[%add3A_251, %mul3A_20] : memref<327680x128xf32, #tpu.memory_space<hbm>> -> memref<128x64xf32, #tpu.memory_space<hbm>>
      %dma_wait3A_258 = arith.constant 0 : i32
      %dma_wait3A_259 = arith.constant 0 : i32
      %dma_wait3A_260 = tpu.memref_slice %arg10[%dma_wait3A_252, %dma_wait3A_258, %dma_wait3A_259] : memref<2x128x64xf32, #tpu.memory_space<vmem>> -> memref<1x128x64xf32, #tpu.memory_space<vmem>>
      %dma_wait3A_261 = tpu.memref_squeeze %dma_wait3A_260 : memref<1x128x64xf32, #tpu.memory_space<vmem>> -> memref<128x64xf32, #tpu.memory_space<vmem>>
      %dma_wait3A_262 = tpu.memref_slice %arg3[%add3A_251, %mul3A_20] : memref<327680x128xf32, #tpu.memory_space<hbm>> -> memref<128x64xf32, #tpu.memory_space<hbm>>
      tpu.wait_dma2 semaphore(%arg14 : memref<!tpu.dma_semaphore, #tpu.memory_space<semaphore_mem>>) src(%dma_wait3A_262 : memref<128x64xf32, #tpu.memory_space<hbm>>) dst(%dma_wait3A_261 : memref<128x64xf32, #tpu.memory_space<vmem>>)
      %scan3A_263 = arith.constant 0 : i32
      %scan3A_264 = arith.constant 0 : i32
      %scan3A_265 = arith.constant 128 : i32
      %scan3A_266 = arith.addi %scan3A_264, %scan3A_265 : i32
      %scan3A_267 = arith.constant 1 : i32
      %scan3A_268 = scf.for %scan3A_329 = %scan3A_264 to %scan3A_266 step %scan3A_267 iter_args(%scan3A_330 = %scan3A_263) -> (i32)  : i32 {
        %get3A = arith.constant 0 : i32
        %get3A_331 = arith.index_cast %get3A : i32 to index
        %get3A_332 = arith.index_cast %scan3A_329 : i32 to index
        %get3A_333 = arith.constant 0 : index
        %get3A_334 = tpu.vector_load %arg8[%get3A_331, %get3A_332, %get3A_333] {strides = array<i32>} : memref<2x128x64xf32, #tpu.memory_space<vmem>>, vector<1x1x16xf32>,
        %get3A_335 = vector.shape_cast %get3A_334 : vector<1x1x16xf32> to vector<16xf32>
        %get3A_336 = arith.constant 0 : i32
        %get3A_337 = arith.index_cast %get3A_336 : i32 to index
        %get3A_338 = arith.index_cast %scan3A_329 : i32 to index
        %get3A_339 = arith.constant 0 : index
        %get3A_340 = tpu.vector_load %arg9[%get3A_337, %get3A_338, %get3A_339] {strides = array<i32>} : memref<2x128x64xf32, #tpu.memory_space<vmem>>, vector<1x1x16xf32>,
        %get3A_341 = vector.shape_cast %get3A_340 : vector<1x1x16xf32> to vector<16xf32>
        %add3A_342 = arith.addf %get3A_335, %get3A_341 : vector<16xf32>
        %get3A_343 = arith.constant 0 : i32
        %get3A_344 = arith.index_cast %get3A_343 : i32 to index
        %get3A_345 = arith.index_cast %scan3A_329 : i32 to index
        %get3A_346 = arith.constant 0 : index
        %get3A_347 = tpu.vector_load %arg10[%get3A_344, %get3A_345, %get3A_346] {strides = array<i32>} : memref<2x128x64xf32, #tpu.memory_space<vmem>>, vector<1x1x16xf32>,
        %get3A_348 = vector.shape_cast %get3A_347 : vector<1x1x16xf32> to vector<16xf32>
        %add3A_349 = arith.addf %add3A_342, %get3A_348 : vector<16xf32>
        %max3A = arith.constant 0.000000e+00 : f32
        %max3A_350 = vector.broadcast %max3A : f32 to vector<16xf32>
        %max3A_351 = arith.maximumf %add3A_349, %max3A_350 : vector<16xf32>
        %swap3A = arith.index_cast %scan3A_329 : i32 to index
        %swap3A_352 = arith.constant 0 : index
        %swap3A_353 = tpu.vector_load %arg11[%swap3A, %swap3A_352] {strides = array<i32>} : memref<128x64xf32, #tpu.memory_space<vmem>>, vector<1x16xf32>,
        %swap3A_354 = vector.shape_cast %swap3A_353 : vector<1x16xf32> to vector<16xf32>
        %swap3A_355 = vector.shape_cast %max3A_351 : vector<16xf32> to vector<1x16xf32>
        tpu.vector_store %arg11[%swap3A, %swap3A_352], %swap3A_355 {strides = array<i32>} : memref<128x64xf32, #tpu.memory_space<vmem>>, vector<1x16xf32>,
        %get3A_356 = arith.constant 0 : i32
        %get3A_357 = arith.index_cast %get3A_356 : i32 to index
        %get3A_358 = arith.index_cast %scan3A_329 : i32 to index
        %get3A_359 = arith.constant 16 : index
        %get3A_360 = tpu.vector_load %arg8[%get3A_357, %get3A_358, %get3A_359] {strides = array<i32>} : memref<2x128x64xf32, #tpu.memory_space<vmem>>, vector<1x1x16xf32>,
        %get3A_361 = vector.shape_cast %get3A_360 : vector<1x1x16xf32> to vector<16xf32>
        %get3A_362 = arith.constant 0 : i32
        %get3A_363 = arith.index_cast %get3A_362 : i32 to index
        %get3A_364 = arith.index_cast %scan3A_329 : i32 to index
        %get3A_365 = arith.constant 16 : index
        %get3A_366 = tpu.vector_load %arg9[%get3A_363, %get3A_364, %get3A_365] {strides = array<i32>} : memref<2x128x64xf32, #tpu.memory_space<vmem>>, vector<1x1x16xf32>,
        %get3A_367 = vector.shape_cast %get3A_366 : vector<1x1x16xf32> to vector<16xf32>
        %add3A_368 = arith.addf %get3A_361, %get3A_367 : vector<16xf32>
        %get3A_369 = arith.constant 0 : i32
        %get3A_370 = arith.index_cast %get3A_369 : i32 to index
        %get3A_371 = arith.index_cast %scan3A_329 : i32 to index
        %get3A_372 = arith.constant 16 : index
        %get3A_373 = tpu.vector_load %arg10[%get3A_370, %get3A_371, %get3A_372] {strides = array<i32>} : memref<2x128x64xf32, #tpu.memory_space<vmem>>, vector<1x1x16xf32>,
        %get3A_374 = vector.shape_cast %get3A_373 : vector<1x1x16xf32> to vector<16xf32>
        %add3A_375 = arith.addf %add3A_368, %get3A_374 : vector<16xf32>
        %max3A_376 = arith.constant 0.000000e+00 : f32
        %max3A_377 = vector.broadcast %max3A_376 : f32 to vector<16xf32>
        %max3A_378 = arith.maximumf %add3A_375, %max3A_377 : vector<16xf32>
        %swap3A_379 = arith.index_cast %scan3A_329 : i32 to index
        %swap3A_380 = arith.constant 16 : index
        %swap3A_381 = tpu.vector_load %arg11[%swap3A_379, %swap3A_380] {strides = array<i32>} : memref<128x64xf32, #tpu.memory_space<vmem>>, vector<1x16xf32>,
        %swap3A_382 = vector.shape_cast %swap3A_381 : vector<1x16xf32> to vector<16xf32>
        %swap3A_383 = vector.shape_cast %max3A_378 : vector<16xf32> to vector<1x16xf32>
        tpu.vector_store %arg11[%swap3A_379, %swap3A_380], %swap3A_383 {strides = array<i32>} : memref<128x64xf32, #tpu.memory_space<vmem>>, vector<1x16xf32>,
        %get3A_384 = arith.constant 0 : i32
        %get3A_385 = arith.index_cast %get3A_384 : i32 to index
        %get3A_386 = arith.index_cast %scan3A_329 : i32 to index
        %get3A_387 = arith.constant 32 : index
        %get3A_388 = tpu.vector_load %arg8[%get3A_385, %get3A_386, %get3A_387] {strides = array<i32>} : memref<2x128x64xf32, #tpu.memory_space<vmem>>, vector<1x1x16xf32>,
        %get3A_389 = vector.shape_cast %get3A_388 : vector<1x1x16xf32> to vector<16xf32>
        %get3A_390 = arith.constant 0 : i32
        %get3A_391 = arith.index_cast %get3A_390 : i32 to index
        %get3A_392 = arith.index_cast %scan3A_329 : i32 to index
        %get3A_393 = arith.constant 32 : index
        %get3A_394 = tpu.vector_load %arg9[%get3A_391, %get3A_392, %get3A_393] {strides = array<i32>} : memref<2x128x64xf32, #tpu.memory_space<vmem>>, vector<1x1x16xf32>,
        %get3A_395 = vector.shape_cast %get3A_394 : vector<1x1x16xf32> to vector<16xf32>
        %add3A_396 = arith.addf %get3A_389, %get3A_395 : vector<16xf32>
        %get3A_397 = arith.constant 0 : i32
        %get3A_398 = arith.index_cast %get3A_397 : i32 to index
        %get3A_399 = arith.index_cast %scan3A_329 : i32 to index
        %get3A_400 = arith.constant 32 : index
        %get3A_401 = tpu.vector_load %arg10[%get3A_398, %get3A_399, %get3A_400] {strides = array<i32>} : memref<2x128x64xf32, #tpu.memory_space<vmem>>, vector<1x1x16xf32>,
        %get3A_402 = vector.shape_cast %get3A_401 : vector<1x1x16xf32> to vector<16xf32>
        %add3A_403 = arith.addf %add3A_396, %get3A_402 : vector<16xf32>
        %max3A_404 = arith.constant 0.000000e+00 : f32
        %max3A_405 = vector.broadcast %max3A_404 : f32 to vector<16xf32>
        %max3A_406 = arith.maximumf %add3A_403, %max3A_405 : vector<16xf32>
        %swap3A_407 = arith.index_cast %scan3A_329 : i32 to index
        %swap3A_408 = arith.constant 32 : index
        %swap3A_409 = tpu.vector_load %arg11[%swap3A_407, %swap3A_408] {strides = array<i32>} : memref<128x64xf32, #tpu.memory_space<vmem>>, vector<1x16xf32>,
        %swap3A_410 = vector.shape_cast %swap3A_409 : vector<1x16xf32> to vector<16xf32>
        %swap3A_411 = vector.shape_cast %max3A_406 : vector<16xf32> to vector<1x16xf32>
        tpu.vector_store %arg11[%swap3A_407, %swap3A_408], %swap3A_411 {strides = array<i32>} : memref<128x64xf32, #tpu.memory_space<vmem>>, vector<1x16xf32>,
        %get3A_412 = arith.constant 0 : i32
        %get3A_413 = arith.index_cast %get3A_412 : i32 to index
        %get3A_414 = arith.index_cast %scan3A_329 : i32 to index
        %get3A_415 = arith.constant 48 : index
        %get3A_416 = tpu.vector_load %arg8[%get3A_413, %get3A_414, %get3A_415] {strides = array<i32>} : memref<2x128x64xf32, #tpu.memory_space<vmem>>, vector<1x1x16xf32>,
        %get3A_417 = vector.shape_cast %get3A_416 : vector<1x1x16xf32> to vector<16xf32>
        %get3A_418 = arith.constant 0 : i32
        %get3A_419 = arith.index_cast %get3A_418 : i32 to index
        %get3A_420 = arith.index_cast %scan3A_329 : i32 to index
        %get3A_421 = arith.constant 48 : index
        %get3A_422 = tpu.vector_load %arg9[%get3A_419, %get3A_420, %get3A_421] {strides = array<i32>} : memref<2x128x64xf32, #tpu.memory_space<vmem>>, vector<1x1x16xf32>,
        %get3A_423 = vector.shape_cast %get3A_422 : vector<1x1x16xf32> to vector<16xf32>
        %add3A_424 = arith.addf %get3A_417, %get3A_423 : vector<16xf32>
        %get3A_425 = arith.constant 0 : i32
        %get3A_426 = arith.index_cast %get3A_425 : i32 to index
        %get3A_427 = arith.index_cast %scan3A_329 : i32 to index
        %get3A_428 = arith.constant 48 : index
        %get3A_429 = tpu.vector_load %arg10[%get3A_426, %get3A_427, %get3A_428] {strides = array<i32>} : memref<2x128x64xf32, #tpu.memory_space<vmem>>, vector<1x1x16xf32>,
        %get3A_430 = vector.shape_cast %get3A_429 : vector<1x1x16xf32> to vector<16xf32>
        %add3A_431 = arith.addf %add3A_424, %get3A_430 : vector<16xf32>
        %max3A_432 = arith.constant 0.000000e+00 : f32
        %max3A_433 = vector.broadcast %max3A_432 : f32 to vector<16xf32>
        %max3A_434 = arith.maximumf %add3A_431, %max3A_433 : vector<16xf32>
        %swap3A_435 = arith.index_cast %scan3A_329 : i32 to index
        %swap3A_436 = arith.constant 48 : index
        %swap3A_437 = tpu.vector_load %arg11[%swap3A_435, %swap3A_436] {strides = array<i32>} : memref<128x64xf32, #tpu.memory_space<vmem>>, vector<1x16xf32>,
        %swap3A_438 = vector.shape_cast %swap3A_437 : vector<1x16xf32> to vector<16xf32>
        %swap3A_439 = vector.shape_cast %max3A_434 : vector<16xf32> to vector<1x16xf32>
        tpu.vector_store %arg11[%swap3A_435, %swap3A_436], %swap3A_439 {strides = array<i32>} : memref<128x64xf32, #tpu.memory_space<vmem>>, vector<1x16xf32>,
        %scan3A_440 = arith.constant 0 : i32
        scf.yield %scan3A_440 : i32
      }
      %scan3A_269 = arith.constant 128 : i32
      %lt3A = arith.constant 39 : i32
      %lt3A_270 = arith.cmpi slt, %scan3A_218, %lt3A : i32
      %convert_element_type3A = arith.extui %lt3A_270 : i1 to i32
      %cond3A = arith.constant 0 : i32
      %cond3A_271 = arith.cmpi ne, %convert_element_type3A, %cond3A : i32
      scf.if %cond3A_271 {
        %add3A_329 = arith.constant 2 : i32
        %add3A_330 = arith.addi %add3A_223, %add3A_329 : i32
        %dma_start3A_331 = arith.constant 0 : i32
        %dma_start3A_332 = arith.constant 0 : i32
        %dma_start3A_333 = arith.constant 0 : i32
        %dma_start3A_334 = tpu.memref_slice %arg8[%dma_start3A_331, %dma_start3A_332, %dma_start3A_333] : memref<2x128x64xf32, #tpu.memory_space<vmem>> -> memref<1x128x64xf32, #tpu.memory_space<vmem>>
        %dma_start3A_335 = tpu.memref_squeeze %dma_start3A_334 : memref<1x128x64xf32, #tpu.memory_space<vmem>> -> memref<128x64xf32, #tpu.memory_space<vmem>>
        %dma_start3A_336 = arith.constant 0 : i32
        %dma_start3A_337 = tpu.memref_slice %arg6[%add3A_330, %dma_start3A_336] : memref<80x128xi32, #tpu.memory_space<vmem>> -> memref<1x128xi32, #tpu.memory_space<vmem>>
        %dma_start3A_338 = tpu.memref_squeeze %dma_start3A_337 : memref<1x128xi32, #tpu.memory_space<vmem>> -> memref<128xi32, #tpu.memory_space<vmem>>
        %dma_start3A_339 = arith.constant 0 : i32
        %dma_start3A_340 = tpu.memref_slice %arg2[%mul3A_15, %dma_start3A_339] : memref<40960x64xf32, #tpu.memory_space<hbm>> -> memref<10240x64xf32, #tpu.memory_space<hbm>>
        %dma_start3A_341 = arith.constant 0 : i32
        %dma_start3A_342 = arith.constant 0 : i32
        %dma_start3A_343 = tpu.memref_slice %dma_start3A_340[%dma_start3A_341, %dma_start3A_342] : memref<10240x64xf32, #tpu.memory_space<hbm>> -> memref<10240x64xf32, #tpu.memory_space<hbm>>
        tpu.enqueue_indirect_dma source(%dma_start3A_343 : memref<10240x64xf32, #tpu.memory_space<hbm>>) target(%dma_start3A_335 : memref<128x64xf32, #tpu.memory_space<vmem>>) offsets(%dma_start3A_338 : memref<128xi32, #tpu.memory_space<vmem>>) semaphore(%arg14 : memref<!tpu.dma_semaphore, #tpu.memory_space<semaphore_mem>>)
        %dma_start3A_344 = arith.constant 0 : i32
        %dma_start3A_345 = arith.constant 0 : i32
        %dma_start3A_346 = arith.constant 0 : i32
        %dma_start3A_347 = tpu.memref_slice %arg9[%dma_start3A_344, %dma_start3A_345, %dma_start3A_346] : memref<2x128x64xf32, #tpu.memory_space<vmem>> -> memref<1x128x64xf32, #tpu.memory_space<vmem>>
        %dma_start3A_348 = tpu.memref_squeeze %dma_start3A_347 : memref<1x128x64xf32, #tpu.memory_space<vmem>> -> memref<128x64xf32, #tpu.memory_space<vmem>>
        %dma_start3A_349 = arith.constant 0 : i32
        %dma_start3A_350 = tpu.memref_slice %arg7[%add3A_330, %dma_start3A_349] : memref<80x128xi32, #tpu.memory_space<vmem>> -> memref<1x128xi32, #tpu.memory_space<vmem>>
        %dma_start3A_351 = tpu.memref_squeeze %dma_start3A_350 : memref<1x128xi32, #tpu.memory_space<vmem>> -> memref<128xi32, #tpu.memory_space<vmem>>
        %dma_start3A_352 = arith.constant 0 : i32
        %dma_start3A_353 = tpu.memref_slice %arg2[%mul3A_18, %dma_start3A_352] : memref<40960x64xf32, #tpu.memory_space<hbm>> -> memref<10240x64xf32, #tpu.memory_space<hbm>>
        %dma_start3A_354 = arith.constant 0 : i32
        %dma_start3A_355 = arith.constant 0 : i32
        %dma_start3A_356 = tpu.memref_slice %dma_start3A_353[%dma_start3A_354, %dma_start3A_355] : memref<10240x64xf32, #tpu.memory_space<hbm>> -> memref<10240x64xf32, #tpu.memory_space<hbm>>
        tpu.enqueue_indirect_dma source(%dma_start3A_356 : memref<10240x64xf32, #tpu.memory_space<hbm>>) target(%dma_start3A_348 : memref<128x64xf32, #tpu.memory_space<vmem>>) offsets(%dma_start3A_351 : memref<128xi32, #tpu.memory_space<vmem>>) semaphore(%arg14 : memref<!tpu.dma_semaphore, #tpu.memory_space<semaphore_mem>>)
        %mul3A_357 = arith.constant 128 : i32
        %mul3A_358 = arith.muli %add3A_330, %mul3A_357 : i32
        %add3A_359 = arith.addi %add3A_120, %mul3A_358 : i32
        %dma_start3A_360 = arith.constant 0 : i32
        %dma_start3A_361 = arith.constant 0 : i32
        %dma_start3A_362 = arith.constant 0 : i32
        %dma_start3A_363 = tpu.memref_slice %arg10[%dma_start3A_360, %dma_start3A_361, %dma_start3A_362] : memref<2x128x64xf32, #tpu.memory_space<vmem>> -> memref<1x128x64xf32, #tpu.memory_space<vmem>>
        %dma_start3A_364 = tpu.memref_squeeze %dma_start3A_363 : memref<1x128x64xf32, #tpu.memory_space<vmem>> -> memref<128x64xf32, #tpu.memory_space<vmem>>
        %dma_start3A_365 = tpu.memref_slice %arg3[%add3A_359, %mul3A_20] : memref<327680x128xf32, #tpu.memory_space<hbm>> -> memref<128x64xf32, #tpu.memory_space<hbm>>
        %dma_start3A_366 = arith.constant 0 : i32
        %dma_start3A_367 = arith.constant 0 : i32
        %dma_start3A_368 = tpu.memref_slice %arg10[%dma_start3A_360, %dma_start3A_366, %dma_start3A_367] : memref<2x128x64xf32, #tpu.memory_space<vmem>> -> memref<1x128x64xf32, #tpu.memory_space<vmem>>
        %dma_start3A_369 = tpu.memref_squeeze %dma_start3A_368 : memref<1x128x64xf32, #tpu.memory_space<vmem>> -> memref<128x64xf32, #tpu.memory_space<vmem>>
        %dma_start3A_370 = tpu.memref_slice %arg3[%add3A_359, %mul3A_20] : memref<327680x128xf32, #tpu.memory_space<hbm>> -> memref<128x64xf32, #tpu.memory_space<hbm>>
        tpu.enqueue_dma source(%dma_start3A_370 : memref<128x64xf32, #tpu.memory_space<hbm>>) target(%dma_start3A_369 : memref<128x64xf32, #tpu.memory_space<vmem>>) target_semaphore(%arg14 : memref<!tpu.dma_semaphore, #tpu.memory_space<semaphore_mem>>)
      } else {
      }
      "tpu.region"() ({
        %run_scoped3A = tpu.sem_alloc : memref<!tpu.dma_semaphore, #tpu.memory_space<semaphore_mem>>
        %dma_start3A_329 = arith.constant 0 : i32
        %dma_start3A_330 = tpu.memref_slice %arg7[%add3A_223, %dma_start3A_329] : memref<80x128xi32, #tpu.memory_space<vmem>> -> memref<1x128xi32, #tpu.memory_space<vmem>>
        %dma_start3A_331 = tpu.memref_squeeze %dma_start3A_330 : memref<1x128xi32, #tpu.memory_space<vmem>> -> memref<128xi32, #tpu.memory_space<vmem>>
        %dma_start3A_332 = arith.constant 0 : i32
        %dma_start3A_333 = arith.constant 0 : i32
        %dma_start3A_334 = tpu.memref_slice %arg13[%dma_start3A_332, %dma_start3A_333] : memref<10240x64xf32, #tpu.memory_space<vmem_shared>> -> memref<10240x64xf32, #tpu.memory_space<vmem_shared>>
        tpu.enqueue_indirect_dma source(%arg11 : memref<128x64xf32, #tpu.memory_space<vmem>>) target(%dma_start3A_334 : memref<10240x64xf32, #tpu.memory_space<vmem_shared>>) offsets(%dma_start3A_331 : memref<128xi32, #tpu.memory_space<vmem>>) semaphore(%run_scoped3A : memref<!tpu.dma_semaphore, #tpu.memory_space<semaphore_mem>>) {add = true}
        %dma_wait3A_335 = arith.constant 0 : i32
        %dma_wait3A_336 = tpu.memref_slice %arg7[%add3A_223, %dma_wait3A_335] : memref<80x128xi32, #tpu.memory_space<vmem>> -> memref<1x128xi32, #tpu.memory_space<vmem>>
        %dma_wait3A_337 = tpu.memref_squeeze %dma_wait3A_336 : memref<1x128xi32, #tpu.memory_space<vmem>> -> memref<128xi32, #tpu.memory_space<vmem>>
        %dma_wait3A_338 = arith.constant 0 : i32
        %dma_wait3A_339 = arith.constant 0 : i32
        %dma_wait3A_340 = tpu.memref_slice %arg13[%dma_wait3A_338, %dma_wait3A_339] : memref<10240x64xf32, #tpu.memory_space<vmem_shared>> -> memref<10240x64xf32, #tpu.memory_space<vmem_shared>>
        tpu.wait_indirect_dma semaphore(%run_scoped3A : memref<!tpu.dma_semaphore, #tpu.memory_space<semaphore_mem>>) src(%arg11 : memref<128x64xf32, #tpu.memory_space<vmem>>) dst(%dma_wait3A_340 : memref<10240x64xf32, #tpu.memory_space<vmem_shared>>)
        tpu.yield
      }) : () -> ()
      %mul3A_272 = arith.constant 2 : i32
      %mul3A_273 = arith.muli %mul3A_272, %scan3A_218 : i32
      %add3A_274 = arith.constant 1 : i32
      %add3A_275 = arith.addi %mul3A_273, %add3A_274 : i32
      %dma_wait3A_276 = arith.constant 1 : i32
      %dma_wait3A_277 = arith.constant 0 : i32
      %dma_wait3A_278 = arith.constant 0 : i32
      %dma_wait3A_279 = tpu.memref_slice %arg8[%dma_wait3A_276, %dma_wait3A_277, %dma_wait3A_278] : memref<2x128x64xf32, #tpu.memory_space<vmem>> -> memref<1x128x64xf32, #tpu.memory_space<vmem>>
      %dma_wait3A_280 = tpu.memref_squeeze %dma_wait3A_279 : memref<1x128x64xf32, #tpu.memory_space<vmem>> -> memref<128x64xf32, #tpu.memory_space<vmem>>
      %dma_wait3A_281 = arith.constant 0 : i32
      %dma_wait3A_282 = tpu.memref_slice %arg6[%add3A_275, %dma_wait3A_281] : memref<80x128xi32, #tpu.memory_space<vmem>> -> memref<1x128xi32, #tpu.memory_space<vmem>>
      %dma_wait3A_283 = tpu.memref_squeeze %dma_wait3A_282 : memref<1x128xi32, #tpu.memory_space<vmem>> -> memref<128xi32, #tpu.memory_space<vmem>>
      %dma_wait3A_284 = arith.constant 0 : i32
      %dma_wait3A_285 = tpu.memref_slice %arg2[%mul3A_15, %dma_wait3A_284] : memref<40960x64xf32, #tpu.memory_space<hbm>> -> memref<10240x64xf32, #tpu.memory_space<hbm>>
      %dma_wait3A_286 = arith.constant 0 : i32
      %dma_wait3A_287 = arith.constant 0 : i32
      %dma_wait3A_288 = tpu.memref_slice %dma_wait3A_285[%dma_wait3A_286, %dma_wait3A_287] : memref<10240x64xf32, #tpu.memory_space<hbm>> -> memref<10240x64xf32, #tpu.memory_space<hbm>>
      tpu.wait_indirect_dma semaphore(%arg15 : memref<!tpu.dma_semaphore, #tpu.memory_space<semaphore_mem>>) src(%dma_wait3A_288 : memref<10240x64xf32, #tpu.memory_space<hbm>>) dst(%dma_wait3A_280 : memref<128x64xf32, #tpu.memory_space<vmem>>)
      %dma_wait3A_289 = arith.constant 1 : i32
      %dma_wait3A_290 = arith.constant 0 : i32
      %dma_wait3A_291 = arith.constant 0 : i32
      %dma_wait3A_292 = tpu.memref_slice %arg9[%dma_wait3A_289, %dma_wait3A_290, %dma_wait3A_291] : memref<2x128x64xf32, #tpu.memory_space<vmem>> -> memref<1x128x64xf32, #tpu.memory_space<vmem>>
      %dma_wait3A_293 = tpu.memref_squeeze %dma_wait3A_292 : memref<1x128x64xf32, #tpu.memory_space<vmem>> -> memref<128x64xf32, #tpu.memory_space<vmem>>
      %dma_wait3A_294 = arith.constant 0 : i32
      %dma_wait3A_295 = tpu.memref_slice %arg7[%add3A_275, %dma_wait3A_294] : memref<80x128xi32, #tpu.memory_space<vmem>> -> memref<1x128xi32, #tpu.memory_space<vmem>>
      %dma_wait3A_296 = tpu.memref_squeeze %dma_wait3A_295 : memref<1x128xi32, #tpu.memory_space<vmem>> -> memref<128xi32, #tpu.memory_space<vmem>>
      %dma_wait3A_297 = arith.constant 0 : i32
      %dma_wait3A_298 = tpu.memref_slice %arg2[%mul3A_18, %dma_wait3A_297] : memref<40960x64xf32, #tpu.memory_space<hbm>> -> memref<10240x64xf32, #tpu.memory_space<hbm>>
      %dma_wait3A_299 = arith.constant 0 : i32
      %dma_wait3A_300 = arith.constant 0 : i32
      %dma_wait3A_301 = tpu.memref_slice %dma_wait3A_298[%dma_wait3A_299, %dma_wait3A_300] : memref<10240x64xf32, #tpu.memory_space<hbm>> -> memref<10240x64xf32, #tpu.memory_space<hbm>>
      tpu.wait_indirect_dma semaphore(%arg15 : memref<!tpu.dma_semaphore, #tpu.memory_space<semaphore_mem>>) src(%dma_wait3A_301 : memref<10240x64xf32, #tpu.memory_space<hbm>>) dst(%dma_wait3A_293 : memref<128x64xf32, #tpu.memory_space<vmem>>)
      %mul3A_302 = arith.constant 128 : i32
      %mul3A_303 = arith.muli %add3A_275, %mul3A_302 : i32
      %add3A_304 = arith.addi %add3A_120, %mul3A_303 : i32
      %dma_wait3A_305 = arith.constant 1 : i32
      %dma_wait3A_306 = arith.constant 0 : i32
      %dma_wait3A_307 = arith.constant 0 : i32
      %dma_wait3A_308 = tpu.memref_slice %arg10[%dma_wait3A_305, %dma_wait3A_306, %dma_wait3A_307] : memref<2x128x64xf32, #tpu.memory_space<vmem>> -> memref<1x128x64xf32, #tpu.memory_space<vmem>>
      %dma_wait3A_309 = tpu.memref_squeeze %dma_wait3A_308 : memref<1x128x64xf32, #tpu.memory_space<vmem>> -> memref<128x64xf32, #tpu.memory_space<vmem>>
      %dma_wait3A_310 = tpu.memref_slice %arg3[%add3A_304, %mul3A_20] : memref<327680x128xf32, #tpu.memory_space<hbm>> -> memref<128x64xf32, #tpu.memory_space<hbm>>
      %dma_wait3A_311 = arith.constant 0 : i32
      %dma_wait3A_312 = arith.constant 0 : i32
      %dma_wait3A_313 = tpu.memref_slice %arg10[%dma_wait3A_305, %dma_wait3A_311, %dma_wait3A_312] : memref<2x128x64xf32, #tpu.memory_space<vmem>> -> memref<1x128x64xf32, #tpu.memory_space<vmem>>
      %dma_wait3A_314 = tpu.memref_squeeze %dma_wait3A_313 : memref<1x128x64xf32, #tpu.memory_space<vmem>> -> memref<128x64xf32, #tpu.memory_space<vmem>>
      %dma_wait3A_315 = tpu.memref_slice %arg3[%add3A_304, %mul3A_20] : memref<327680x128xf32, #tpu.memory_space<hbm>> -> memref<128x64xf32, #tpu.memory_space<hbm>>
      tpu.wait_dma2 semaphore(%arg15 : memref<!tpu.dma_semaphore, #tpu.memory_space<semaphore_mem>>) src(%dma_wait3A_315 : memref<128x64xf32, #tpu.memory_space<hbm>>) dst(%dma_wait3A_314 : memref<128x64xf32, #tpu.memory_space<vmem>>)
      %scan3A_316 = arith.constant 0 : i32
      %scan3A_317 = arith.constant 0 : i32
      %scan3A_318 = arith.constant 128 : i32
      %scan3A_319 = arith.addi %scan3A_317, %scan3A_318 : i32
      %scan3A_320 = arith.constant 1 : i32
      %scan3A_321 = scf.for %scan3A_329 = %scan3A_317 to %scan3A_319 step %scan3A_320 iter_args(%scan3A_330 = %scan3A_316) -> (i32)  : i32 {
        %get3A = arith.constant 1 : i32
        %get3A_331 = arith.index_cast %get3A : i32 to index
        %get3A_332 = arith.index_cast %scan3A_329 : i32 to index
        %get3A_333 = arith.constant 0 : index
        %get3A_334 = tpu.vector_load %arg8[%get3A_331, %get3A_332, %get3A_333] {strides = array<i32>} : memref<2x128x64xf32, #tpu.memory_space<vmem>>, vector<1x1x16xf32>,
        %get3A_335 = vector.shape_cast %get3A_334 : vector<1x1x16xf32> to vector<16xf32>
        %get3A_336 = arith.constant 1 : i32
        %get3A_337 = arith.index_cast %get3A_336 : i32 to index
        %get3A_338 = arith.index_cast %scan3A_329 : i32 to index
        %get3A_339 = arith.constant 0 : index
        %get3A_340 = tpu.vector_load %arg9[%get3A_337, %get3A_338, %get3A_339] {strides = array<i32>} : memref<2x128x64xf32, #tpu.memory_space<vmem>>, vector<1x1x16xf32>,
        %get3A_341 = vector.shape_cast %get3A_340 : vector<1x1x16xf32> to vector<16xf32>
        %add3A_342 = arith.addf %get3A_335, %get3A_341 : vector<16xf32>
        %get3A_343 = arith.constant 1 : i32
        %get3A_344 = arith.index_cast %get3A_343 : i32 to index
        %get3A_345 = arith.index_cast %scan3A_329 : i32 to index
        %get3A_346 = arith.constant 0 : index
        %get3A_347 = tpu.vector_load %arg10[%get3A_344, %get3A_345, %get3A_346] {strides = array<i32>} : memref<2x128x64xf32, #tpu.memory_space<vmem>>, vector<1x1x16xf32>,
        %get3A_348 = vector.shape_cast %get3A_347 : vector<1x1x16xf32> to vector<16xf32>
        %add3A_349 = arith.addf %add3A_342, %get3A_348 : vector<16xf32>
        %max3A = arith.constant 0.000000e+00 : f32
        %max3A_350 = vector.broadcast %max3A : f32 to vector<16xf32>
        %max3A_351 = arith.maximumf %add3A_349, %max3A_350 : vector<16xf32>
        %swap3A = arith.index_cast %scan3A_329 : i32 to index
        %swap3A_352 = arith.constant 0 : index
        %swap3A_353 = tpu.vector_load %arg11[%swap3A, %swap3A_352] {strides = array<i32>} : memref<128x64xf32, #tpu.memory_space<vmem>>, vector<1x16xf32>,
        %swap3A_354 = vector.shape_cast %swap3A_353 : vector<1x16xf32> to vector<16xf32>
        %swap3A_355 = vector.shape_cast %max3A_351 : vector<16xf32> to vector<1x16xf32>
        tpu.vector_store %arg11[%swap3A, %swap3A_352], %swap3A_355 {strides = array<i32>} : memref<128x64xf32, #tpu.memory_space<vmem>>, vector<1x16xf32>,
        %get3A_356 = arith.constant 1 : i32
        %get3A_357 = arith.index_cast %get3A_356 : i32 to index
        %get3A_358 = arith.index_cast %scan3A_329 : i32 to index
        %get3A_359 = arith.constant 16 : index
        %get3A_360 = tpu.vector_load %arg8[%get3A_357, %get3A_358, %get3A_359] {strides = array<i32>} : memref<2x128x64xf32, #tpu.memory_space<vmem>>, vector<1x1x16xf32>,
        %get3A_361 = vector.shape_cast %get3A_360 : vector<1x1x16xf32> to vector<16xf32>
        %get3A_362 = arith.constant 1 : i32
        %get3A_363 = arith.index_cast %get3A_362 : i32 to index
        %get3A_364 = arith.index_cast %scan3A_329 : i32 to index
        %get3A_365 = arith.constant 16 : index
        %get3A_366 = tpu.vector_load %arg9[%get3A_363, %get3A_364, %get3A_365] {strides = array<i32>} : memref<2x128x64xf32, #tpu.memory_space<vmem>>, vector<1x1x16xf32>,
        %get3A_367 = vector.shape_cast %get3A_366 : vector<1x1x16xf32> to vector<16xf32>
        %add3A_368 = arith.addf %get3A_361, %get3A_367 : vector<16xf32>
        %get3A_369 = arith.constant 1 : i32
        %get3A_370 = arith.index_cast %get3A_369 : i32 to index
        %get3A_371 = arith.index_cast %scan3A_329 : i32 to index
        %get3A_372 = arith.constant 16 : index
        %get3A_373 = tpu.vector_load %arg10[%get3A_370, %get3A_371, %get3A_372] {strides = array<i32>} : memref<2x128x64xf32, #tpu.memory_space<vmem>>, vector<1x1x16xf32>,
        %get3A_374 = vector.shape_cast %get3A_373 : vector<1x1x16xf32> to vector<16xf32>
        %add3A_375 = arith.addf %add3A_368, %get3A_374 : vector<16xf32>
        %max3A_376 = arith.constant 0.000000e+00 : f32
        %max3A_377 = vector.broadcast %max3A_376 : f32 to vector<16xf32>
        %max3A_378 = arith.maximumf %add3A_375, %max3A_377 : vector<16xf32>
        %swap3A_379 = arith.index_cast %scan3A_329 : i32 to index
        %swap3A_380 = arith.constant 16 : index
        %swap3A_381 = tpu.vector_load %arg11[%swap3A_379, %swap3A_380] {strides = array<i32>} : memref<128x64xf32, #tpu.memory_space<vmem>>, vector<1x16xf32>,
        %swap3A_382 = vector.shape_cast %swap3A_381 : vector<1x16xf32> to vector<16xf32>
        %swap3A_383 = vector.shape_cast %max3A_378 : vector<16xf32> to vector<1x16xf32>
        tpu.vector_store %arg11[%swap3A_379, %swap3A_380], %swap3A_383 {strides = array<i32>} : memref<128x64xf32, #tpu.memory_space<vmem>>, vector<1x16xf32>,
        %get3A_384 = arith.constant 1 : i32
        %get3A_385 = arith.index_cast %get3A_384 : i32 to index
        %get3A_386 = arith.index_cast %scan3A_329 : i32 to index
        %get3A_387 = arith.constant 32 : index
        %get3A_388 = tpu.vector_load %arg8[%get3A_385, %get3A_386, %get3A_387] {strides = array<i32>} : memref<2x128x64xf32, #tpu.memory_space<vmem>>, vector<1x1x16xf32>,
        %get3A_389 = vector.shape_cast %get3A_388 : vector<1x1x16xf32> to vector<16xf32>
        %get3A_390 = arith.constant 1 : i32
        %get3A_391 = arith.index_cast %get3A_390 : i32 to index
        %get3A_392 = arith.index_cast %scan3A_329 : i32 to index
        %get3A_393 = arith.constant 32 : index
        %get3A_394 = tpu.vector_load %arg9[%get3A_391, %get3A_392, %get3A_393] {strides = array<i32>} : memref<2x128x64xf32, #tpu.memory_space<vmem>>, vector<1x1x16xf32>,
        %get3A_395 = vector.shape_cast %get3A_394 : vector<1x1x16xf32> to vector<16xf32>
        %add3A_396 = arith.addf %get3A_389, %get3A_395 : vector<16xf32>
        %get3A_397 = arith.constant 1 : i32
        %get3A_398 = arith.index_cast %get3A_397 : i32 to index
        %get3A_399 = arith.index_cast %scan3A_329 : i32 to index
        %get3A_400 = arith.constant 32 : index
        %get3A_401 = tpu.vector_load %arg10[%get3A_398, %get3A_399, %get3A_400] {strides = array<i32>} : memref<2x128x64xf32, #tpu.memory_space<vmem>>, vector<1x1x16xf32>,
        %get3A_402 = vector.shape_cast %get3A_401 : vector<1x1x16xf32> to vector<16xf32>
        %add3A_403 = arith.addf %add3A_396, %get3A_402 : vector<16xf32>
        %max3A_404 = arith.constant 0.000000e+00 : f32
        %max3A_405 = vector.broadcast %max3A_404 : f32 to vector<16xf32>
        %max3A_406 = arith.maximumf %add3A_403, %max3A_405 : vector<16xf32>
        %swap3A_407 = arith.index_cast %scan3A_329 : i32 to index
        %swap3A_408 = arith.constant 32 : index
        %swap3A_409 = tpu.vector_load %arg11[%swap3A_407, %swap3A_408] {strides = array<i32>} : memref<128x64xf32, #tpu.memory_space<vmem>>, vector<1x16xf32>,
        %swap3A_410 = vector.shape_cast %swap3A_409 : vector<1x16xf32> to vector<16xf32>
        %swap3A_411 = vector.shape_cast %max3A_406 : vector<16xf32> to vector<1x16xf32>
        tpu.vector_store %arg11[%swap3A_407, %swap3A_408], %swap3A_411 {strides = array<i32>} : memref<128x64xf32, #tpu.memory_space<vmem>>, vector<1x16xf32>,
        %get3A_412 = arith.constant 1 : i32
        %get3A_413 = arith.index_cast %get3A_412 : i32 to index
        %get3A_414 = arith.index_cast %scan3A_329 : i32 to index
        %get3A_415 = arith.constant 48 : index
        %get3A_416 = tpu.vector_load %arg8[%get3A_413, %get3A_414, %get3A_415] {strides = array<i32>} : memref<2x128x64xf32, #tpu.memory_space<vmem>>, vector<1x1x16xf32>,
        %get3A_417 = vector.shape_cast %get3A_416 : vector<1x1x16xf32> to vector<16xf32>
        %get3A_418 = arith.constant 1 : i32
        %get3A_419 = arith.index_cast %get3A_418 : i32 to index
        %get3A_420 = arith.index_cast %scan3A_329 : i32 to index
        %get3A_421 = arith.constant 48 : index
        %get3A_422 = tpu.vector_load %arg9[%get3A_419, %get3A_420, %get3A_421] {strides = array<i32>} : memref<2x128x64xf32, #tpu.memory_space<vmem>>, vector<1x1x16xf32>,
        %get3A_423 = vector.shape_cast %get3A_422 : vector<1x1x16xf32> to vector<16xf32>
        %add3A_424 = arith.addf %get3A_417, %get3A_423 : vector<16xf32>
        %get3A_425 = arith.constant 1 : i32
        %get3A_426 = arith.index_cast %get3A_425 : i32 to index
        %get3A_427 = arith.index_cast %scan3A_329 : i32 to index
        %get3A_428 = arith.constant 48 : index
        %get3A_429 = tpu.vector_load %arg10[%get3A_426, %get3A_427, %get3A_428] {strides = array<i32>} : memref<2x128x64xf32, #tpu.memory_space<vmem>>, vector<1x1x16xf32>,
        %get3A_430 = vector.shape_cast %get3A_429 : vector<1x1x16xf32> to vector<16xf32>
        %add3A_431 = arith.addf %add3A_424, %get3A_430 : vector<16xf32>
        %max3A_432 = arith.constant 0.000000e+00 : f32
        %max3A_433 = vector.broadcast %max3A_432 : f32 to vector<16xf32>
        %max3A_434 = arith.maximumf %add3A_431, %max3A_433 : vector<16xf32>
        %swap3A_435 = arith.index_cast %scan3A_329 : i32 to index
        %swap3A_436 = arith.constant 48 : index
        %swap3A_437 = tpu.vector_load %arg11[%swap3A_435, %swap3A_436] {strides = array<i32>} : memref<128x64xf32, #tpu.memory_space<vmem>>, vector<1x16xf32>,
        %swap3A_438 = vector.shape_cast %swap3A_437 : vector<1x16xf32> to vector<16xf32>
        %swap3A_439 = vector.shape_cast %max3A_434 : vector<16xf32> to vector<1x16xf32>
        tpu.vector_store %arg11[%swap3A_435, %swap3A_436], %swap3A_439 {strides = array<i32>} : memref<128x64xf32, #tpu.memory_space<vmem>>, vector<1x16xf32>,
        %scan3A_440 = arith.constant 0 : i32
        scf.yield %scan3A_440 : i32
      }
      %scan3A_322 = arith.constant 128 : i32
      %lt3A_323 = arith.constant 39 : i32
      %lt3A_324 = arith.cmpi slt, %scan3A_218, %lt3A_323 : i32
      %convert_element_type3A_325 = arith.extui %lt3A_324 : i1 to i32
      %cond3A_326 = arith.constant 0 : i32
      %cond3A_327 = arith.cmpi ne, %convert_element_type3A_325, %cond3A_326 : i32
      scf.if %cond3A_327 {
        %add3A_329 = arith.constant 2 : i32
        %add3A_330 = arith.addi %add3A_275, %add3A_329 : i32
        %dma_start3A_331 = arith.constant 1 : i32
        %dma_start3A_332 = arith.constant 0 : i32
        %dma_start3A_333 = arith.constant 0 : i32
        %dma_start3A_334 = tpu.memref_slice %arg8[%dma_start3A_331, %dma_start3A_332, %dma_start3A_333] : memref<2x128x64xf32, #tpu.memory_space<vmem>> -> memref<1x128x64xf32, #tpu.memory_space<vmem>>
        %dma_start3A_335 = tpu.memref_squeeze %dma_start3A_334 : memref<1x128x64xf32, #tpu.memory_space<vmem>> -> memref<128x64xf32, #tpu.memory_space<vmem>>
        %dma_start3A_336 = arith.constant 0 : i32
        %dma_start3A_337 = tpu.memref_slice %arg6[%add3A_330, %dma_start3A_336] : memref<80x128xi32, #tpu.memory_space<vmem>> -> memref<1x128xi32, #tpu.memory_space<vmem>>
        %dma_start3A_338 = tpu.memref_squeeze %dma_start3A_337 : memref<1x128xi32, #tpu.memory_space<vmem>> -> memref<128xi32, #tpu.memory_space<vmem>>
        %dma_start3A_339 = arith.constant 0 : i32
        %dma_start3A_340 = tpu.memref_slice %arg2[%mul3A_15, %dma_start3A_339] : memref<40960x64xf32, #tpu.memory_space<hbm>> -> memref<10240x64xf32, #tpu.memory_space<hbm>>
        %dma_start3A_341 = arith.constant 0 : i32
        %dma_start3A_342 = arith.constant 0 : i32
        %dma_start3A_343 = tpu.memref_slice %dma_start3A_340[%dma_start3A_341, %dma_start3A_342] : memref<10240x64xf32, #tpu.memory_space<hbm>> -> memref<10240x64xf32, #tpu.memory_space<hbm>>
        tpu.enqueue_indirect_dma source(%dma_start3A_343 : memref<10240x64xf32, #tpu.memory_space<hbm>>) target(%dma_start3A_335 : memref<128x64xf32, #tpu.memory_space<vmem>>) offsets(%dma_start3A_338 : memref<128xi32, #tpu.memory_space<vmem>>) semaphore(%arg15 : memref<!tpu.dma_semaphore, #tpu.memory_space<semaphore_mem>>)
        %dma_start3A_344 = arith.constant 1 : i32
        %dma_start3A_345 = arith.constant 0 : i32
        %dma_start3A_346 = arith.constant 0 : i32
        %dma_start3A_347 = tpu.memref_slice %arg9[%dma_start3A_344, %dma_start3A_345, %dma_start3A_346] : memref<2x128x64xf32, #tpu.memory_space<vmem>> -> memref<1x128x64xf32, #tpu.memory_space<vmem>>
        %dma_start3A_348 = tpu.memref_squeeze %dma_start3A_347 : memref<1x128x64xf32, #tpu.memory_space<vmem>> -> memref<128x64xf32, #tpu.memory_space<vmem>>
        %dma_start3A_349 = arith.constant 0 : i32
        %dma_start3A_350 = tpu.memref_slice %arg7[%add3A_330, %dma_start3A_349] : memref<80x128xi32, #tpu.memory_space<vmem>> -> memref<1x128xi32, #tpu.memory_space<vmem>>
        %dma_start3A_351 = tpu.memref_squeeze %dma_start3A_350 : memref<1x128xi32, #tpu.memory_space<vmem>> -> memref<128xi32, #tpu.memory_space<vmem>>
        %dma_start3A_352 = arith.constant 0 : i32
        %dma_start3A_353 = tpu.memref_slice %arg2[%mul3A_18, %dma_start3A_352] : memref<40960x64xf32, #tpu.memory_space<hbm>> -> memref<10240x64xf32, #tpu.memory_space<hbm>>
        %dma_start3A_354 = arith.constant 0 : i32
        %dma_start3A_355 = arith.constant 0 : i32
        %dma_start3A_356 = tpu.memref_slice %dma_start3A_353[%dma_start3A_354, %dma_start3A_355] : memref<10240x64xf32, #tpu.memory_space<hbm>> -> memref<10240x64xf32, #tpu.memory_space<hbm>>
        tpu.enqueue_indirect_dma source(%dma_start3A_356 : memref<10240x64xf32, #tpu.memory_space<hbm>>) target(%dma_start3A_348 : memref<128x64xf32, #tpu.memory_space<vmem>>) offsets(%dma_start3A_351 : memref<128xi32, #tpu.memory_space<vmem>>) semaphore(%arg15 : memref<!tpu.dma_semaphore, #tpu.memory_space<semaphore_mem>>)
        %mul3A_357 = arith.constant 128 : i32
        %mul3A_358 = arith.muli %add3A_330, %mul3A_357 : i32
        %add3A_359 = arith.addi %add3A_120, %mul3A_358 : i32
        %dma_start3A_360 = arith.constant 1 : i32
        %dma_start3A_361 = arith.constant 0 : i32
        %dma_start3A_362 = arith.constant 0 : i32
        %dma_start3A_363 = tpu.memref_slice %arg10[%dma_start3A_360, %dma_start3A_361, %dma_start3A_362] : memref<2x128x64xf32, #tpu.memory_space<vmem>> -> memref<1x128x64xf32, #tpu.memory_space<vmem>>
        %dma_start3A_364 = tpu.memref_squeeze %dma_start3A_363 : memref<1x128x64xf32, #tpu.memory_space<vmem>> -> memref<128x64xf32, #tpu.memory_space<vmem>>
        %dma_start3A_365 = tpu.memref_slice %arg3[%add3A_359, %mul3A_20] : memref<327680x128xf32, #tpu.memory_space<hbm>> -> memref<128x64xf32, #tpu.memory_space<hbm>>
        %dma_start3A_366 = arith.constant 0 : i32
        %dma_start3A_367 = arith.constant 0 : i32
        %dma_start3A_368 = tpu.memref_slice %arg10[%dma_start3A_360, %dma_start3A_366, %dma_start3A_367] : memref<2x128x64xf32, #tpu.memory_space<vmem>> -> memref<1x128x64xf32, #tpu.memory_space<vmem>>
        %dma_start3A_369 = tpu.memref_squeeze %dma_start3A_368 : memref<1x128x64xf32, #tpu.memory_space<vmem>> -> memref<128x64xf32, #tpu.memory_space<vmem>>
        %dma_start3A_370 = tpu.memref_slice %arg3[%add3A_359, %mul3A_20] : memref<327680x128xf32, #tpu.memory_space<hbm>> -> memref<128x64xf32, #tpu.memory_space<hbm>>
        tpu.enqueue_dma source(%dma_start3A_370 : memref<128x64xf32, #tpu.memory_space<hbm>>) target(%dma_start3A_369 : memref<128x64xf32, #tpu.memory_space<vmem>>) target_semaphore(%arg15 : memref<!tpu.dma_semaphore, #tpu.memory_space<semaphore_mem>>)
      } else {
      }
      "tpu.region"() ({
        %run_scoped3A = tpu.sem_alloc : memref<!tpu.dma_semaphore, #tpu.memory_space<semaphore_mem>>
        %dma_start3A_329 = arith.constant 0 : i32
        %dma_start3A_330 = tpu.memref_slice %arg7[%add3A_275, %dma_start3A_329] : memref<80x128xi32, #tpu.memory_space<vmem>> -> memref<1x128xi32, #tpu.memory_space<vmem>>
        %dma_start3A_331 = tpu.memref_squeeze %dma_start3A_330 : memref<1x128xi32, #tpu.memory_space<vmem>> -> memref<128xi32, #tpu.memory_space<vmem>>
        %dma_start3A_332 = arith.constant 0 : i32
        %dma_start3A_333 = arith.constant 0 : i32
        %dma_start3A_334 = tpu.memref_slice %arg13[%dma_start3A_332, %dma_start3A_333] : memref<10240x64xf32, #tpu.memory_space<vmem_shared>> -> memref<10240x64xf32, #tpu.memory_space<vmem_shared>>
        tpu.enqueue_indirect_dma source(%arg11 : memref<128x64xf32, #tpu.memory_space<vmem>>) target(%dma_start3A_334 : memref<10240x64xf32, #tpu.memory_space<vmem_shared>>) offsets(%dma_start3A_331 : memref<128xi32, #tpu.memory_space<vmem>>) semaphore(%run_scoped3A : memref<!tpu.dma_semaphore, #tpu.memory_space<semaphore_mem>>) {add = true}
        %dma_wait3A_335 = arith.constant 0 : i32
        %dma_wait3A_336 = tpu.memref_slice %arg7[%add3A_275, %dma_wait3A_335] : memref<80x128xi32, #tpu.memory_space<vmem>> -> memref<1x128xi32, #tpu.memory_space<vmem>>
        %dma_wait3A_337 = tpu.memref_squeeze %dma_wait3A_336 : memref<1x128xi32, #tpu.memory_space<vmem>> -> memref<128xi32, #tpu.memory_space<vmem>>
        %dma_wait3A_338 = arith.constant 0 : i32
        %dma_wait3A_339 = arith.constant 0 : i32
        %dma_wait3A_340 = tpu.memref_slice %arg13[%dma_wait3A_338, %dma_wait3A_339] : memref<10240x64xf32, #tpu.memory_space<vmem_shared>> -> memref<10240x64xf32, #tpu.memory_space<vmem_shared>>
        tpu.wait_indirect_dma semaphore(%run_scoped3A : memref<!tpu.dma_semaphore, #tpu.memory_space<semaphore_mem>>) src(%arg11 : memref<128x64xf32, #tpu.memory_space<vmem>>) dst(%dma_wait3A_340 : memref<10240x64xf32, #tpu.memory_space<vmem_shared>>)
        tpu.yield
      }) : () -> ()
      %scan3A_328 = arith.constant 0 : i32
      scf.yield %scan3A_328 : i32
    }
    %scan3A_209 = arith.constant 40 : i32
    %barrier3A_210 = arith.constant 0 : index
    tpu.barrier barrier_id(%barrier3A_210)
    %scan3A_211 = arith.constant 0 : i32
    %scan3A_212 = arith.constant 0 : i32
    %scan3A_213 = arith.constant 5 : i32
    %scan3A_214 = arith.addi %scan3A_212, %scan3A_213 : i32
    %scan3A_215 = arith.constant 1 : i32
    %scan3A_216 = scf.for %scan3A_218 = %scan3A_212 to %scan3A_214 step %scan3A_215 iter_args(%scan3A_219 = %scan3A_211) -> (i32)  : i32 {
      %mul3A_220 = arith.constant 128 : i32
      %mul3A_221 = arith.muli %scan3A_218, %mul3A_220 : i32
      %add3A_222 = arith.addi %mul3A_6, %mul3A_221 : i32
      "tpu.region"() ({
        %run_scoped3A = tpu.sem_alloc : memref<!tpu.dma_semaphore, #tpu.memory_space<semaphore_mem>>
        %dma_start3A_224 = arith.constant 0 : i32
        %dma_start3A_225 = tpu.memref_slice %arg5[%arg0, %add3A_222, %dma_start3A_224] : memref<2x10240x64xf32, #tpu.memory_space<hbm>> -> memref<1x128x64xf32, #tpu.memory_space<hbm>>
        %dma_start3A_226 = tpu.memref_squeeze %dma_start3A_225 : memref<1x128x64xf32, #tpu.memory_space<hbm>> -> memref<128x64xf32, #tpu.memory_space<hbm>>
        %dma_start3A_227 = arith.constant 0 : i32
        %dma_start3A_228 = tpu.memref_slice %arg13[%add3A_222, %dma_start3A_227] : memref<10240x64xf32, #tpu.memory_space<vmem_shared>> -> memref<128x64xf32, #tpu.memory_space<vmem_shared>>
        tpu.enqueue_dma source(%dma_start3A_228 : memref<128x64xf32, #tpu.memory_space<vmem_shared>>) target(%dma_start3A_226 : memref<128x64xf32, #tpu.memory_space<hbm>>) target_semaphore(%run_scoped3A : memref<!tpu.dma_semaphore, #tpu.memory_space<semaphore_mem>>)
        %dma_wait3A = arith.constant 0 : i32
        %dma_wait3A_229 = tpu.memref_slice %arg5[%arg0, %add3A_222, %dma_wait3A] : memref<2x10240x64xf32, #tpu.memory_space<hbm>> -> memref<1x128x64xf32, #tpu.memory_space<hbm>>
        %dma_wait3A_230 = tpu.memref_squeeze %dma_wait3A_229 : memref<1x128x64xf32, #tpu.memory_space<hbm>> -> memref<128x64xf32, #tpu.memory_space<hbm>>
        %dma_wait3A_231 = arith.constant 0 : i32
        %dma_wait3A_232 = tpu.memref_slice %arg13[%add3A_222, %dma_wait3A_231] : memref<10240x64xf32, #tpu.memory_space<vmem_shared>> -> memref<128x64xf32, #tpu.memory_space<vmem_shared>>
        tpu.wait_dma2 semaphore(%run_scoped3A : memref<!tpu.dma_semaphore, #tpu.memory_space<semaphore_mem>>) src(%dma_wait3A_232 : memref<128x64xf32, #tpu.memory_space<vmem_shared>>) dst(%dma_wait3A_230 : memref<128x64xf32, #tpu.memory_space<hbm>>)
        tpu.yield
      }) : () -> ()
      %scan3A_223 = arith.constant 0 : i32
      scf.yield %scan3A_223 : i32
    }
    %scan3A_217 = arith.constant 5 : i32
    return
  }
}

#map = affine_map<(d0, d1) -> (0, 0, 0)>
module attributes {stable_mosaic.version = 14 : i64} {
  func.func @deg_kernel(%arg0: i32, %arg1: i32, %arg2: memref<32x160x128xi32, #tpu.memory_space<hbm>>, %arg3: memref<2x10240x16xf32, #tpu.memory_space<hbm>>, %arg4: memref<160x128xi32, #tpu.memory_space<vmem>>, %arg5: memref<128x16xf32, #tpu.memory_space<vmem>>, %arg6: memref<128x16xf32, #tpu.memory_space<vmem>>, %arg7: memref<10240x16xf32, #tpu.memory_space<vmem_shared>>, %arg8: memref<!tpu.dma_semaphore, #tpu.memory_space<semaphore_mem>>) attributes {dimension_semantics = [#tpu.dimension_semantics<core_parallel>, #tpu.dimension_semantics<subcore_parallel>], iteration_bounds = array<i64: 2, 16>, scalar_prefetch = 0 : i64, scratch_operands = 5 : i64, tpu.core_type = #tpu.core_type<sc_vector_subcore>, window_params = [{transform_indices = #map}, {transform_indices = #map}]} {
    %scan3A = arith.constant 0 : i32
    %scan3A_0 = arith.constant 0 : i32
    %scan3A_1 = arith.constant 128 : i32
    %scan3A_2 = arith.addi %scan3A_0, %scan3A_1 : i32
    %scan3A_3 = arith.constant 1 : i32
    %scan3A_4 = scf.for %scan3A_32 = %scan3A_0 to %scan3A_2 step %scan3A_3 iter_args(%scan3A_33 = %scan3A) -> (i32)  : i32 {
      %broadcast_in_dim3A = arith.constant 0.000000e+00 : f32
      %broadcast_in_dim3A_34 = vector.broadcast %broadcast_in_dim3A : f32 to vector<16xf32>
      %swap3A = arith.index_cast %scan3A_32 : i32 to index
      %swap3A_35 = arith.constant 0 : index
      %swap3A_36 = tpu.vector_load %arg5[%swap3A, %swap3A_35] {strides = array<i32>} : memref<128x16xf32, #tpu.memory_space<vmem>>, vector<1x16xf32>,
      %swap3A_37 = vector.shape_cast %swap3A_36 : vector<1x16xf32> to vector<16xf32>
      %swap3A_38 = vector.shape_cast %broadcast_in_dim3A_34 : vector<16xf32> to vector<1x16xf32>
      tpu.vector_store %arg5[%swap3A, %swap3A_35], %swap3A_38 {strides = array<i32>} : memref<128x16xf32, #tpu.memory_space<vmem>>, vector<1x16xf32>,
      %broadcast_in_dim3A_39 = arith.constant 1.000000e+00 : f32
      %broadcast_in_dim3A_40 = vector.broadcast %broadcast_in_dim3A_39 : f32 to vector<16xf32>
      %swap3A_41 = arith.index_cast %scan3A_32 : i32 to index
      %swap3A_42 = arith.constant 0 : index
      %swap3A_43 = tpu.vector_load %arg6[%swap3A_41, %swap3A_42] {strides = array<i32>} : memref<128x16xf32, #tpu.memory_space<vmem>>, vector<1x16xf32>,
      %swap3A_44 = vector.shape_cast %swap3A_43 : vector<1x16xf32> to vector<16xf32>
      %swap3A_45 = vector.shape_cast %broadcast_in_dim3A_40 : vector<16xf32> to vector<1x16xf32>
      tpu.vector_store %arg6[%swap3A_41, %swap3A_42], %swap3A_45 {strides = array<i32>} : memref<128x16xf32, #tpu.memory_space<vmem>>, vector<1x16xf32>,
      %scan3A_46 = arith.constant 0 : i32
      scf.yield %scan3A_46 : i32
    }
    %scan3A_5 = arith.constant 128 : i32
    %mul3A = arith.constant 640 : i32
    %mul3A_6 = arith.muli %arg1, %mul3A : i32
    %scan3A_7 = arith.constant 0 : i32
    %scan3A_8 = arith.constant 0 : i32
    %scan3A_9 = arith.constant 5 : i32
    %scan3A_10 = arith.addi %scan3A_8, %scan3A_9 : i32
    %scan3A_11 = arith.constant 1 : i32
    %scan3A_12 = scf.for %scan3A_32 = %scan3A_8 to %scan3A_10 step %scan3A_11 iter_args(%scan3A_33 = %scan3A_7) -> (i32)  : i32 {
      %mul3A_34 = arith.constant 128 : i32
      %mul3A_35 = arith.muli %scan3A_32, %mul3A_34 : i32
      %add3A_36 = arith.addi %mul3A_6, %mul3A_35 : i32
      "tpu.region"() ({
        %run_scoped3A = tpu.sem_alloc : memref<!tpu.dma_semaphore, #tpu.memory_space<semaphore_mem>>
        %dma_start3A = arith.constant 0 : i32
        %dma_start3A_38 = tpu.memref_slice %arg7[%add3A_36, %dma_start3A] : memref<10240x16xf32, #tpu.memory_space<vmem_shared>> -> memref<128x16xf32, #tpu.memory_space<vmem_shared>>
        %dma_start3A_39 = arith.constant 0 : i32
        %dma_start3A_40 = tpu.memref_slice %arg7[%add3A_36, %dma_start3A_39] : memref<10240x16xf32, #tpu.memory_space<vmem_shared>> -> memref<128x16xf32, #tpu.memory_space<vmem_shared>>
        tpu.enqueue_dma source(%arg5 : memref<128x16xf32, #tpu.memory_space<vmem>>) target(%dma_start3A_40 : memref<128x16xf32, #tpu.memory_space<vmem_shared>>) target_semaphore(%run_scoped3A : memref<!tpu.dma_semaphore, #tpu.memory_space<semaphore_mem>>)
        %dma_wait3A = arith.constant 0 : i32
        %dma_wait3A_41 = tpu.memref_slice %arg7[%add3A_36, %dma_wait3A] : memref<10240x16xf32, #tpu.memory_space<vmem_shared>> -> memref<128x16xf32, #tpu.memory_space<vmem_shared>>
        %dma_wait3A_42 = arith.constant 0 : i32
        %dma_wait3A_43 = tpu.memref_slice %arg7[%add3A_36, %dma_wait3A_42] : memref<10240x16xf32, #tpu.memory_space<vmem_shared>> -> memref<128x16xf32, #tpu.memory_space<vmem_shared>>
        tpu.wait_dma2 semaphore(%run_scoped3A : memref<!tpu.dma_semaphore, #tpu.memory_space<semaphore_mem>>) src(%arg5 : memref<128x16xf32, #tpu.memory_space<vmem>>) dst(%dma_wait3A_43 : memref<128x16xf32, #tpu.memory_space<vmem_shared>>)
        tpu.yield
      }) : () -> ()
      %scan3A_37 = arith.constant 0 : i32
      scf.yield %scan3A_37 : i32
    }
    %scan3A_13 = arith.constant 5 : i32
    %barrier3A = arith.constant 0 : index
    tpu.barrier barrier_id(%barrier3A)
    %add3A = arith.constant 16 : i32
    %add3A_14 = arith.addi %add3A, %arg1 : i32
    "tpu.region"() ({
      %run_scoped3A = tpu.sem_alloc : memref<!tpu.dma_semaphore, #tpu.memory_space<semaphore_mem>>
      %dma_start3A = arith.constant 0 : i32
      %dma_start3A_32 = arith.constant 0 : i32
      %dma_start3A_33 = tpu.memref_slice %arg2[%add3A_14, %dma_start3A, %dma_start3A_32] : memref<32x160x128xi32, #tpu.memory_space<hbm>> -> memref<1x160x128xi32, #tpu.memory_space<hbm>>
      %dma_start3A_34 = tpu.memref_squeeze %dma_start3A_33 : memref<1x160x128xi32, #tpu.memory_space<hbm>> -> memref<160x128xi32, #tpu.memory_space<hbm>>
      %dma_start3A_35 = arith.constant 0 : i32
      %dma_start3A_36 = arith.constant 0 : i32
      %dma_start3A_37 = tpu.memref_slice %arg2[%add3A_14, %dma_start3A_35, %dma_start3A_36] : memref<32x160x128xi32, #tpu.memory_space<hbm>> -> memref<1x160x128xi32, #tpu.memory_space<hbm>>
      %dma_start3A_38 = tpu.memref_squeeze %dma_start3A_37 : memref<1x160x128xi32, #tpu.memory_space<hbm>> -> memref<160x128xi32, #tpu.memory_space<hbm>>
      tpu.enqueue_dma source(%dma_start3A_38 : memref<160x128xi32, #tpu.memory_space<hbm>>) target(%arg4 : memref<160x128xi32, #tpu.memory_space<vmem>>) target_semaphore(%run_scoped3A : memref<!tpu.dma_semaphore, #tpu.memory_space<semaphore_mem>>)
      %dma_wait3A = arith.constant 0 : i32
      %dma_wait3A_39 = arith.constant 0 : i32
      %dma_wait3A_40 = tpu.memref_slice %arg2[%add3A_14, %dma_wait3A, %dma_wait3A_39] : memref<32x160x128xi32, #tpu.memory_space<hbm>> -> memref<1x160x128xi32, #tpu.memory_space<hbm>>
      %dma_wait3A_41 = tpu.memref_squeeze %dma_wait3A_40 : memref<1x160x128xi32, #tpu.memory_space<hbm>> -> memref<160x128xi32, #tpu.memory_space<hbm>>
      %dma_wait3A_42 = arith.constant 0 : i32
      %dma_wait3A_43 = arith.constant 0 : i32
      %dma_wait3A_44 = tpu.memref_slice %arg2[%add3A_14, %dma_wait3A_42, %dma_wait3A_43] : memref<32x160x128xi32, #tpu.memory_space<hbm>> -> memref<1x160x128xi32, #tpu.memory_space<hbm>>
      %dma_wait3A_45 = tpu.memref_squeeze %dma_wait3A_44 : memref<1x160x128xi32, #tpu.memory_space<hbm>> -> memref<160x128xi32, #tpu.memory_space<hbm>>
      tpu.wait_dma2 semaphore(%run_scoped3A : memref<!tpu.dma_semaphore, #tpu.memory_space<semaphore_mem>>) src(%dma_wait3A_45 : memref<160x128xi32, #tpu.memory_space<hbm>>) dst(%arg4 : memref<160x128xi32, #tpu.memory_space<vmem>>)
      tpu.yield
    }) : () -> ()
    %mul3A_15 = arith.constant 80 : i32
    %mul3A_16 = arith.muli %arg0, %mul3A_15 : i32
    %scan3A_17 = arith.constant 0 : i32
    %scan3A_18 = arith.constant 0 : i32
    %scan3A_19 = arith.constant 80 : i32
    %scan3A_20 = arith.addi %scan3A_18, %scan3A_19 : i32
    %scan3A_21 = arith.constant 1 : i32
    %scan3A_22 = scf.for %scan3A_32 = %scan3A_18 to %scan3A_20 step %scan3A_21 iter_args(%scan3A_33 = %scan3A_17) -> (i32)  : i32 {
      %add3A_34 = arith.addi %mul3A_16, %scan3A_32 : i32
      "tpu.region"() ({
        %run_scoped3A = tpu.sem_alloc : memref<!tpu.dma_semaphore, #tpu.memory_space<semaphore_mem>>
        %dma_start3A = arith.constant 0 : i32
        %dma_start3A_36 = tpu.memref_slice %arg4[%add3A_34, %dma_start3A] : memref<160x128xi32, #tpu.memory_space<vmem>> -> memref<1x128xi32, #tpu.memory_space<vmem>>
        %dma_start3A_37 = tpu.memref_squeeze %dma_start3A_36 : memref<1x128xi32, #tpu.memory_space<vmem>> -> memref<128xi32, #tpu.memory_space<vmem>>
        %dma_start3A_38 = arith.constant 0 : i32
        %dma_start3A_39 = arith.constant 0 : i32
        %dma_start3A_40 = tpu.memref_slice %arg7[%dma_start3A_38, %dma_start3A_39] : memref<10240x16xf32, #tpu.memory_space<vmem_shared>> -> memref<10240x16xf32, #tpu.memory_space<vmem_shared>>
        tpu.enqueue_indirect_dma source(%arg6 : memref<128x16xf32, #tpu.memory_space<vmem>>) target(%dma_start3A_40 : memref<10240x16xf32, #tpu.memory_space<vmem_shared>>) offsets(%dma_start3A_37 : memref<128xi32, #tpu.memory_space<vmem>>) semaphore(%run_scoped3A : memref<!tpu.dma_semaphore, #tpu.memory_space<semaphore_mem>>) {add = true}
        %dma_wait3A = arith.constant 0 : i32
        %dma_wait3A_41 = tpu.memref_slice %arg4[%add3A_34, %dma_wait3A] : memref<160x128xi32, #tpu.memory_space<vmem>> -> memref<1x128xi32, #tpu.memory_space<vmem>>
        %dma_wait3A_42 = tpu.memref_squeeze %dma_wait3A_41 : memref<1x128xi32, #tpu.memory_space<vmem>> -> memref<128xi32, #tpu.memory_space<vmem>>
        %dma_wait3A_43 = arith.constant 0 : i32
        %dma_wait3A_44 = arith.constant 0 : i32
        %dma_wait3A_45 = tpu.memref_slice %arg7[%dma_wait3A_43, %dma_wait3A_44] : memref<10240x16xf32, #tpu.memory_space<vmem_shared>> -> memref<10240x16xf32, #tpu.memory_space<vmem_shared>>
        tpu.wait_indirect_dma semaphore(%run_scoped3A : memref<!tpu.dma_semaphore, #tpu.memory_space<semaphore_mem>>) src(%arg6 : memref<128x16xf32, #tpu.memory_space<vmem>>) dst(%dma_wait3A_45 : memref<10240x16xf32, #tpu.memory_space<vmem_shared>>)
        tpu.yield
      }) : () -> ()
      %scan3A_35 = arith.constant 0 : i32
      scf.yield %scan3A_35 : i32
    }
    %scan3A_23 = arith.constant 80 : i32
    %barrier3A_24 = arith.constant 0 : index
    tpu.barrier barrier_id(%barrier3A_24)
    %scan3A_25 = arith.constant 0 : i32
    %scan3A_26 = arith.constant 0 : i32
    %scan3A_27 = arith.constant 5 : i32
    %scan3A_28 = arith.addi %scan3A_26, %scan3A_27 : i32
    %scan3A_29 = arith.constant 1 : i32
    %scan3A_30 = scf.for %scan3A_32 = %scan3A_26 to %scan3A_28 step %scan3A_29 iter_args(%scan3A_33 = %scan3A_25) -> (i32)  : i32 {
      %mul3A_34 = arith.constant 128 : i32
      %mul3A_35 = arith.muli %scan3A_32, %mul3A_34 : i32
      %add3A_36 = arith.addi %mul3A_6, %mul3A_35 : i32
      "tpu.region"() ({
        %run_scoped3A = tpu.sem_alloc : memref<!tpu.dma_semaphore, #tpu.memory_space<semaphore_mem>>
        %dma_start3A = arith.constant 0 : i32
        %dma_start3A_38 = tpu.memref_slice %arg3[%arg0, %add3A_36, %dma_start3A] : memref<2x10240x16xf32, #tpu.memory_space<hbm>> -> memref<1x128x16xf32, #tpu.memory_space<hbm>>
        %dma_start3A_39 = tpu.memref_squeeze %dma_start3A_38 : memref<1x128x16xf32, #tpu.memory_space<hbm>> -> memref<128x16xf32, #tpu.memory_space<hbm>>
        %dma_start3A_40 = arith.constant 0 : i32
        %dma_start3A_41 = tpu.memref_slice %arg7[%add3A_36, %dma_start3A_40] : memref<10240x16xf32, #tpu.memory_space<vmem_shared>> -> memref<128x16xf32, #tpu.memory_space<vmem_shared>>
        tpu.enqueue_dma source(%dma_start3A_41 : memref<128x16xf32, #tpu.memory_space<vmem_shared>>) target(%dma_start3A_39 : memref<128x16xf32, #tpu.memory_space<hbm>>) target_semaphore(%run_scoped3A : memref<!tpu.dma_semaphore, #tpu.memory_space<semaphore_mem>>)
        %dma_wait3A = arith.constant 0 : i32
        %dma_wait3A_42 = tpu.memref_slice %arg3[%arg0, %add3A_36, %dma_wait3A] : memref<2x10240x16xf32, #tpu.memory_space<hbm>> -> memref<1x128x16xf32, #tpu.memory_space<hbm>>
        %dma_wait3A_43 = tpu.memref_squeeze %dma_wait3A_42 : memref<1x128x16xf32, #tpu.memory_space<hbm>> -> memref<128x16xf32, #tpu.memory_space<hbm>>
        %dma_wait3A_44 = arith.constant 0 : i32
        %dma_wait3A_45 = tpu.memref_slice %arg7[%add3A_36, %dma_wait3A_44] : memref<10240x16xf32, #tpu.memory_space<vmem_shared>> -> memref<128x16xf32, #tpu.memory_space<vmem_shared>>
        tpu.wait_dma2 semaphore(%run_scoped3A : memref<!tpu.dma_semaphore, #tpu.memory_space<semaphore_mem>>) src(%dma_wait3A_45 : memref<128x16xf32, #tpu.memory_space<vmem_shared>>) dst(%dma_wait3A_43 : memref<128x16xf32, #tpu.memory_space<hbm>>)
        tpu.yield
      }) : () -> ()
      %scan3A_37 = arith.constant 0 : i32
      scf.yield %scan3A_37 : i32
    }
    %scan3A_31 = arith.constant 5 : i32
    return
  }
}

module attributes {stable_mosaic.version = 14 : i64} {
  func.func @_embed_ab_body(%arg0: i32, %arg1: memref<512x128xf32, #tpu.memory_space<vmem>>, %arg2: memref<128x128xf32, #tpu.memory_space<vmem>>, %arg3: memref<1x128xf32, #tpu.memory_space<vmem>>, %arg4: memref<128x128xf32, #tpu.memory_space<vmem>>, %arg5: memref<128x128xf32, #tpu.memory_space<vmem>>, %arg6: memref<1x128xf32, #tpu.memory_space<vmem>>, %arg7: memref<512x128xf32, #tpu.memory_space<vmem>>, %arg8: memref<2x512x64xf32, #tpu.memory_space<vmem>>, %arg9: memref<2x512x64xf32, #tpu.memory_space<vmem>>) attributes {dimension_semantics = [#tpu.dimension_semantics<arbitrary>], iteration_bounds = array<i64: 20>, scalar_prefetch = 0 : i64, scratch_operands = 0 : i64, tpu.core_type = #tpu.core_type<tc>, window_params = [{transform_indices = @transform_0, window_bounds = array<i64: 512, 128>}, {pipeline_mode = #tpu.pipeline_mode<synchronous>, transform_indices = @transform_1, window_bounds = array<i64: 128, 128>}, {pipeline_mode = #tpu.pipeline_mode<synchronous>, transform_indices = @transform_2, window_bounds = array<i64: 1, 128>}, {pipeline_mode = #tpu.pipeline_mode<synchronous>, transform_indices = @transform_3, window_bounds = array<i64: 128, 128>}, {pipeline_mode = #tpu.pipeline_mode<synchronous>, transform_indices = @transform_4, window_bounds = array<i64: 128, 128>}, {pipeline_mode = #tpu.pipeline_mode<synchronous>, transform_indices = @transform_5, window_bounds = array<i64: 1, 128>}, {transform_indices = @transform_6, window_bounds = array<i64: 512, 128>}, {transform_indices = @transform_7, window_bounds = array<i64: 2, 512, 64>}, {transform_indices = @transform_8, window_bounds = array<i64: 2, 512, 64>}]} {
    %get3A = arith.constant 0 : index
    %get3A_0 = arith.constant 0 : index
    %get3A_1 = vector.load %arg1[%get3A, %get3A_0] : memref<512x128xf32, #tpu.memory_space<vmem>>, vector<512x128xf32>
    %get3A_2 = arith.constant 0 : index
    %get3A_3 = arith.constant 0 : index
    %get3A_4 = vector.load %arg2[%get3A_2, %get3A_3] : memref<128x128xf32, #tpu.memory_space<vmem>>, vector<128x128xf32>
    %dot_general3A = arith.constant dense<0.000000e+00> : vector<512x128xf32>
    %dot_general3A_5 = tpu.matmul %get3A_1, %get3A_4, %dot_general3A {dimension_numbers = #tpu.dot_dimension_numbers<[1], [0], [0], [1], [0, 0, 1, 1], [], []>, transpose_lhs_hint = false} : vector<512x128xf32>, vector<128x128xf32>, vector<512x128xf32> -> vector<512x128xf32>
    %get3A_6 = arith.constant 0 : index
    %get3A_7 = arith.constant 0 : index
    %get3A_8 = vector.load %arg3[%get3A_6, %get3A_7] : memref<1x128xf32, #tpu.memory_space<vmem>>, vector<1x128xf32>
    %add3A = vector.broadcast %get3A_8 : vector<1x128xf32> to vector<512x128xf32>
    %add3A_9 = arith.addf %dot_general3A_5, %add3A : vector<512x128xf32>
    %swap3A = arith.constant 0 : index
    %swap3A_10 = arith.constant 0 : index
    %swap3A_11 = vector.load %arg7[%swap3A, %swap3A_10] : memref<512x128xf32, #tpu.memory_space<vmem>>, vector<512x128xf32>
    tpu.vector_store %arg7[%swap3A, %swap3A_10], %add3A_9 {strides = array<i32>} : memref<512x128xf32, #tpu.memory_space<vmem>>, vector<512x128xf32>,
    %get3A_12 = arith.constant 0 : index
    %get3A_13 = arith.constant 0 : index
    %get3A_14 = vector.load %arg4[%get3A_12, %get3A_13] : memref<128x128xf32, #tpu.memory_space<vmem>>, vector<128x128xf32>
    %slice3A = vector.extract_strided_slice %get3A_14 {offsets = [0, 0], sizes = [128, 64], strides = [1, 1]} : vector<128x128xf32> to vector<128x64xf32>
    %dot_general3A_15 = arith.constant dense<0.000000e+00> : vector<512x64xf32>
    %dot_general3A_16 = tpu.matmul %add3A_9, %slice3A, %dot_general3A_15 {dimension_numbers = #tpu.dot_dimension_numbers<[1], [0], [0], [1], [0, 0, 1, 1], [], []>, transpose_lhs_hint = false} : vector<512x128xf32>, vector<128x64xf32>, vector<512x64xf32> -> vector<512x64xf32>
    %slice3A_17 = vector.extract_strided_slice %get3A_14 {offsets = [0, 64], sizes = [128, 64], strides = [1, 1]} : vector<128x128xf32> to vector<128x64xf32>
    %dot_general3A_18 = arith.constant dense<0.000000e+00> : vector<512x64xf32>
    %dot_general3A_19 = tpu.matmul %add3A_9, %slice3A_17, %dot_general3A_18 {dimension_numbers = #tpu.dot_dimension_numbers<[1], [0], [0], [1], [0, 0, 1, 1], [], []>, transpose_lhs_hint = false} : vector<512x128xf32>, vector<128x64xf32>, vector<512x64xf32> -> vector<512x64xf32>
    %stack3A = vector.shape_cast %dot_general3A_16 : vector<512x64xf32> to vector<1x512x64xf32>
    %stack3A_20 = vector.shape_cast %dot_general3A_19 : vector<512x64xf32> to vector<1x512x64xf32>
    %stack3A_21 = tpu.concatenate %stack3A, %stack3A_20 in 0 : vector<1x512x64xf32>, vector<1x512x64xf32> -> vector<2x512x64xf32>
    %swap3A_22 = arith.constant 0 : index
    %swap3A_23 = arith.constant 0 : index
    %swap3A_24 = arith.constant 0 : index
    %swap3A_25 = vector.load %arg8[%swap3A_22, %swap3A_23, %swap3A_24] : memref<2x512x64xf32, #tpu.memory_space<vmem>>, vector<2x512x64xf32>
    tpu.vector_store %arg8[%swap3A_22, %swap3A_23, %swap3A_24], %stack3A_21 {strides = array<i32>} : memref<2x512x64xf32, #tpu.memory_space<vmem>>, vector<2x512x64xf32>,
    %get3A_26 = arith.constant 0 : index
    %get3A_27 = arith.constant 0 : index
    %get3A_28 = vector.load %arg5[%get3A_26, %get3A_27] : memref<128x128xf32, #tpu.memory_space<vmem>>, vector<128x128xf32>
    %get3A_29 = arith.constant 0 : index
    %get3A_30 = arith.constant 0 : index
    %get3A_31 = vector.load %arg6[%get3A_29, %get3A_30] : memref<1x128xf32, #tpu.memory_space<vmem>>, vector<1x128xf32>
    %slice3A_32 = vector.extract_strided_slice %get3A_28 {offsets = [0, 0], sizes = [128, 64], strides = [1, 1]} : vector<128x128xf32> to vector<128x64xf32>
    %dot_general3A_33 = arith.constant dense<0.000000e+00> : vector<512x64xf32>
    %dot_general3A_34 = tpu.matmul %add3A_9, %slice3A_32, %dot_general3A_33 {dimension_numbers = #tpu.dot_dimension_numbers<[1], [0], [0], [1], [0, 0, 1, 1], [], []>, transpose_lhs_hint = false} : vector<512x128xf32>, vector<128x64xf32>, vector<512x64xf32> -> vector<512x64xf32>
    %slice3A_35 = vector.extract_strided_slice %get3A_28 {offsets = [0, 64], sizes = [128, 64], strides = [1, 1]} : vector<128x128xf32> to vector<128x64xf32>
    %dot_general3A_36 = arith.constant dense<0.000000e+00> : vector<512x64xf32>
    %dot_general3A_37 = tpu.matmul %add3A_9, %slice3A_35, %dot_general3A_36 {dimension_numbers = #tpu.dot_dimension_numbers<[1], [0], [0], [1], [0, 0, 1, 1], [], []>, transpose_lhs_hint = false} : vector<512x128xf32>, vector<128x64xf32>, vector<512x64xf32> -> vector<512x64xf32>
    %slice3A_38 = vector.extract_strided_slice %get3A_31 {offsets = [0, 0], sizes = [1, 64], strides = [1, 1]} : vector<1x128xf32> to vector<1x64xf32>
    %add3A_39 = vector.broadcast %slice3A_38 : vector<1x64xf32> to vector<512x64xf32>
    %add3A_40 = arith.addf %dot_general3A_34, %add3A_39 : vector<512x64xf32>
    %slice3A_41 = vector.extract_strided_slice %get3A_31 {offsets = [0, 64], sizes = [1, 64], strides = [1, 1]} : vector<1x128xf32> to vector<1x64xf32>
    %add3A_42 = vector.broadcast %slice3A_41 : vector<1x64xf32> to vector<512x64xf32>
    %add3A_43 = arith.addf %dot_general3A_37, %add3A_42 : vector<512x64xf32>
    %stack3A_44 = vector.shape_cast %add3A_40 : vector<512x64xf32> to vector<1x512x64xf32>
    %stack3A_45 = vector.shape_cast %add3A_43 : vector<512x64xf32> to vector<1x512x64xf32>
    %stack3A_46 = tpu.concatenate %stack3A_44, %stack3A_45 in 0 : vector<1x512x64xf32>, vector<1x512x64xf32> -> vector<2x512x64xf32>
    %swap3A_47 = arith.constant 0 : index
    %swap3A_48 = arith.constant 0 : index
    %swap3A_49 = arith.constant 0 : index
    %swap3A_50 = vector.load %arg9[%swap3A_47, %swap3A_48, %swap3A_49] : memref<2x512x64xf32, #tpu.memory_space<vmem>>, vector<2x512x64xf32>
    tpu.vector_store %arg9[%swap3A_47, %swap3A_48, %swap3A_49], %stack3A_46 {strides = array<i32>} : memref<2x512x64xf32, #tpu.memory_space<vmem>>, vector<2x512x64xf32>,
    return
  }
  func.func @transform_0(%arg0: i32) -> (i32, i32) {
    %c0_i32 = arith.constant 0 : i32
    %c0_i32_0 = arith.constant 0 : i32
    return %arg0, %c0_i32 : i32, i32
  }
  func.func @transform_1(%arg0: i32) -> (i32, i32) {
    %c0_i32 = arith.constant 0 : i32
    %c0_i32_0 = arith.constant 0 : i32
    %c0_i32_1 = arith.constant 0 : i32
    return %c0_i32, %c0_i32_0 : i32, i32
  }
  func.func @transform_2(%arg0: i32) -> (i32, i32) {
    %c0_i32 = arith.constant 0 : i32
    %c0_i32_0 = arith.constant 0 : i32
    %c0_i32_1 = arith.constant 0 : i32
    return %c0_i32, %c0_i32_0 : i32, i32
  }
  func.func @transform_3(%arg0: i32) -> (i32, i32) {
    %c0_i32 = arith.constant 0 : i32
    %c0_i32_0 = arith.constant 0 : i32
    %c0_i32_1 = arith.constant 0 : i32
    return %c0_i32, %c0_i32_0 : i32, i32
  }
  func.func @transform_4(%arg0: i32) -> (i32, i32) {
    %c0_i32 = arith.constant 0 : i32
    %c0_i32_0 = arith.constant 0 : i32
    %c0_i32_1 = arith.constant 0 : i32
    return %c0_i32, %c0_i32_0 : i32, i32
  }
  func.func @transform_5(%arg0: i32) -> (i32, i32) {
    %c0_i32 = arith.constant 0 : i32
    %c0_i32_0 = arith.constant 0 : i32
    %c0_i32_1 = arith.constant 0 : i32
    return %c0_i32, %c0_i32_0 : i32, i32
  }
  func.func @transform_6(%arg0: i32) -> (i32, i32) {
    %c0_i32 = arith.constant 0 : i32
    %c0_i32_0 = arith.constant 0 : i32
    return %arg0, %c0_i32 : i32, i32
  }
  func.func @transform_7(%arg0: i32) -> (i32, i32, i32) {
    %c0_i32 = arith.constant 0 : i32
    %c0_i32_0 = arith.constant 0 : i32
    %c0_i32_1 = arith.constant 0 : i32
    return %c0_i32, %arg0, %c0_i32_0 : i32, i32, i32
  }
  func.func @transform_8(%arg0: i32) -> (i32, i32, i32) {
    %c0_i32 = arith.constant 0 : i32
    %c0_i32_0 = arith.constant 0 : i32
    %c0_i32_1 = arith.constant 0 : i32
    return %c0_i32, %arg0, %c0_i32_0 : i32, i32, i32
  }
}

module attributes {stable_mosaic.version = 14 : i64} {
  func.func @_cmsg_body(%arg0: i32, %arg1: memref<1024x16xf32, #tpu.memory_space<vmem>>, %arg2: memref<16x128xf32, #tpu.memory_space<vmem>>, %arg3: memref<1x128xf32, #tpu.memory_space<vmem>>, %arg4: memref<1024x128xf32, #tpu.memory_space<vmem>>) attributes {dimension_semantics = [#tpu.dimension_semantics<arbitrary>], iteration_bounds = array<i64: 320>, scalar_prefetch = 0 : i64, scratch_operands = 0 : i64, tpu.core_type = #tpu.core_type<tc>, window_params = [{transform_indices = @transform_0, window_bounds = array<i64: 1024, 16>}, {pipeline_mode = #tpu.pipeline_mode<synchronous>, transform_indices = @transform_1, window_bounds = array<i64: 16, 128>}, {pipeline_mode = #tpu.pipeline_mode<synchronous>, transform_indices = @transform_2, window_bounds = array<i64: 1, 128>}, {transform_indices = @transform_3, window_bounds = array<i64: 1024, 128>}]} {
    %get3A = arith.constant 0 : index
    %get3A_0 = arith.constant 0 : index
    %get3A_1 = vector.load %arg1[%get3A, %get3A_0] : memref<1024x16xf32, #tpu.memory_space<vmem>>, vector<1024x16xf32>
    %get3A_2 = arith.constant 0 : index
    %get3A_3 = arith.constant 0 : index
    %get3A_4 = vector.load %arg2[%get3A_2, %get3A_3] : memref<16x128xf32, #tpu.memory_space<vmem>>, vector<16x128xf32>
    %dot_general3A = arith.constant dense<0.000000e+00> : vector<1024x128xf32>
    %dot_general3A_5 = tpu.matmul %get3A_1, %get3A_4, %dot_general3A {dimension_numbers = #tpu.dot_dimension_numbers<[1], [0], [0], [1], [0, 0, 1, 1], [], []>, transpose_lhs_hint = false} : vector<1024x16xf32>, vector<16x128xf32>, vector<1024x128xf32> -> vector<1024x128xf32>
    %get3A_6 = arith.constant 0 : index
    %get3A_7 = arith.constant 0 : index
    %get3A_8 = vector.load %arg3[%get3A_6, %get3A_7] : memref<1x128xf32, #tpu.memory_space<vmem>>, vector<1x128xf32>
    %add3A = vector.broadcast %get3A_8 : vector<1x128xf32> to vector<1024x128xf32>
    %add3A_9 = arith.addf %dot_general3A_5, %add3A : vector<1024x128xf32>
    %swap3A = arith.constant 0 : index
    %swap3A_10 = arith.constant 0 : index
    %swap3A_11 = vector.load %arg4[%swap3A, %swap3A_10] : memref<1024x128xf32, #tpu.memory_space<vmem>>, vector<1024x128xf32>
    tpu.vector_store %arg4[%swap3A, %swap3A_10], %add3A_9 {strides = array<i32>} : memref<1024x128xf32, #tpu.memory_space<vmem>>, vector<1024x128xf32>,
    return
  }
  func.func @transform_0(%arg0: i32) -> (i32, i32) {
    %c0_i32 = arith.constant 0 : i32
    %c0_i32_0 = arith.constant 0 : i32
    return %arg0, %c0_i32 : i32, i32
  }
  func.func @transform_1(%arg0: i32) -> (i32, i32) {
    %c0_i32 = arith.constant 0 : i32
    %c0_i32_0 = arith.constant 0 : i32
    %c0_i32_1 = arith.constant 0 : i32
    return %c0_i32, %c0_i32_0 : i32, i32
  }
  func.func @transform_2(%arg0: i32) -> (i32, i32) {
    %c0_i32 = arith.constant 0 : i32
    %c0_i32_0 = arith.constant 0 : i32
    %c0_i32_1 = arith.constant 0 : i32
    return %c0_i32, %c0_i32_0 : i32, i32
  }
  func.func @transform_3(%arg0: i32) -> (i32, i32) {
    %c0_i32 = arith.constant 0 : i32
    %c0_i32_0 = arith.constant 0 : i32
    return %arg0, %c0_i32 : i32, i32
  }
}

module attributes {stable_mosaic.version = 14 : i64} {
  func.func @_update_body(%arg0: i32, %arg1: memref<512x64xf32, #tpu.memory_space<vmem>>, %arg2: memref<512x64xf32, #tpu.memory_space<vmem>>, %arg3: memref<512x16xf32, #tpu.memory_space<vmem>>, %arg4: memref<512x16xf32, #tpu.memory_space<vmem>>, %arg5: memref<512x128xf32, #tpu.memory_space<vmem>>, %arg6: memref<64x128xf32, #tpu.memory_space<vmem>>, %arg7: memref<64x128xf32, #tpu.memory_space<vmem>>, %arg8: memref<1x128xf32, #tpu.memory_space<vmem>>, %arg9: memref<128x128xf32, #tpu.memory_space<vmem>>, %arg10: memref<128x128xf32, #tpu.memory_space<vmem>>, %arg11: memref<1x128xf32, #tpu.memory_space<vmem>>, %arg12: memref<128x128xf32, #tpu.memory_space<vmem>>, %arg13: memref<1x128xf32, #tpu.memory_space<vmem>>, %arg14: memref<1x128xf32, #tpu.memory_space<vmem>>, %arg15: memref<1x128xf32, #tpu.memory_space<vmem>>, %arg16: memref<512x128xf32, #tpu.memory_space<vmem>>) attributes {dimension_semantics = [#tpu.dimension_semantics<arbitrary>], iteration_bounds = array<i64: 20>, scalar_prefetch = 0 : i64, scratch_operands = 0 : i64, tpu.core_type = #tpu.core_type<tc>, window_params = [{transform_indices = @transform_0, window_bounds = array<i64: 512, 64>}, {transform_indices = @transform_1, window_bounds = array<i64: 512, 64>}, {transform_indices = @transform_2, window_bounds = array<i64: 512, 16>}, {transform_indices = @transform_3, window_bounds = array<i64: 512, 16>}, {transform_indices = @transform_4, window_bounds = array<i64: 512, 128>}, {pipeline_mode = #tpu.pipeline_mode<synchronous>, transform_indices = @transform_5, window_bounds = array<i64: 64, 128>}, {pipeline_mode = #tpu.pipeline_mode<synchronous>, transform_indices = @transform_6, window_bounds = array<i64: 64, 128>}, {pipeline_mode = #tpu.pipeline_mode<synchronous>, transform_indices = @transform_7, window_bounds = array<i64: 1, 128>}, {pipeline_mode = #tpu.pipeline_mode<synchronous>, transform_indices = @transform_8, window_bounds = array<i64: 128, 128>}, {pipeline_mode = #tpu.pipeline_mode<synchronous>, transform_indices = @transform_9, window_bounds = array<i64: 128, 128>}, {pipeline_mode = #tpu.pipeline_mode<synchronous>, transform_indices = @transform_10, window_bounds = array<i64: 1, 128>}, {pipeline_mode = #tpu.pipeline_mode<synchronous>, transform_indices = @transform_11, window_bounds = array<i64: 128, 128>}, {pipeline_mode = #tpu.pipeline_mode<synchronous>, transform_indices = @transform_12, window_bounds = array<i64: 1, 128>}, {pipeline_mode = #tpu.pipeline_mode<synchronous>, transform_indices = @transform_13, window_bounds = array<i64: 1, 128>}, {pipeline_mode = #tpu.pipeline_mode<synchronous>, transform_indices = @transform_14, window_bounds = array<i64: 1, 128>}, {transform_indices = @transform_15, window_bounds = array<i64: 512, 128>}]} {
    %get3A = arith.constant 0 : index
    %get3A_0 = arith.constant 0 : index
    %get3A_1 = vector.load %arg3[%get3A, %get3A_0] : memref<512x16xf32, #tpu.memory_space<vmem>>, vector<512x16xf32>
    %slice3A = vector.extract_strided_slice %get3A_1 {offsets = [0, 0], sizes = [512, 1], strides = [1, 1]} : vector<512x16xf32> to vector<512x1xf32>
    %get3A_2 = arith.constant 0 : index
    %get3A_3 = arith.constant 0 : index
    %get3A_4 = vector.load %arg4[%get3A_2, %get3A_3] : memref<512x16xf32, #tpu.memory_space<vmem>>, vector<512x16xf32>
    %slice3A_5 = vector.extract_strided_slice %get3A_4 {offsets = [0, 0], sizes = [512, 1], strides = [1, 1]} : vector<512x16xf32> to vector<512x1xf32>
    %add3A = arith.addf %slice3A, %slice3A_5 : vector<512x1xf32>
    %get3A_6 = arith.constant 0 : index
    %get3A_7 = arith.constant 0 : index
    %get3A_8 = vector.load %arg1[%get3A_6, %get3A_7] : memref<512x64xf32, #tpu.memory_space<vmem>>, vector<512x64xf32>
    %get3A_9 = arith.constant 0 : index
    %get3A_10 = arith.constant 0 : index
    %get3A_11 = vector.load %arg6[%get3A_9, %get3A_10] : memref<64x128xf32, #tpu.memory_space<vmem>>, vector<64x128xf32>
    %dot_general3A = arith.constant dense<0.000000e+00> : vector<512x128xf32>
    %dot_general3A_12 = tpu.matmul %get3A_8, %get3A_11, %dot_general3A {dimension_numbers = #tpu.dot_dimension_numbers<[1], [0], [0], [1], [0, 0, 1, 1], [], []>, transpose_lhs_hint = false} : vector<512x64xf32>, vector<64x128xf32>, vector<512x128xf32> -> vector<512x128xf32>
    %get3A_13 = arith.constant 0 : index
    %get3A_14 = arith.constant 0 : index
    %get3A_15 = vector.load %arg2[%get3A_13, %get3A_14] : memref<512x64xf32, #tpu.memory_space<vmem>>, vector<512x64xf32>
    %get3A_16 = arith.constant 0 : index
    %get3A_17 = arith.constant 0 : index
    %get3A_18 = vector.load %arg7[%get3A_16, %get3A_17] : memref<64x128xf32, #tpu.memory_space<vmem>>, vector<64x128xf32>
    %dot_general3A_19 = arith.constant dense<0.000000e+00> : vector<512x128xf32>
    %dot_general3A_20 = tpu.matmul %get3A_15, %get3A_18, %dot_general3A_19 {dimension_numbers = #tpu.dot_dimension_numbers<[1], [0], [0], [1], [0, 0, 1, 1], [], []>, transpose_lhs_hint = false} : vector<512x64xf32>, vector<64x128xf32>, vector<512x128xf32> -> vector<512x128xf32>
    %add3A_21 = arith.addf %dot_general3A_12, %dot_general3A_20 : vector<512x128xf32>
    %get3A_22 = arith.constant 0 : index
    %get3A_23 = arith.constant 0 : index
    %get3A_24 = vector.load %arg8[%get3A_22, %get3A_23] : memref<1x128xf32, #tpu.memory_space<vmem>>, vector<1x128xf32>
    %mul3A = vector.broadcast %add3A : vector<512x1xf32> to vector<512x128xf32>
    %mul3A_25 = vector.broadcast %get3A_24 : vector<1x128xf32> to vector<512x128xf32>
    %mul3A_26 = arith.mulf %mul3A, %mul3A_25 : vector<512x128xf32>
    %add3A_27 = arith.addf %add3A_21, %mul3A_26 : vector<512x128xf32>
    %get3A_28 = arith.constant 0 : index
    %get3A_29 = arith.constant 0 : index
    %get3A_30 = vector.load %arg5[%get3A_28, %get3A_29] : memref<512x128xf32, #tpu.memory_space<vmem>>, vector<512x128xf32>
    %get3A_31 = arith.constant 0 : index
    %get3A_32 = arith.constant 0 : index
    %get3A_33 = vector.load %arg9[%get3A_31, %get3A_32] : memref<128x128xf32, #tpu.memory_space<vmem>>, vector<128x128xf32>
    %dot_general3A_34 = arith.constant dense<0.000000e+00> : vector<512x128xf32>
    %dot_general3A_35 = tpu.matmul %get3A_30, %get3A_33, %dot_general3A_34 {dimension_numbers = #tpu.dot_dimension_numbers<[1], [0], [0], [1], [0, 0, 1, 1], [], []>, transpose_lhs_hint = false} : vector<512x128xf32>, vector<128x128xf32>, vector<512x128xf32> -> vector<512x128xf32>
    %get3A_36 = arith.constant 0 : index
    %get3A_37 = arith.constant 0 : index
    %get3A_38 = vector.load %arg10[%get3A_36, %get3A_37] : memref<128x128xf32, #tpu.memory_space<vmem>>, vector<128x128xf32>
    %dot_general3A_39 = arith.constant dense<0.000000e+00> : vector<512x128xf32>
    %dot_general3A_40 = tpu.matmul %add3A_27, %get3A_38, %dot_general3A_39 {dimension_numbers = #tpu.dot_dimension_numbers<[1], [0], [0], [1], [0, 0, 1, 1], [], []>, transpose_lhs_hint = false} : vector<512x128xf32>, vector<128x128xf32>, vector<512x128xf32> -> vector<512x128xf32>
    %add3A_41 = arith.addf %dot_general3A_35, %dot_general3A_40 : vector<512x128xf32>
    %get3A_42 = arith.constant 0 : index
    %get3A_43 = arith.constant 0 : index
    %get3A_44 = vector.load %arg11[%get3A_42, %get3A_43] : memref<1x128xf32, #tpu.memory_space<vmem>>, vector<1x128xf32>
    %add3A_45 = vector.broadcast %get3A_44 : vector<1x128xf32> to vector<512x128xf32>
    %add3A_46 = arith.addf %add3A_41, %add3A_45 : vector<512x128xf32>
    %max3A = arith.constant 0.000000e+00 : f32
    %max3A_47 = vector.broadcast %max3A : f32 to vector<512x128xf32>
    %max3A_48 = arith.maximumf %add3A_46, %max3A_47 : vector<512x128xf32>
    %get3A_49 = arith.constant 0 : index
    %get3A_50 = arith.constant 0 : index
    %get3A_51 = vector.load %arg12[%get3A_49, %get3A_50] : memref<128x128xf32, #tpu.memory_space<vmem>>, vector<128x128xf32>
    %dot_general3A_52 = arith.constant dense<0.000000e+00> : vector<512x128xf32>
    %dot_general3A_53 = tpu.matmul %max3A_48, %get3A_51, %dot_general3A_52 {dimension_numbers = #tpu.dot_dimension_numbers<[1], [0], [0], [1], [0, 0, 1, 1], [], []>, transpose_lhs_hint = false} : vector<512x128xf32>, vector<128x128xf32>, vector<512x128xf32> -> vector<512x128xf32>
    %get3A_54 = arith.constant 0 : index
    %get3A_55 = arith.constant 0 : index
    %get3A_56 = vector.load %arg13[%get3A_54, %get3A_55] : memref<1x128xf32, #tpu.memory_space<vmem>>, vector<1x128xf32>
    %add3A_57 = vector.broadcast %get3A_56 : vector<1x128xf32> to vector<512x128xf32>
    %add3A_58 = arith.addf %dot_general3A_53, %add3A_57 : vector<512x128xf32>
    %add3A_59 = arith.addf %get3A_30, %add3A_58 : vector<512x128xf32>
    %reduce_sum3A = arith.constant dense<0.000000e+00> : vector<512xf32>
    %reduce_sum3A_60 = vector.multi_reduction <add>, %add3A_59, %reduce_sum3A [1] : vector<512x128xf32> to vector<512xf32>
    %broadcast_in_dim3A = vector.shape_cast %reduce_sum3A_60 : vector<512xf32> to vector<512x1xf32>
    %div3A = arith.constant 1.280000e+02 : f32
    %div3A_61 = vector.broadcast %div3A : f32 to vector<512x1xf32>
    %div3A_62 = arith.divf %broadcast_in_dim3A, %div3A_61 : vector<512x1xf32>
    %sub3A = vector.broadcast %div3A_62 : vector<512x1xf32> to vector<512x128xf32>
    %sub3A_63 = arith.subf %add3A_59, %sub3A : vector<512x128xf32>
    %mul3A_64 = arith.mulf %sub3A_63, %sub3A_63 : vector<512x128xf32>
    %reduce_sum3A_65 = arith.constant dense<0.000000e+00> : vector<512xf32>
    %reduce_sum3A_66 = vector.multi_reduction <add>, %mul3A_64, %reduce_sum3A_65 [1] : vector<512x128xf32> to vector<512xf32>
    %broadcast_in_dim3A_67 = vector.shape_cast %reduce_sum3A_66 : vector<512xf32> to vector<512x1xf32>
    %div3A_68 = arith.constant 1.280000e+02 : f32
    %div3A_69 = vector.broadcast %div3A_68 : f32 to vector<512x1xf32>
    %div3A_70 = arith.divf %broadcast_in_dim3A_67, %div3A_69 : vector<512x1xf32>
    %add3A_71 = arith.constant 9.99999974E-6 : f32
    %add3A_72 = vector.broadcast %add3A_71 : f32 to vector<512x1xf32>
    %add3A_73 = arith.addf %div3A_70, %add3A_72 : vector<512x1xf32>
    %rsqrt3A = math.rsqrt %add3A_73 : vector<512x1xf32>
    %mul3A_74 = vector.broadcast %rsqrt3A : vector<512x1xf32> to vector<512x128xf32>
    %mul3A_75 = arith.mulf %sub3A_63, %mul3A_74 : vector<512x128xf32>
    %get3A_76 = arith.constant 0 : index
    %get3A_77 = arith.constant 0 : index
    %get3A_78 = vector.load %arg14[%get3A_76, %get3A_77] : memref<1x128xf32, #tpu.memory_space<vmem>>, vector<1x128xf32>
    %mul3A_79 = vector.broadcast %get3A_78 : vector<1x128xf32> to vector<512x128xf32>
    %mul3A_80 = arith.mulf %mul3A_75, %mul3A_79 : vector<512x128xf32>
    %get3A_81 = arith.constant 0 : index
    %get3A_82 = arith.constant 0 : index
    %get3A_83 = vector.load %arg15[%get3A_81, %get3A_82] : memref<1x128xf32, #tpu.memory_space<vmem>>, vector<1x128xf32>
    %add3A_84 = vector.broadcast %get3A_83 : vector<1x128xf32> to vector<512x128xf32>
    %add3A_85 = arith.addf %mul3A_80, %add3A_84 : vector<512x128xf32>
    %swap3A = arith.constant 0 : index
    %swap3A_86 = arith.constant 0 : index
    %swap3A_87 = vector.load %arg16[%swap3A, %swap3A_86] : memref<512x128xf32, #tpu.memory_space<vmem>>, vector<512x128xf32>
    tpu.vector_store %arg16[%swap3A, %swap3A_86], %add3A_85 {strides = array<i32>} : memref<512x128xf32, #tpu.memory_space<vmem>>, vector<512x128xf32>,
    return
  }
  func.func @transform_0(%arg0: i32) -> (i32, i32) {
    %c0_i32 = arith.constant 0 : i32
    %c0_i32_0 = arith.constant 0 : i32
    return %arg0, %c0_i32 : i32, i32
  }
  func.func @transform_1(%arg0: i32) -> (i32, i32) {
    %c0_i32 = arith.constant 0 : i32
    %c0_i32_0 = arith.constant 0 : i32
    return %arg0, %c0_i32 : i32, i32
  }
  func.func @transform_2(%arg0: i32) -> (i32, i32) {
    %c0_i32 = arith.constant 0 : i32
    %c0_i32_0 = arith.constant 0 : i32
    return %arg0, %c0_i32 : i32, i32
  }
  func.func @transform_3(%arg0: i32) -> (i32, i32) {
    %c0_i32 = arith.constant 0 : i32
    %c0_i32_0 = arith.constant 0 : i32
    return %arg0, %c0_i32 : i32, i32
  }
  func.func @transform_4(%arg0: i32) -> (i32, i32) {
    %c0_i32 = arith.constant 0 : i32
    %c0_i32_0 = arith.constant 0 : i32
    return %arg0, %c0_i32 : i32, i32
  }
  func.func @transform_5(%arg0: i32) -> (i32, i32) {
    %c0_i32 = arith.constant 0 : i32
    %c0_i32_0 = arith.constant 0 : i32
    %c0_i32_1 = arith.constant 0 : i32
    return %c0_i32, %c0_i32_0 : i32, i32
  }
  func.func @transform_6(%arg0: i32) -> (i32, i32) {
    %c0_i32 = arith.constant 0 : i32
    %c0_i32_0 = arith.constant 0 : i32
    %c0_i32_1 = arith.constant 0 : i32
    return %c0_i32, %c0_i32_0 : i32, i32
  }
  func.func @transform_7(%arg0: i32) -> (i32, i32) {
    %c0_i32 = arith.constant 0 : i32
    %c0_i32_0 = arith.constant 0 : i32
    %c0_i32_1 = arith.constant 0 : i32
    return %c0_i32, %c0_i32_0 : i32, i32
  }
  func.func @transform_8(%arg0: i32) -> (i32, i32) {
    %c0_i32 = arith.constant 0 : i32
    %c0_i32_0 = arith.constant 0 : i32
    %c0_i32_1 = arith.constant 0 : i32
    return %c0_i32, %c0_i32_0 : i32, i32
  }
  func.func @transform_9(%arg0: i32) -> (i32, i32) {
    %c0_i32 = arith.constant 0 : i32
    %c0_i32_0 = arith.constant 0 : i32
    %c0_i32_1 = arith.constant 0 : i32
    return %c0_i32, %c0_i32_0 : i32, i32
  }
  func.func @transform_10(%arg0: i32) -> (i32, i32) {
    %c0_i32 = arith.constant 0 : i32
    %c0_i32_0 = arith.constant 0 : i32
    %c0_i32_1 = arith.constant 0 : i32
    return %c0_i32, %c0_i32_0 : i32, i32
  }
  func.func @transform_11(%arg0: i32) -> (i32, i32) {
    %c0_i32 = arith.constant 0 : i32
    %c0_i32_0 = arith.constant 0 : i32
    %c0_i32_1 = arith.constant 0 : i32
    return %c0_i32, %c0_i32_0 : i32, i32
  }
  func.func @transform_12(%arg0: i32) -> (i32, i32) {
    %c0_i32 = arith.constant 0 : i32
    %c0_i32_0 = arith.constant 0 : i32
    %c0_i32_1 = arith.constant 0 : i32
    return %c0_i32, %c0_i32_0 : i32, i32
  }
  func.func @transform_13(%arg0: i32) -> (i32, i32) {
    %c0_i32 = arith.constant 0 : i32
    %c0_i32_0 = arith.constant 0 : i32
    %c0_i32_1 = arith.constant 0 : i32
    return %c0_i32, %c0_i32_0 : i32, i32
  }
  func.func @transform_14(%arg0: i32) -> (i32, i32) {
    %c0_i32 = arith.constant 0 : i32
    %c0_i32_0 = arith.constant 0 : i32
    %c0_i32_1 = arith.constant 0 : i32
    return %c0_i32, %c0_i32_0 : i32, i32
  }
  func.func @transform_15(%arg0: i32) -> (i32, i32) {
    %c0_i32 = arith.constant 0 : i32
    %c0_i32_0 = arith.constant 0 : i32
    return %arg0, %c0_i32 : i32, i32
  }
}

module attributes {stable_mosaic.version = 14 : i64} {
  func.func @_ab_body(%arg0: i32, %arg1: memref<512x128xf32, #tpu.memory_space<vmem>>, %arg2: memref<128x128xf32, #tpu.memory_space<vmem>>, %arg3: memref<128x128xf32, #tpu.memory_space<vmem>>, %arg4: memref<1x128xf32, #tpu.memory_space<vmem>>, %arg5: memref<2x512x64xf32, #tpu.memory_space<vmem>>, %arg6: memref<2x512x64xf32, #tpu.memory_space<vmem>>) attributes {dimension_semantics = [#tpu.dimension_semantics<arbitrary>], iteration_bounds = array<i64: 20>, scalar_prefetch = 0 : i64, scratch_operands = 0 : i64, tpu.core_type = #tpu.core_type<tc>, window_params = [{transform_indices = @transform_0, window_bounds = array<i64: 512, 128>}, {pipeline_mode = #tpu.pipeline_mode<synchronous>, transform_indices = @transform_1, window_bounds = array<i64: 128, 128>}, {pipeline_mode = #tpu.pipeline_mode<synchronous>, transform_indices = @transform_2, window_bounds = array<i64: 128, 128>}, {pipeline_mode = #tpu.pipeline_mode<synchronous>, transform_indices = @transform_3, window_bounds = array<i64: 1, 128>}, {transform_indices = @transform_4, window_bounds = array<i64: 2, 512, 64>}, {transform_indices = @transform_5, window_bounds = array<i64: 2, 512, 64>}]} {
    %get3A = arith.constant 0 : index
    %get3A_0 = arith.constant 0 : index
    %get3A_1 = vector.load %arg1[%get3A, %get3A_0] : memref<512x128xf32, #tpu.memory_space<vmem>>, vector<512x128xf32>
    %get3A_2 = arith.constant 0 : index
    %get3A_3 = arith.constant 0 : index
    %get3A_4 = vector.load %arg2[%get3A_2, %get3A_3] : memref<128x128xf32, #tpu.memory_space<vmem>>, vector<128x128xf32>
    %slice3A = vector.extract_strided_slice %get3A_4 {offsets = [0, 0], sizes = [128, 64], strides = [1, 1]} : vector<128x128xf32> to vector<128x64xf32>
    %dot_general3A = arith.constant dense<0.000000e+00> : vector<512x64xf32>
    %dot_general3A_5 = tpu.matmul %get3A_1, %slice3A, %dot_general3A {dimension_numbers = #tpu.dot_dimension_numbers<[1], [0], [0], [1], [0, 0, 1, 1], [], []>, transpose_lhs_hint = false} : vector<512x128xf32>, vector<128x64xf32>, vector<512x64xf32> -> vector<512x64xf32>
    %slice3A_6 = vector.extract_strided_slice %get3A_4 {offsets = [0, 64], sizes = [128, 64], strides = [1, 1]} : vector<128x128xf32> to vector<128x64xf32>
    %dot_general3A_7 = arith.constant dense<0.000000e+00> : vector<512x64xf32>
    %dot_general3A_8 = tpu.matmul %get3A_1, %slice3A_6, %dot_general3A_7 {dimension_numbers = #tpu.dot_dimension_numbers<[1], [0], [0], [1], [0, 0, 1, 1], [], []>, transpose_lhs_hint = false} : vector<512x128xf32>, vector<128x64xf32>, vector<512x64xf32> -> vector<512x64xf32>
    %stack3A = vector.shape_cast %dot_general3A_5 : vector<512x64xf32> to vector<1x512x64xf32>
    %stack3A_9 = vector.shape_cast %dot_general3A_8 : vector<512x64xf32> to vector<1x512x64xf32>
    %stack3A_10 = tpu.concatenate %stack3A, %stack3A_9 in 0 : vector<1x512x64xf32>, vector<1x512x64xf32> -> vector<2x512x64xf32>
    %swap3A = arith.constant 0 : index
    %swap3A_11 = arith.constant 0 : index
    %swap3A_12 = arith.constant 0 : index
    %swap3A_13 = vector.load %arg5[%swap3A, %swap3A_11, %swap3A_12] : memref<2x512x64xf32, #tpu.memory_space<vmem>>, vector<2x512x64xf32>
    tpu.vector_store %arg5[%swap3A, %swap3A_11, %swap3A_12], %stack3A_10 {strides = array<i32>} : memref<2x512x64xf32, #tpu.memory_space<vmem>>, vector<2x512x64xf32>,
    %get3A_14 = arith.constant 0 : index
    %get3A_15 = arith.constant 0 : index
    %get3A_16 = vector.load %arg3[%get3A_14, %get3A_15] : memref<128x128xf32, #tpu.memory_space<vmem>>, vector<128x128xf32>
    %get3A_17 = arith.constant 0 : index
    %get3A_18 = arith.constant 0 : index
    %get3A_19 = vector.load %arg4[%get3A_17, %get3A_18] : memref<1x128xf32, #tpu.memory_space<vmem>>, vector<1x128xf32>
    %slice3A_20 = vector.extract_strided_slice %get3A_16 {offsets = [0, 0], sizes = [128, 64], strides = [1, 1]} : vector<128x128xf32> to vector<128x64xf32>
    %dot_general3A_21 = arith.constant dense<0.000000e+00> : vector<512x64xf32>
    %dot_general3A_22 = tpu.matmul %get3A_1, %slice3A_20, %dot_general3A_21 {dimension_numbers = #tpu.dot_dimension_numbers<[1], [0], [0], [1], [0, 0, 1, 1], [], []>, transpose_lhs_hint = false} : vector<512x128xf32>, vector<128x64xf32>, vector<512x64xf32> -> vector<512x64xf32>
    %slice3A_23 = vector.extract_strided_slice %get3A_16 {offsets = [0, 64], sizes = [128, 64], strides = [1, 1]} : vector<128x128xf32> to vector<128x64xf32>
    %dot_general3A_24 = arith.constant dense<0.000000e+00> : vector<512x64xf32>
    %dot_general3A_25 = tpu.matmul %get3A_1, %slice3A_23, %dot_general3A_24 {dimension_numbers = #tpu.dot_dimension_numbers<[1], [0], [0], [1], [0, 0, 1, 1], [], []>, transpose_lhs_hint = false} : vector<512x128xf32>, vector<128x64xf32>, vector<512x64xf32> -> vector<512x64xf32>
    %slice3A_26 = vector.extract_strided_slice %get3A_19 {offsets = [0, 0], sizes = [1, 64], strides = [1, 1]} : vector<1x128xf32> to vector<1x64xf32>
    %add3A = vector.broadcast %slice3A_26 : vector<1x64xf32> to vector<512x64xf32>
    %add3A_27 = arith.addf %dot_general3A_22, %add3A : vector<512x64xf32>
    %slice3A_28 = vector.extract_strided_slice %get3A_19 {offsets = [0, 64], sizes = [1, 64], strides = [1, 1]} : vector<1x128xf32> to vector<1x64xf32>
    %add3A_29 = vector.broadcast %slice3A_28 : vector<1x64xf32> to vector<512x64xf32>
    %add3A_30 = arith.addf %dot_general3A_25, %add3A_29 : vector<512x64xf32>
    %stack3A_31 = vector.shape_cast %add3A_27 : vector<512x64xf32> to vector<1x512x64xf32>
    %stack3A_32 = vector.shape_cast %add3A_30 : vector<512x64xf32> to vector<1x512x64xf32>
    %stack3A_33 = tpu.concatenate %stack3A_31, %stack3A_32 in 0 : vector<1x512x64xf32>, vector<1x512x64xf32> -> vector<2x512x64xf32>
    %swap3A_34 = arith.constant 0 : index
    %swap3A_35 = arith.constant 0 : index
    %swap3A_36 = arith.constant 0 : index
    %swap3A_37 = vector.load %arg6[%swap3A_34, %swap3A_35, %swap3A_36] : memref<2x512x64xf32, #tpu.memory_space<vmem>>, vector<2x512x64xf32>
    tpu.vector_store %arg6[%swap3A_34, %swap3A_35, %swap3A_36], %stack3A_33 {strides = array<i32>} : memref<2x512x64xf32, #tpu.memory_space<vmem>>, vector<2x512x64xf32>,
    return
  }
  func.func @transform_0(%arg0: i32) -> (i32, i32) {
    %c0_i32 = arith.constant 0 : i32
    %c0_i32_0 = arith.constant 0 : i32
    return %arg0, %c0_i32 : i32, i32
  }
  func.func @transform_1(%arg0: i32) -> (i32, i32) {
    %c0_i32 = arith.constant 0 : i32
    %c0_i32_0 = arith.constant 0 : i32
    %c0_i32_1 = arith.constant 0 : i32
    return %c0_i32, %c0_i32_0 : i32, i32
  }
  func.func @transform_2(%arg0: i32) -> (i32, i32) {
    %c0_i32 = arith.constant 0 : i32
    %c0_i32_0 = arith.constant 0 : i32
    %c0_i32_1 = arith.constant 0 : i32
    return %c0_i32, %c0_i32_0 : i32, i32
  }
  func.func @transform_3(%arg0: i32) -> (i32, i32) {
    %c0_i32 = arith.constant 0 : i32
    %c0_i32_0 = arith.constant 0 : i32
    %c0_i32_1 = arith.constant 0 : i32
    return %c0_i32, %c0_i32_0 : i32, i32
  }
  func.func @transform_4(%arg0: i32) -> (i32, i32, i32) {
    %c0_i32 = arith.constant 0 : i32
    %c0_i32_0 = arith.constant 0 : i32
    %c0_i32_1 = arith.constant 0 : i32
    return %c0_i32, %arg0, %c0_i32_0 : i32, i32, i32
  }
  func.func @transform_5(%arg0: i32) -> (i32, i32, i32) {
    %c0_i32 = arith.constant 0 : i32
    %c0_i32_0 = arith.constant 0 : i32
    %c0_i32_1 = arith.constant 0 : i32
    return %c0_i32, %arg0, %c0_i32_0 : i32, i32, i32
  }
}

module attributes {stable_mosaic.version = 14 : i64} {
  func.func @_readout_body(%arg0: i32, %arg1: memref<2000x128xf32, #tpu.memory_space<vmem>>, %arg2: memref<128x128xf32, #tpu.memory_space<vmem>>, %arg3: memref<1x128xf32, #tpu.memory_space<vmem>>, %arg4: memref<128x128xf32, #tpu.memory_space<vmem>>, %arg5: memref<1x128xf32, #tpu.memory_space<vmem>>, %arg6: memref<1x128xf32, #tpu.memory_space<vmem>>, %arg7: memref<1x128xf32, #tpu.memory_space<vmem>>) attributes {dimension_semantics = [#tpu.dimension_semantics<arbitrary>], iteration_bounds = array<i64: 5>, scalar_prefetch = 0 : i64, scratch_operands = 1 : i64, tpu.core_type = #tpu.core_type<tc>, window_params = [{transform_indices = @transform_0, window_bounds = array<i64: 2000, 128>}, {pipeline_mode = #tpu.pipeline_mode<synchronous>, transform_indices = @transform_1, window_bounds = array<i64: 128, 128>}, {pipeline_mode = #tpu.pipeline_mode<synchronous>, transform_indices = @transform_2, window_bounds = array<i64: 1, 128>}, {pipeline_mode = #tpu.pipeline_mode<synchronous>, transform_indices = @transform_3, window_bounds = array<i64: 128, 128>}, {pipeline_mode = #tpu.pipeline_mode<synchronous>, transform_indices = @transform_4, window_bounds = array<i64: 1, 128>}, {pipeline_mode = #tpu.pipeline_mode<synchronous>, transform_indices = @transform_5, window_bounds = array<i64: 1, 128>}]} {
    %get3A = arith.constant 0 : index
    %get3A_0 = arith.constant 0 : index
    %get3A_1 = vector.load %arg1[%get3A, %get3A_0] : memref<2000x128xf32, #tpu.memory_space<vmem>>, vector<2000x128xf32>
    %reduce_sum3A = arith.constant dense<0.000000e+00> : vector<128xf32>
    %reduce_sum3A_2 = vector.multi_reduction <add>, %get3A_1, %reduce_sum3A [0] : vector<2000x128xf32> to vector<128xf32>
    %broadcast_in_dim3A = vector.shape_cast %reduce_sum3A_2 : vector<128xf32> to vector<1x128xf32>
    %eq3A = arith.constant 0 : i32
    %eq3A_3 = arith.cmpi eq, %arg0, %eq3A : i32
    %convert_element_type3A = arith.extui %eq3A_3 : i1 to i32
    %cond3A = arith.constant 0 : i32
    %cond3A_4 = arith.cmpi ne, %convert_element_type3A, %cond3A : i32
    scf.if %cond3A_4 {
      %swap3A = arith.constant 0 : index
      %swap3A_14 = arith.constant 0 : index
      %swap3A_15 = vector.load %arg7[%swap3A, %swap3A_14] : memref<1x128xf32, #tpu.memory_space<vmem>>, vector<1x128xf32>
      tpu.vector_store %arg7[%swap3A, %swap3A_14], %broadcast_in_dim3A {strides = array<i32>} : memref<1x128xf32, #tpu.memory_space<vmem>>, vector<1x128xf32>,
    } else {
    }
    %gt3A = arith.constant 0 : i32
    %gt3A_5 = arith.cmpi sgt, %arg0, %gt3A : i32
    %convert_element_type3A_6 = arith.extui %gt3A_5 : i1 to i32
    %cond3A_7 = arith.constant 0 : i32
    %cond3A_8 = arith.cmpi ne, %convert_element_type3A_6, %cond3A_7 : i32
    scf.if %cond3A_8 {
      %get3A_14 = arith.constant 0 : index
      %get3A_15 = arith.constant 0 : index
      %get3A_16 = vector.load %arg7[%get3A_14, %get3A_15] : memref<1x128xf32, #tpu.memory_space<vmem>>, vector<1x128xf32>
      %add3A = arith.addf %get3A_16, %broadcast_in_dim3A : vector<1x128xf32>
      %swap3A = arith.constant 0 : index
      %swap3A_17 = arith.constant 0 : index
      %swap3A_18 = vector.load %arg7[%swap3A, %swap3A_17] : memref<1x128xf32, #tpu.memory_space<vmem>>, vector<1x128xf32>
      tpu.vector_store %arg7[%swap3A, %swap3A_17], %add3A {strides = array<i32>} : memref<1x128xf32, #tpu.memory_space<vmem>>, vector<1x128xf32>,
    } else {
    }
    %eq3A_9 = arith.constant 4 : i32
    %eq3A_10 = arith.cmpi eq, %arg0, %eq3A_9 : i32
    %convert_element_type3A_11 = arith.extui %eq3A_10 : i1 to i32
    %cond3A_12 = arith.constant 0 : i32
    %cond3A_13 = arith.cmpi ne, %convert_element_type3A_11, %cond3A_12 : i32
    scf.if %cond3A_13 {
      %get3A_14 = arith.constant 0 : index
      %get3A_15 = arith.constant 0 : index
      %get3A_16 = vector.load %arg7[%get3A_14, %get3A_15] : memref<1x128xf32, #tpu.memory_space<vmem>>, vector<1x128xf32>
      %mul3A = arith.constant 9.99999974E-5 : f32
      %mul3A_17 = vector.broadcast %mul3A : f32 to vector<1x128xf32>
      %mul3A_18 = arith.mulf %get3A_16, %mul3A_17 : vector<1x128xf32>
      %get3A_19 = arith.constant 0 : index
      %get3A_20 = arith.constant 0 : index
      %get3A_21 = vector.load %arg2[%get3A_19, %get3A_20] : memref<128x128xf32, #tpu.memory_space<vmem>>, vector<128x128xf32>
      %dot_general3A = arith.constant dense<0.000000e+00> : vector<1x128xf32>
      %dot_general3A_22 = tpu.matmul %mul3A_18, %get3A_21, %dot_general3A {dimension_numbers = #tpu.dot_dimension_numbers<[1], [0], [0], [1], [0, 0, 1, 1], [], []>, transpose_lhs_hint = false} : vector<1x128xf32>, vector<128x128xf32>, vector<1x128xf32> -> vector<1x128xf32>
      %get3A_23 = arith.constant 0 : index
      %get3A_24 = arith.constant 0 : index
      %get3A_25 = vector.load %arg3[%get3A_23, %get3A_24] : memref<1x128xf32, #tpu.memory_space<vmem>>, vector<1x128xf32>
      %add3A = arith.addf %dot_general3A_22, %get3A_25 : vector<1x128xf32>
      %max3A = arith.constant 0.000000e+00 : f32
      %max3A_26 = vector.broadcast %max3A : f32 to vector<1x128xf32>
      %max3A_27 = arith.maximumf %add3A, %max3A_26 : vector<1x128xf32>
      %get3A_28 = arith.constant 0 : index
      %get3A_29 = arith.constant 0 : index
      %get3A_30 = vector.load %arg4[%get3A_28, %get3A_29] : memref<128x128xf32, #tpu.memory_space<vmem>>, vector<128x128xf32>
      %dot_general3A_31 = arith.constant dense<0.000000e+00> : vector<1x128xf32>
      %dot_general3A_32 = tpu.matmul %max3A_27, %get3A_30, %dot_general3A_31 {dimension_numbers = #tpu.dot_dimension_numbers<[1], [0], [0], [1], [0, 0, 1, 1], [], []>, transpose_lhs_hint = false} : vector<1x128xf32>, vector<128x128xf32>, vector<1x128xf32> -> vector<1x128xf32>
      %get3A_33 = arith.constant 0 : index
      %get3A_34 = arith.constant 0 : index
      %get3A_35 = vector.load %arg5[%get3A_33, %get3A_34] : memref<1x128xf32, #tpu.memory_space<vmem>>, vector<1x128xf32>
      %add3A_36 = arith.addf %dot_general3A_32, %get3A_35 : vector<1x128xf32>
      %swap3A = arith.constant 0 : index
      %swap3A_37 = arith.constant 0 : index
      %swap3A_38 = vector.load %arg6[%swap3A, %swap3A_37] : memref<1x128xf32, #tpu.memory_space<vmem>>, vector<1x128xf32>
      tpu.vector_store %arg6[%swap3A, %swap3A_37], %add3A_36 {strides = array<i32>} : memref<1x128xf32, #tpu.memory_space<vmem>>, vector<1x128xf32>,
    } else {
    }
    return
  }
  func.func @transform_0(%arg0: i32) -> (i32, i32) {
    %c0_i32 = arith.constant 0 : i32
    %c0_i32_0 = arith.constant 0 : i32
    return %arg0, %c0_i32 : i32, i32
  }
  func.func @transform_1(%arg0: i32) -> (i32, i32) {
    %c0_i32 = arith.constant 0 : i32
    %c0_i32_0 = arith.constant 0 : i32
    %c0_i32_1 = arith.constant 0 : i32
    return %c0_i32, %c0_i32_0 : i32, i32
  }
  func.func @transform_2(%arg0: i32) -> (i32, i32) {
    %c0_i32 = arith.constant 0 : i32
    %c0_i32_0 = arith.constant 0 : i32
    %c0_i32_1 = arith.constant 0 : i32
    return %c0_i32, %c0_i32_0 : i32, i32
  }
  func.func @transform_3(%arg0: i32) -> (i32, i32) {
    %c0_i32 = arith.constant 0 : i32
    %c0_i32_0 = arith.constant 0 : i32
    %c0_i32_1 = arith.constant 0 : i32
    return %c0_i32, %c0_i32_0 : i32, i32
  }
  func.func @transform_4(%arg0: i32) -> (i32, i32) {
    %c0_i32 = arith.constant 0 : i32
    %c0_i32_0 = arith.constant 0 : i32
    %c0_i32_1 = arith.constant 0 : i32
    return %c0_i32, %c0_i32_0 : i32, i32
  }
  func.func @transform_5(%arg0: i32) -> (i32, i32) {
    %c0_i32 = arith.constant 0 : i32
    %c0_i32_0 = arith.constant 0 : i32
    %c0_i32_1 = arith.constant 0 : i32
    return %c0_i32, %c0_i32_0 : i32, i32
  }
}

</mosaic_0001>

<sc_bundles>
// kernel: kernel.12.cloned.1.call-start
scs
__scs_entry_jumppad:
0x0: {  	(pc) =	sbr.rel $0x88, $3  }
0x1: {  	(tag) =	ssettag $0x0;
	lr =	simm.s32 $0x1  }
0x2: {  	[smem:$0x3F8C] =	sst lr;
	_ =	strace $0xD0000000  }
0x3: {  	_ = 	snop  }
0x4: {  	_ = 	snop  }
0x5: {  	_ = 	snop  }
0x6: {  	_ = 	snop  }
0x7: {  	_ = 	snop  }
__scs_overlays_trampoline_lowered:
0x8: {  	[smem:$0x3F9B] =	sst s0  }
0x9: {  	[smem:$0x3F9C] =	sst s1  }
0xa: {  	[smem:$0x3F9D] =	sst s2  }
0xb: {  	[smem:$0x3F9E] =	sst s3  }
0xc: {  	[smem:$0x3F9F] =	sst s4  }
0xd: {  	[smem:$0x3FA0] =	sst s5  }
0xe: {  	[smem:$0x3FA1] =	sst s6  }
0xf: {  	[smem:$0x3FA2] =	sst s7  }
0x10: {  	[smem:$0x3FA3] =	sst s8  }
0x11: {  	[smem:$0x3FA4] =	sst s9;
	s0 =	simm.s32 @!p0 $0x0  }
0x12: {  	s1 =	sld [smem:$0x3F8A];
	s0 =	simm.s32 @p0 $0x1  }
0x13: {  	[smem:$0x3FA5] =	sst s0;
	s0 =	simm.s32 @!p1 $0x0  }
0x14: {  	s2 =	sld [smem:$0x3F89];
	s0 =	simm.s32 @p1 $0x1  }
0x15: {  	[smem:$0x3FA6] =	sst s0;
	s0 =	simm.s32 @!p2 $0x0  }
0x16: {  	s3 =	sld [smem:$0x3FDB];
	s0 =	simm.s32 @p2 $0x1  }
0x17: {  	s4 =	simm.s32 $0x1BF5;
	[smem:$0x3FA8] =	sst s0  }
0x18: {  	s0 =	sld [smem:$0x3F8B];
	_ =	swait.ge [sflag:s4], $0x0  }
0x19: {  	s7 =	sld [smem:$0x3F8C]  }
0x1a: {  	s8 =	sadd.s32 $0xFFFFE003, lr  }
0x1b: {  	s9 =	sadd.s32 $0xFFFFFEF7, lr;
	s5 =	simm.s32 $0xFFFFFFFF;
	p2 =	slt.u32 s8, $0xFFFFF086  }
0x1c: {  	p1 =	slt.u32 s9, $0xF7A;
	s5 =	simm.s32 @!p2 $0x0  }
0x1d: {  	s5 =	simm.s32 @p1 $0x1;
	p0 =	seq.s32 s7, s2  }
0x1e: {  	s7 =	smul.u32 @!p0 $0xF7A, s2;
	p2 =	seq.s32 @!p0 s5, $0x0  }
0x1f: {  	s9 =	smul.u32 $0xF7A, s1;
	s8 =	simm.s32 @!p0 $0x1BF5;
	p2 =	por !p2, p0  }
0x20: {  	[sflag:s8] =	ssyncset.s32 @!p0 $0xFFFFF086;
	s6 =	sadd.s32 @!p0 s3, s7;
	s7 =	simm.s32 @!p0 $0x108  }
0x21: {  	s3 =	sadd.s32 s3, s9;
	s6 =	sadd.s32 @!p0 $0x88, s6;
	s7 =	simm.s32 @p2 $0x1082  }
0x22: {  	[simem:s7], [sflag:s8] =	dma.local @!p0 [hbm:s6], $0xF7A  }
0x23: {  	s9 =	sor.u32 $0xD0000000, s2;
	s6 =	simm.s32 $0x108;
	_ =	swait.ge @!p0 [sflag:s8], $0x0  }
0x24: {  	s3 =	sadd.s32 $0x88, s3;
	s6 =	simm.s32 @!p1 $0x1082;
	[sflag:s4] =	ssyncset.s32 $0xFFFFF086  }
0x25: {  	[simem:s6], [sflag:s4] =	dma.local [hbm:s3], $0xF7A  }
0x26: {  	[smem:$0x3F8C] =	sst s1;
	(tag) =	ssettag s2;
	_ =	strace s9  }
0x27: {  	s1 =	sld [smem:$0x3F9C]  }
0x28: {  	s2 =	sld [smem:$0x3F9D]  }
0x29: {  	s4 =	sld [smem:$0x3F9F]  }
0x2a: {  	p0 =	seq.s32 s5, $0x0;
	s5 =	sld [smem:$0x3FA0]  }
0x2b: {  	s6 =	sld [smem:$0x3FA1]  }
0x2c: {  	s7 =	sld [smem:$0x3FA2]  }
0x2d: {  	s3 =	simm.s32 $0x108;
	s8 =	sld [smem:$0x3FA3]  }
0x2e: {  	s3 =	simm.s32 @!p0 $0x1082;
	s9 =	sld [smem:$0x3FA4]  }
0x2f: {  	lr =	sadd.s32 s0, s3;
	s0 =	sld [smem:$0x3F9B]  }
0x30: {  	s3 =	sld [smem:$0x3F9E]  }
0x31: {  	[smem:$0x3FA7] =	sst s10  }
0x32: {  	s10 =	sld [smem:$0x3FA5];
	_ =	sdelay $0x3  }
0x33: {  	p0 =	seq.s32 s10, $0x1;
	s10 =	sld [smem:$0x3FA7];
	_ =	sdelay $0x3  }
0x34: {  	[smem:$0x3FA7] =	sst s10  }
0x35: {  	s10 =	sld [smem:$0x3FA6];
	_ =	sdelay $0x3  }
0x36: {  	p1 =	seq.s32 s10, $0x1;
	s10 =	sld [smem:$0x3FA7];
	_ =	sdelay $0x3  }
0x37: {  	[smem:$0x3FA7] =	sst s10  }
0x38: {  	s10 =	sld [smem:$0x3FA8]  }
0x39: {  	_ = 	snop;
	(pc) =	sbr.ind lr, $3  }
0x3a: {  	_ = 	snop  }
0x3b: {  	_ = 	snop  }
0x3c: {  	p2 =	seq.s32 s10, $0x1;
	s10 =	sld [smem:$0x3FA7]  }
0x3d: {  	_ =	shalt  }
0x3e: {  	_ =	shalt  }
0x3f: {  	_ =	shalt  }
0x40: {  	_ =	shalt  }
0x41: {  	_ =	shalt  }
0x42: {  	_ =	shalt  }
0x43: {  	_ =	shalt  }
0x44: {  	_ =	shalt  }
0x45: {  	_ =	shalt  }
0x46: {  	_ =	shalt  }
0x47: {  	_ =	shalt  }
0x48: {  	_ =	shalt  }
0x49: {  	_ =	shalt  }
0x4a: {  	_ =	shalt  }
0x4b: {  	_ =	shalt  }
0x4c: {  	_ =	shalt  }
0x4d: {  	_ =	shalt  }
0x4e: {  	_ =	shalt  }
0x4f: {  	_ =	shalt  }
0x50: {  	_ =	shalt  }
0x51: {  	_ =	shalt  }
0x52: {  	_ =	shalt  }
0x53: {  	_ =	shalt  }
0x54: {  	_ =	shalt  }
0x55: {  	_ =	shalt  }
0x56: {  	_ =	shalt  }
0x57: {  	_ =	shalt  }
0x58: {  	_ =	shalt  }
0x59: {  	_ =	shalt  }
0x5a: {  	_ =	shalt  }
0x5b: {  	_ =	shalt  }
0x5c: {  	_ =	shalt  }
0x5d: {  	_ =	shalt  }
0x5e: {  	_ =	shalt  }
0x5f: {  	_ =	shalt  }
0x60: {  	_ =	shalt  }
0x61: {  	_ =	shalt  }
0x62: {  	_ =	shalt  }
0x63: {  	_ =	shalt  }
0x64: {  	_ =	shalt  }
0x65: {  	_ =	shalt  }
0x66: {  	_ =	shalt  }
0x67: {  	_ =	shalt  }
0x68: {  	_ =	shalt  }
0x69: {  	_ =	shalt  }
0x6a: {  	_ =	shalt  }
0x6b: {  	_ =	shalt  }
0x6c: {  	_ =	shalt  }
0x6d: {  	_ =	shalt  }
0x6e: {  	_ =	shalt  }
0x6f: {  	_ =	shalt  }
0x70: {  	_ =	shalt  }
0x71: {  	_ =	shalt  }
0x72: {  	_ =	shalt  }
0x73: {  	_ =	shalt  }
0x74: {  	_ =	shalt  }
0x75: {  	_ =	shalt  }
0x76: {  	_ =	shalt  }
0x77: {  	_ =	shalt  }
0x78: {  	_ =	shalt  }
0x79: {  	_ =	shalt  }
0x7a: {  	_ =	shalt  }
0x7b: {  	_ =	shalt  }
0x7c: {  	_ =	shalt  }
0x7d: {  	_ =	shalt  }
0x7e: {  	_ =	shalt  }
0x7f: {  	_ =	shalt  }
0x80: {  	_ =	shalt  }
0x81: {  	_ =	shalt  }
0x82: {  	_ =	shalt  }
0x83: {  	_ =	shalt  }
0x84: {  	_ =	shalt  }
0x85: {  	_ =	shalt  }
0x86: {  	_ =	shalt  }
0x87: {  	_ =	shalt  }
.Lfunc_end0:
.L_simem_size_0:
called_computation_lowered:
.L_overlay_start_0:
0x88: {  	s2 =	sld [smem:$0x3FD9]  }
0x89: {  	s3 =	sld [smem:$0x3FFE];
	_ =	sdelay $0x1  }
0x8a: {  	s1 =	srdreg.scid  }
0x8b: {  	s0 =	sand.u32 $0x1, s1  }
0x8c: {  	s17 =	sshll.u32 s0, $0xA;
	s2 =	sadd.s32 s3, s2  }
0x8d: {  	s2 =	sadd.s32 s2, s17  }
0x8e: {  	[smem:$0x3FB3] =	sst s2  }
0x8f: {  	_ = 	snop  }
0x90: {  	(tm) =	ssettm $0x1  }
0x91: {  	s18 =	sld [smem:$0x3FFB];
	_ =	sdelay $0x3  }
0x92: {  	_ =	strace s18  }
0x93: {  	s2 =	sld [smem:$0x3FFC];
	_ =	sdelay $0x3  }
0x94: {  	_ =	strace s2  }
0x95: {  	s2 =	sld [smem:$0x3FFD];
	_ =	sdelay $0x3  }
0x96: {  	_ =	strace s2  }
0x97: {  	_ =	strace $0x8FFFFFFF  }
0x98: {  	s19 =	sld [smem:$0x3FDB];
	_ =	sdelay $0x1  }
0x99: {  	s20 =	simm.s32 $_scs_section_size  }
0x9a: {  	s4 =	simm.s32 $_size__tile_overlayer_lowered;
	s5 =	simm.s32 $_tile_overlayer_lowered  }
0x9b: {  	s6 =	simm.s32 $0x1BFF;
	s21 =	sshll.u32 s5, $0x1;
	s3 =	sadd.s32 s20, s19  }
0x9c: {  	s22 =	simm.s32 $0x0;
	s4 =	sshll.u32 s4, $0x1;
	s5 =	sadd.s32 s21, s3  }
0x9d: {  	[timem:s22], [sflag:s6] =	dma.local [hbm:s5], s4  }
0x9e: {  	_ =	swait.ge [sflag:s6], s4  }
0x9f: {  	s4 =	ssub.s32 $0x0, s4;
	[sflag:s6] =	ssyncset.done $0x0  }
0xa0: {  	[sflag:s6] =	ssyncadd.s32 s4;
	_ =	sdelay $0x1  }
0xa1: {  	s23 =	simm.s32 $0x1B8B  }
0xa2: {  	_ =	swait.ge [sflag:s23], $0x1  }
0xa3: {  	[sflag:s23] =	ssyncset.done $0x0  }
0xa4: {  	[sflag:s23] =	ssyncadd.s32 $0xFFFFFFFF  }
0xa5: {  	s4 =	sld [smem:$0x0]  }
0xa6: {  	s5 =	sand.u32 $0xFFFFFFFE, s1  }
0xa7: {  	p0 =	sne.s32 s1, s5  }
0xa8: {  	s5 =	sshll.u32 @p0 s5, $0xE  }
0xa9: {  	s5 =	sadd.s32 @p0 $0x11B8D, s5;
	s6 =	sshll.u32 @p0 s4, $0x11  }
0xaa: {  	s5 =	sor.u32 @p0 s6, s5  }
0xab: {  	[sflag:s5] =	ssyncadd.remote.s32 @p0 $0x1;
	_ =	sdelay $0x1  }
0xac: {  	s5 =	simm.s32 @p0 $0x1B8D  }
0xad: {  	_ =	swait.eq @p0 [sflag:s5], $0x1  }
0xae: {  	[sflag:s5] =	ssyncadd.s32 @p0 $0xFFFFFFFF  }
0xaf: {  	s6 =	sshll.u32 @!p0 s1, $0xE  }
0xb0: {  	s6 =	sor.u32 @!p0 $0x4000, s6;
	s5 =	simm.s32 @!p0 $0x1B8D  }
0xb1: {  	s4 =	sshll.u32 @!p0 s4, $0x11;
	s6 =	sadd.s32 @!p0 $0x11B8D, s6;
	_ =	swait.eq @!p0 [sflag:s5], $0x1  }
0xb2: {  	s4 =	sor.u32 @!p0 s4, s6;
	[sflag:s5] =	ssyncadd.s32 @!p0 $0xFFFFFFFF  }
0xb3: {  	s25 =	simm.s32 $0x1B8E;
	s24 =	sld [smem:$0x3FFE];
	[sflag:s4] =	ssyncadd.remote.s32 @!p0 $0x1  }
0xb4: {  	s26 =	simm.s32 $execute0_lowered;
	[smem:$0x3FD2] =	sst s25  }
0xb5: {  	s5 =	sshll.u32 s26, $0x1;
	_ =	strace $0x80000049;
	[dreg:$0x1] =	wrdreg $0xFFFFFFFF  }
0xb6: {  	s28 =	simm.s32 $_size_execute0_lowered;
	s3 =	sadd.s32 s3, s5;
	[dreg:$0x0] =	wrdreg $0x0  }
0xb7: {  	s5 =	sshll.u32 s28, $0x1;
	[dreg:$0x2] =	wrdreg s3  }
0xb8: {  	[dreg:$0x3] =	wrdreg s5  }
0xb9: {  	[dreg:$0x4] =	wrdreg $0xC0  }
0xba: {  	_ =	task [dreg:s22], $0x5FFFF  }
0xbb: {  	[dreg:$0x1] =	wrdreg $0xFFFFFFFF  }
0xbc: {  	[dreg:$0x0] =	wrdreg $0x60  }
0xbd: {  	[dreg:$0x2] =	wrdreg s24  }
0xbe: {  	[dreg:$0x3] =	wrdreg $0x60000  }
0xbf: {  	[dreg:$0x4] =	wrdreg $0x9  }
0xc0: {  	_ =	task.clear_ibuf [dreg:s22], $0x5FFFF;
	_ =	strace $0x90000049  }
0xc1: {  	s29 =	simm.s32 $0x9;
	_ =	strace $0x8000004B  }
0xc2: {  	_ =	swait.ge [sflag:s29], $0x1  }
0xc3: {  	[sflag:s29] =	ssyncadd.s32 $0xFFFFFFFF  }
0xc4: {  	_ =	strace $0x9000004B  }
0xc5: {  	_ =	sfence  }
0xc6: {  	s30 =	sld [smem:$0x0];
	_ =	sdelay $0x2  }
0xc7: {  	s31 =	sshll.u32 s1, $0xD;
	s1 =	sshrl.u32 s1, $0x2  }
0xc8: {  	s4 =	sand.u32 $0x4000, s31;
	s1 =	sadd.s32 s1, s30  }
0xc9: {  	s0 =	sor.u32 s4, s0;
	s1 =	sshll.u32 s1, $0x11  }
0xca: {  	s0 =	sor.u32 s1, s0  }
0xcb: {  	s0 =	sadd.s32 $0x8F2B, s0  }
0xcc: {  	[sflag:s0] =	ssyncadd.remote.s32 $0x1  }
0xcd: {  	_ =	sfence.sel $0xFFFF  }
0xce: {  	[dreg:$0x0] =	wrdreg $0xFFFFFFFF;
	(pc) =	sbr.abs _section_cstart, $3  }
0xcf: {  	[dreg:$0x1] =	wrdreg $0xFFFFFFFF  }
0xd0: {  	_ =	task.clear_ibuf [dreg:s22], $0x2FFFF;
	_ =	strace $0x9FFFFFFF  }
0xd1: {  	(tm) =	ssettm $0x7FFFFFFF  }
tec
execute0_lowered:
.L_overlay_start_1:
0x0: {  	(tag) =	ssettag $0x1  }
0x1: {  	s5 =	rddreg [dreg:$0x0]  }
0x2: {  	s2 =	rddreg [dreg:$0x1];
	s0 =	stileid.u32  }
0x3: {  	s3 =	srdreg.scid;
	s4 =	smul.u32 $0xA000, s0  }
0x4: {  	s1 =	rddreg [dreg:$0x2];
	s14 =	sand.u32 $0x1, s3;
	s6 =	smul.u32 $0x5000, s0  }
0x5: {  	s3 =	simm.s32 $0x0;
	s16 =	smul.u32 $0x2800, s0;
	s17 =	sadd.s32 $0xBE400, s5  }
0x6: {  	s7 =	ssub.s32 $0x2, s14;
	s15 =	smul.u32 $0x28000, s14;
	[smem:$0x7FF] =	sst s3  }
0x7: {  	s20 =	smul.u32 $0xA000, s14;
	s8 =	sshrl.u32 s7, $0x1;
	_ =	strace $0x8000004A  }
0x8: {  	s4 =	sshrl.u32 s4, $0x2;
	s6 =	sshrl.u32 s6, $0x3;
	s13 =	sadd.s32 $0x800, s16  }
0x9: {  	s18 =	sadd.s32 $0x1000, s16;
	s21 =	sadd.s32 s16, s2;
	s30 =	sadd.s32 $0x1800, s16  }
0xa: {  	s7 =	ssub.s32 s7, s8;
	s28 =	sadd.s32 s15, s16;
	s4 =	sadd.s32 s4, s2  }
0xb: {  	s5 =	sadd.s32 s5, s6;
	s12 =	sadd.s32 s15, s13;
	s19 =	sadd.s32 s15, s18  }
0xc: {  	s22 =	sadd.s32 s13, s2;
	s23 =	sadd.s32 s18, s2;
	s31 =	sadd.s32 s15, s30  }
0xd: {  	s16 =	sadd.s32 $0x2000, s16;
	s24 =	sadd.s32 s30, s2;
	s21 =	sshrl.u32 s21, $0x3  }
0xe: {  	s29 =	sshrl.u32 s28, $0x3;
	s5 =	sadd.s32 $0x8C400, s5;
	s7 =	smax.u32 s7, $0x1  }
0xf: {  	s8 =	sadd.s32 $0x800, s4;
	s9 =	sadd.s32 $0x1000, s4;
	s10 =	sadd.s32 $0x1800, s4  }
0x10: {  	s11 =	sadd.s32 $0x2000, s4;
	s12 =	sshrl.u32 s12, $0x3;
	s19 =	sshrl.u32 s19, $0x3  }
0x11: {  	s18 =	sshrl.u32 s31, $0x3;
	s15 =	sadd.s32 s15, s16;
	s25 =	sadd.s32 s16, s2  }
0x12: {  	s16 =	sshrl.u32 s20, $0x2;
	s20 =	simm.s32 $0x5800;
	s22 =	sshrl.u32 s22, $0x3  }
0x13: {  	s23 =	sshrl.u32 s23, $0x3;
	s24 =	sshrl.u32 s24, $0x3;
	s6 =	sadd.s32 s17, s29  }
0x14: {  	s12 =	sadd.s32 s17, s12;
	s13 =	sadd.s32 s17, s19;
	s14 =	sadd.s32 s17, s18  }
0x15: {  	s15 =	sshrl.u32 s15, $0x3;
	s18 =	simm.s32 $0x1;
	s19 =	simm.s32 $0x80  }
0x16: {  	v0 =	vimm.f32 $0.0e+00;
	v1 =	vimm.f32 $1.000000000e+00;
	s25 =	sshrl.u32 s25, $0x3;
	s15 =	sadd.s32 s17, s15;
	s17 =	simm.s32 $0x5000  }
.LBB2_1:
0x17: {  	s26 =	simm.s32 $0x40;
	s28 =	simm.s32 $0x0  }
.LBB2_2:
0x18: {  	p0 =	sne.s32 s26, $0x1FC0;
	[tilespmem:s28+$0x5000] =	vst v0;
	s29 =	smov.u32 s26;
	s26 =	sadd.s32 $0x40, s26  }
.Ltmp0:
0x19: {  	[tilespmem:s28+$0x5800] =	vst v1;
	(pc) =	sbr.rel @p0 .LBB2_2-.Ltmp0, $2  }
0x1a: {  	_ =	sdelay $0x2  }
0x1b: {  	s28 =	sshra.s32 s29, $0x2  }
0x1c: {  	[tilespmem:s28+$0x5000] =	vst v0  }
0x1d: {  	[tilespmem:s28+$0x5800] =	vst v1  }
0x1e: {  	[spmem:s4] =	stream.linear.scatter [tilespmem:s17], [sflag:$0x1], $0x800, $0x38;
	[tilespmem:$0x8800] =	vst v63  }
0x1f: {  	_ =	swait.ge [sflag:s18], $0x800  }
0x20: {  	[sflag:s18] =	ssyncset.done $0x0  }
0x21: {  	[sflag:s18] =	ssyncadd.s32 $0xFFFFF800  }
0x22: {  	[spmem:s8] =	stream.linear.scatter [tilespmem:s17], [sflag:$0x1], $0x800, $0x38;
	[tilespmem:$0x8800] =	vst v63  }
0x23: {  	_ =	swait.ge [sflag:s18], $0x800  }
0x24: {  	[sflag:s18] =	ssyncset.done $0x0  }
0x25: {  	[sflag:s18] =	ssyncadd.s32 $0xFFFFF800  }
0x26: {  	[spmem:s9] =	stream.linear.scatter [tilespmem:s17], [sflag:$0x1], $0x800, $0x38;
	[tilespmem:$0x8800] =	vst v63  }
0x27: {  	_ =	swait.ge [sflag:s18], $0x800  }
0x28: {  	[sflag:s18] =	ssyncset.done $0x0  }
0x29: {  	[sflag:s18] =	ssyncadd.s32 $0xFFFFF800  }
0x2a: {  	[spmem:s10] =	stream.linear.scatter [tilespmem:s17], [sflag:$0x1], $0x800, $0x38;
	[tilespmem:$0x8800] =	vst v63  }
0x2b: {  	_ =	swait.ge [sflag:s18], $0x800  }
0x2c: {  	[sflag:s18] =	ssyncset.done $0x0  }
0x2d: {  	[sflag:s18] =	ssyncadd.s32 $0xFFFFF800  }
0x2e: {  	[spmem:s11] =	stream.linear.scatter [tilespmem:s17], [sflag:$0x1], $0x800, $0x38;
	[tilespmem:$0x8800] =	vst v63  }
0x2f: {  	_ =	swait.ge [sflag:s18], $0x800  }
0x30: {  	[sflag:s18] =	ssyncset.done $0x0  }
0x31: {  	[sflag:s18] =	ssyncadd.s32 $0xFFFFF800  }
0x32: {  	s26 =	simm.s32 $0x0;
	[bflag:$0x0] =	sbarrier.arrive $0xFFFF  }
0x33: {  	[tilespmem:s26], [sflag:$0x1] =	stream.linear.gather [hbm4b:s5+s26], $0x5000, $0x38;
	[tilespmem:$0x8800] =	vst v63  }
0x34: {  	_ =	swait.ge [sflag:s18], $0x5000  }
0x35: {  	[sflag:s18] =	ssyncset.done $0x0  }
0x36: {  	s31 =	sadd.s32 $0x0, s16;
	[sflag:s18] =	ssyncadd.s32 $0xFFFFB000  }
0x37: {  	[spmem:s2] =	stream.indirect.scatter.add.f32 [tilespmem:s20], [sflag:$0x1], $0x10, s31, s19, $0xb8;
	[tilespmem:$0x8800] =	vst v63  }
0x38: {  	s26 =	simm.s32 $0x200;
	_ =	swait.ge [sflag:s18], $0x800  }
.LBB2_4:
0x39: {  	s28 =	sshra.s32 s26, $0x2;
	[sflag:s18] =	ssyncset.done $0x0;
	p0 =	sne.s32 s26, $0x9E00  }
.Ltmp1:
0x3a: {  	s28 =	sadd.s32 s28, s16;
	[sflag:s18] =	ssyncadd.s32 $0xFFFFF800;
	(pc) =	sbr.rel @p0 .LBB2_4-.Ltmp1, $3  }
0x3b: {  	[spmem:s2] =	stream.indirect.scatter.add.f32 [tilespmem:s20], [sflag:$0x1], $0x10, s28, s19, $0xb8;
	[tilespmem:$0x8800] =	vst v63  }
0x3c: {  	s26 =	sadd.s32 $0x200, s26;
	_ =	sdelay $0x1  }
0x3d: {  	_ =	swait.ge [sflag:s18], $0x800  }
0x3e: {  	[sflag:s18] =	ssyncset.done $0x0  }
0x3f: {  	s26 =	sshll.u32 s0, $0x6;
	[sflag:s18] =	ssyncadd.s32 $0xFFFFF800  }
0x40: {  	s26 =	sor.u32 $0x1C01, s26;
	[bflag:$0x0] =	sbarrier.arrive $0xFFFF  }
0x41: {  	[hbm:s6], [sflag:s26] =	dma.local [spmem:s21], $0x100  }
0x42: {  	_ =	swait.ge [sflag:s18], $0x100  }
0x43: {  	[sflag:s18] =	ssyncset.done $0x0  }
0x44: {  	[sflag:s18] =	ssyncadd.s32 $0xFFFFFF00  }
0x45: {  	[hbm:s12], [sflag:s26] =	dma.local [spmem:s22], $0x100  }
0x46: {  	_ =	swait.ge [sflag:s18], $0x100  }
0x47: {  	[sflag:s18] =	ssyncset.done $0x0  }
0x48: {  	[sflag:s18] =	ssyncadd.s32 $0xFFFFFF00  }
0x49: {  	[hbm:s13], [sflag:s26] =	dma.local [spmem:s23], $0x100  }
0x4a: {  	_ =	swait.ge [sflag:s18], $0x100  }
0x4b: {  	[sflag:s18] =	ssyncset.done $0x0  }
0x4c: {  	[sflag:s18] =	ssyncadd.s32 $0xFFFFFF00  }
0x4d: {  	[hbm:s14], [sflag:s26] =	dma.local [spmem:s24], $0x100  }
0x4e: {  	s3 =	sadd.s32 $0x1, s3;
	_ =	swait.ge [sflag:s18], $0x100  }
0x4f: {  	p0 =	sne.s32 s3, s7;
	[sflag:s18] =	ssyncset.done $0x0  }
.Ltmp2:
0x50: {  	[sflag:s18] =	ssyncadd.s32 $0xFFFFFF00;
	(pc) =	sbr.rel @p0 .LBB2_1-.Ltmp2, $4  }
0x51: {  	[hbm:s15], [sflag:s26] =	dma.local [spmem:s25], $0x100  }
0x52: {  	_ =	swait.ge [sflag:s18], $0x100  }
0x53: {  	[sflag:s18] =	ssyncset.done $0x0  }
0x54: {  	[sflag:s18] =	ssyncadd.s32 $0xFFFFFF00  }
0x55: {  	_ =	sfence.sel $0x180000  }
0x56: {  	[bflag:$0x0] =	sbarrier.arrive $0xFFFF  }
0x57: {  	p0 =	sne.s32 s0, $0x0;
	_ =	strace $0x9000004A  }
0x58: {  	s0 =	sadd.s32 @!p0 $0x100000, s1;
	[bflag:$0x2] =	sbarrier.arrive $0xFFFF  }
0x59: {  	[sflag:s0] =	ssyncadd.tile.s32 @!p0 $0x1;
	_ =	shalt  }
.Lfunc_end2:
_tile_overlayer_lowered:
.L_overlay_start_2:
0x5a: {  	(tag) =	ssettag $0x2  }
0x5b: {  	s0 =	rddreg [dreg:$0x0];
	s2 =	stileid.u32  }
0x5c: {  	s1 =	rddreg [dreg:$0x1];
	p0 =	sne.s32 s2, $0x0  }
0x5d: {  	s3 =	rddreg [dreg:$0x2];
	[bflag:$0x3] =	sbarrier.arrive $0xFFFF;
	s2 =	simm.s32 @!p0 $0x1C01  }
0x5e: {  	[timem:s3], [sflag:s2] =	dma.local @!p0 [hbm:s0], s1  }
0x5f: {  	s0 =	simm.s32 @!p0 $0x1  }
0x60: {  	_ =	swait.ge @!p0 [sflag:s0], s1  }
0x61: {  	s1 =	ssub.s32 @!p0 $0x0, s1;
	[sflag:s0] =	ssyncset.done @!p0 $0x0  }
0x62: {  	[sflag:s0] =	ssyncadd.s32 @!p0 s1  }
0x63: {  	[bflag:$0x3] =	sbarrier.arrive $0xFFFF  }
0x64: {  	_ =	shalt  }

// kernel: kernel.15.cloned.1.call-start
scs
__scs_entry_jumppad:
0x0: {  	(pc) =	sbr.rel $0x88, $3  }
0x1: {  	(tag) =	ssettag $0x0;
	lr =	simm.s32 $0x1  }
0x2: {  	[smem:$0x3F8C] =	sst lr;
	_ =	strace $0xD0000000  }
0x3: {  	_ = 	snop  }
0x4: {  	_ = 	snop  }
0x5: {  	_ = 	snop  }
0x6: {  	_ = 	snop  }
0x7: {  	_ = 	snop  }
__scs_overlays_trampoline_lowered:
0x8: {  	[smem:$0x3F9B] =	sst s0  }
0x9: {  	[smem:$0x3F9C] =	sst s1  }
0xa: {  	[smem:$0x3F9D] =	sst s2  }
0xb: {  	[smem:$0x3F9E] =	sst s3  }
0xc: {  	[smem:$0x3F9F] =	sst s4  }
0xd: {  	[smem:$0x3FA0] =	sst s5  }
0xe: {  	[smem:$0x3FA1] =	sst s6  }
0xf: {  	[smem:$0x3FA2] =	sst s7  }
0x10: {  	[smem:$0x3FA3] =	sst s8  }
0x11: {  	[smem:$0x3FA4] =	sst s9;
	s0 =	simm.s32 @!p0 $0x0  }
0x12: {  	s1 =	sld [smem:$0x3F8A];
	s0 =	simm.s32 @p0 $0x1  }
0x13: {  	[smem:$0x3FA5] =	sst s0;
	s0 =	simm.s32 @!p1 $0x0  }
0x14: {  	s2 =	sld [smem:$0x3F89];
	s0 =	simm.s32 @p1 $0x1  }
0x15: {  	[smem:$0x3FA6] =	sst s0;
	s0 =	simm.s32 @!p2 $0x0  }
0x16: {  	s3 =	sld [smem:$0x3FDB];
	s0 =	simm.s32 @p2 $0x1  }
0x17: {  	s4 =	simm.s32 $0x1BF5;
	[smem:$0x3FA8] =	sst s0  }
0x18: {  	s0 =	sld [smem:$0x3F8B];
	_ =	swait.ge [sflag:s4], $0x0  }
0x19: {  	s7 =	sld [smem:$0x3F8C]  }
0x1a: {  	s8 =	sadd.s32 $0xFFFFE003, lr  }
0x1b: {  	s9 =	sadd.s32 $0xFFFFFEF7, lr;
	s5 =	simm.s32 $0xFFFFFFFF;
	p2 =	slt.u32 s8, $0xFFFFF086  }
0x1c: {  	p1 =	slt.u32 s9, $0xF7A;
	s5 =	simm.s32 @!p2 $0x0  }
0x1d: {  	s5 =	simm.s32 @p1 $0x1;
	p0 =	seq.s32 s7, s2  }
0x1e: {  	s7 =	smul.u32 @!p0 $0xF7A, s2;
	p2 =	seq.s32 @!p0 s5, $0x0  }
0x1f: {  	s9 =	smul.u32 $0xF7A, s1;
	s8 =	simm.s32 @!p0 $0x1BF5;
	p2 =	por !p2, p0  }
0x20: {  	[sflag:s8] =	ssyncset.s32 @!p0 $0xFFFFF086;
	s6 =	sadd.s32 @!p0 s3, s7;
	s7 =	simm.s32 @!p0 $0x108  }
0x21: {  	s3 =	sadd.s32 s3, s9;
	s6 =	sadd.s32 @!p0 $0x88, s6;
	s7 =	simm.s32 @p2 $0x1082  }
0x22: {  	[simem:s7], [sflag:s8] =	dma.local @!p0 [hbm:s6], $0xF7A  }
0x23: {  	s9 =	sor.u32 $0xD0000000, s2;
	s6 =	simm.s32 $0x108;
	_ =	swait.ge @!p0 [sflag:s8], $0x0  }
0x24: {  	s3 =	sadd.s32 $0x88, s3;
	s6 =	simm.s32 @!p1 $0x1082;
	[sflag:s4] =	ssyncset.s32 $0xFFFFF086  }
0x25: {  	[simem:s6], [sflag:s4] =	dma.local [hbm:s3], $0xF7A  }
0x26: {  	[smem:$0x3F8C] =	sst s1;
	(tag) =	ssettag s2;
	_ =	strace s9  }
0x27: {  	s1 =	sld [smem:$0x3F9C]  }
0x28: {  	s2 =	sld [smem:$0x3F9D]  }
0x29: {  	s4 =	sld [smem:$0x3F9F]  }
0x2a: {  	p0 =	seq.s32 s5, $0x0;
	s5 =	sld [smem:$0x3FA0]  }
0x2b: {  	s6 =	sld [smem:$0x3FA1]  }
0x2c: {  	s7 =	sld [smem:$0x3FA2]  }
0x2d: {  	s3 =	simm.s32 $0x108;
	s8 =	sld [smem:$0x3FA3]  }
0x2e: {  	s3 =	simm.s32 @!p0 $0x1082;
	s9 =	sld [smem:$0x3FA4]  }
0x2f: {  	lr =	sadd.s32 s0, s3;
	s0 =	sld [smem:$0x3F9B]  }
0x30: {  	s3 =	sld [smem:$0x3F9E]  }
0x31: {  	[smem:$0x3FA7] =	sst s10  }
0x32: {  	s10 =	sld [smem:$0x3FA5];
	_ =	sdelay $0x3  }
0x33: {  	p0 =	seq.s32 s10, $0x1;
	s10 =	sld [smem:$0x3FA7];
	_ =	sdelay $0x3  }
0x34: {  	[smem:$0x3FA7] =	sst s10  }
0x35: {  	s10 =	sld [smem:$0x3FA6];
	_ =	sdelay $0x3  }
0x36: {  	p1 =	seq.s32 s10, $0x1;
	s10 =	sld [smem:$0x3FA7];
	_ =	sdelay $0x3  }
0x37: {  	[smem:$0x3FA7] =	sst s10  }
0x38: {  	s10 =	sld [smem:$0x3FA8]  }
0x39: {  	_ = 	snop;
	(pc) =	sbr.ind lr, $3  }
0x3a: {  	_ = 	snop  }
0x3b: {  	_ = 	snop  }
0x3c: {  	p2 =	seq.s32 s10, $0x1;
	s10 =	sld [smem:$0x3FA7]  }
0x3d: {  	_ =	shalt  }
0x3e: {  	_ =	shalt  }
0x3f: {  	_ =	shalt  }
0x40: {  	_ =	shalt  }
0x41: {  	_ =	shalt  }
0x42: {  	_ =	shalt  }
0x43: {  	_ =	shalt  }
0x44: {  	_ =	shalt  }
0x45: {  	_ =	shalt  }
0x46: {  	_ =	shalt  }
0x47: {  	_ =	shalt  }
0x48: {  	_ =	shalt  }
0x49: {  	_ =	shalt  }
0x4a: {  	_ =	shalt  }
0x4b: {  	_ =	shalt  }
0x4c: {  	_ =	shalt  }
0x4d: {  	_ =	shalt  }
0x4e: {  	_ =	shalt  }
0x4f: {  	_ =	shalt  }
0x50: {  	_ =	shalt  }
0x51: {  	_ =	shalt  }
0x52: {  	_ =	shalt  }
0x53: {  	_ =	shalt  }
0x54: {  	_ =	shalt  }
0x55: {  	_ =	shalt  }
0x56: {  	_ =	shalt  }
0x57: {  	_ =	shalt  }
0x58: {  	_ =	shalt  }
0x59: {  	_ =	shalt  }
0x5a: {  	_ =	shalt  }
0x5b: {  	_ =	shalt  }
0x5c: {  	_ =	shalt  }
0x5d: {  	_ =	shalt  }
0x5e: {  	_ =	shalt  }
0x5f: {  	_ =	shalt  }
0x60: {  	_ =	shalt  }
0x61: {  	_ =	shalt  }
0x62: {  	_ =	shalt  }
0x63: {  	_ =	shalt  }
0x64: {  	_ =	shalt  }
0x65: {  	_ =	shalt  }
0x66: {  	_ =	shalt  }
0x67: {  	_ =	shalt  }
0x68: {  	_ =	shalt  }
0x69: {  	_ =	shalt  }
0x6a: {  	_ =	shalt  }
0x6b: {  	_ =	shalt  }
0x6c: {  	_ =	shalt  }
0x6d: {  	_ =	shalt  }
0x6e: {  	_ =	shalt  }
0x6f: {  	_ =	shalt  }
0x70: {  	_ =	shalt  }
0x71: {  	_ =	shalt  }
0x72: {  	_ =	shalt  }
0x73: {  	_ =	shalt  }
0x74: {  	_ =	shalt  }
0x75: {  	_ =	shalt  }
0x76: {  	_ =	shalt  }
0x77: {  	_ =	shalt  }
0x78: {  	_ =	shalt  }
0x79: {  	_ =	shalt  }
0x7a: {  	_ =	shalt  }
0x7b: {  	_ =	shalt  }
0x7c: {  	_ =	shalt  }
0x7d: {  	_ =	shalt  }
0x7e: {  	_ =	shalt  }
0x7f: {  	_ =	shalt  }
0x80: {  	_ =	shalt  }
0x81: {  	_ =	shalt  }
0x82: {  	_ =	shalt  }
0x83: {  	_ =	shalt  }
0x84: {  	_ =	shalt  }
0x85: {  	_ =	shalt  }
0x86: {  	_ =	shalt  }
0x87: {  	_ =	shalt  }
.Lfunc_end0:
.L_simem_size_0:
called_computation.1_lowered:
.L_overlay_start_0:
0x88: {  	s2 =	sld [smem:$0x3FD9]  }
0x89: {  	s3 =	sld [smem:$0x3FFE];
	_ =	sdelay $0x1  }
0x8a: {  	s1 =	srdreg.scid  }
0x8b: {  	s0 =	sand.u32 $0x1, s1  }
0x8c: {  	s16 =	sshll.u32 s0, $0xA;
	s2 =	sadd.s32 s3, s2  }
0x8d: {  	s2 =	sadd.s32 s2, s16  }
0x8e: {  	[smem:$0x3FB3] =	sst s2  }
0x8f: {  	_ = 	snop  }
0x90: {  	(tm) =	ssettm $0x1  }
0x91: {  	s17 =	sld [smem:$0x3FFB];
	_ =	sdelay $0x3  }
0x92: {  	_ =	strace s17  }
0x93: {  	s2 =	sld [smem:$0x3FFC];
	_ =	sdelay $0x3  }
0x94: {  	_ =	strace s2  }
0x95: {  	s2 =	sld [smem:$0x3FFD];
	_ =	sdelay $0x3  }
0x96: {  	_ =	strace s2  }
0x97: {  	_ =	strace $0x8FFFFFFF  }
0x98: {  	s18 =	sld [smem:$0x3FDB];
	_ =	sdelay $0x1  }
0x99: {  	s19 =	simm.s32 $_scs_section_size  }
0x9a: {  	s4 =	simm.s32 $_size__tile_overlayer_lowered;
	s5 =	simm.s32 $_tile_overlayer_lowered  }
0x9b: {  	s22 =	simm.s32 $0x1BFF;
	s21 =	sshll.u32 s5, $0x1;
	s2 =	sadd.s32 s19, s18  }
0x9c: {  	s6 =	simm.s32 $0x0;
	s20 =	sshll.u32 s4, $0x1;
	s4 =	sadd.s32 s21, s2  }
0x9d: {  	[timem:s6], [sflag:s22] =	dma.local [hbm:s4], s20  }
0x9e: {  	_ =	swait.ge [sflag:s22], s20  }
0x9f: {  	s3 =	ssub.s32 $0x0, s20;
	[sflag:s22] =	ssyncset.done $0x0  }
0xa0: {  	[sflag:s22] =	ssyncadd.s32 s3;
	_ =	sdelay $0x1  }
0xa1: {  	s23 =	simm.s32 $0x1B8B  }
0xa2: {  	_ =	swait.ge [sflag:s23], $0x1  }
0xa3: {  	[sflag:s23] =	ssyncset.done $0x0  }
0xa4: {  	s25 =	simm.s32 $0x1B8E;
	s24 =	sld [smem:$0x3FFE];
	[sflag:s23] =	ssyncadd.s32 $0xFFFFFFFF  }
0xa5: {  	s26 =	simm.s32 $execute0_lowered;
	[smem:$0x3FD2] =	sst s25  }
0xa6: {  	s4 =	sshll.u32 s26, $0x1;
	_ =	strace $0x80000046;
	[dreg:$0x1] =	wrdreg $0xFFFFFFFF  }
0xa7: {  	s28 =	simm.s32 $_size_execute0_lowered;
	s2 =	sadd.s32 s2, s4;
	[dreg:$0x0] =	wrdreg $0x0  }
0xa8: {  	s4 =	sshll.u32 s28, $0x1;
	[dreg:$0x2] =	wrdreg s2  }
0xa9: {  	[dreg:$0x3] =	wrdreg s4  }
0xaa: {  	[dreg:$0x4] =	wrdreg $0xC0  }
0xab: {  	_ =	task [dreg:s6], $0x5FFFF  }
0xac: {  	[dreg:$0x1] =	wrdreg $0xFFFFFFFF  }
0xad: {  	[dreg:$0x0] =	wrdreg $0x60  }
0xae: {  	[dreg:$0x2] =	wrdreg s24  }
0xaf: {  	[dreg:$0x3] =	wrdreg $0x150000  }
0xb0: {  	[dreg:$0x4] =	wrdreg $0xA  }
0xb1: {  	_ =	task.clear_ibuf [dreg:s6], $0x5FFFF;
	_ =	strace $0x90000046  }
0xb2: {  	s29 =	simm.s32 $0xA;
	_ =	strace $0x80000048  }
0xb3: {  	_ =	swait.ge [sflag:s29], $0x1  }
0xb4: {  	[sflag:s29] =	ssyncadd.s32 $0xFFFFFFFF  }
0xb5: {  	_ =	strace $0x90000048  }
0xb6: {  	_ =	sfence  }
0xb7: {  	s30 =	sld [smem:$0x0];
	_ =	sdelay $0x2  }
0xb8: {  	s31 =	sshll.u32 s1, $0xD;
	s1 =	sshrl.u32 s1, $0x2  }
0xb9: {  	s3 =	sand.u32 $0x4000, s31;
	s1 =	sadd.s32 s1, s30  }
0xba: {  	s0 =	sor.u32 s3, s0;
	s1 =	sshll.u32 s1, $0x11  }
0xbb: {  	s0 =	sor.u32 s1, s0  }
0xbc: {  	s0 =	sadd.s32 $0x8F2B, s0  }
0xbd: {  	[sflag:s0] =	ssyncadd.remote.s32 $0x1  }
0xbe: {  	_ =	sfence.sel $0xFFFF  }
0xbf: {  	[dreg:$0x0] =	wrdreg $0xFFFFFFFF;
	(pc) =	sbr.abs _section_cstart, $3  }
0xc0: {  	[dreg:$0x1] =	wrdreg $0xFFFFFFFF  }
0xc1: {  	_ =	task.clear_ibuf [dreg:s6], $0x2FFFF;
	_ =	strace $0x9FFFFFFF  }
0xc2: {  	(tm) =	ssettm $0x7FFFFFFF  }
0xc3: {  	_ =	shalt  }
tec
execute0_lowered:
.L_overlay_start_1:
0x0: {  	(tag) =	ssettag $0x1  }
0x1: {  	s16 =	stileid.u32  }
0x2: {  	s0 =	rddreg [dreg:$0x0];
	s4 =	smul.u32 $0x5000, s16  }
0x3: {  	s2 =	rddreg [dreg:$0x1];
	s8 =	smul.u32 $0x28000, s16  }
0x4: {  	s3 =	simm.s32 $0x0;
	s1 =	srdreg.scid;
	s15 =	smul.u32 $0xA000, s16  }
0x5: {  	[smem:$0x7FF] =	sst s3;
	s1 =	sand.u32 $0x1, s1;
	s21 =	smul.u32 $0x280000, s16  }
0x6: {  	s10 =	sadd.s32 $0xA400, s0;
	s5 =	sadd.s32 $0xA64400, s0;
	s14 =	smul.u32 $0xA0000, s1  }
0x7: {  	_ =	strace $0x80000047;
	s7 =	ssub.s32 $0x2, s1;
	s11 =	smul.u32 $0x14000, s1  }
0x8: {  	s6 =	sshrl.u32 s4, $0x3;
	s19 =	sshrl.u32 s7, $0x1;
	s20 =	sshrl.u32 s8, $0x2  }
0x9: {  	s23 =	sadd.s32 $0x4000, s15;
	s9 =	sadd.s32 s6, s0;
	s0 =	sadd.s32 $0x96400, s0  }
0xa: {  	s13 =	ssub.s32 s7, s19;
	s6 =	sadd.s32 s20, s2;
	s12 =	sshrl.u32 s14, $0x3  }
0xb: {  	s17 =	sadd.s32 s14, s15;
	s24 =	sadd.s32 s14, s23;
	s19 =	sadd.s32 $0x6000, s15  }
0xc: {  	s20 =	sadd.s32 $0x8000, s15;
	s7 =	sadd.s32 $0x82400, s9;
	s8 =	sadd.s32 $0x8C400, s9  }
0xd: {  	s9 =	sadd.s32 s10, s11;
	s10 =	sadd.s32 s10, s12;
	s11 =	sshll.u32 s1, $0x6  }
0xe: {  	s1 =	sadd.s32 $0x2000, s15;
	s12 =	sadd.s32 $0x2800, s4;
	s17 =	sshrl.u32 s17, $0x3  }
0xf: {  	s31 =	sadd.s32 $0x6000, s6;
	s10 =	sadd.s32 $0x28000, s10;
	s16 =	sor.u32 s11, s21  }
0x10: {  	s18 =	sadd.s32 s14, s1;
	s17 =	sadd.s32 s0, s17;
	s21 =	sadd.s32 s14, s19  }
0x11: {  	s14 =	sadd.s32 s14, s20;
	s26 =	sshll.u32 s12, $0x7;
	s1 =	sadd.s32 s1, s2  }
0x12: {  	s18 =	sshrl.u32 s18, $0x3;
	[dreg:$0x3] =	wrdreg s17;
	s25 =	sshrl.u32 s21, $0x3  }
0x13: {  	s14 =	sshrl.u32 s14, $0x3;
	s28 =	sshrl.u32 s16, $0x3;
	s16 =	sadd.s32 $0x144000, s16  }
0x14: {  	s17 =	sadd.s32 s23, s2;
	s21 =	sadd.s32 s19, s2;
	s23 =	sshrl.u32 s1, $0x3  }
0x15: {  	s1 =	simm.s32 $0x13000;
	s19 =	simm.s32 $0x40;
	s22 =	sadd.s32 s0, s18  }
0x16: {  	s18 =	sshrl.u32 s24, $0x3;
	s29 =	sshrl.u32 s16, $0x3;
	[dreg:$0xc] =	wrdreg s23  }
0x17: {  	s16 =	sadd.s32 s15, s2;
	s24 =	sshrl.u32 s17, $0x3;
	[dreg:$0x4] =	wrdreg s22  }
0x18: {  	s15 =	simm.s32 $0x80;
	s18 =	sadd.s32 s0, s18;
	[dreg:$0xd] =	wrdreg s24  }
0x19: {  	s23 =	simm.s32 $0xB000;
	s30 =	sadd.s32 s5, s29;
	[dreg:$0x5] =	wrdreg s18  }
0x1a: {  	s22 =	sadd.s32 s20, s2;
	s29 =	sadd.s32 $0x2000, s6;
	[dreg:$0x9] =	wrdreg s30  }
0x1b: {  	s24 =	simm.s32 $0xF000;
	s18 =	sadd.s32 s0, s25;
	[dreg:$0x11] =	wrdreg s29  }
0x1c: {  	s0 =	sadd.s32 s0, s14;
	s14 =	smax.u32 s13, $0x1;
	[dreg:$0x6] =	wrdreg s18  }
0x1d: {  	s25 =	sshrl.u32 s21, $0x3;
	s30 =	sadd.s32 $0x4000, s6;
	[dreg:$0x7] =	wrdreg s0  }
0x1e: {  	s13 =	simm.s32 $0x3;
	s0 =	sor.u32 s11, s26;
	[dreg:$0xa] =	wrdreg s14  }
0x1f: {  	s18 =	sadd.s32 s5, s28;
	[dreg:$0xe] =	wrdreg s25;
	s26 =	sshrl.u32 s22, $0x3  }
0x20: {  	[dreg:$0x12] =	wrdreg s30;
	s14 =	simm.s32 $0x2800;
	s22 =	simm.s32 $0x2880  }
0x21: {  	s0 =	sshrl.u32 s0, $0x3;
	[dreg:$0xf] =	wrdreg s26;
	s28 =	sadd.s32 $0x800, s18  }
0x22: {  	s25 =	simm.s32 $0x1;
	s0 =	sadd.s32 s5, s0;
	[dreg:$0x10] =	wrdreg s28  }
0x23: {  	s26 =	simm.s32 $0x2;
	[dreg:$0x8] =	wrdreg s0;
	s0 =	sshrl.u32 s16, $0x3  }
0x24: {  	v0 =	vimm.f32 $0.0e+00;
	s16 =	simm.s32 $0x11000;
	[dreg:$0xb] =	wrdreg s0;
	s0 =	sadd.s32 $0x8000, s6  }
.LBB2_1:
0x25: {  	s20 =	simm.s32 $0x100;
	s17 =	simm.s32 $0x0  }
.LBB2_2:
0x26: {  	p0 =	sne.s32 s20, $0x7F00;
	[tilespmem:s17+$0x13030] =	vst v0;
	s21 =	smov.u32 s20;
	s20 =	sadd.s32 $0x100, s20  }
.Ltmp0:
0x27: {  	[tilespmem:s17+$0x13020] =	vst v0;
	(pc) =	sbr.rel @p0 .LBB2_2-.Ltmp0, $3  }
0x28: {  	[tilespmem:s17+$0x13000] =	vst v0  }
0x29: {  	[tilespmem:s17+$0x13010] =	vst v0;
	_ =	sdelay $0x1  }
0x2a: {  	s17 =	sshra.s32 s21, $0x2  }
0x2b: {  	[tilespmem:s17+$0x13030] =	vst v0  }
0x2c: {  	[tilespmem:s17+$0x13020] =	vst v0  }
0x2d: {  	[tilespmem:s17+$0x13000] =	vst v0  }
0x2e: {  	[tilespmem:s17+$0x13010] =	vst v0  }
0x2f: {  	[spmem:s6] =	stream.linear.scatter [tilespmem:s1], [sflag:$0x3], $0x2000, $0x38;
	[tilespmem:$0x1F000] =	vst v63  }
0x30: {  	_ =	swait.ge [sflag:s13], $0x2000  }
0x31: {  	[sflag:s13] =	ssyncset.done $0x0  }
0x32: {  	s30 =	rddreg [dreg:$0x11];
	[sflag:s13] =	ssyncadd.s32 $0xFFFFE000  }
0x33: {  	[spmem:s30] =	stream.linear.scatter [tilespmem:s1], [sflag:$0x3], $0x2000, $0x38;
	[tilespmem:$0x1F000] =	vst v63  }
0x34: {  	_ =	swait.ge [sflag:s13], $0x2000  }
0x35: {  	[sflag:s13] =	ssyncset.done $0x0  }
0x36: {  	s20 =	rddreg [dreg:$0x12];
	[sflag:s13] =	ssyncadd.s32 $0xFFFFE000  }
0x37: {  	[spmem:s20] =	stream.linear.scatter [tilespmem:s1], [sflag:$0x3], $0x2000, $0x38;
	[tilespmem:$0x1F000] =	vst v63  }
0x38: {  	_ =	swait.ge [sflag:s13], $0x2000  }
0x39: {  	[sflag:s13] =	ssyncset.done $0x0  }
0x3a: {  	[sflag:s13] =	ssyncadd.s32 $0xFFFFE000  }
0x3b: {  	[spmem:s31] =	stream.linear.scatter [tilespmem:s1], [sflag:$0x3], $0x2000, $0x38;
	[tilespmem:$0x1F000] =	vst v63  }
0x3c: {  	_ =	swait.ge [sflag:s13], $0x2000  }
0x3d: {  	[sflag:s13] =	ssyncset.done $0x0  }
0x3e: {  	[sflag:s13] =	ssyncadd.s32 $0xFFFFE000  }
0x3f: {  	[spmem:s0] =	stream.linear.scatter [tilespmem:s1], [sflag:$0x3], $0x2000, $0x38;
	[tilespmem:$0x1F000] =	vst v63  }
0x40: {  	_ =	swait.ge [sflag:s13], $0x2000  }
0x41: {  	[sflag:s13] =	ssyncset.done $0x0  }
0x42: {  	[sflag:s13] =	ssyncadd.s32 $0xFFFFE000  }
0x43: {  	s17 =	simm.s32 $0x0;
	[bflag:$0x0] =	sbarrier.arrive $0xFFFF  }
0x44: {  	[tilespmem:s17], [sflag:$0x3] =	stream.linear.gather [hbm4b:s7+s17], $0x2800, $0x38;
	[tilespmem:$0x1F000] =	vst v63  }
0x45: {  	_ =	swait.ge [sflag:s13], $0x2800  }
0x46: {  	[sflag:s13] =	ssyncset.done $0x0  }
0x47: {  	[sflag:s13] =	ssyncadd.s32 $0xFFFFD800  }
0x48: {  	[tilespmem:s14], [sflag:$0x3] =	stream.linear.gather [hbm4b:s8+s17], $0x2800, $0x38;
	[tilespmem:$0x1F000] =	vst v63  }
0x49: {  	_ =	swait.ge [sflag:s13], $0x2800  }
0x4a: {  	[sflag:s13] =	ssyncset.done $0x0  }
0x4b: {  	s20 =	simm.s32 $0x5000;
	[sflag:s13] =	ssyncadd.s32 $0xFFFFD800  }
0x4c: {  	[tilespmem:s20], [sflag:$0x1] =	stream.indirect.gather [hbm4b:s9+s15], $0x40, s17, s15, $0xb8;
	[tilespmem:$0x1F000] =	vst v63  }
0x4d: {  	s21 =	simm.s32 $0x9000  }
0x4e: {  	[tilespmem:s21], [sflag:$0x1] =	stream.indirect.gather [hbm4b:s10+s15], $0x40, s14, s15, $0xb8;
	[tilespmem:$0x1F000] =	vst v63  }
0x4f: {  	s28 =	simm.s32 $0xD000  }
0x50: {  	[tilespmem:s28], [sflag:$0x1] =	stream.strided.gather [hbm4b:s18+s19], $0x2000, s15, s19, $0x38;
	[tilespmem:$0x1F000] =	vst v63  }
0x51: {  	s29 =	simm.s32 $0x7000  }
0x52: {  	[tilespmem:s29], [sflag:$0x2] =	stream.indirect.gather [hbm4b:s9+s15], $0x40, s15, s15, $0xb8;
	[tilespmem:$0x1F000] =	vst v63  }
0x53: {  	_ = 	snop  }
0x54: {  	[tilespmem:s23], [sflag:$0x2] =	stream.indirect.gather [hbm4b:s10+s15], $0x40, s22, s15, $0xb8;
	[tilespmem:$0x1F000] =	vst v63  }
0x55: {  	s30 =	rddreg [dreg:$0x10]  }
0x56: {  	[tilespmem:s24], [sflag:$0x2] =	stream.strided.gather [hbm4b:s30+s19], $0x2000, s15, s19, $0x38;
	[tilespmem:$0x1F000] =	vst v63  }
.LBB2_4:
0x57: {  	_ =	swait.ge [sflag:s25], $0x2000  }
0x58: {  	[sflag:s25] =	ssyncset.done $0x0  }
0x59: {  	[sflag:s25] =	ssyncadd.s32 $0xFFFFE000  }
0x5a: {  	_ =	swait.ge [sflag:s25], $0x2000  }
0x5b: {  	[sflag:s25] =	ssyncset.done $0x0  }
0x5c: {  	[sflag:s25] =	ssyncadd.s32 $0xFFFFE000  }
0x5d: {  	_ =	swait.ge [sflag:s25], $0x2000  }
0x5e: {  	[sflag:s25] =	ssyncset.done $0x0  }
0x5f: {  	s28 =	simm.s32 $0x0;
	[sflag:s25] =	ssyncadd.s32 $0xFFFFE000  }
0x60: {  	v1 =	vld [tilespmem:s28+$0x5030]  }
0x61: {  	v2 =	vld [tilespmem:s28+$0x9030]  }
0x62: {  	v7 =	vld [tilespmem:s28+$0x5000]  }
0x63: {  	v4 =	vld [tilespmem:s28+$0xD030]  }
0x64: {  	v8 =	vld [tilespmem:s28+$0x9000]  }
0x65: {  	v9 =	vld [tilespmem:s28+$0x5010]  }
0x66: {  	v10 =	vld [tilespmem:s28+$0x9010];
	v1 =	vadd.f32 v2, v1  }
0x67: {  	v3 =	vld [tilespmem:s28+$0x9020]  }
0x68: {  	v2 =	vld [tilespmem:s28+$0x5020];
	v1 =	vadd.f32 v4, v1  }
0x69: {  	v6 =	vld [tilespmem:s28+$0xD000]  }
0x6a: {  	v5 =	vld [tilespmem:s28+$0xD010];
	v1 =	vmax.f32 v1, $0.0e+00  }
0x6b: {  	s20 =	simm.s32 $0x40;
	v4 =	vld [tilespmem:s28+$0xD020];
	[tilespmem:s28+$0x11030] =	vst v1  }
0x6c: {  	s29 =	simm.s32 $0x200;
	v7 =	vadd.f32 v8, v7;
	v8 =	vadd.f32 v10, v9;
	v1 =	vld [tilespmem:s20+$0x5030]  }
.LBB2_5:
0x6d: {  	p0 =	sne.s32 s29, $0x7F00;
	v9 =	vld [tilespmem:s20+$0x9030];
	v2 =	vadd.f32 v3, v2  }
0x6e: {  	v10 =	vld [tilespmem:s20+$0x5000];
	v3 =	vadd.f32 v6, v7  }
0x6f: {  	v6 =	vld [tilespmem:s20+$0xD030];
	v5 =	vadd.f32 v5, v8  }
0x70: {  	v7 =	vld [tilespmem:s20+$0x9000];
	v3 =	vmax.f32 v3, $0.0e+00;
	v2 =	vadd.f32 v4, v2  }
0x71: {  	v4 =	vld [tilespmem:s20+$0x5010];
	[tilespmem:s28+$0x11000] =	vst v3;
	v3 =	vmax.f32 v5, $0.0e+00  }
0x72: {  	v8 =	vld [tilespmem:s20+$0x9010];
	v1 =	vadd.f32 v9, v1;
	[tilespmem:s28+$0x11010] =	vst v3;
	v3 =	vmax.f32 v2, $0.0e+00  }
0x73: {  	v2 =	vld [tilespmem:s20+$0x5020];
	[tilespmem:s28+$0x11020] =	vst v3;
	s28 =	smov.u32 s20  }
.Ltmp1:
0x74: {  	v3 =	vld [tilespmem:s28+$0x9020];
	v1 =	vadd.f32 v6, v1;
	(pc) =	sbr.rel @p0 .LBB2_5-.Ltmp1, $4  }
0x75: {  	v7 =	vadd.f32 v7, v10;
	v6 =	vld [tilespmem:s28+$0xD000]  }
0x76: {  	v5 =	vld [tilespmem:s28+$0xD010];
	v1 =	vmax.f32 v1, $0.0e+00  }
0x77: {  	s20 =	sshra.s32 s29, $0x2;
	v8 =	vadd.f32 v8, v4;
	v4 =	vld [tilespmem:s28+$0xD020];
	[tilespmem:s28+$0x11030] =	vst v1  }
0x78: {  	s29 =	sadd.s32 $0x100, s29;
	v1 =	vld [tilespmem:s20+$0x5030]  }
0x79: {  	v9 =	vld [tilespmem:s20+$0x9030]  }
0x7a: {  	v10 =	vld [tilespmem:s20+$0x5000];
	v2 =	vadd.f32 v3, v2;
	v6 =	vadd.f32 v6, v7  }
0x7b: {  	v11 =	vld [tilespmem:s20+$0x9000];
	v3 =	vadd.f32 v5, v8  }
0x7c: {  	v7 =	vld [tilespmem:s20+$0xD030];
	v5 =	vmax.f32 v6, $0.0e+00;
	v2 =	vadd.f32 v4, v2  }
0x7d: {  	v6 =	vld [tilespmem:s20+$0x5010];
	[tilespmem:s28+$0x11000] =	vst v5;
	v3 =	vmax.f32 v3, $0.0e+00  }
0x7e: {  	v4 =	vld [tilespmem:s20+$0x9010];
	[tilespmem:s28+$0x11010] =	vst v3;
	v2 =	vmax.f32 v2, $0.0e+00  }
0x7f: {  	v3 =	vld [tilespmem:s20+$0x5020];
	[tilespmem:s28+$0x11020] =	vst v2  }
0x80: {  	v2 =	vld [tilespmem:s20+$0x9020]  }
0x81: {  	v5 =	vld [tilespmem:s20+$0xD000]  }
0x82: {  	v8 =	vld [tilespmem:s20+$0xD010]  }
0x83: {  	v1 =	vadd.f32 v9, v1;
	v9 =	vld [tilespmem:s20+$0xD020]  }
0x84: {  	v10 =	vadd.f32 v11, v10  }
0x85: {  	v1 =	vadd.f32 v7, v1;
	v4 =	vadd.f32 v4, v6  }
0x86: {  	v2 =	vadd.f32 v2, v3;
	v3 =	vadd.f32 v5, v10  }
0x87: {  	v1 =	vmax.f32 v1, $0.0e+00;
	v4 =	vadd.f32 v8, v4  }
0x88: {  	[tilespmem:s20+$0x11030] =	vst v1;
	v1 =	vmax.f32 v3, $0.0e+00;
	v2 =	vadd.f32 v9, v2  }
0x89: {  	p0 =	seq.s32 s17, $0x27;
	[tilespmem:s20+$0x11000] =	vst v1;
	v1 =	vmax.f32 v4, $0.0e+00  }
0x8a: {  	s28 =	sshll.u32 @!p0 s17, $0x8;
	[tilespmem:s20+$0x11010] =	vst v1;
	v1 =	vmax.f32 v2, $0.0e+00  }
0x8b: {  	s21 =	simm.s32 @!p0 $0x80;
	s29 =	simm.s32 @!p0 $0x5000;
	[tilespmem:s20+$0x11020] =	vst v1;
	s20 =	sadd.s32 @!p0 $0x100, s28  }
0x8c: {  	[tilespmem:s29], [sflag:$0x1] =	stream.indirect.gather @!p0 [hbm4b:s9+s21], $0x40, s20, s21, $0xb8;
	[tilespmem:$0x1F000] =	vst v63  }
0x8d: {  	s20 =	sadd.s32 @!p0 s4, s20  }
0x8e: {  	s30 =	simm.s32 @!p0 $0x9000;
	s29 =	sadd.s32 @!p0 $0x2900, s28;
	s20 =	sshll.u32 @!p0 s20, $0x7  }
0x8f: {  	[tilespmem:s30], [sflag:$0x1] =	stream.indirect.gather @!p0 [hbm4b:s10+s21], $0x40, s29, s21, $0xb8;
	[tilespmem:$0x1F000] =	vst v63  }
0x90: {  	s20 =	sor.u32 @!p0 s11, s20  }
0x91: {  	s20 =	sshrl.u32 @!p0 s20, $0x3  }
0x92: {  	s29 =	simm.s32 @!p0 $0x40;
	s30 =	simm.s32 @!p0 $0xD000;
	s20 =	sadd.s32 @!p0 s5, s20  }
0x93: {  	[tilespmem:s30], [sflag:$0x1] =	stream.strided.gather @!p0 [hbm4b:s20+s29], $0x2000, s21, s29, $0x38;
	[tilespmem:$0x1F000] =	vst v63  }
0x94: {  	s21 =	sshll.u32 s17, $0x8  }
0x95: {  	s29 =	sand.u32 $0x3FFFFF00, s21  }
0x96: {  	s20 =	sadd.s32 $0x2800, s29  }
0x97: {  	[spmem:s2] =	stream.indirect.scatter.add.f32 [tilespmem:s16], [sflag:$0x3], $0x40, s20, s15, $0xb8;
	[tilespmem:$0x1F000] =	vst v63  }
0x98: {  	_ =	swait.ge [sflag:s13], $0x2000  }
0x99: {  	[sflag:s13] =	ssyncset.done $0x0  }
0x9a: {  	[sflag:s13] =	ssyncadd.s32 $0xFFFFE000  }
0x9b: {  	_ =	swait.ge [sflag:s26], $0x2000  }
0x9c: {  	[sflag:s26] =	ssyncset.done $0x0  }
0x9d: {  	[sflag:s26] =	ssyncadd.s32 $0xFFFFE000  }
0x9e: {  	_ =	swait.ge [sflag:s26], $0x2000  }
0x9f: {  	[sflag:s26] =	ssyncset.done $0x0  }
0xa0: {  	[sflag:s26] =	ssyncadd.s32 $0xFFFFE000  }
0xa1: {  	_ =	swait.ge [sflag:s26], $0x2000  }
0xa2: {  	[sflag:s26] =	ssyncset.done $0x0  }
0xa3: {  	s20 =	simm.s32 $0x0;
	[sflag:s26] =	ssyncadd.s32 $0xFFFFE000  }
0xa4: {  	v1 =	vld [tilespmem:s20+$0x7030]  }
0xa5: {  	v2 =	vld [tilespmem:s20+$0xB030]  }
0xa6: {  	v7 =	vld [tilespmem:s20+$0x7000]  }
0xa7: {  	v4 =	vld [tilespmem:s20+$0xF030]  }
0xa8: {  	v8 =	vld [tilespmem:s20+$0xB000]  }
0xa9: {  	v9 =	vld [tilespmem:s20+$0x7010]  }
0xaa: {  	v10 =	vld [tilespmem:s20+$0xB010];
	v1 =	vadd.f32 v2, v1  }
0xab: {  	v3 =	vld [tilespmem:s20+$0xB020]  }
0xac: {  	v2 =	vld [tilespmem:s20+$0x7020];
	v1 =	vadd.f32 v4, v1  }
0xad: {  	v6 =	vld [tilespmem:s20+$0xF000]  }
0xae: {  	v5 =	vld [tilespmem:s20+$0xF010];
	v1 =	vmax.f32 v1, $0.0e+00  }
0xaf: {  	s30 =	simm.s32 $0x40;
	v4 =	vld [tilespmem:s20+$0xF020];
	[tilespmem:s20+$0x11030] =	vst v1  }
0xb0: {  	s21 =	simm.s32 $0x200;
	v7 =	vadd.f32 v8, v7;
	v8 =	vadd.f32 v10, v9;
	v1 =	vld [tilespmem:s30+$0x7030]  }
.LBB2_7:
0xb1: {  	p1 =	sne.s32 s21, $0x7F00;
	v9 =	vld [tilespmem:s30+$0xB030];
	v2 =	vadd.f32 v3, v2  }
0xb2: {  	v10 =	vld [tilespmem:s30+$0x7000];
	v3 =	vadd.f32 v6, v7  }
0xb3: {  	v6 =	vld [tilespmem:s30+$0xF030];
	v5 =	vadd.f32 v5, v8  }
0xb4: {  	v7 =	vld [tilespmem:s30+$0xB000];
	v3 =	vmax.f32 v3, $0.0e+00;
	v2 =	vadd.f32 v4, v2  }
0xb5: {  	v4 =	vld [tilespmem:s30+$0x7010];
	[tilespmem:s20+$0x11000] =	vst v3;
	v3 =	vmax.f32 v5, $0.0e+00  }
0xb6: {  	v8 =	vld [tilespmem:s30+$0xB010];
	v1 =	vadd.f32 v9, v1;
	[tilespmem:s20+$0x11010] =	vst v3;
	v3 =	vmax.f32 v2, $0.0e+00  }
0xb7: {  	v2 =	vld [tilespmem:s30+$0x7020];
	[tilespmem:s20+$0x11020] =	vst v3;
	s20 =	smov.u32 s30  }
.Ltmp2:
0xb8: {  	v3 =	vld [tilespmem:s20+$0xB020];
	v1 =	vadd.f32 v6, v1;
	(pc) =	sbr.rel @p1 .LBB2_7-.Ltmp2, $4  }
0xb9: {  	v7 =	vadd.f32 v7, v10;
	v6 =	vld [tilespmem:s20+$0xF000]  }
0xba: {  	v5 =	vld [tilespmem:s20+$0xF010];
	v1 =	vmax.f32 v1, $0.0e+00  }
0xbb: {  	s30 =	sshra.s32 s21, $0x2;
	v8 =	vadd.f32 v8, v4;
	v4 =	vld [tilespmem:s20+$0xF020];
	[tilespmem:s20+$0x11030] =	vst v1  }
0xbc: {  	s21 =	sadd.s32 $0x100, s21;
	v1 =	vld [tilespmem:s30+$0x7030]  }
0xbd: {  	v9 =	vld [tilespmem:s30+$0xB030]  }
0xbe: {  	v10 =	vld [tilespmem:s30+$0x7000];
	v2 =	vadd.f32 v3, v2;
	v6 =	vadd.f32 v6, v7  }
0xbf: {  	v58 =	vld [tilespmem:s30+$0xF030];
	v3 =	vadd.f32 v5, v8  }
0xc0: {  	v11 =	vld [tilespmem:s30+$0xB000];
	v59 =	vmax.f32 v6, $0.0e+00;
	v2 =	vadd.f32 v4, v2  }
0xc1: {  	v60 =	vld [tilespmem:s30+$0x7010];
	[tilespmem:s20+$0x11000] =	vst v59;
	v3 =	vmax.f32 v3, $0.0e+00  }
0xc2: {  	v61 =	vld [tilespmem:s30+$0xB010];
	[tilespmem:s20+$0x11010] =	vst v3;
	v2 =	vmax.f32 v2, $0.0e+00  }
0xc3: {  	v3 =	vld [tilespmem:s30+$0x7020];
	[tilespmem:s20+$0x11020] =	vst v2  }
0xc4: {  	v2 =	vld [tilespmem:s30+$0xB020]  }
0xc5: {  	v5 =	vld [tilespmem:s30+$0xF000]  }
0xc6: {  	v62 =	vld [tilespmem:s30+$0xF010]  }
0xc7: {  	v1 =	vadd.f32 v9, v1;
	v63 =	vld [tilespmem:s30+$0xF020]  }
0xc8: {  	v10 =	vadd.f32 v11, v10  }
0xc9: {  	v1 =	vadd.f32 v58, v1;
	v4 =	vadd.f32 v61, v60  }
0xca: {  	v2 =	vadd.f32 v2, v3;
	v3 =	vadd.f32 v5, v10  }
0xcb: {  	v1 =	vmax.f32 v1, $0.0e+00;
	v4 =	vadd.f32 v62, v4  }
0xcc: {  	[tilespmem:s30+$0x11030] =	vst v1;
	v1 =	vmax.f32 v3, $0.0e+00;
	v2 =	vadd.f32 v63, v2  }
0xcd: {  	[tilespmem:s30+$0x11000] =	vst v1;
	v1 =	vmax.f32 v4, $0.0e+00  }
0xce: {  	[tilespmem:s30+$0x11010] =	vst v1;
	v1 =	vmax.f32 v2, $0.0e+00  }
0xcf: {  	s21 =	simm.s32 @!p0 $0x80;
	s20 =	sadd.s32 @!p0 $0x180, s28;
	[tilespmem:s30+$0x11020] =	vst v1;
	s30 =	simm.s32 @!p0 $0x7000  }
0xd0: {  	[tilespmem:s30], [sflag:$0x2] =	stream.indirect.gather @!p0 [hbm4b:s9+s21], $0x40, s20, s21, $0xb8;
	[tilespmem:$0x1F000] =	vst v63  }
0xd1: {  	s20 =	sadd.s32 @!p0 s4, s20  }
0xd2: {  	s28 =	sadd.s32 @!p0 $0x2980, s28;
	s30 =	simm.s32 @!p0 $0xB000;
	s20 =	sshll.u32 @!p0 s20, $0x7  }
0xd3: {  	[tilespmem:s30], [sflag:$0x2] =	stream.indirect.gather @!p0 [hbm4b:s10+s21], $0x40, s28, s21, $0xb8;
	[tilespmem:$0x1F000] =	vst v63  }
0xd4: {  	s20 =	sor.u32 @!p0 s11, s20  }
0xd5: {  	s17 =	sadd.s32 $0x1, s17;
	s20 =	sshrl.u32 @!p0 s20, $0x3  }
0xd6: {  	s28 =	simm.s32 @!p0 $0x40;
	s30 =	simm.s32 @!p0 $0xF000;
	s20 =	sadd.s32 @!p0 s5, s20  }
0xd7: {  	[tilespmem:s30], [sflag:$0x2] =	stream.strided.gather @!p0 [hbm4b:s20+s28], $0x2000, s21, s28, $0x38;
	[tilespmem:$0x1F000] =	vst v63  }
0xd8: {  	p0 =	sne.s32 s17, $0x28  }
.Ltmp3:
0xd9: {  	s30 =	sadd.s32 $0x2880, s29;
	(pc) =	sbr.rel @p0 .LBB2_4-.Ltmp3, $4  }
0xda: {  	[spmem:s2] =	stream.indirect.scatter.add.f32 [tilespmem:s16], [sflag:$0x3], $0x40, s30, s15, $0xb8;
	[tilespmem:$0x1F000] =	vst v63  }
0xdb: {  	_ =	swait.ge [sflag:s13], $0x2000  }
0xdc: {  	[sflag:s13] =	ssyncset.done $0x0  }
0xdd: {  	[sflag:s13] =	ssyncadd.s32 $0xFFFFE000  }
0xde: {  	s20 =	sadd.s32 $0x500, s7;
	s17 =	simm.s32 $0x0  }
0xdf: {  	[tilespmem:s17], [sflag:$0x3] =	stream.linear.gather [hbm4b:s20+s17], $0x2800, $0x38;
	[tilespmem:$0x1F000] =	vst v63  }
0xe0: {  	_ =	swait.ge [sflag:s13], $0x2800  }
0xe1: {  	[sflag:s13] =	ssyncset.done $0x0  }
0xe2: {  	s29 =	sadd.s32 $0x500, s8;
	[sflag:s13] =	ssyncadd.s32 $0xFFFFD800  }
0xe3: {  	[tilespmem:s14], [sflag:$0x3] =	stream.linear.gather [hbm4b:s29+s17], $0x2800, $0x38;
	[tilespmem:$0x1F000] =	vst v63  }
0xe4: {  	_ =	swait.ge [sflag:s13], $0x2800  }
0xe5: {  	[sflag:s13] =	ssyncset.done $0x0  }
0xe6: {  	s30 =	simm.s32 $0x5000;
	[sflag:s13] =	ssyncadd.s32 $0xFFFFD800  }
0xe7: {  	[tilespmem:s30], [sflag:$0x1] =	stream.indirect.gather [hbm4b:s9+s15], $0x40, s17, s15, $0xb8;
	[tilespmem:$0x1F000] =	vst v63  }
0xe8: {  	s21 =	simm.s32 $0x9000  }
0xe9: {  	[tilespmem:s21], [sflag:$0x1] =	stream.indirect.gather [hbm4b:s10+s15], $0x40, s14, s15, $0xb8;
	[tilespmem:$0x1F000] =	vst v63  }
0xea: {  	s28 =	rddreg [dreg:$0x8];
	s21 =	simm.s32 $0xD000  }
0xeb: {  	[tilespmem:s21], [sflag:$0x1] =	stream.strided.gather [hbm4b:s28+s19], $0x2000, s15, s19, $0x38;
	[tilespmem:$0x1F000] =	vst v63  }
0xec: {  	s29 =	simm.s32 $0x7000  }
0xed: {  	[tilespmem:s29], [sflag:$0x2] =	stream.indirect.gather [hbm4b:s9+s15], $0x40, s15, s15, $0xb8;
	[tilespmem:$0x1F000] =	vst v63  }
0xee: {  	_ = 	snop  }
0xef: {  	[tilespmem:s23], [sflag:$0x2] =	stream.indirect.gather [hbm4b:s10+s15], $0x40, s22, s15, $0xb8;
	[tilespmem:$0x1F000] =	vst v63  }
0xf0: {  	s30 =	rddreg [dreg:$0x9]  }
0xf1: {  	[tilespmem:s24], [sflag:$0x2] =	stream.strided.gather [hbm4b:s30+s19], $0x2000, s15, s19, $0x38;
	[tilespmem:$0x1F000] =	vst v63  }
.LBB2_10:
0xf2: {  	_ =	swait.ge [sflag:s25], $0x2000  }
0xf3: {  	[sflag:s25] =	ssyncset.done $0x0  }
0xf4: {  	[sflag:s25] =	ssyncadd.s32 $0xFFFFE000  }
0xf5: {  	_ =	swait.ge [sflag:s25], $0x2000  }
0xf6: {  	[sflag:s25] =	ssyncset.done $0x0  }
0xf7: {  	[sflag:s25] =	ssyncadd.s32 $0xFFFFE000  }
0xf8: {  	_ =	swait.ge [sflag:s25], $0x2000  }
0xf9: {  	[sflag:s25] =	ssyncset.done $0x0  }
0xfa: {  	s20 =	simm.s32 $0x0;
	[sflag:s25] =	ssyncadd.s32 $0xFFFFE000  }
0xfb: {  	v1 =	vld [tilespmem:s20+$0x5030]  }
0xfc: {  	v2 =	vld [tilespmem:s20+$0x9030]  }
0xfd: {  	v7 =	vld [tilespmem:s20+$0x5000]  }
0xfe: {  	v4 =	vld [tilespmem:s20+$0xD030]  }
0xff: {  	v8 =	vld [tilespmem:s20+$0x9000]  }
0x100: {  	v9 =	vld [tilespmem:s20+$0x5010]  }
0x101: {  	v10 =	vld [tilespmem:s20+$0x9010];
	v1 =	vadd.f32 v2, v1  }
0x102: {  	v3 =	vld [tilespmem:s20+$0x9020]  }
0x103: {  	v2 =	vld [tilespmem:s20+$0x5020];
	v1 =	vadd.f32 v4, v1  }
0x104: {  	v6 =	vld [tilespmem:s20+$0xD000]  }
0x105: {  	v5 =	vld [tilespmem:s20+$0xD010];
	v1 =	vmax.f32 v1, $0.0e+00  }
0x106: {  	s29 =	simm.s32 $0x40;
	v4 =	vld [tilespmem:s20+$0xD020];
	[tilespmem:s20+$0x11030] =	vst v1  }
0x107: {  	s21 =	simm.s32 $0x200;
	v7 =	vadd.f32 v8, v7;
	v8 =	vadd.f32 v10, v9;
	v1 =	vld [tilespmem:s29+$0x5030]  }
.LBB2_11:
0x108: {  	p0 =	sne.s32 s21, $0x7F00;
	v9 =	vld [tilespmem:s29+$0x9030];
	v2 =	vadd.f32 v3, v2  }
0x109: {  	v10 =	vld [tilespmem:s29+$0x5000];
	v3 =	vadd.f32 v6, v7  }
0x10a: {  	v6 =	vld [tilespmem:s29+$0xD030];
	v5 =	vadd.f32 v5, v8  }
0x10b: {  	v7 =	vld [tilespmem:s29+$0x9000];
	v3 =	vmax.f32 v3, $0.0e+00;
	v2 =	vadd.f32 v4, v2  }
0x10c: {  	v4 =	vld [tilespmem:s29+$0x5010];
	[tilespmem:s20+$0x11000] =	vst v3;
	v3 =	vmax.f32 v5, $0.0e+00  }
0x10d: {  	v8 =	vld [tilespmem:s29+$0x9010];
	v1 =	vadd.f32 v9, v1;
	[tilespmem:s20+$0x11010] =	vst v3;
	v3 =	vmax.f32 v2, $0.0e+00  }
0x10e: {  	v2 =	vld [tilespmem:s29+$0x5020];
	[tilespmem:s20+$0x11020] =	vst v3;
	s20 =	smov.u32 s29  }
.Ltmp4:
0x10f: {  	v3 =	vld [tilespmem:s20+$0x9020];
	v1 =	vadd.f32 v6, v1;
	(pc) =	sbr.rel @p0 .LBB2_11-.Ltmp4, $4  }
0x110: {  	v7 =	vadd.f32 v7, v10;
	v6 =	vld [tilespmem:s20+$0xD000]  }
0x111: {  	v5 =	vld [tilespmem:s20+$0xD010];
	v1 =	vmax.f32 v1, $0.0e+00  }
0x112: {  	s29 =	sshra.s32 s21, $0x2;
	v8 =	vadd.f32 v8, v4;
	v4 =	vld [tilespmem:s20+$0xD020];
	[tilespmem:s20+$0x11030] =	vst v1  }
0x113: {  	s21 =	sadd.s32 $0x100, s21;
	v1 =	vld [tilespmem:s29+$0x5030]  }
0x114: {  	v9 =	vld [tilespmem:s29+$0x9030]  }
0x115: {  	v10 =	vld [tilespmem:s29+$0x5000];
	v2 =	vadd.f32 v3, v2;
	v6 =	vadd.f32 v6, v7  }
0x116: {  	v11 =	vld [tilespmem:s29+$0x9000];
	v3 =	vadd.f32 v5, v8  }
0x117: {  	v7 =	vld [tilespmem:s29+$0xD030];
	v5 =	vmax.f32 v6, $0.0e+00;
	v2 =	vadd.f32 v4, v2  }
0x118: {  	v6 =	vld [tilespmem:s29+$0x5010];
	[tilespmem:s20+$0x11000] =	vst v5;
	v3 =	vmax.f32 v3, $0.0e+00  }
0x119: {  	v4 =	vld [tilespmem:s29+$0x9010];
	[tilespmem:s20+$0x11010] =	vst v3;
	v2 =	vmax.f32 v2, $0.0e+00  }
0x11a: {  	v3 =	vld [tilespmem:s29+$0x5020];
	[tilespmem:s20+$0x11020] =	vst v2  }
0x11b: {  	v2 =	vld [tilespmem:s29+$0x9020]  }
0x11c: {  	v5 =	vld [tilespmem:s29+$0xD000]  }
0x11d: {  	v8 =	vld [tilespmem:s29+$0xD010]  }
0x11e: {  	v1 =	vadd.f32 v9, v1;
	v9 =	vld [tilespmem:s29+$0xD020]  }
0x11f: {  	v10 =	vadd.f32 v11, v10  }
0x120: {  	v1 =	vadd.f32 v7, v1;
	v4 =	vadd.f32 v4, v6  }
0x121: {  	v2 =	vadd.f32 v2, v3;
	v3 =	vadd.f32 v5, v10  }
0x122: {  	v1 =	vmax.f32 v1, $0.0e+00;
	v4 =	vadd.f32 v8, v4  }
0x123: {  	[tilespmem:s29+$0x11030] =	vst v1;
	v1 =	vmax.f32 v3, $0.0e+00;
	v2 =	vadd.f32 v9, v2  }
0x124: {  	p0 =	seq.s32 s17, $0x27;
	[tilespmem:s29+$0x11000] =	vst v1;
	v1 =	vmax.f32 v4, $0.0e+00  }
0x125: {  	s28 =	sshll.u32 @!p0 s17, $0x8;
	[tilespmem:s29+$0x11010] =	vst v1;
	v1 =	vmax.f32 v2, $0.0e+00  }
0x126: {  	s21 =	simm.s32 @!p0 $0x80;
	s20 =	sadd.s32 @!p0 $0x100, s28;
	[tilespmem:s29+$0x11020] =	vst v1;
	s29 =	simm.s32 @!p0 $0x5000  }
0x127: {  	[tilespmem:s29], [sflag:$0x1] =	stream.indirect.gather @!p0 [hbm4b:s9+s21], $0x40, s20, s21, $0xb8;
	[tilespmem:$0x1F000] =	vst v63  }
0x128: {  	s20 =	sadd.s32 @!p0 s12, s20  }
0x129: {  	s30 =	simm.s32 @!p0 $0x9000;
	s29 =	sadd.s32 @!p0 $0x2900, s28;
	s20 =	sshll.u32 @!p0 s20, $0x7  }
0x12a: {  	[tilespmem:s30], [sflag:$0x1] =	stream.indirect.gather @!p0 [hbm4b:s10+s21], $0x40, s29, s21, $0xb8;
	[tilespmem:$0x1F000] =	vst v63  }
0x12b: {  	s20 =	sor.u32 @!p0 s11, s20  }
0x12c: {  	s20 =	sshrl.u32 @!p0 s20, $0x3  }
0x12d: {  	s29 =	simm.s32 @!p0 $0x40;
	s30 =	simm.s32 @!p0 $0xD000;
	s20 =	sadd.s32 @!p0 s5, s20  }
0x12e: {  	[tilespmem:s30], [sflag:$0x1] =	stream.strided.gather @!p0 [hbm4b:s20+s29], $0x2000, s21, s29, $0x38;
	[tilespmem:$0x1F000] =	vst v63  }
0x12f: {  	s21 =	sshll.u32 s17, $0x8  }
0x130: {  	s29 =	sand.u32 $0x3FFFFF00, s21  }
0x131: {  	s20 =	sadd.s32 $0x2800, s29  }
0x132: {  	[spmem:s2] =	stream.indirect.scatter.add.f32 [tilespmem:s16], [sflag:$0x3], $0x40, s20, s15, $0xb8;
	[tilespmem:$0x1F000] =	vst v63  }
0x133: {  	_ =	swait.ge [sflag:s13], $0x2000  }
0x134: {  	[sflag:s13] =	ssyncset.done $0x0  }
0x135: {  	[sflag:s13] =	ssyncadd.s32 $0xFFFFE000  }
0x136: {  	_ =	swait.ge [sflag:s26], $0x2000  }
0x137: {  	[sflag:s26] =	ssyncset.done $0x0  }
0x138: {  	[sflag:s26] =	ssyncadd.s32 $0xFFFFE000  }
0x139: {  	_ =	swait.ge [sflag:s26], $0x2000  }
0x13a: {  	[sflag:s26] =	ssyncset.done $0x0  }
0x13b: {  	[sflag:s26] =	ssyncadd.s32 $0xFFFFE000  }
0x13c: {  	_ =	swait.ge [sflag:s26], $0x2000  }
0x13d: {  	[sflag:s26] =	ssyncset.done $0x0  }
0x13e: {  	s20 =	simm.s32 $0x0;
	[sflag:s26] =	ssyncadd.s32 $0xFFFFE000  }
0x13f: {  	v1 =	vld [tilespmem:s20+$0x7030]  }
0x140: {  	v2 =	vld [tilespmem:s20+$0xB030]  }
0x141: {  	v7 =	vld [tilespmem:s20+$0x7000]  }
0x142: {  	v4 =	vld [tilespmem:s20+$0xF030]  }
0x143: {  	v8 =	vld [tilespmem:s20+$0xB000]  }
0x144: {  	v9 =	vld [tilespmem:s20+$0x7010]  }
0x145: {  	v10 =	vld [tilespmem:s20+$0xB010];
	v1 =	vadd.f32 v2, v1  }
0x146: {  	v3 =	vld [tilespmem:s20+$0xB020]  }
0x147: {  	v2 =	vld [tilespmem:s20+$0x7020];
	v1 =	vadd.f32 v4, v1  }
0x148: {  	v6 =	vld [tilespmem:s20+$0xF000]  }
0x149: {  	v5 =	vld [tilespmem:s20+$0xF010];
	v1 =	vmax.f32 v1, $0.0e+00  }
0x14a: {  	s30 =	simm.s32 $0x40;
	v4 =	vld [tilespmem:s20+$0xF020];
	[tilespmem:s20+$0x11030] =	vst v1  }
0x14b: {  	s21 =	simm.s32 $0x200;
	v7 =	vadd.f32 v8, v7;
	v8 =	vadd.f32 v10, v9;
	v1 =	vld [tilespmem:s30+$0x7030]  }
.LBB2_13:
0x14c: {  	p1 =	sne.s32 s21, $0x7F00;
	v9 =	vld [tilespmem:s30+$0xB030];
	v2 =	vadd.f32 v3, v2  }
0x14d: {  	v10 =	vld [tilespmem:s30+$0x7000];
	v3 =	vadd.f32 v6, v7  }
0x14e: {  	v6 =	vld [tilespmem:s30+$0xF030];
	v5 =	vadd.f32 v5, v8  }
0x14f: {  	v7 =	vld [tilespmem:s30+$0xB000];
	v3 =	vmax.f32 v3, $0.0e+00;
	v2 =	vadd.f32 v4, v2  }
0x150: {  	v4 =	vld [tilespmem:s30+$0x7010];
	[tilespmem:s20+$0x11000] =	vst v3;
	v3 =	vmax.f32 v5, $0.0e+00  }
0x151: {  	v8 =	vld [tilespmem:s30+$0xB010];
	v1 =	vadd.f32 v9, v1;
	[tilespmem:s20+$0x11010] =	vst v3;
	v3 =	vmax.f32 v2, $0.0e+00  }
0x152: {  	v2 =	vld [tilespmem:s30+$0x7020];
	[tilespmem:s20+$0x11020] =	vst v3;
	s20 =	smov.u32 s30  }
.Ltmp5:
0x153: {  	v3 =	vld [tilespmem:s20+$0xB020];
	v1 =	vadd.f32 v6, v1;
	(pc) =	sbr.rel @p1 .LBB2_13-.Ltmp5, $4  }
0x154: {  	v7 =	vadd.f32 v7, v10;
	v6 =	vld [tilespmem:s20+$0xF000]  }
0x155: {  	v5 =	vld [tilespmem:s20+$0xF010];
	v1 =	vmax.f32 v1, $0.0e+00  }
0x156: {  	s30 =	sshra.s32 s21, $0x2;
	v8 =	vadd.f32 v8, v4;
	v4 =	vld [tilespmem:s20+$0xF020];
	[tilespmem:s20+$0x11030] =	vst v1  }
0x157: {  	s21 =	sadd.s32 $0x100, s21;
	v1 =	vld [tilespmem:s30+$0x7030]  }
0x158: {  	v9 =	vld [tilespmem:s30+$0xB030]  }
0x159: {  	v10 =	vld [tilespmem:s30+$0x7000];
	v2 =	vadd.f32 v3, v2;
	v6 =	vadd.f32 v6, v7  }
0x15a: {  	v58 =	vld [tilespmem:s30+$0xF030];
	v3 =	vadd.f32 v5, v8  }
0x15b: {  	v11 =	vld [tilespmem:s30+$0xB000];
	v59 =	vmax.f32 v6, $0.0e+00;
	v2 =	vadd.f32 v4, v2  }
0x15c: {  	v60 =	vld [tilespmem:s30+$0x7010];
	[tilespmem:s20+$0x11000] =	vst v59;
	v3 =	vmax.f32 v3, $0.0e+00  }
0x15d: {  	v61 =	vld [tilespmem:s30+$0xB010];
	[tilespmem:s20+$0x11010] =	vst v3;
	v2 =	vmax.f32 v2, $0.0e+00  }
0x15e: {  	v3 =	vld [tilespmem:s30+$0x7020];
	[tilespmem:s20+$0x11020] =	vst v2  }
0x15f: {  	v2 =	vld [tilespmem:s30+$0xB020]  }
0x160: {  	v5 =	vld [tilespmem:s30+$0xF000]  }
0x161: {  	v62 =	vld [tilespmem:s30+$0xF010]  }
0x162: {  	v1 =	vadd.f32 v9, v1;
	v63 =	vld [tilespmem:s30+$0xF020]  }
0x163: {  	v10 =	vadd.f32 v11, v10  }
0x164: {  	v1 =	vadd.f32 v58, v1;
	v4 =	vadd.f32 v61, v60  }
0x165: {  	v2 =	vadd.f32 v2, v3;
	v3 =	vadd.f32 v5, v10  }
0x166: {  	v1 =	vmax.f32 v1, $0.0e+00;
	v4 =	vadd.f32 v62, v4  }
0x167: {  	[tilespmem:s30+$0x11030] =	vst v1;
	v1 =	vmax.f32 v3, $0.0e+00;
	v2 =	vadd.f32 v63, v2  }
0x168: {  	[tilespmem:s30+$0x11000] =	vst v1;
	v1 =	vmax.f32 v4, $0.0e+00  }
0x169: {  	[tilespmem:s30+$0x11010] =	vst v1;
	v1 =	vmax.f32 v2, $0.0e+00  }
0x16a: {  	s21 =	simm.s32 @!p0 $0x80;
	s20 =	sadd.s32 @!p0 $0x180, s28;
	[tilespmem:s30+$0x11020] =	vst v1;
	s30 =	simm.s32 @!p0 $0x7000  }
0x16b: {  	[tilespmem:s30], [sflag:$0x2] =	stream.indirect.gather @!p0 [hbm4b:s9+s21], $0x40, s20, s21, $0xb8;
	[tilespmem:$0x1F000] =	vst v63  }
0x16c: {  	s20 =	sadd.s32 @!p0 s12, s20  }
0x16d: {  	s28 =	sadd.s32 @!p0 $0x2980, s28;
	s30 =	simm.s32 @!p0 $0xB000;
	s20 =	sshll.u32 @!p0 s20, $0x7  }
0x16e: {  	[tilespmem:s30], [sflag:$0x2] =	stream.indirect.gather @!p0 [hbm4b:s10+s21], $0x40, s28, s21, $0xb8;
	[tilespmem:$0x1F000] =	vst v63  }
0x16f: {  	s20 =	sor.u32 @!p0 s11, s20  }
0x170: {  	s17 =	sadd.s32 $0x1, s17;
	s20 =	sshrl.u32 @!p0 s20, $0x3  }
0x171: {  	s28 =	simm.s32 @!p0 $0x40;
	s30 =	simm.s32 @!p0 $0xF000;
	s20 =	sadd.s32 @!p0 s5, s20  }
0x172: {  	[tilespmem:s30], [sflag:$0x2] =	stream.strided.gather @!p0 [hbm4b:s20+s28], $0x2000, s21, s28, $0x38;
	[tilespmem:$0x1F000] =	vst v63  }
0x173: {  	p0 =	sne.s32 s17, $0x28  }
.Ltmp6:
0x174: {  	s30 =	sadd.s32 $0x2880, s29;
	(pc) =	sbr.rel @p0 .LBB2_10-.Ltmp6, $4  }
0x175: {  	[spmem:s2] =	stream.indirect.scatter.add.f32 [tilespmem:s16], [sflag:$0x3], $0x40, s30, s15, $0xb8;
	[tilespmem:$0x1F000] =	vst v63  }
0x176: {  	_ =	swait.ge [sflag:s13], $0x2000  }
0x177: {  	[sflag:s13] =	ssyncset.done $0x0  }
0x178: {  	[sflag:s13] =	ssyncadd.s32 $0xFFFFE000  }
0x179: {  	s17 =	stileid.u32;
	[bflag:$0x0] =	sbarrier.arrive $0xFFFF  }
0x17a: {  	s17 =	sshll.u32 s17, $0x6;
	s20 =	rddreg [dreg:$0x3]  }
0x17b: {  	s21 =	rddreg [dreg:$0xb];
	s17 =	sor.u32 $0x1C03, s17  }
0x17c: {  	[hbm:s20], [sflag:s17] =	dma.local [spmem:s21], $0x400  }
0x17d: {  	_ =	swait.ge [sflag:s13], $0x400  }
0x17e: {  	[sflag:s13] =	ssyncset.done $0x0;
	s29 =	rddreg [dreg:$0x4]  }
0x17f: {  	s30 =	rddreg [dreg:$0xc];
	[sflag:s13] =	ssyncadd.s32 $0xFFFFFC00  }
0x180: {  	[hbm:s29], [sflag:s17] =	dma.local [spmem:s30], $0x400  }
0x181: {  	_ =	swait.ge [sflag:s13], $0x400  }
0x182: {  	[sflag:s13] =	ssyncset.done $0x0;
	s21 =	rddreg [dreg:$0x5]  }
0x183: {  	s28 =	rddreg [dreg:$0xd];
	[sflag:s13] =	ssyncadd.s32 $0xFFFFFC00  }
0x184: {  	[hbm:s21], [sflag:s17] =	dma.local [spmem:s28], $0x400  }
0x185: {  	_ =	swait.ge [sflag:s13], $0x400  }
0x186: {  	[sflag:s13] =	ssyncset.done $0x0;
	s29 =	rddreg [dreg:$0x6]  }
0x187: {  	s30 =	rddreg [dreg:$0xe];
	[sflag:s13] =	ssyncadd.s32 $0xFFFFFC00  }
0x188: {  	[hbm:s29], [sflag:s17] =	dma.local [spmem:s30], $0x400  }
0x189: {  	_ =	swait.ge [sflag:s13], $0x400  }
0x18a: {  	[sflag:s13] =	ssyncset.done $0x0;
	s28 =	rddreg [dreg:$0x7]  }
0x18b: {  	s29 =	rddreg [dreg:$0xf];
	[sflag:s13] =	ssyncadd.s32 $0xFFFFFC00  }
0x18c: {  	[hbm:s28], [sflag:s17] =	dma.local [spmem:s29], $0x400  }
0x18d: {  	_ =	swait.ge [sflag:s13], $0x400  }
0x18e: {  	s3 =	sadd.s32 $0x1, s3;
	s30 =	rddreg [dreg:$0xa]  }
0x18f: {  	p0 =	sne.s32 s3, s30  }
.Ltmp7:
0x190: {  	_ = 	snop;
	(pc) =	sbr.rel @p0 .LBB2_1-.Ltmp7, $3  }
0x191: {  	_ =	sdelay $0x1  }
0x192: {  	[sflag:s13] =	ssyncset.done $0x0  }
0x193: {  	[sflag:s13] =	ssyncadd.s32 $0xFFFFFC00  }
0x194: {  	_ =	sfence.sel $0x180000  }
0x195: {  	[bflag:$0x0] =	sbarrier.arrive $0xFFFF  }
0x196: {  	_ =	strace $0x90000047  }
0x197: {  	s0 =	stileid.u32;
	[bflag:$0x2] =	sbarrier.arrive $0xFFFF  }
0x198: {  	p0 =	sne.s32 s0, $0x0;
	s0 =	rddreg [dreg:$0x2]  }
0x199: {  	s0 =	sadd.s32 @!p0 $0x100000, s0  }
0x19a: {  	[sflag:s0] =	ssyncadd.tile.s32 @!p0 $0x1;
	_ =	shalt  }
.Lfunc_end2:
_tile_overlayer_lowered:
.L_overlay_start_2:
0x19b: {  	(tag) =	ssettag $0x2  }
0x19c: {  	s0 =	rddreg [dreg:$0x0];
	s2 =	stileid.u32  }
0x19d: {  	s1 =	rddreg [dreg:$0x1];
	p0 =	sne.s32 s2, $0x0  }
0x19e: {  	s3 =	rddreg [dreg:$0x2];
	[bflag:$0x3] =	sbarrier.arrive $0xFFFF;
	s2 =	simm.s32 @!p0 $0x1C03  }
0x19f: {  	[timem:s3], [sflag:s2] =	dma.local @!p0 [hbm:s0], s1  }
0x1a0: {  	s0 =	simm.s32 @!p0 $0x3  }
0x1a1: {  	_ =	swait.ge @!p0 [sflag:s0], s1  }
0x1a2: {  	s1 =	ssub.s32 @!p0 $0x0, s1;
	[sflag:s0] =	ssyncset.done @!p0 $0x0  }
0x1a3: {  	[sflag:s0] =	ssyncadd.s32 @!p0 s1  }
0x1a4: {  	[bflag:$0x3] =	sbarrier.arrive $0xFFFF  }
0x1a5: {  	_ =	shalt  }

// kernel: kernel.18.cloned.1.call-start
scs
__scs_entry_jumppad:
0x0: {  	(pc) =	sbr.rel $0x88, $3  }
0x1: {  	(tag) =	ssettag $0x0;
	lr =	simm.s32 $0x1  }
0x2: {  	[smem:$0x3F8C] =	sst lr;
	_ =	strace $0xD0000000  }
0x3: {  	_ = 	snop  }
0x4: {  	_ = 	snop  }
0x5: {  	_ = 	snop  }
0x6: {  	_ = 	snop  }
0x7: {  	_ = 	snop  }
__scs_overlays_trampoline_lowered:
0x8: {  	[smem:$0x3F9B] =	sst s0  }
0x9: {  	[smem:$0x3F9C] =	sst s1  }
0xa: {  	[smem:$0x3F9D] =	sst s2  }
0xb: {  	[smem:$0x3F9E] =	sst s3  }
0xc: {  	[smem:$0x3F9F] =	sst s4  }
0xd: {  	[smem:$0x3FA0] =	sst s5  }
0xe: {  	[smem:$0x3FA1] =	sst s6  }
0xf: {  	[smem:$0x3FA2] =	sst s7  }
0x10: {  	[smem:$0x3FA3] =	sst s8  }
0x11: {  	[smem:$0x3FA4] =	sst s9;
	s0 =	simm.s32 @!p0 $0x0  }
0x12: {  	s1 =	sld [smem:$0x3F8A];
	s0 =	simm.s32 @p0 $0x1  }
0x13: {  	[smem:$0x3FA5] =	sst s0;
	s0 =	simm.s32 @!p1 $0x0  }
0x14: {  	s2 =	sld [smem:$0x3F89];
	s0 =	simm.s32 @p1 $0x1  }
0x15: {  	[smem:$0x3FA6] =	sst s0;
	s0 =	simm.s32 @!p2 $0x0  }
0x16: {  	s3 =	sld [smem:$0x3FDB];
	s0 =	simm.s32 @p2 $0x1  }
0x17: {  	s4 =	simm.s32 $0x1BF5;
	[smem:$0x3FA8] =	sst s0  }
0x18: {  	s0 =	sld [smem:$0x3F8B];
	_ =	swait.ge [sflag:s4], $0x0  }
0x19: {  	s7 =	sld [smem:$0x3F8C]  }
0x1a: {  	s8 =	sadd.s32 $0xFFFFE003, lr  }
0x1b: {  	s9 =	sadd.s32 $0xFFFFFEF7, lr;
	s5 =	simm.s32 $0xFFFFFFFF;
	p2 =	slt.u32 s8, $0xFFFFF086  }
0x1c: {  	p1 =	slt.u32 s9, $0xF7A;
	s5 =	simm.s32 @!p2 $0x0  }
0x1d: {  	s5 =	simm.s32 @p1 $0x1;
	p0 =	seq.s32 s7, s2  }
0x1e: {  	s7 =	smul.u32 @!p0 $0xF7A, s2;
	p2 =	seq.s32 @!p0 s5, $0x0  }
0x1f: {  	s9 =	smul.u32 $0xF7A, s1;
	s8 =	simm.s32 @!p0 $0x1BF5;
	p2 =	por !p2, p0  }
0x20: {  	[sflag:s8] =	ssyncset.s32 @!p0 $0xFFFFF086;
	s6 =	sadd.s32 @!p0 s3, s7;
	s7 =	simm.s32 @!p0 $0x108  }
0x21: {  	s3 =	sadd.s32 s3, s9;
	s6 =	sadd.s32 @!p0 $0x88, s6;
	s7 =	simm.s32 @p2 $0x1082  }
0x22: {  	[simem:s7], [sflag:s8] =	dma.local @!p0 [hbm:s6], $0xF7A  }
0x23: {  	s9 =	sor.u32 $0xD0000000, s2;
	s6 =	simm.s32 $0x108;
	_ =	swait.ge @!p0 [sflag:s8], $0x0  }
0x24: {  	s3 =	sadd.s32 $0x88, s3;
	s6 =	simm.s32 @!p1 $0x1082;
	[sflag:s4] =	ssyncset.s32 $0xFFFFF086  }
0x25: {  	[simem:s6], [sflag:s4] =	dma.local [hbm:s3], $0xF7A  }
0x26: {  	[smem:$0x3F8C] =	sst s1;
	(tag) =	ssettag s2;
	_ =	strace s9  }
0x27: {  	s1 =	sld [smem:$0x3F9C]  }
0x28: {  	s2 =	sld [smem:$0x3F9D]  }
0x29: {  	s4 =	sld [smem:$0x3F9F]  }
0x2a: {  	p0 =	seq.s32 s5, $0x0;
	s5 =	sld [smem:$0x3FA0]  }
0x2b: {  	s6 =	sld [smem:$0x3FA1]  }
0x2c: {  	s7 =	sld [smem:$0x3FA2]  }
0x2d: {  	s3 =	simm.s32 $0x108;
	s8 =	sld [smem:$0x3FA3]  }
0x2e: {  	s3 =	simm.s32 @!p0 $0x1082;
	s9 =	sld [smem:$0x3FA4]  }
0x2f: {  	lr =	sadd.s32 s0, s3;
	s0 =	sld [smem:$0x3F9B]  }
0x30: {  	s3 =	sld [smem:$0x3F9E]  }
0x31: {  	[smem:$0x3FA7] =	sst s10  }
0x32: {  	s10 =	sld [smem:$0x3FA5];
	_ =	sdelay $0x3  }
0x33: {  	p0 =	seq.s32 s10, $0x1;
	s10 =	sld [smem:$0x3FA7];
	_ =	sdelay $0x3  }
0x34: {  	[smem:$0x3FA7] =	sst s10  }
0x35: {  	s10 =	sld [smem:$0x3FA6];
	_ =	sdelay $0x3  }
0x36: {  	p1 =	seq.s32 s10, $0x1;
	s10 =	sld [smem:$0x3FA7];
	_ =	sdelay $0x3  }
0x37: {  	[smem:$0x3FA7] =	sst s10  }
0x38: {  	s10 =	sld [smem:$0x3FA8]  }
0x39: {  	_ = 	snop;
	(pc) =	sbr.ind lr, $3  }
0x3a: {  	_ = 	snop  }
0x3b: {  	_ = 	snop  }
0x3c: {  	p2 =	seq.s32 s10, $0x1;
	s10 =	sld [smem:$0x3FA7]  }
0x3d: {  	_ =	shalt  }
0x3e: {  	_ =	shalt  }
0x3f: {  	_ =	shalt  }
0x40: {  	_ =	shalt  }
0x41: {  	_ =	shalt  }
0x42: {  	_ =	shalt  }
0x43: {  	_ =	shalt  }
0x44: {  	_ =	shalt  }
0x45: {  	_ =	shalt  }
0x46: {  	_ =	shalt  }
0x47: {  	_ =	shalt  }
0x48: {  	_ =	shalt  }
0x49: {  	_ =	shalt  }
0x4a: {  	_ =	shalt  }
0x4b: {  	_ =	shalt  }
0x4c: {  	_ =	shalt  }
0x4d: {  	_ =	shalt  }
0x4e: {  	_ =	shalt  }
0x4f: {  	_ =	shalt  }
0x50: {  	_ =	shalt  }
0x51: {  	_ =	shalt  }
0x52: {  	_ =	shalt  }
0x53: {  	_ =	shalt  }
0x54: {  	_ =	shalt  }
0x55: {  	_ =	shalt  }
0x56: {  	_ =	shalt  }
0x57: {  	_ =	shalt  }
0x58: {  	_ =	shalt  }
0x59: {  	_ =	shalt  }
0x5a: {  	_ =	shalt  }
0x5b: {  	_ =	shalt  }
0x5c: {  	_ =	shalt  }
0x5d: {  	_ =	shalt  }
0x5e: {  	_ =	shalt  }
0x5f: {  	_ =	shalt  }
0x60: {  	_ =	shalt  }
0x61: {  	_ =	shalt  }
0x62: {  	_ =	shalt  }
0x63: {  	_ =	shalt  }
0x64: {  	_ =	shalt  }
0x65: {  	_ =	shalt  }
0x66: {  	_ =	shalt  }
0x67: {  	_ =	shalt  }
0x68: {  	_ =	shalt  }
0x69: {  	_ =	shalt  }
0x6a: {  	_ =	shalt  }
0x6b: {  	_ =	shalt  }
0x6c: {  	_ =	shalt  }
0x6d: {  	_ =	shalt  }
0x6e: {  	_ =	shalt  }
0x6f: {  	_ =	shalt  }
0x70: {  	_ =	shalt  }
0x71: {  	_ =	shalt  }
0x72: {  	_ =	shalt  }
0x73: {  	_ =	shalt  }
0x74: {  	_ =	shalt  }
0x75: {  	_ =	shalt  }
0x76: {  	_ =	shalt  }
0x77: {  	_ =	shalt  }
0x78: {  	_ =	shalt  }
0x79: {  	_ =	shalt  }
0x7a: {  	_ =	shalt  }
0x7b: {  	_ =	shalt  }
0x7c: {  	_ =	shalt  }
0x7d: {  	_ =	shalt  }
0x7e: {  	_ =	shalt  }
0x7f: {  	_ =	shalt  }
0x80: {  	_ =	shalt  }
0x81: {  	_ =	shalt  }
0x82: {  	_ =	shalt  }
0x83: {  	_ =	shalt  }
0x84: {  	_ =	shalt  }
0x85: {  	_ =	shalt  }
0x86: {  	_ =	shalt  }
0x87: {  	_ =	shalt  }
.Lfunc_end0:
.L_simem_size_0:
called_computation.2_lowered:
.L_overlay_start_0:
0x88: {  	s2 =	sld [smem:$0x3FD9]  }
0x89: {  	s3 =	sld [smem:$0x3FFE];
	_ =	sdelay $0x1  }
0x8a: {  	s1 =	srdreg.scid  }
0x8b: {  	s0 =	sand.u32 $0x1, s1  }
0x8c: {  	s16 =	sshll.u32 s0, $0xA;
	s2 =	sadd.s32 s3, s2  }
0x8d: {  	s2 =	sadd.s32 s2, s16  }
0x8e: {  	[smem:$0x3FB3] =	sst s2  }
0x8f: {  	_ = 	snop  }
0x90: {  	(tm) =	ssettm $0x1  }
0x91: {  	s17 =	sld [smem:$0x3FFB];
	_ =	sdelay $0x3  }
0x92: {  	_ =	strace s17  }
0x93: {  	s2 =	sld [smem:$0x3FFC];
	_ =	sdelay $0x3  }
0x94: {  	_ =	strace s2  }
0x95: {  	s2 =	sld [smem:$0x3FFD];
	_ =	sdelay $0x3  }
0x96: {  	_ =	strace s2  }
0x97: {  	_ =	strace $0x8FFFFFFF  }
0x98: {  	s18 =	sld [smem:$0x3FDB];
	_ =	sdelay $0x1  }
0x99: {  	s19 =	simm.s32 $_scs_section_size  }
0x9a: {  	s4 =	simm.s32 $_size__tile_overlayer_lowered;
	s5 =	simm.s32 $_tile_overlayer_lowered  }
0x9b: {  	s22 =	simm.s32 $0x1BFF;
	s21 =	sshll.u32 s5, $0x1;
	s2 =	sadd.s32 s19, s18  }
0x9c: {  	s6 =	simm.s32 $0x0;
	s20 =	sshll.u32 s4, $0x1;
	s4 =	sadd.s32 s21, s2  }
0x9d: {  	[timem:s6], [sflag:s22] =	dma.local [hbm:s4], s20  }
0x9e: {  	_ =	swait.ge [sflag:s22], s20  }
0x9f: {  	s3 =	ssub.s32 $0x0, s20;
	[sflag:s22] =	ssyncset.done $0x0  }
0xa0: {  	[sflag:s22] =	ssyncadd.s32 s3;
	_ =	sdelay $0x1  }
0xa1: {  	s23 =	simm.s32 $0x1B8B  }
0xa2: {  	_ =	swait.ge [sflag:s23], $0x1  }
0xa3: {  	[sflag:s23] =	ssyncset.done $0x0  }
0xa4: {  	s25 =	simm.s32 $0x1B8E;
	s24 =	sld [smem:$0x3FFE];
	[sflag:s23] =	ssyncadd.s32 $0xFFFFFFFF  }
0xa5: {  	s26 =	simm.s32 $execute0_lowered;
	[smem:$0x3FD2] =	sst s25  }
0xa6: {  	s4 =	sshll.u32 s26, $0x1;
	_ =	strace $0x8000004C;
	[dreg:$0x1] =	wrdreg $0xFFFFFFFF  }
0xa7: {  	s28 =	simm.s32 $_size_execute0_lowered;
	s2 =	sadd.s32 s2, s4;
	[dreg:$0x0] =	wrdreg $0x0  }
0xa8: {  	s4 =	sshll.u32 s28, $0x1;
	[dreg:$0x2] =	wrdreg s2  }
0xa9: {  	[dreg:$0x3] =	wrdreg s4  }
0xaa: {  	[dreg:$0x4] =	wrdreg $0xC0  }
0xab: {  	_ =	task [dreg:s6], $0x5FFFF  }
0xac: {  	[dreg:$0x1] =	wrdreg $0xFFFFFFFF  }
0xad: {  	[dreg:$0x0] =	wrdreg $0x60  }
0xae: {  	[dreg:$0x2] =	wrdreg s24  }
0xaf: {  	[dreg:$0x3] =	wrdreg $0x150000  }
0xb0: {  	[dreg:$0x4] =	wrdreg $0x9  }
0xb1: {  	_ =	task.clear_ibuf [dreg:s6], $0x5FFFF;
	_ =	strace $0x9000004C  }
0xb2: {  	s29 =	simm.s32 $0x9;
	_ =	strace $0x8000004E  }
0xb3: {  	_ =	swait.ge [sflag:s29], $0x1  }
0xb4: {  	[sflag:s29] =	ssyncadd.s32 $0xFFFFFFFF  }
0xb5: {  	_ =	strace $0x9000004E  }
0xb6: {  	_ =	sfence  }
0xb7: {  	s30 =	sld [smem:$0x0];
	_ =	sdelay $0x2  }
0xb8: {  	s31 =	sshll.u32 s1, $0xD;
	s1 =	sshrl.u32 s1, $0x2  }
0xb9: {  	s3 =	sand.u32 $0x4000, s31;
	s1 =	sadd.s32 s1, s30  }
0xba: {  	s0 =	sor.u32 s3, s0;
	s1 =	sshll.u32 s1, $0x11  }
0xbb: {  	s0 =	sor.u32 s1, s0  }
0xbc: {  	s0 =	sadd.s32 $0x8F2B, s0  }
0xbd: {  	[sflag:s0] =	ssyncadd.remote.s32 $0x1  }
0xbe: {  	_ =	sfence.sel $0xFFFF  }
0xbf: {  	[dreg:$0x0] =	wrdreg $0xFFFFFFFF;
	(pc) =	sbr.abs _section_cstart, $3  }
0xc0: {  	[dreg:$0x1] =	wrdreg $0xFFFFFFFF  }
0xc1: {  	_ =	task.clear_ibuf [dreg:s6], $0x2FFFF;
	_ =	strace $0x9FFFFFFF  }
0xc2: {  	(tm) =	ssettm $0x7FFFFFFF  }
0xc3: {  	_ =	shalt  }
tec
execute0_lowered:
.L_overlay_start_1:
0x0: {  	(tag) =	ssettag $0x1  }
0x1: {  	s16 =	stileid.u32  }
0x2: {  	s0 =	rddreg [dreg:$0x0];
	s4 =	smul.u32 $0x5000, s16  }
0x3: {  	s2 =	rddreg [dreg:$0x1];
	s8 =	smul.u32 $0x28000, s16  }
0x4: {  	s3 =	simm.s32 $0x0;
	s1 =	srdreg.scid;
	s15 =	smul.u32 $0xA000, s16  }
0x5: {  	[smem:$0x7FF] =	sst s3;
	s1 =	sand.u32 $0x1, s1;
	s21 =	smul.u32 $0x280000, s16  }
0x6: {  	s10 =	sadd.s32 $0xCA400, s0;
	s5 =	sadd.s32 $0xF64400, s0;
	s14 =	smul.u32 $0xA0000, s1  }
0x7: {  	_ =	strace $0x8000004D;
	s7 =	ssub.s32 $0x2, s1;
	s11 =	smul.u32 $0x14000, s1  }
0x8: {  	s6 =	sshrl.u32 s4, $0x3;
	s19 =	sshrl.u32 s7, $0x1;
	s20 =	sshrl.u32 s8, $0x2  }
0x9: {  	s23 =	sadd.s32 $0x4000, s15;
	s9 =	sadd.s32 s6, s0;
	s0 =	sadd.s32 $0x5A400, s0  }
0xa: {  	s13 =	ssub.s32 s7, s19;
	s6 =	sadd.s32 s20, s2;
	s12 =	sshrl.u32 s14, $0x3  }
0xb: {  	s17 =	sadd.s32 s14, s15;
	s24 =	sadd.s32 s14, s23;
	s19 =	sadd.s32 $0x6000, s15  }
0xc: {  	s20 =	sadd.s32 $0x8000, s15;
	s7 =	sadd.s32 $0x82400, s9;
	s8 =	sadd.s32 $0x8C400, s9  }
0xd: {  	s9 =	sadd.s32 s10, s11;
	s10 =	sadd.s32 s10, s12;
	s11 =	sshll.u32 s1, $0x6  }
0xe: {  	s1 =	sadd.s32 $0x2000, s15;
	s12 =	sadd.s32 $0x2800, s4;
	s17 =	sshrl.u32 s17, $0x3  }
0xf: {  	s31 =	sadd.s32 $0x6000, s6;
	s10 =	sadd.s32 $0x28000, s10;
	s16 =	sor.u32 s11, s21  }
0x10: {  	s18 =	sadd.s32 s14, s1;
	s17 =	sadd.s32 s0, s17;
	s21 =	sadd.s32 s14, s19  }
0x11: {  	s14 =	sadd.s32 s14, s20;
	s26 =	sshll.u32 s12, $0x7;
	s1 =	sadd.s32 s1, s2  }
0x12: {  	s18 =	sshrl.u32 s18, $0x3;
	[dreg:$0x3] =	wrdreg s17;
	s25 =	sshrl.u32 s21, $0x3  }
0x13: {  	s14 =	sshrl.u32 s14, $0x3;
	s28 =	sshrl.u32 s16, $0x3;
	s16 =	sadd.s32 $0x144000, s16  }
0x14: {  	s17 =	sadd.s32 s23, s2;
	s21 =	sadd.s32 s19, s2;
	s23 =	sshrl.u32 s1, $0x3  }
0x15: {  	s1 =	simm.s32 $0x13000;
	s19 =	simm.s32 $0x40;
	s22 =	sadd.s32 s0, s18  }
0x16: {  	s18 =	sshrl.u32 s24, $0x3;
	s29 =	sshrl.u32 s16, $0x3;
	[dreg:$0xc] =	wrdreg s23  }
0x17: {  	s16 =	sadd.s32 s15, s2;
	s24 =	sshrl.u32 s17, $0x3;
	[dreg:$0x4] =	wrdreg s22  }
0x18: {  	s15 =	simm.s32 $0x80;
	s18 =	sadd.s32 s0, s18;
	[dreg:$0xd] =	wrdreg s24  }
0x19: {  	s23 =	simm.s32 $0xB000;
	s30 =	sadd.s32 s5, s29;
	[dreg:$0x5] =	wrdreg s18  }
0x1a: {  	s22 =	sadd.s32 s20, s2;
	s29 =	sadd.s32 $0x2000, s6;
	[dreg:$0x9] =	wrdreg s30  }
0x1b: {  	s24 =	simm.s32 $0xF000;
	s18 =	sadd.s32 s0, s25;
	[dreg:$0x11] =	wrdreg s29  }
0x1c: {  	s0 =	sadd.s32 s0, s14;
	s14 =	smax.u32 s13, $0x1;
	[dreg:$0x6] =	wrdreg s18  }
0x1d: {  	s25 =	sshrl.u32 s21, $0x3;
	s30 =	sadd.s32 $0x4000, s6;
	[dreg:$0x7] =	wrdreg s0  }
0x1e: {  	s13 =	simm.s32 $0x3;
	s0 =	sor.u32 s11, s26;
	[dreg:$0xa] =	wrdreg s14  }
0x1f: {  	s18 =	sadd.s32 s5, s28;
	[dreg:$0xe] =	wrdreg s25;
	s26 =	sshrl.u32 s22, $0x3  }
0x20: {  	[dreg:$0x12] =	wrdreg s30;
	s14 =	simm.s32 $0x2800;
	s22 =	simm.s32 $0x2880  }
0x21: {  	s0 =	sshrl.u32 s0, $0x3;
	[dreg:$0xf] =	wrdreg s26;
	s28 =	sadd.s32 $0x800, s18  }
0x22: {  	s25 =	simm.s32 $0x1;
	s0 =	sadd.s32 s5, s0;
	[dreg:$0x10] =	wrdreg s28  }
0x23: {  	s26 =	simm.s32 $0x2;
	[dreg:$0x8] =	wrdreg s0;
	s0 =	sshrl.u32 s16, $0x3  }
0x24: {  	v0 =	vimm.f32 $0.0e+00;
	s16 =	simm.s32 $0x11000;
	[dreg:$0xb] =	wrdreg s0;
	s0 =	sadd.s32 $0x8000, s6  }
.LBB2_1:
0x25: {  	s20 =	simm.s32 $0x100;
	s17 =	simm.s32 $0x0  }
.LBB2_2:
0x26: {  	p0 =	sne.s32 s20, $0x7F00;
	[tilespmem:s17+$0x13030] =	vst v0;
	s21 =	smov.u32 s20;
	s20 =	sadd.s32 $0x100, s20  }
.Ltmp0:
0x27: {  	[tilespmem:s17+$0x13020] =	vst v0;
	(pc) =	sbr.rel @p0 .LBB2_2-.Ltmp0, $3  }
0x28: {  	[tilespmem:s17+$0x13000] =	vst v0  }
0x29: {  	[tilespmem:s17+$0x13010] =	vst v0;
	_ =	sdelay $0x1  }
0x2a: {  	s17 =	sshra.s32 s21, $0x2  }
0x2b: {  	[tilespmem:s17+$0x13030] =	vst v0  }
0x2c: {  	[tilespmem:s17+$0x13020] =	vst v0  }
0x2d: {  	[tilespmem:s17+$0x13000] =	vst v0  }
0x2e: {  	[tilespmem:s17+$0x13010] =	vst v0  }
0x2f: {  	[spmem:s6] =	stream.linear.scatter [tilespmem:s1], [sflag:$0x3], $0x2000, $0x38;
	[tilespmem:$0x1F000] =	vst v63  }
0x30: {  	_ =	swait.ge [sflag:s13], $0x2000  }
0x31: {  	[sflag:s13] =	ssyncset.done $0x0  }
0x32: {  	s30 =	rddreg [dreg:$0x11];
	[sflag:s13] =	ssyncadd.s32 $0xFFFFE000  }
0x33: {  	[spmem:s30] =	stream.linear.scatter [tilespmem:s1], [sflag:$0x3], $0x2000, $0x38;
	[tilespmem:$0x1F000] =	vst v63  }
0x34: {  	_ =	swait.ge [sflag:s13], $0x2000  }
0x35: {  	[sflag:s13] =	ssyncset.done $0x0  }
0x36: {  	s20 =	rddreg [dreg:$0x12];
	[sflag:s13] =	ssyncadd.s32 $0xFFFFE000  }
0x37: {  	[spmem:s20] =	stream.linear.scatter [tilespmem:s1], [sflag:$0x3], $0x2000, $0x38;
	[tilespmem:$0x1F000] =	vst v63  }
0x38: {  	_ =	swait.ge [sflag:s13], $0x2000  }
0x39: {  	[sflag:s13] =	ssyncset.done $0x0  }
0x3a: {  	[sflag:s13] =	ssyncadd.s32 $0xFFFFE000  }
0x3b: {  	[spmem:s31] =	stream.linear.scatter [tilespmem:s1], [sflag:$0x3], $0x2000, $0x38;
	[tilespmem:$0x1F000] =	vst v63  }
0x3c: {  	_ =	swait.ge [sflag:s13], $0x2000  }
0x3d: {  	[sflag:s13] =	ssyncset.done $0x0  }
0x3e: {  	[sflag:s13] =	ssyncadd.s32 $0xFFFFE000  }
0x3f: {  	[spmem:s0] =	stream.linear.scatter [tilespmem:s1], [sflag:$0x3], $0x2000, $0x38;
	[tilespmem:$0x1F000] =	vst v63  }
0x40: {  	_ =	swait.ge [sflag:s13], $0x2000  }
0x41: {  	[sflag:s13] =	ssyncset.done $0x0  }
0x42: {  	[sflag:s13] =	ssyncadd.s32 $0xFFFFE000  }
0x43: {  	s17 =	simm.s32 $0x0;
	[bflag:$0x0] =	sbarrier.arrive $0xFFFF  }
0x44: {  	[tilespmem:s17], [sflag:$0x3] =	stream.linear.gather [hbm4b:s7+s17], $0x2800, $0x38;
	[tilespmem:$0x1F000] =	vst v63  }
0x45: {  	_ =	swait.ge [sflag:s13], $0x2800  }
0x46: {  	[sflag:s13] =	ssyncset.done $0x0  }
0x47: {  	[sflag:s13] =	ssyncadd.s32 $0xFFFFD800  }
0x48: {  	[tilespmem:s14], [sflag:$0x3] =	stream.linear.gather [hbm4b:s8+s17], $0x2800, $0x38;
	[tilespmem:$0x1F000] =	vst v63  }
0x49: {  	_ =	swait.ge [sflag:s13], $0x2800  }
0x4a: {  	[sflag:s13] =	ssyncset.done $0x0  }
0x4b: {  	s20 =	simm.s32 $0x5000;
	[sflag:s13] =	ssyncadd.s32 $0xFFFFD800  }
0x4c: {  	[tilespmem:s20], [sflag:$0x1] =	stream.indirect.gather [hbm4b:s9+s15], $0x40, s17, s15, $0xb8;
	[tilespmem:$0x1F000] =	vst v63  }
0x4d: {  	s21 =	simm.s32 $0x9000  }
0x4e: {  	[tilespmem:s21], [sflag:$0x1] =	stream.indirect.gather [hbm4b:s10+s15], $0x40, s14, s15, $0xb8;
	[tilespmem:$0x1F000] =	vst v63  }
0x4f: {  	s28 =	simm.s32 $0xD000  }
0x50: {  	[tilespmem:s28], [sflag:$0x1] =	stream.strided.gather [hbm4b:s18+s19], $0x2000, s15, s19, $0x38;
	[tilespmem:$0x1F000] =	vst v63  }
0x51: {  	s29 =	simm.s32 $0x7000  }
0x52: {  	[tilespmem:s29], [sflag:$0x2] =	stream.indirect.gather [hbm4b:s9+s15], $0x40, s15, s15, $0xb8;
	[tilespmem:$0x1F000] =	vst v63  }
0x53: {  	_ = 	snop  }
0x54: {  	[tilespmem:s23], [sflag:$0x2] =	stream.indirect.gather [hbm4b:s10+s15], $0x40, s22, s15, $0xb8;
	[tilespmem:$0x1F000] =	vst v63  }
0x55: {  	s30 =	rddreg [dreg:$0x10]  }
0x56: {  	[tilespmem:s24], [sflag:$0x2] =	stream.strided.gather [hbm4b:s30+s19], $0x2000, s15, s19, $0x38;
	[tilespmem:$0x1F000] =	vst v63  }
.LBB2_4:
0x57: {  	_ =	swait.ge [sflag:s25], $0x2000  }
0x58: {  	[sflag:s25] =	ssyncset.done $0x0  }
0x59: {  	[sflag:s25] =	ssyncadd.s32 $0xFFFFE000  }
0x5a: {  	_ =	swait.ge [sflag:s25], $0x2000  }
0x5b: {  	[sflag:s25] =	ssyncset.done $0x0  }
0x5c: {  	[sflag:s25] =	ssyncadd.s32 $0xFFFFE000  }
0x5d: {  	_ =	swait.ge [sflag:s25], $0x2000  }
0x5e: {  	[sflag:s25] =	ssyncset.done $0x0  }
0x5f: {  	s28 =	simm.s32 $0x0;
	[sflag:s25] =	ssyncadd.s32 $0xFFFFE000  }
0x60: {  	v1 =	vld [tilespmem:s28+$0x5030]  }
0x61: {  	v2 =	vld [tilespmem:s28+$0x9030]  }
0x62: {  	v7 =	vld [tilespmem:s28+$0x5000]  }
0x63: {  	v4 =	vld [tilespmem:s28+$0xD030]  }
0x64: {  	v8 =	vld [tilespmem:s28+$0x9000]  }
0x65: {  	v9 =	vld [tilespmem:s28+$0x5010]  }
0x66: {  	v10 =	vld [tilespmem:s28+$0x9010];
	v1 =	vadd.f32 v2, v1  }
0x67: {  	v3 =	vld [tilespmem:s28+$0x9020]  }
0x68: {  	v2 =	vld [tilespmem:s28+$0x5020];
	v1 =	vadd.f32 v4, v1  }
0x69: {  	v6 =	vld [tilespmem:s28+$0xD000]  }
0x6a: {  	v5 =	vld [tilespmem:s28+$0xD010];
	v1 =	vmax.f32 v1, $0.0e+00  }
0x6b: {  	s20 =	simm.s32 $0x40;
	v4 =	vld [tilespmem:s28+$0xD020];
	[tilespmem:s28+$0x11030] =	vst v1  }
0x6c: {  	s29 =	simm.s32 $0x200;
	v7 =	vadd.f32 v8, v7;
	v8 =	vadd.f32 v10, v9;
	v1 =	vld [tilespmem:s20+$0x5030]  }
.LBB2_5:
0x6d: {  	p0 =	sne.s32 s29, $0x7F00;
	v9 =	vld [tilespmem:s20+$0x9030];
	v2 =	vadd.f32 v3, v2  }
0x6e: {  	v10 =	vld [tilespmem:s20+$0x5000];
	v3 =	vadd.f32 v6, v7  }
0x6f: {  	v6 =	vld [tilespmem:s20+$0xD030];
	v5 =	vadd.f32 v5, v8  }
0x70: {  	v7 =	vld [tilespmem:s20+$0x9000];
	v3 =	vmax.f32 v3, $0.0e+00;
	v2 =	vadd.f32 v4, v2  }
0x71: {  	v4 =	vld [tilespmem:s20+$0x5010];
	[tilespmem:s28+$0x11000] =	vst v3;
	v3 =	vmax.f32 v5, $0.0e+00  }
0x72: {  	v8 =	vld [tilespmem:s20+$0x9010];
	v1 =	vadd.f32 v9, v1;
	[tilespmem:s28+$0x11010] =	vst v3;
	v3 =	vmax.f32 v2, $0.0e+00  }
0x73: {  	v2 =	vld [tilespmem:s20+$0x5020];
	[tilespmem:s28+$0x11020] =	vst v3;
	s28 =	smov.u32 s20  }
.Ltmp1:
0x74: {  	v3 =	vld [tilespmem:s28+$0x9020];
	v1 =	vadd.f32 v6, v1;
	(pc) =	sbr.rel @p0 .LBB2_5-.Ltmp1, $4  }
0x75: {  	v7 =	vadd.f32 v7, v10;
	v6 =	vld [tilespmem:s28+$0xD000]  }
0x76: {  	v5 =	vld [tilespmem:s28+$0xD010];
	v1 =	vmax.f32 v1, $0.0e+00  }
0x77: {  	s20 =	sshra.s32 s29, $0x2;
	v8 =	vadd.f32 v8, v4;
	v4 =	vld [tilespmem:s28+$0xD020];
	[tilespmem:s28+$0x11030] =	vst v1  }
0x78: {  	s29 =	sadd.s32 $0x100, s29;
	v1 =	vld [tilespmem:s20+$0x5030]  }
0x79: {  	v9 =	vld [tilespmem:s20+$0x9030]  }
0x7a: {  	v10 =	vld [tilespmem:s20+$0x5000];
	v2 =	vadd.f32 v3, v2;
	v6 =	vadd.f32 v6, v7  }
0x7b: {  	v11 =	vld [tilespmem:s20+$0x9000];
	v3 =	vadd.f32 v5, v8  }
0x7c: {  	v7 =	vld [tilespmem:s20+$0xD030];
	v5 =	vmax.f32 v6, $0.0e+00;
	v2 =	vadd.f32 v4, v2  }
0x7d: {  	v6 =	vld [tilespmem:s20+$0x5010];
	[tilespmem:s28+$0x11000] =	vst v5;
	v3 =	vmax.f32 v3, $0.0e+00  }
0x7e: {  	v4 =	vld [tilespmem:s20+$0x9010];
	[tilespmem:s28+$0x11010] =	vst v3;
	v2 =	vmax.f32 v2, $0.0e+00  }
0x7f: {  	v3 =	vld [tilespmem:s20+$0x5020];
	[tilespmem:s28+$0x11020] =	vst v2  }
0x80: {  	v2 =	vld [tilespmem:s20+$0x9020]  }
0x81: {  	v5 =	vld [tilespmem:s20+$0xD000]  }
0x82: {  	v8 =	vld [tilespmem:s20+$0xD010]  }
0x83: {  	v1 =	vadd.f32 v9, v1;
	v9 =	vld [tilespmem:s20+$0xD020]  }
0x84: {  	v10 =	vadd.f32 v11, v10  }
0x85: {  	v1 =	vadd.f32 v7, v1;
	v4 =	vadd.f32 v4, v6  }
0x86: {  	v2 =	vadd.f32 v2, v3;
	v3 =	vadd.f32 v5, v10  }
0x87: {  	v1 =	vmax.f32 v1, $0.0e+00;
	v4 =	vadd.f32 v8, v4  }
0x88: {  	[tilespmem:s20+$0x11030] =	vst v1;
	v1 =	vmax.f32 v3, $0.0e+00;
	v2 =	vadd.f32 v9, v2  }
0x89: {  	p0 =	seq.s32 s17, $0x27;
	[tilespmem:s20+$0x11000] =	vst v1;
	v1 =	vmax.f32 v4, $0.0e+00  }
0x8a: {  	s28 =	sshll.u32 @!p0 s17, $0x8;
	[tilespmem:s20+$0x11010] =	vst v1;
	v1 =	vmax.f32 v2, $0.0e+00  }
0x8b: {  	s21 =	simm.s32 @!p0 $0x80;
	s29 =	simm.s32 @!p0 $0x5000;
	[tilespmem:s20+$0x11020] =	vst v1;
	s20 =	sadd.s32 @!p0 $0x100, s28  }
0x8c: {  	[tilespmem:s29], [sflag:$0x1] =	stream.indirect.gather @!p0 [hbm4b:s9+s21], $0x40, s20, s21, $0xb8;
	[tilespmem:$0x1F000] =	vst v63  }
0x8d: {  	s20 =	sadd.s32 @!p0 s4, s20  }
0x8e: {  	s30 =	simm.s32 @!p0 $0x9000;
	s29 =	sadd.s32 @!p0 $0x2900, s28;
	s20 =	sshll.u32 @!p0 s20, $0x7  }
0x8f: {  	[tilespmem:s30], [sflag:$0x1] =	stream.indirect.gather @!p0 [hbm4b:s10+s21], $0x40, s29, s21, $0xb8;
	[tilespmem:$0x1F000] =	vst v63  }
0x90: {  	s20 =	sor.u32 @!p0 s11, s20  }
0x91: {  	s20 =	sshrl.u32 @!p0 s20, $0x3  }
0x92: {  	s29 =	simm.s32 @!p0 $0x40;
	s30 =	simm.s32 @!p0 $0xD000;
	s20 =	sadd.s32 @!p0 s5, s20  }
0x93: {  	[tilespmem:s30], [sflag:$0x1] =	stream.strided.gather @!p0 [hbm4b:s20+s29], $0x2000, s21, s29, $0x38;
	[tilespmem:$0x1F000] =	vst v63  }
0x94: {  	s21 =	sshll.u32 s17, $0x8  }
0x95: {  	s29 =	sand.u32 $0x3FFFFF00, s21  }
0x96: {  	s20 =	sadd.s32 $0x2800, s29  }
0x97: {  	[spmem:s2] =	stream.indirect.scatter.add.f32 [tilespmem:s16], [sflag:$0x3], $0x40, s20, s15, $0xb8;
	[tilespmem:$0x1F000] =	vst v63  }
0x98: {  	_ =	swait.ge [sflag:s13], $0x2000  }
0x99: {  	[sflag:s13] =	ssyncset.done $0x0  }
0x9a: {  	[sflag:s13] =	ssyncadd.s32 $0xFFFFE000  }
0x9b: {  	_ =	swait.ge [sflag:s26], $0x2000  }
0x9c: {  	[sflag:s26] =	ssyncset.done $0x0  }
0x9d: {  	[sflag:s26] =	ssyncadd.s32 $0xFFFFE000  }
0x9e: {  	_ =	swait.ge [sflag:s26], $0x2000  }
0x9f: {  	[sflag:s26] =	ssyncset.done $0x0  }
0xa0: {  	[sflag:s26] =	ssyncadd.s32 $0xFFFFE000  }
0xa1: {  	_ =	swait.ge [sflag:s26], $0x2000  }
0xa2: {  	[sflag:s26] =	ssyncset.done $0x0  }
0xa3: {  	s20 =	simm.s32 $0x0;
	[sflag:s26] =	ssyncadd.s32 $0xFFFFE000  }
0xa4: {  	v1 =	vld [tilespmem:s20+$0x7030]  }
0xa5: {  	v2 =	vld [tilespmem:s20+$0xB030]  }
0xa6: {  	v7 =	vld [tilespmem:s20+$0x7000]  }
0xa7: {  	v4 =	vld [tilespmem:s20+$0xF030]  }
0xa8: {  	v8 =	vld [tilespmem:s20+$0xB000]  }
0xa9: {  	v9 =	vld [tilespmem:s20+$0x7010]  }
0xaa: {  	v10 =	vld [tilespmem:s20+$0xB010];
	v1 =	vadd.f32 v2, v1  }
0xab: {  	v3 =	vld [tilespmem:s20+$0xB020]  }
0xac: {  	v2 =	vld [tilespmem:s20+$0x7020];
	v1 =	vadd.f32 v4, v1  }
0xad: {  	v6 =	vld [tilespmem:s20+$0xF000]  }
0xae: {  	v5 =	vld [tilespmem:s20+$0xF010];
	v1 =	vmax.f32 v1, $0.0e+00  }
0xaf: {  	s30 =	simm.s32 $0x40;
	v4 =	vld [tilespmem:s20+$0xF020];
	[tilespmem:s20+$0x11030] =	vst v1  }
0xb0: {  	s21 =	simm.s32 $0x200;
	v7 =	vadd.f32 v8, v7;
	v8 =	vadd.f32 v10, v9;
	v1 =	vld [tilespmem:s30+$0x7030]  }
.LBB2_7:
0xb1: {  	p1 =	sne.s32 s21, $0x7F00;
	v9 =	vld [tilespmem:s30+$0xB030];
	v2 =	vadd.f32 v3, v2  }
0xb2: {  	v10 =	vld [tilespmem:s30+$0x7000];
	v3 =	vadd.f32 v6, v7  }
0xb3: {  	v6 =	vld [tilespmem:s30+$0xF030];
	v5 =	vadd.f32 v5, v8  }
0xb4: {  	v7 =	vld [tilespmem:s30+$0xB000];
	v3 =	vmax.f32 v3, $0.0e+00;
	v2 =	vadd.f32 v4, v2  }
0xb5: {  	v4 =	vld [tilespmem:s30+$0x7010];
	[tilespmem:s20+$0x11000] =	vst v3;
	v3 =	vmax.f32 v5, $0.0e+00  }
0xb6: {  	v8 =	vld [tilespmem:s30+$0xB010];
	v1 =	vadd.f32 v9, v1;
	[tilespmem:s20+$0x11010] =	vst v3;
	v3 =	vmax.f32 v2, $0.0e+00  }
0xb7: {  	v2 =	vld [tilespmem:s30+$0x7020];
	[tilespmem:s20+$0x11020] =	vst v3;
	s20 =	smov.u32 s30  }
.Ltmp2:
0xb8: {  	v3 =	vld [tilespmem:s20+$0xB020];
	v1 =	vadd.f32 v6, v1;
	(pc) =	sbr.rel @p1 .LBB2_7-.Ltmp2, $4  }
0xb9: {  	v7 =	vadd.f32 v7, v10;
	v6 =	vld [tilespmem:s20+$0xF000]  }
0xba: {  	v5 =	vld [tilespmem:s20+$0xF010];
	v1 =	vmax.f32 v1, $0.0e+00  }
0xbb: {  	s30 =	sshra.s32 s21, $0x2;
	v8 =	vadd.f32 v8, v4;
	v4 =	vld [tilespmem:s20+$0xF020];
	[tilespmem:s20+$0x11030] =	vst v1  }
0xbc: {  	s21 =	sadd.s32 $0x100, s21;
	v1 =	vld [tilespmem:s30+$0x7030]  }
0xbd: {  	v9 =	vld [tilespmem:s30+$0xB030]  }
0xbe: {  	v10 =	vld [tilespmem:s30+$0x7000];
	v2 =	vadd.f32 v3, v2;
	v6 =	vadd.f32 v6, v7  }
0xbf: {  	v58 =	vld [tilespmem:s30+$0xF030];
	v3 =	vadd.f32 v5, v8  }
0xc0: {  	v11 =	vld [tilespmem:s30+$0xB000];
	v59 =	vmax.f32 v6, $0.0e+00;
	v2 =	vadd.f32 v4, v2  }
0xc1: {  	v60 =	vld [tilespmem:s30+$0x7010];
	[tilespmem:s20+$0x11000] =	vst v59;
	v3 =	vmax.f32 v3, $0.0e+00  }
0xc2: {  	v61 =	vld [tilespmem:s30+$0xB010];
	[tilespmem:s20+$0x11010] =	vst v3;
	v2 =	vmax.f32 v2, $0.0e+00  }
0xc3: {  	v3 =	vld [tilespmem:s30+$0x7020];
	[tilespmem:s20+$0x11020] =	vst v2  }
0xc4: {  	v2 =	vld [tilespmem:s30+$0xB020]  }
0xc5: {  	v5 =	vld [tilespmem:s30+$0xF000]  }
0xc6: {  	v62 =	vld [tilespmem:s30+$0xF010]  }
0xc7: {  	v1 =	vadd.f32 v9, v1;
	v63 =	vld [tilespmem:s30+$0xF020]  }
0xc8: {  	v10 =	vadd.f32 v11, v10  }
0xc9: {  	v1 =	vadd.f32 v58, v1;
	v4 =	vadd.f32 v61, v60  }
0xca: {  	v2 =	vadd.f32 v2, v3;
	v3 =	vadd.f32 v5, v10  }
0xcb: {  	v1 =	vmax.f32 v1, $0.0e+00;
	v4 =	vadd.f32 v62, v4  }
0xcc: {  	[tilespmem:s30+$0x11030] =	vst v1;
	v1 =	vmax.f32 v3, $0.0e+00;
	v2 =	vadd.f32 v63, v2  }
0xcd: {  	[tilespmem:s30+$0x11000] =	vst v1;
	v1 =	vmax.f32 v4, $0.0e+00  }
0xce: {  	[tilespmem:s30+$0x11010] =	vst v1;
	v1 =	vmax.f32 v2, $0.0e+00  }
0xcf: {  	s21 =	simm.s32 @!p0 $0x80;
	s20 =	sadd.s32 @!p0 $0x180, s28;
	[tilespmem:s30+$0x11020] =	vst v1;
	s30 =	simm.s32 @!p0 $0x7000  }
0xd0: {  	[tilespmem:s30], [sflag:$0x2] =	stream.indirect.gather @!p0 [hbm4b:s9+s21], $0x40, s20, s21, $0xb8;
	[tilespmem:$0x1F000] =	vst v63  }
0xd1: {  	s20 =	sadd.s32 @!p0 s4, s20  }
0xd2: {  	s28 =	sadd.s32 @!p0 $0x2980, s28;
	s30 =	simm.s32 @!p0 $0xB000;
	s20 =	sshll.u32 @!p0 s20, $0x7  }
0xd3: {  	[tilespmem:s30], [sflag:$0x2] =	stream.indirect.gather @!p0 [hbm4b:s10+s21], $0x40, s28, s21, $0xb8;
	[tilespmem:$0x1F000] =	vst v63  }
0xd4: {  	s20 =	sor.u32 @!p0 s11, s20  }
0xd5: {  	s17 =	sadd.s32 $0x1, s17;
	s20 =	sshrl.u32 @!p0 s20, $0x3  }
0xd6: {  	s28 =	simm.s32 @!p0 $0x40;
	s30 =	simm.s32 @!p0 $0xF000;
	s20 =	sadd.s32 @!p0 s5, s20  }
0xd7: {  	[tilespmem:s30], [sflag:$0x2] =	stream.strided.gather @!p0 [hbm4b:s20+s28], $0x2000, s21, s28, $0x38;
	[tilespmem:$0x1F000] =	vst v63  }
0xd8: {  	p0 =	sne.s32 s17, $0x28  }
.Ltmp3:
0xd9: {  	s30 =	sadd.s32 $0x2880, s29;
	(pc) =	sbr.rel @p0 .LBB2_4-.Ltmp3, $4  }
0xda: {  	[spmem:s2] =	stream.indirect.scatter.add.f32 [tilespmem:s16], [sflag:$0x3], $0x40, s30, s15, $0xb8;
	[tilespmem:$0x1F000] =	vst v63  }
0xdb: {  	_ =	swait.ge [sflag:s13], $0x2000  }
0xdc: {  	[sflag:s13] =	ssyncset.done $0x0  }
0xdd: {  	[sflag:s13] =	ssyncadd.s32 $0xFFFFE000  }
0xde: {  	s20 =	sadd.s32 $0x500, s7;
	s17 =	simm.s32 $0x0  }
0xdf: {  	[tilespmem:s17], [sflag:$0x3] =	stream.linear.gather [hbm4b:s20+s17], $0x2800, $0x38;
	[tilespmem:$0x1F000] =	vst v63  }
0xe0: {  	_ =	swait.ge [sflag:s13], $0x2800  }
0xe1: {  	[sflag:s13] =	ssyncset.done $0x0  }
0xe2: {  	s29 =	sadd.s32 $0x500, s8;
	[sflag:s13] =	ssyncadd.s32 $0xFFFFD800  }
0xe3: {  	[tilespmem:s14], [sflag:$0x3] =	stream.linear.gather [hbm4b:s29+s17], $0x2800, $0x38;
	[tilespmem:$0x1F000] =	vst v63  }
0xe4: {  	_ =	swait.ge [sflag:s13], $0x2800  }
0xe5: {  	[sflag:s13] =	ssyncset.done $0x0  }
0xe6: {  	s30 =	simm.s32 $0x5000;
	[sflag:s13] =	ssyncadd.s32 $0xFFFFD800  }
0xe7: {  	[tilespmem:s30], [sflag:$0x1] =	stream.indirect.gather [hbm4b:s9+s15], $0x40, s17, s15, $0xb8;
	[tilespmem:$0x1F000] =	vst v63  }
0xe8: {  	s21 =	simm.s32 $0x9000  }
0xe9: {  	[tilespmem:s21], [sflag:$0x1] =	stream.indirect.gather [hbm4b:s10+s15], $0x40, s14, s15, $0xb8;
	[tilespmem:$0x1F000] =	vst v63  }
0xea: {  	s28 =	rddreg [dreg:$0x8];
	s21 =	simm.s32 $0xD000  }
0xeb: {  	[tilespmem:s21], [sflag:$0x1] =	stream.strided.gather [hbm4b:s28+s19], $0x2000, s15, s19, $0x38;
	[tilespmem:$0x1F000] =	vst v63  }
0xec: {  	s29 =	simm.s32 $0x7000  }
0xed: {  	[tilespmem:s29], [sflag:$0x2] =	stream.indirect.gather [hbm4b:s9+s15], $0x40, s15, s15, $0xb8;
	[tilespmem:$0x1F000] =	vst v63  }
0xee: {  	_ = 	snop  }
0xef: {  	[tilespmem:s23], [sflag:$0x2] =	stream.indirect.gather [hbm4b:s10+s15], $0x40, s22, s15, $0xb8;
	[tilespmem:$0x1F000] =	vst v63  }
0xf0: {  	s30 =	rddreg [dreg:$0x9]  }
0xf1: {  	[tilespmem:s24], [sflag:$0x2] =	stream.strided.gather [hbm4b:s30+s19], $0x2000, s15, s19, $0x38;
	[tilespmem:$0x1F000] =	vst v63  }
.LBB2_10:
0xf2: {  	_ =	swait.ge [sflag:s25], $0x2000  }
0xf3: {  	[sflag:s25] =	ssyncset.done $0x0  }
0xf4: {  	[sflag:s25] =	ssyncadd.s32 $0xFFFFE000  }
0xf5: {  	_ =	swait.ge [sflag:s25], $0x2000  }
0xf6: {  	[sflag:s25] =	ssyncset.done $0x0  }
0xf7: {  	[sflag:s25] =	ssyncadd.s32 $0xFFFFE000  }
0xf8: {  	_ =	swait.ge [sflag:s25], $0x2000  }
0xf9: {  	[sflag:s25] =	ssyncset.done $0x0  }
0xfa: {  	s20 =	simm.s32 $0x0;
	[sflag:s25] =	ssyncadd.s32 $0xFFFFE000  }
0xfb: {  	v1 =	vld [tilespmem:s20+$0x5030]  }
0xfc: {  	v2 =	vld [tilespmem:s20+$0x9030]  }
0xfd: {  	v7 =	vld [tilespmem:s20+$0x5000]  }
0xfe: {  	v4 =	vld [tilespmem:s20+$0xD030]  }
0xff: {  	v8 =	vld [tilespmem:s20+$0x9000]  }
0x100: {  	v9 =	vld [tilespmem:s20+$0x5010]  }
0x101: {  	v10 =	vld [tilespmem:s20+$0x9010];
	v1 =	vadd.f32 v2, v1  }
0x102: {  	v3 =	vld [tilespmem:s20+$0x9020]  }
0x103: {  	v2 =	vld [tilespmem:s20+$0x5020];
	v1 =	vadd.f32 v4, v1  }
0x104: {  	v6 =	vld [tilespmem:s20+$0xD000]  }
0x105: {  	v5 =	vld [tilespmem:s20+$0xD010];
	v1 =	vmax.f32 v1, $0.0e+00  }
0x106: {  	s29 =	simm.s32 $0x40;
	v4 =	vld [tilespmem:s20+$0xD020];
	[tilespmem:s20+$0x11030] =	vst v1  }
0x107: {  	s21 =	simm.s32 $0x200;
	v7 =	vadd.f32 v8, v7;
	v8 =	vadd.f32 v10, v9;
	v1 =	vld [tilespmem:s29+$0x5030]  }
.LBB2_11:
0x108: {  	p0 =	sne.s32 s21, $0x7F00;
	v9 =	vld [tilespmem:s29+$0x9030];
	v2 =	vadd.f32 v3, v2  }
0x109: {  	v10 =	vld [tilespmem:s29+$0x5000];
	v3 =	vadd.f32 v6, v7  }
0x10a: {  	v6 =	vld [tilespmem:s29+$0xD030];
	v5 =	vadd.f32 v5, v8  }
0x10b: {  	v7 =	vld [tilespmem:s29+$0x9000];
	v3 =	vmax.f32 v3, $0.0e+00;
	v2 =	vadd.f32 v4, v2  }
0x10c: {  	v4 =	vld [tilespmem:s29+$0x5010];
	[tilespmem:s20+$0x11000] =	vst v3;
	v3 =	vmax.f32 v5, $0.0e+00  }
0x10d: {  	v8 =	vld [tilespmem:s29+$0x9010];
	v1 =	vadd.f32 v9, v1;
	[tilespmem:s20+$0x11010] =	vst v3;
	v3 =	vmax.f32 v2, $0.0e+00  }
0x10e: {  	v2 =	vld [tilespmem:s29+$0x5020];
	[tilespmem:s20+$0x11020] =	vst v3;
	s20 =	smov.u32 s29  }
.Ltmp4:
0x10f: {  	v3 =	vld [tilespmem:s20+$0x9020];
	v1 =	vadd.f32 v6, v1;
	(pc) =	sbr.rel @p0 .LBB2_11-.Ltmp4, $4  }
0x110: {  	v7 =	vadd.f32 v7, v10;
	v6 =	vld [tilespmem:s20+$0xD000]  }
0x111: {  	v5 =	vld [tilespmem:s20+$0xD010];
	v1 =	vmax.f32 v1, $0.0e+00  }
0x112: {  	s29 =	sshra.s32 s21, $0x2;
	v8 =	vadd.f32 v8, v4;
	v4 =	vld [tilespmem:s20+$0xD020];
	[tilespmem:s20+$0x11030] =	vst v1  }
0x113: {  	s21 =	sadd.s32 $0x100, s21;
	v1 =	vld [tilespmem:s29+$0x5030]  }
0x114: {  	v9 =	vld [tilespmem:s29+$0x9030]  }
0x115: {  	v10 =	vld [tilespmem:s29+$0x5000];
	v2 =	vadd.f32 v3, v2;
	v6 =	vadd.f32 v6, v7  }
0x116: {  	v11 =	vld [tilespmem:s29+$0x9000];
	v3 =	vadd.f32 v5, v8  }
0x117: {  	v7 =	vld [tilespmem:s29+$0xD030];
	v5 =	vmax.f32 v6, $0.0e+00;
	v2 =	vadd.f32 v4, v2  }
0x118: {  	v6 =	vld [tilespmem:s29+$0x5010];
	[tilespmem:s20+$0x11000] =	vst v5;
	v3 =	vmax.f32 v3, $0.0e+00  }
0x119: {  	v4 =	vld [tilespmem:s29+$0x9010];
	[tilespmem:s20+$0x11010] =	vst v3;
	v2 =	vmax.f32 v2, $0.0e+00  }
0x11a: {  	v3 =	vld [tilespmem:s29+$0x5020];
	[tilespmem:s20+$0x11020] =	vst v2  }
0x11b: {  	v2 =	vld [tilespmem:s29+$0x9020]  }
0x11c: {  	v5 =	vld [tilespmem:s29+$0xD000]  }
0x11d: {  	v8 =	vld [tilespmem:s29+$0xD010]  }
0x11e: {  	v1 =	vadd.f32 v9, v1;
	v9 =	vld [tilespmem:s29+$0xD020]  }
0x11f: {  	v10 =	vadd.f32 v11, v10  }
0x120: {  	v1 =	vadd.f32 v7, v1;
	v4 =	vadd.f32 v4, v6  }
0x121: {  	v2 =	vadd.f32 v2, v3;
	v3 =	vadd.f32 v5, v10  }
0x122: {  	v1 =	vmax.f32 v1, $0.0e+00;
	v4 =	vadd.f32 v8, v4  }
0x123: {  	[tilespmem:s29+$0x11030] =	vst v1;
	v1 =	vmax.f32 v3, $0.0e+00;
	v2 =	vadd.f32 v9, v2  }
0x124: {  	p0 =	seq.s32 s17, $0x27;
	[tilespmem:s29+$0x11000] =	vst v1;
	v1 =	vmax.f32 v4, $0.0e+00  }
0x125: {  	s28 =	sshll.u32 @!p0 s17, $0x8;
	[tilespmem:s29+$0x11010] =	vst v1;
	v1 =	vmax.f32 v2, $0.0e+00  }
0x126: {  	s21 =	simm.s32 @!p0 $0x80;
	s20 =	sadd.s32 @!p0 $0x100, s28;
	[tilespmem:s29+$0x11020] =	vst v1;
	s29 =	simm.s32 @!p0 $0x5000  }
0x127: {  	[tilespmem:s29], [sflag:$0x1] =	stream.indirect.gather @!p0 [hbm4b:s9+s21], $0x40, s20, s21, $0xb8;
	[tilespmem:$0x1F000] =	vst v63  }
0x128: {  	s20 =	sadd.s32 @!p0 s12, s20  }
0x129: {  	s30 =	simm.s32 @!p0 $0x9000;
	s29 =	sadd.s32 @!p0 $0x2900, s28;
	s20 =	sshll.u32 @!p0 s20, $0x7  }
0x12a: {  	[tilespmem:s30], [sflag:$0x1] =	stream.indirect.gather @!p0 [hbm4b:s10+s21], $0x40, s29, s21, $0xb8;
	[tilespmem:$0x1F000] =	vst v63  }
0x12b: {  	s20 =	sor.u32 @!p0 s11, s20  }
0x12c: {  	s20 =	sshrl.u32 @!p0 s20, $0x3  }
0x12d: {  	s29 =	simm.s32 @!p0 $0x40;
	s30 =	simm.s32 @!p0 $0xD000;
	s20 =	sadd.s32 @!p0 s5, s20  }
0x12e: {  	[tilespmem:s30], [sflag:$0x1] =	stream.strided.gather @!p0 [hbm4b:s20+s29], $0x2000, s21, s29, $0x38;
	[tilespmem:$0x1F000] =	vst v63  }
0x12f: {  	s21 =	sshll.u32 s17, $0x8  }
0x130: {  	s29 =	sand.u32 $0x3FFFFF00, s21  }
0x131: {  	s20 =	sadd.s32 $0x2800, s29  }
0x132: {  	[spmem:s2] =	stream.indirect.scatter.add.f32 [tilespmem:s16], [sflag:$0x3], $0x40, s20, s15, $0xb8;
	[tilespmem:$0x1F000] =	vst v63  }
0x133: {  	_ =	swait.ge [sflag:s13], $0x2000  }
0x134: {  	[sflag:s13] =	ssyncset.done $0x0  }
0x135: {  	[sflag:s13] =	ssyncadd.s32 $0xFFFFE000  }
0x136: {  	_ =	swait.ge [sflag:s26], $0x2000  }
0x137: {  	[sflag:s26] =	ssyncset.done $0x0  }
0x138: {  	[sflag:s26] =	ssyncadd.s32 $0xFFFFE000  }
0x139: {  	_ =	swait.ge [sflag:s26], $0x2000  }
0x13a: {  	[sflag:s26] =	ssyncset.done $0x0  }
0x13b: {  	[sflag:s26] =	ssyncadd.s32 $0xFFFFE000  }
0x13c: {  	_ =	swait.ge [sflag:s26], $0x2000  }
0x13d: {  	[sflag:s26] =	ssyncset.done $0x0  }
0x13e: {  	s20 =	simm.s32 $0x0;
	[sflag:s26] =	ssyncadd.s32 $0xFFFFE000  }
0x13f: {  	v1 =	vld [tilespmem:s20+$0x7030]  }
0x140: {  	v2 =	vld [tilespmem:s20+$0xB030]  }
0x141: {  	v7 =	vld [tilespmem:s20+$0x7000]  }
0x142: {  	v4 =	vld [tilespmem:s20+$0xF030]  }
0x143: {  	v8 =	vld [tilespmem:s20+$0xB000]  }
0x144: {  	v9 =	vld [tilespmem:s20+$0x7010]  }
0x145: {  	v10 =	vld [tilespmem:s20+$0xB010];
	v1 =	vadd.f32 v2, v1  }
0x146: {  	v3 =	vld [tilespmem:s20+$0xB020]  }
0x147: {  	v2 =	vld [tilespmem:s20+$0x7020];
	v1 =	vadd.f32 v4, v1  }
0x148: {  	v6 =	vld [tilespmem:s20+$0xF000]  }
0x149: {  	v5 =	vld [tilespmem:s20+$0xF010];
	v1 =	vmax.f32 v1, $0.0e+00  }
0x14a: {  	s30 =	simm.s32 $0x40;
	v4 =	vld [tilespmem:s20+$0xF020];
	[tilespmem:s20+$0x11030] =	vst v1  }
0x14b: {  	s21 =	simm.s32 $0x200;
	v7 =	vadd.f32 v8, v7;
	v8 =	vadd.f32 v10, v9;
	v1 =	vld [tilespmem:s30+$0x7030]  }
.LBB2_13:
0x14c: {  	p1 =	sne.s32 s21, $0x7F00;
	v9 =	vld [tilespmem:s30+$0xB030];
	v2 =	vadd.f32 v3, v2  }
0x14d: {  	v10 =	vld [tilespmem:s30+$0x7000];
	v3 =	vadd.f32 v6, v7  }
0x14e: {  	v6 =	vld [tilespmem:s30+$0xF030];
	v5 =	vadd.f32 v5, v8  }
0x14f: {  	v7 =	vld [tilespmem:s30+$0xB000];
	v3 =	vmax.f32 v3, $0.0e+00;
	v2 =	vadd.f32 v4, v2  }
0x150: {  	v4 =	vld [tilespmem:s30+$0x7010];
	[tilespmem:s20+$0x11000] =	vst v3;
	v3 =	vmax.f32 v5, $0.0e+00  }
0x151: {  	v8 =	vld [tilespmem:s30+$0xB010];
	v1 =	vadd.f32 v9, v1;
	[tilespmem:s20+$0x11010] =	vst v3;
	v3 =	vmax.f32 v2, $0.0e+00  }
0x152: {  	v2 =	vld [tilespmem:s30+$0x7020];
	[tilespmem:s20+$0x11020] =	vst v3;
	s20 =	smov.u32 s30  }
.Ltmp5:
0x153: {  	v3 =	vld [tilespmem:s20+$0xB020];
	v1 =	vadd.f32 v6, v1;
	(pc) =	sbr.rel @p1 .LBB2_13-.Ltmp5, $4  }
0x154: {  	v7 =	vadd.f32 v7, v10;
	v6 =	vld [tilespmem:s20+$0xF000]  }
0x155: {  	v5 =	vld [tilespmem:s20+$0xF010];
	v1 =	vmax.f32 v1, $0.0e+00  }
0x156: {  	s30 =	sshra.s32 s21, $0x2;
	v8 =	vadd.f32 v8, v4;
	v4 =	vld [tilespmem:s20+$0xF020];
	[tilespmem:s20+$0x11030] =	vst v1  }
0x157: {  	s21 =	sadd.s32 $0x100, s21;
	v1 =	vld [tilespmem:s30+$0x7030]  }
0x158: {  	v9 =	vld [tilespmem:s30+$0xB030]  }
0x159: {  	v10 =	vld [tilespmem:s30+$0x7000];
	v2 =	vadd.f32 v3, v2;
	v6 =	vadd.f32 v6, v7  }
0x15a: {  	v58 =	vld [tilespmem:s30+$0xF030];
	v3 =	vadd.f32 v5, v8  }
0x15b: {  	v11 =	vld [tilespmem:s30+$0xB000];
	v59 =	vmax.f32 v6, $0.0e+00;
	v2 =	vadd.f32 v4, v2  }
0x15c: {  	v60 =	vld [tilespmem:s30+$0x7010];
	[tilespmem:s20+$0x11000] =	vst v59;
	v3 =	vmax.f32 v3, $0.0e+00  }
0x15d: {  	v61 =	vld [tilespmem:s30+$0xB010];
	[tilespmem:s20+$0x11010] =	vst v3;
	v2 =	vmax.f32 v2, $0.0e+00  }
0x15e: {  	v3 =	vld [tilespmem:s30+$0x7020];
	[tilespmem:s20+$0x11020] =	vst v2  }
0x15f: {  	v2 =	vld [tilespmem:s30+$0xB020]  }
0x160: {  	v5 =	vld [tilespmem:s30+$0xF000]  }
0x161: {  	v62 =	vld [tilespmem:s30+$0xF010]  }
0x162: {  	v1 =	vadd.f32 v9, v1;
	v63 =	vld [tilespmem:s30+$0xF020]  }
0x163: {  	v10 =	vadd.f32 v11, v10  }
0x164: {  	v1 =	vadd.f32 v58, v1;
	v4 =	vadd.f32 v61, v60  }
0x165: {  	v2 =	vadd.f32 v2, v3;
	v3 =	vadd.f32 v5, v10  }
0x166: {  	v1 =	vmax.f32 v1, $0.0e+00;
	v4 =	vadd.f32 v62, v4  }
0x167: {  	[tilespmem:s30+$0x11030] =	vst v1;
	v1 =	vmax.f32 v3, $0.0e+00;
	v2 =	vadd.f32 v63, v2  }
0x168: {  	[tilespmem:s30+$0x11000] =	vst v1;
	v1 =	vmax.f32 v4, $0.0e+00  }
0x169: {  	[tilespmem:s30+$0x11010] =	vst v1;
	v1 =	vmax.f32 v2, $0.0e+00  }
0x16a: {  	s21 =	simm.s32 @!p0 $0x80;
	s20 =	sadd.s32 @!p0 $0x180, s28;
	[tilespmem:s30+$0x11020] =	vst v1;
	s30 =	simm.s32 @!p0 $0x7000  }
0x16b: {  	[tilespmem:s30], [sflag:$0x2] =	stream.indirect.gather @!p0 [hbm4b:s9+s21], $0x40, s20, s21, $0xb8;
	[tilespmem:$0x1F000] =	vst v63  }
0x16c: {  	s20 =	sadd.s32 @!p0 s12, s20  }
0x16d: {  	s28 =	sadd.s32 @!p0 $0x2980, s28;
	s30 =	simm.s32 @!p0 $0xB000;
	s20 =	sshll.u32 @!p0 s20, $0x7  }
0x16e: {  	[tilespmem:s30], [sflag:$0x2] =	stream.indirect.gather @!p0 [hbm4b:s10+s21], $0x40, s28, s21, $0xb8;
	[tilespmem:$0x1F000] =	vst v63  }
0x16f: {  	s20 =	sor.u32 @!p0 s11, s20  }
0x170: {  	s17 =	sadd.s32 $0x1, s17;
	s20 =	sshrl.u32 @!p0 s20, $0x3  }
0x171: {  	s28 =	simm.s32 @!p0 $0x40;
	s30 =	simm.s32 @!p0 $0xF000;
	s20 =	sadd.s32 @!p0 s5, s20  }
0x172: {  	[tilespmem:s30], [sflag:$0x2] =	stream.strided.gather @!p0 [hbm4b:s20+s28], $0x2000, s21, s28, $0x38;
	[tilespmem:$0x1F000] =	vst v63  }
0x173: {  	p0 =	sne.s32 s17, $0x28  }
.Ltmp6:
0x174: {  	s30 =	sadd.s32 $0x2880, s29;
	(pc) =	sbr.rel @p0 .LBB2_10-.Ltmp6, $4  }
0x175: {  	[spmem:s2] =	stream.indirect.scatter.add.f32 [tilespmem:s16], [sflag:$0x3], $0x40, s30, s15, $0xb8;
	[tilespmem:$0x1F000] =	vst v63  }
0x176: {  	_ =	swait.ge [sflag:s13], $0x2000  }
0x177: {  	[sflag:s13] =	ssyncset.done $0x0  }
0x178: {  	[sflag:s13] =	ssyncadd.s32 $0xFFFFE000  }
0x179: {  	s17 =	stileid.u32;
	[bflag:$0x0] =	sbarrier.arrive $0xFFFF  }
0x17a: {  	s17 =	sshll.u32 s17, $0x6;
	s20 =	rddreg [dreg:$0x3]  }
0x17b: {  	s21 =	rddreg [dreg:$0xb];
	s17 =	sor.u32 $0x1C03, s17  }
0x17c: {  	[hbm:s20], [sflag:s17] =	dma.local [spmem:s21], $0x400  }
0x17d: {  	_ =	swait.ge [sflag:s13], $0x400  }
0x17e: {  	[sflag:s13] =	ssyncset.done $0x0;
	s29 =	rddreg [dreg:$0x4]  }
0x17f: {  	s30 =	rddreg [dreg:$0xc];
	[sflag:s13] =	ssyncadd.s32 $0xFFFFFC00  }
0x180: {  	[hbm:s29], [sflag:s17] =	dma.local [spmem:s30], $0x400  }
0x181: {  	_ =	swait.ge [sflag:s13], $0x400  }
0x182: {  	[sflag:s13] =	ssyncset.done $0x0;
	s21 =	rddreg [dreg:$0x5]  }
0x183: {  	s28 =	rddreg [dreg:$0xd];
	[sflag:s13] =	ssyncadd.s32 $0xFFFFFC00  }
0x184: {  	[hbm:s21], [sflag:s17] =	dma.local [spmem:s28], $0x400  }
0x185: {  	_ =	swait.ge [sflag:s13], $0x400  }
0x186: {  	[sflag:s13] =	ssyncset.done $0x0;
	s29 =	rddreg [dreg:$0x6]  }
0x187: {  	s30 =	rddreg [dreg:$0xe];
	[sflag:s13] =	ssyncadd.s32 $0xFFFFFC00  }
0x188: {  	[hbm:s29], [sflag:s17] =	dma.local [spmem:s30], $0x400  }
0x189: {  	_ =	swait.ge [sflag:s13], $0x400  }
0x18a: {  	[sflag:s13] =	ssyncset.done $0x0;
	s28 =	rddreg [dreg:$0x7]  }
0x18b: {  	s29 =	rddreg [dreg:$0xf];
	[sflag:s13] =	ssyncadd.s32 $0xFFFFFC00  }
0x18c: {  	[hbm:s28], [sflag:s17] =	dma.local [spmem:s29], $0x400  }
0x18d: {  	_ =	swait.ge [sflag:s13], $0x400  }
0x18e: {  	s3 =	sadd.s32 $0x1, s3;
	s30 =	rddreg [dreg:$0xa]  }
0x18f: {  	p0 =	sne.s32 s3, s30  }
.Ltmp7:
0x190: {  	_ = 	snop;
	(pc) =	sbr.rel @p0 .LBB2_1-.Ltmp7, $3  }
0x191: {  	_ =	sdelay $0x1  }
0x192: {  	[sflag:s13] =	ssyncset.done $0x0  }
0x193: {  	[sflag:s13] =	ssyncadd.s32 $0xFFFFFC00  }
0x194: {  	_ =	sfence.sel $0x180000  }
0x195: {  	[bflag:$0x0] =	sbarrier.arrive $0xFFFF  }
0x196: {  	_ =	strace $0x9000004D  }
0x197: {  	s0 =	stileid.u32;
	[bflag:$0x2] =	sbarrier.arrive $0xFFFF  }
0x198: {  	p0 =	sne.s32 s0, $0x0;
	s0 =	rddreg [dreg:$0x2]  }
0x199: {  	s0 =	sadd.s32 @!p0 $0x100000, s0  }
0x19a: {  	[sflag:s0] =	ssyncadd.tile.s32 @!p0 $0x1;
	_ =	shalt  }
.Lfunc_end2:
_tile_overlayer_lowered:
.L_overlay_start_2:
0x19b: {  	(tag) =	ssettag $0x2  }
0x19c: {  	s0 =	rddreg [dreg:$0x0];
	s2 =	stileid.u32  }
0x19d: {  	s1 =	rddreg [dreg:$0x1];
	p0 =	sne.s32 s2, $0x0  }
0x19e: {  	s3 =	rddreg [dreg:$0x2];
	[bflag:$0x3] =	sbarrier.arrive $0xFFFF;
	s2 =	simm.s32 @!p0 $0x1C03  }
0x19f: {  	[timem:s3], [sflag:s2] =	dma.local @!p0 [hbm:s0], s1  }
0x1a0: {  	s0 =	simm.s32 @!p0 $0x3  }
0x1a1: {  	_ =	swait.ge @!p0 [sflag:s0], s1  }
0x1a2: {  	s1 =	ssub.s32 @!p0 $0x0, s1;
	[sflag:s0] =	ssyncset.done @!p0 $0x0  }
0x1a3: {  	[sflag:s0] =	ssyncadd.s32 @!p0 s1  }
0x1a4: {  	[bflag:$0x3] =	sbarrier.arrive $0xFFFF  }
0x1a5: {  	_ =	shalt  }

</sc_bundles>
